<compile_context>
chip_gen: v7x
topology: tpu7x:2x2x1
jax: 0.10.2.dev20260603
libtpu: 0.0.44.dev20260713+nightly
codegen_flags: <defaults>
</compile_context>

<pallas_src>
import jax
import jax.numpy as jnp
from jax import lax
from jax.experimental import pallas as pl
from jax.experimental.pallas import tpu as pltpu
from jax.experimental.pallas import tpu_sc as plsc

_NC = 2
_NS = 16
_L = 16
_CH = 128


def _fold_matmul_body(x_ref, wcz_ref, wch_ref, wz_ref, wh_ref, q_ref):
    fh = wcz_ref.shape[1]
    q_ref[:, :fh] = x_ref[...] @ (wcz_ref[...] @ wz_ref[:fh, :])
    q_ref[:, fh:] = x_ref[...] @ (wch_ref[...] @ wh_ref[:fh, :])


def _tail_body(agg_ref, bcz_ref, bch_ref, wz_ref, bz_ref, wh_ref,
               bh_ref, wl_ref, bl_ref, out_ref):
    fh = bz_ref.shape[0]
    p = agg_ref[0] + agg_ref[1]
    bze = bcz_ref[...] @ wz_ref[:fh, :] + bz_ref[...]
    bhe = bch_ref[...] @ wh_ref[:fh, :] + bh_ref[...]
    z = jax.nn.sigmoid(p[:, :fh] + bze)
    ht = jnp.tanh(p[:, fh:] + bhe)
    h = jax.nn.relu((1.0 - z) * ht)
    g = h @ wl_ref[...] + bl_ref[...]
    out_ref[...] = jax.nn.softmax(g, axis=-1)


def _sc_body(q_hbm, edata_hbm, z2_hbm, z1_hbm, agg_hbm,
             ed0, ed1, wf32, nbuf, rows0, rows1,
             dinv, deg_sh, agg_sh,
             esem, dsem, rsem, ssem):
    ed = (ed0, ed1)
    rows = (rows0, rows1)
    c = lax.axis_index("c")
    s = lax.axis_index("s")

    n = dinv.shape[0]
    fw = rows0.shape[1]
    chunks = edata_hbm.shape[1]
    half = chunks // 2
    zrows = (n // (8 * _NS)) * 8
    zrem = n - zrows * _NS

    def start_echunk(k, slot):
        pltpu.async_copy(edata_hbm.at[s, k], ed[slot], esem)

    def wait_echunk(slot):
        pltpu.make_async_copy(edata_hbm.at[s, 0], ed[slot], esem).wait()

    start_echunk(0, 0)
    @pl.when(s == 0)
    def _():
        pltpu.sync_copy(z1_hbm, deg_sh)

    pltpu.sync_copy(z2_hbm.at[pl.ds(s * zrows, zrows)],
                    agg_sh.at[pl.ds(s * zrows, zrows)])
    if zrem:
        @pl.when(s == _NS - 1)
        def _():
            pltpu.sync_copy(z2_hbm.at[pl.ds(_NS * zrows, zrem)],
                            agg_sh.at[pl.ds(_NS * zrows, zrem)])
    plsc.subcore_barrier()

    def deg_group(gq, carry):
        for slot in range(2):
            j = gq * 2 + slot
            wait_echunk(slot)

            for k in range(_CH // _L):
                wf32[slot, pl.ds(k * _L, _L)] = lax.bitcast_convert_type(
                    ed[slot][2, pl.ds(k * _L, _L)], jnp.float32)

            @pl.when(j >= 1)
            def _():
                pltpu.make_async_copy(wf32.at[0], deg_sh.at[ed[0].at[1]],
                                      dsem).wait()

            @pl.when(j + 1 < chunks)
            def _():
                start_echunk(j + 1, 1 - slot)

            pltpu.async_copy(wf32.at[slot], deg_sh.at[ed[slot].at[1]],
                             dsem, add=True)
        return carry

    lax.fori_loop(0, chunks // 2, deg_group, 0)
    pltpu.make_async_copy(wf32.at[0], deg_sh.at[ed[0].at[1]], dsem).wait()
    plsc.subcore_barrier()

    pltpu.sync_copy(deg_sh, dinv)

    def rsqrt_step(i, carry):
        xv = dinv[pl.ds(i * _L, _L)]
        ib = lax.bitcast_convert_type(xv, jnp.int32)
        y = lax.bitcast_convert_type(jnp.int32(0x5F3759DF) - (ib >> 1),
                                     jnp.float32)
        y = y * (1.5 - 0.5 * xv * y * y)
        y = y * (1.5 - 0.5 * xv * y * y)
        y = y * (1.5 - 0.5 * xv * y * y)
        dinv[pl.ds(i * _L, _L)] = y
        return carry

    lax.fori_loop(0, n // _L, rsqrt_step, 0)

    start_echunk(c * half, 0)

    def main_group(gq, carry):
        for slot in range(2):
            i = gq * 2 + slot
            wait_echunk(slot)

            gcp = pltpu.async_copy(q_hbm.at[ed[slot].at[0]], rows[slot],
                                   rsem)

            for j in range(_CH // _L):
                sv = ed[slot][0, pl.ds(j * _L, _L)]
                dv = ed[slot][1, pl.ds(j * _L, _L)]
                wv = lax.bitcast_convert_type(
                    ed[slot][2, pl.ds(j * _L, _L)], jnp.float32)
                nbuf[pl.ds(j * _L, _L)] = (plsc.load_gather(dinv, [sv]) * wv
                                           * plsc.load_gather(dinv, [dv]))

            @pl.when(i >= 1)
            def _():
                pltpu.make_async_copy(rows[1 - slot],
                                      agg_sh.at[ed[0].at[1]], ssem).wait()

            @pl.when(i + 1 < half)
            def _():
                start_echunk(c * half + i + 1, 1 - slot)

            gcp.wait()

            def scale_step(g2, cc):
                n16 = nbuf[pl.ds(g2 * _L, _L)]
                for k in range(_L):
                    ns = n16[k]
                    e = g2 * _L + k
                    for j in range(fw // _L):
                        rows[slot][e, pl.ds(j * _L, _L)] = (
                            rows[slot][e, pl.ds(j * _L, _L)] * ns)
                return cc

            lax.fori_loop(0, _CH // _L, scale_step, 0)

            pltpu.async_copy(rows[slot], agg_sh.at[ed[slot].at[1]],
                             ssem, add=True)
        return carry

    lax.fori_loop(0, half // 2, main_group, 0)
    pltpu.make_async_copy(rows[1], agg_sh.at[ed[0].at[1]], ssem).wait()
    plsc.subcore_barrier()

    pltpu.sync_copy(agg_sh.at[pl.ds(s * zrows, zrows)],
                    agg_hbm.at[c, pl.ds(s * zrows, zrows)])
    if zrem:
        @pl.when(s == _NS - 1)
        def _():
            pltpu.sync_copy(agg_sh.at[pl.ds(_NS * zrows, zrem)],
                            agg_hbm.at[c, pl.ds(_NS * zrows, zrem)])



def kernel(x, edge_index, edge_weight, Wcz, bcz, Wcr, bcr, Wch, bch,
           Wz, bz, Wr, br, Wh, bh, Wl, bl):
    n, _ = x.shape
    fh = Wcz.shape[1]
    e = edge_weight.shape[0]

    q = pl.pallas_call(
        _fold_matmul_body,
        out_shape=jax.ShapeDtypeStruct((n, 2 * fh), jnp.float32),
    )(x, Wcz, Wch, Wz, Wh)

    loop = jnp.arange(n, dtype=edge_index.dtype)
    src = jnp.concatenate([edge_index[0], loop])
    dst = jnp.concatenate([edge_index[1], loop])
    w = jnp.concatenate([edge_weight, jnp.ones((n,), edge_weight.dtype)])
    grp = _NS * _CH * 4
    ep = ((e + n + grp - 1) // grp) * grp
    pad = ep - (e + n)
    padv = jnp.arange(pad, dtype=src.dtype) % n
    src = jnp.concatenate([src, padv])
    dst = jnp.concatenate([dst, padv])
    w = jnp.concatenate([w, jnp.zeros((pad,), w.dtype)])
    chunks = ep // (_NS * _CH)
    edata = jnp.stack(
        [src.reshape(-1, _CH), dst.reshape(-1, _CH),
         lax.bitcast_convert_type(w, jnp.int32).reshape(-1, _CH)], axis=1
    ).reshape(_NS, chunks, 3, _CH)

    z2 = jnp.zeros((n, 2 * fh), jnp.float32)
    z1 = jnp.zeros((n,), jnp.float32)

    mesh = plsc.VectorSubcoreMesh(core_axis_name="c", subcore_axis_name="s")
    agg2 = pl.kernel(
        _sc_body,
        out_type=jax.ShapeDtypeStruct((_NC, n, 2 * fh), jnp.float32),
        mesh=mesh,
        compiler_params=pltpu.CompilerParams(needs_layout_passes=False),
        scratch_types=[
            pltpu.VMEM((3, _CH), jnp.int32),
            pltpu.VMEM((3, _CH), jnp.int32),
            pltpu.VMEM((2, _CH), jnp.float32),
            pltpu.VMEM((_CH,), jnp.float32),
            pltpu.VMEM((_CH, 2 * fh), jnp.float32),
            pltpu.VMEM((_CH, 2 * fh), jnp.float32),
            pltpu.VMEM((n,), jnp.float32),
            pltpu.VMEM_SHARED((n,), jnp.float32),
            pltpu.VMEM_SHARED((n, 2 * fh), jnp.float32),
            pltpu.SemaphoreType.DMA,
            pltpu.SemaphoreType.DMA,
            pltpu.SemaphoreType.DMA,
            pltpu.SemaphoreType.DMA,
        ],
    )(q, edata, z2, z1)

    return pl.pallas_call(
        _tail_body,
        out_shape=jax.ShapeDtypeStruct((n, Wl.shape[1]), jnp.float32),
    )(agg2, bcz, bch, Wz, bz, Wh, bh, Wl, bl)

# --- scband reference (transcript-rebuilt; emitter-appended) ---
"""Pipeline reference for scband-tgcn-recurrent-gcn-89008902243188 (READ-ONLY COPY).

The authoritative reference and input builder live on the scoring server;
editing this copy changes nothing except your own understanding.
"""

import jax, jax.numpy as jnp
import numpy as np

N = 10000
E = 320000
F_IN = 128
F_HID = 64
F_OUT = 10


def setup_inputs(seed: int = 0) -> dict:
    key = jax.random.key(seed)
    ks = jax.random.split(key, 20)
    x = jax.random.normal(ks[0], (N, F_IN), dtype=jnp.float32)
    edge_index = jax.random.randint(ks[1], (2, E), 0, N, dtype=jnp.int32)
    edge_weight = jax.random.uniform(ks[2], (E,), dtype=jnp.float32)
    def glorot(k, shape):
        fan_in, fan_out = shape[0], shape[1]
        lim = np.sqrt(6.0 / (fan_in + fan_out))
        return jax.random.uniform(k, shape, dtype=jnp.float32, minval=-lim, maxval=lim)
    # GCNConv weights for z, r, h gates: (F_IN, F_HID) + bias (F_HID,)
    Wcz = glorot(ks[3], (F_IN, F_HID)); bcz = jnp.zeros((F_HID,), jnp.float32)
    Wcr = glorot(ks[4], (F_IN, F_HID)); bcr = jnp.zeros((F_HID,), jnp.float32)
    Wch = glorot(ks[5], (F_IN, F_HID)); bch = jnp.zeros((F_HID,), jnp.float32)
    # Gate linear layers: (2*F_HID, F_HID)
    Wz = glorot(ks[6], (2 * F_HID, F_HID)); bz = jnp.zeros((F_HID,), jnp.float32)
    Wr = glorot(ks[7], (2 * F_HID, F_HID)); br = jnp.zeros((F_HID,), jnp.float32)
    Wh = glorot(ks[8], (2 * F_HID, F_HID)); bh = jnp.zeros((F_HID,), jnp.float32)
    # Output linear: (F_HID, F_OUT)
    Wl = glorot(ks[9], (F_HID, F_OUT)); bl = jnp.zeros((F_OUT,), jnp.float32)
    return {"x": x, "edge_index": edge_index, "edge_weight": edge_weight,
            "Wcz": Wcz, "bcz": bcz, "Wcr": Wcr, "bcr": bcr, "Wch": Wch, "bch": bch,
            "Wz": Wz, "bz": bz, "Wr": Wr, "br": br, "Wh": Wh, "bh": bh,
            "Wl": Wl, "bl": bl}


def gcn_conv(x, edge_index, edge_weight, W, b):
    # PyG GCNConv: add self-loops (fill=1), symmetric normalization, flow source_to_target
    n = x.shape[0]
    src = edge_index[0]
    dst = edge_index[1]
    loop = jnp.arange(n, dtype=src.dtype)
    src = jnp.concatenate([src, loop])
    dst = jnp.concatenate([dst, loop])
    w = jnp.concatenate([edge_weight, jnp.ones((n,), edge_weight.dtype)])
    deg = jnp.zeros((n,), w.dtype).at[dst].add(w)
    dinv = jnp.where(deg > 0, 1.0 / jnp.sqrt(deg), 0.0)
    norm = dinv[src] * w * dinv[dst]
    xw = x @ W
    msg = xw[src] * norm[:, None]
    out = jnp.zeros((n, xw.shape[1]), xw.dtype).at[dst].add(msg)
    return out + b


def reference(x, edge_index, edge_weight, Wcz, bcz, Wcr, bcr, Wch, bch, Wz, bz, Wr, br, Wh, bh, Wl, bl):
    # TGCN cell with H=None (zeros initial hidden state)
    H = jnp.zeros((x.shape[0], F_HID), x.dtype)
    Z = jax.nn.sigmoid(jnp.concatenate([gcn_conv(x, edge_index, edge_weight, Wcz, bcz), H], axis=1) @ Wz + bz)
    R = jax.nn.sigmoid(jnp.concatenate([gcn_conv(x, edge_index, edge_weight, Wcr, bcr), H], axis=1) @ Wr + br)
    H_tilde = jnp.tanh(jnp.concatenate([gcn_conv(x, edge_index, edge_weight, Wch, bch), H * R], axis=1) @ Wh + bh)
    H = Z * H + (1.0 - Z) * H_tilde
    h = jax.nn.relu(H)
    h = h @ Wl + bl
    return jax.nn.softmax(h, axis=1)

if __name__ == "__main__":
    import jax
    _d = setup_inputs()
    print(jax.jit(kernel)(*tuple(_d.values())))

</pallas_src>

<mosaic_0001>
#map = affine_map<(d0, d1) -> (0, 0)>
#map1 = affine_map<(d0, d1) -> (0, 0, 0, 0)>
#map2 = affine_map<(d0, d1) -> (0)>
#map3 = affine_map<(d0, d1) -> (0, 0, 0)>
module attributes {stable_mosaic.version = 14 : i64} {
  func.func @_sc_body(%arg0: i32, %arg1: i32, %arg2: memref<10000x128xf32, #tpu.memory_space<hbm>>, %arg3: memref<16x164x3x128xi32, #tpu.memory_space<hbm>>, %arg4: memref<10000x128xf32, #tpu.memory_space<hbm>>, %arg5: memref<10000xf32, #tpu.memory_space<hbm>>, %arg6: memref<2x10000x128xf32, #tpu.memory_space<hbm>>, %arg7: memref<3x128xi32, #tpu.memory_space<vmem>>, %arg8: memref<3x128xi32, #tpu.memory_space<vmem>>, %arg9: memref<2x128xf32, #tpu.memory_space<vmem>>, %arg10: memref<128xf32, #tpu.memory_space<vmem>>, %arg11: memref<128x128xf32, #tpu.memory_space<vmem>>, %arg12: memref<128x128xf32, #tpu.memory_space<vmem>>, %arg13: memref<10000xf32, #tpu.memory_space<vmem>>, %arg14: memref<10000xf32, #tpu.memory_space<vmem_shared>>, %arg15: memref<10000x128xf32, #tpu.memory_space<vmem_shared>>, %arg16: memref<!tpu.dma_semaphore, #tpu.memory_space<semaphore_mem>>, %arg17: memref<!tpu.dma_semaphore, #tpu.memory_space<semaphore_mem>>, %arg18: memref<!tpu.dma_semaphore, #tpu.memory_space<semaphore_mem>>, %arg19: memref<!tpu.dma_semaphore, #tpu.memory_space<semaphore_mem>>) attributes {dimension_semantics = [#tpu.dimension_semantics<core_parallel>, #tpu.dimension_semantics<subcore_parallel>], iteration_bounds = array<i64: 2, 16>, scalar_prefetch = 0 : i64, scratch_operands = 13 : i64, tpu.core_type = #tpu.core_type<sc_vector_subcore>, window_params = [{transform_indices = #map}, {transform_indices = #map1}, {transform_indices = #map}, {transform_indices = #map2}, {transform_indices = #map3}]} {
    %dma_start3A = arith.constant 0 : i32
    %dma_start3A_0 = arith.constant 0 : i32
    %dma_start3A_1 = arith.constant 0 : i32
    %dma_start3A_2 = tpu.memref_slice %arg3[%arg1, %dma_start3A, %dma_start3A_0, %dma_start3A_1] : memref<16x164x3x128xi32, #tpu.memory_space<hbm>> -> memref<1x1x3x128xi32, #tpu.memory_space<hbm>>
    %dma_start3A_3 = tpu.memref_squeeze %dma_start3A_2 : memref<1x1x3x128xi32, #tpu.memory_space<hbm>> -> memref<3x128xi32, #tpu.memory_space<hbm>>
    %dma_start3A_4 = arith.constant 0 : i32
    %dma_start3A_5 = arith.constant 0 : i32
    %dma_start3A_6 = tpu.memref_slice %arg3[%arg1, %dma_start3A, %dma_start3A_4, %dma_start3A_5] : memref<16x164x3x128xi32, #tpu.memory_space<hbm>> -> memref<1x1x3x128xi32, #tpu.memory_space<hbm>>
    %dma_start3A_7 = tpu.memref_squeeze %dma_start3A_6 : memref<1x1x3x128xi32, #tpu.memory_space<hbm>> -> memref<3x128xi32, #tpu.memory_space<hbm>>
    tpu.enqueue_dma source(%dma_start3A_7 : memref<3x128xi32, #tpu.memory_space<hbm>>) target(%arg7 : memref<3x128xi32, #tpu.memory_space<vmem>>) target_semaphore(%arg16 : memref<!tpu.dma_semaphore, #tpu.memory_space<semaphore_mem>>)
    %eq3A = arith.constant 0 : i32
    %eq3A_8 = arith.cmpi eq, %arg1, %eq3A : i32
    %convert_element_type3A = arith.extui %eq3A_8 : i1 to i32
    %cond3A = arith.constant 0 : i32
    %cond3A_9 = arith.cmpi ne, %convert_element_type3A, %cond3A : i32
    scf.if %cond3A_9 {
      "tpu.region"() ({
        %run_scoped3A = tpu.sem_alloc : memref<!tpu.dma_semaphore, #tpu.memory_space<semaphore_mem>>
        tpu.enqueue_dma source(%arg5 : memref<10000xf32, #tpu.memory_space<hbm>>) target(%arg14 : memref<10000xf32, #tpu.memory_space<vmem_shared>>) target_semaphore(%run_scoped3A : memref<!tpu.dma_semaphore, #tpu.memory_space<semaphore_mem>>)
        tpu.wait_dma2 semaphore(%run_scoped3A : memref<!tpu.dma_semaphore, #tpu.memory_space<semaphore_mem>>) src(%arg5 : memref<10000xf32, #tpu.memory_space<hbm>>) dst(%arg14 : memref<10000xf32, #tpu.memory_space<vmem_shared>>)
        tpu.yield
      }) : () -> ()
    } else {
    }
    %mul3A = arith.constant 624 : i32
    %mul3A_10 = arith.muli %arg1, %mul3A : i32
    %mul3A_11 = arith.constant 624 : i32
    %mul3A_12 = arith.muli %arg1, %mul3A_11 : i32
    "tpu.region"() ({
      %run_scoped3A = tpu.sem_alloc : memref<!tpu.dma_semaphore, #tpu.memory_space<semaphore_mem>>
      %dma_start3A_72 = arith.constant 0 : i32
      %dma_start3A_73 = tpu.memref_slice %arg15[%mul3A_12, %dma_start3A_72] : memref<10000x128xf32, #tpu.memory_space<vmem_shared>> -> memref<624x128xf32, #tpu.memory_space<vmem_shared>>
      %dma_start3A_74 = arith.constant 0 : i32
      %dma_start3A_75 = tpu.memref_slice %arg4[%mul3A_10, %dma_start3A_74] : memref<10000x128xf32, #tpu.memory_space<hbm>> -> memref<624x128xf32, #tpu.memory_space<hbm>>
      tpu.enqueue_dma source(%dma_start3A_75 : memref<624x128xf32, #tpu.memory_space<hbm>>) target(%dma_start3A_73 : memref<624x128xf32, #tpu.memory_space<vmem_shared>>) target_semaphore(%run_scoped3A : memref<!tpu.dma_semaphore, #tpu.memory_space<semaphore_mem>>)
      %dma_wait3A_76 = arith.constant 0 : i32
      %dma_wait3A_77 = tpu.memref_slice %arg15[%mul3A_12, %dma_wait3A_76] : memref<10000x128xf32, #tpu.memory_space<vmem_shared>> -> memref<624x128xf32, #tpu.memory_space<vmem_shared>>
      %dma_wait3A_78 = arith.constant 0 : i32
      %dma_wait3A_79 = tpu.memref_slice %arg4[%mul3A_10, %dma_wait3A_78] : memref<10000x128xf32, #tpu.memory_space<hbm>> -> memref<624x128xf32, #tpu.memory_space<hbm>>
      tpu.wait_dma2 semaphore(%run_scoped3A : memref<!tpu.dma_semaphore, #tpu.memory_space<semaphore_mem>>) src(%dma_wait3A_79 : memref<624x128xf32, #tpu.memory_space<hbm>>) dst(%dma_wait3A_77 : memref<624x128xf32, #tpu.memory_space<vmem_shared>>)
      tpu.yield
    }) : () -> ()
    %eq3A_13 = arith.constant 15 : i32
    %eq3A_14 = arith.cmpi eq, %arg1, %eq3A_13 : i32
    %convert_element_type3A_15 = arith.extui %eq3A_14 : i1 to i32
    %cond3A_16 = arith.constant 0 : i32
    %cond3A_17 = arith.cmpi ne, %convert_element_type3A_15, %cond3A_16 : i32
    scf.if %cond3A_17 {
      "tpu.region"() ({
        %run_scoped3A = tpu.sem_alloc : memref<!tpu.dma_semaphore, #tpu.memory_space<semaphore_mem>>
        %dma_start3A_72 = arith.constant 9984 : i32
        %dma_start3A_73 = arith.constant 0 : i32
        %dma_start3A_74 = tpu.memref_slice %arg15[%dma_start3A_72, %dma_start3A_73] : memref<10000x128xf32, #tpu.memory_space<vmem_shared>> -> memref<16x128xf32, #tpu.memory_space<vmem_shared>>
        %dma_start3A_75 = arith.constant 9984 : i32
        %dma_start3A_76 = arith.constant 0 : i32
        %dma_start3A_77 = tpu.memref_slice %arg4[%dma_start3A_75, %dma_start3A_76] : memref<10000x128xf32, #tpu.memory_space<hbm>> -> memref<16x128xf32, #tpu.memory_space<hbm>>
        tpu.enqueue_dma source(%dma_start3A_77 : memref<16x128xf32, #tpu.memory_space<hbm>>) target(%dma_start3A_74 : memref<16x128xf32, #tpu.memory_space<vmem_shared>>) target_semaphore(%run_scoped3A : memref<!tpu.dma_semaphore, #tpu.memory_space<semaphore_mem>>)
        %dma_wait3A_78 = arith.constant 9984 : i32
        %dma_wait3A_79 = arith.constant 0 : i32
        %dma_wait3A_80 = tpu.memref_slice %arg15[%dma_wait3A_78, %dma_wait3A_79] : memref<10000x128xf32, #tpu.memory_space<vmem_shared>> -> memref<16x128xf32, #tpu.memory_space<vmem_shared>>
        %dma_wait3A_81 = arith.constant 9984 : i32
        %dma_wait3A_82 = arith.constant 0 : i32
        %dma_wait3A_83 = tpu.memref_slice %arg4[%dma_wait3A_81, %dma_wait3A_82] : memref<10000x128xf32, #tpu.memory_space<hbm>> -> memref<16x128xf32, #tpu.memory_space<hbm>>
        tpu.wait_dma2 semaphore(%run_scoped3A : memref<!tpu.dma_semaphore, #tpu.memory_space<semaphore_mem>>) src(%dma_wait3A_83 : memref<16x128xf32, #tpu.memory_space<hbm>>) dst(%dma_wait3A_80 : memref<16x128xf32, #tpu.memory_space<vmem_shared>>)
        tpu.yield
      }) : () -> ()
    } else {
    }
    %barrier3A = arith.constant 0 : index
    tpu.barrier barrier_id(%barrier3A)
    %scan3A = arith.constant 0 : i32
    %scan3A_18 = arith.constant 0 : i32
    %scan3A_19 = arith.constant 82 : i32
    %scan3A_20 = arith.addi %scan3A_18, %scan3A_19 : i32
    %scan3A_21 = arith.constant 1 : i32
    scf.for %scan3A_72 = %scan3A_18 to %scan3A_20 step %scan3A_21  : i32 {
      %mul3A_73 = arith.constant 2 : i32
      %mul3A_74 = arith.muli %scan3A_72, %mul3A_73 : i32
      %add3A = arith.constant 0 : i32
      %add3A_75 = arith.addi %mul3A_74, %add3A : i32
      %dma_wait3A_76 = arith.constant 0 : i32
      %dma_wait3A_77 = arith.constant 0 : i32
      %dma_wait3A_78 = arith.constant 0 : i32
      %dma_wait3A_79 = tpu.memref_slice %arg3[%arg1, %dma_wait3A_76, %dma_wait3A_77, %dma_wait3A_78] : memref<16x164x3x128xi32, #tpu.memory_space<hbm>> -> memref<1x1x3x128xi32, #tpu.memory_space<hbm>>
      %dma_wait3A_80 = tpu.memref_squeeze %dma_wait3A_79 : memref<1x1x3x128xi32, #tpu.memory_space<hbm>> -> memref<3x128xi32, #tpu.memory_space<hbm>>
      %dma_wait3A_81 = arith.constant 0 : i32
      %dma_wait3A_82 = arith.constant 0 : i32
      %dma_wait3A_83 = tpu.memref_slice %arg3[%arg1, %dma_wait3A_76, %dma_wait3A_81, %dma_wait3A_82] : memref<16x164x3x128xi32, #tpu.memory_space<hbm>> -> memref<1x1x3x128xi32, #tpu.memory_space<hbm>>
      %dma_wait3A_84 = tpu.memref_squeeze %dma_wait3A_83 : memref<1x1x3x128xi32, #tpu.memory_space<hbm>> -> memref<3x128xi32, #tpu.memory_space<hbm>>
      tpu.wait_dma2 semaphore(%arg16 : memref<!tpu.dma_semaphore, #tpu.memory_space<semaphore_mem>>) src(%dma_wait3A_84 : memref<3x128xi32, #tpu.memory_space<hbm>>) dst(%arg7 : memref<3x128xi32, #tpu.memory_space<vmem>>)
      %get3A = arith.constant 2 : i32
      %get3A_85 = arith.index_cast %get3A : i32 to index
      %get3A_86 = arith.constant 0 : index
      %get3A_87 = tpu.vector_load %arg7[%get3A_85, %get3A_86] {strides = array<i32>} : memref<3x128xi32, #tpu.memory_space<vmem>>, vector<16xi32>,
      %bitcast_convert_type3A = tpu.bitcast %get3A_87 : vector<16xi32> -> vector<16xf32>
      %swap3A = arith.constant 0 : i32
      %swap3A_88 = arith.index_cast %swap3A : i32 to index
      %swap3A_89 = arith.constant 0 : index
      %swap3A_90 = tpu.vector_load %arg9[%swap3A_88, %swap3A_89] {strides = array<i32>} : memref<2x128xf32, #tpu.memory_space<vmem>>, vector<16xf32>,
      tpu.vector_store %arg9[%swap3A_88, %swap3A_89], %bitcast_convert_type3A {strides = array<i32>} : memref<2x128xf32, #tpu.memory_space<vmem>>, vector<16xf32>,
      %get3A_91 = arith.constant 2 : i32
      %get3A_92 = arith.index_cast %get3A_91 : i32 to index
      %get3A_93 = arith.constant 16 : index
      %get3A_94 = tpu.vector_load %arg7[%get3A_92, %get3A_93] {strides = array<i32>} : memref<3x128xi32, #tpu.memory_space<vmem>>, vector<16xi32>,
      %bitcast_convert_type3A_95 = tpu.bitcast %get3A_94 : vector<16xi32> -> vector<16xf32>
      %swap3A_96 = arith.constant 0 : i32
      %swap3A_97 = arith.index_cast %swap3A_96 : i32 to index
      %swap3A_98 = arith.constant 16 : index
      %swap3A_99 = tpu.vector_load %arg9[%swap3A_97, %swap3A_98] {strides = array<i32>} : memref<2x128xf32, #tpu.memory_space<vmem>>, vector<16xf32>,
      tpu.vector_store %arg9[%swap3A_97, %swap3A_98], %bitcast_convert_type3A_95 {strides = array<i32>} : memref<2x128xf32, #tpu.memory_space<vmem>>, vector<16xf32>,
      %get3A_100 = arith.constant 2 : i32
      %get3A_101 = arith.index_cast %get3A_100 : i32 to index
      %get3A_102 = arith.constant 32 : index
      %get3A_103 = tpu.vector_load %arg7[%get3A_101, %get3A_102] {strides = array<i32>} : memref<3x128xi32, #tpu.memory_space<vmem>>, vector<16xi32>,
      %bitcast_convert_type3A_104 = tpu.bitcast %get3A_103 : vector<16xi32> -> vector<16xf32>
      %swap3A_105 = arith.constant 0 : i32
      %swap3A_106 = arith.index_cast %swap3A_105 : i32 to index
      %swap3A_107 = arith.constant 32 : index
      %swap3A_108 = tpu.vector_load %arg9[%swap3A_106, %swap3A_107] {strides = array<i32>} : memref<2x128xf32, #tpu.memory_space<vmem>>, vector<16xf32>,
      tpu.vector_store %arg9[%swap3A_106, %swap3A_107], %bitcast_convert_type3A_104 {strides = array<i32>} : memref<2x128xf32, #tpu.memory_space<vmem>>, vector<16xf32>,
      %get3A_109 = arith.constant 2 : i32
      %get3A_110 = arith.index_cast %get3A_109 : i32 to index
      %get3A_111 = arith.constant 48 : index
      %get3A_112 = tpu.vector_load %arg7[%get3A_110, %get3A_111] {strides = array<i32>} : memref<3x128xi32, #tpu.memory_space<vmem>>, vector<16xi32>,
      %bitcast_convert_type3A_113 = tpu.bitcast %get3A_112 : vector<16xi32> -> vector<16xf32>
      %swap3A_114 = arith.constant 0 : i32
      %swap3A_115 = arith.index_cast %swap3A_114 : i32 to index
      %swap3A_116 = arith.constant 48 : index
      %swap3A_117 = tpu.vector_load %arg9[%swap3A_115, %swap3A_116] {strides = array<i32>} : memref<2x128xf32, #tpu.memory_space<vmem>>, vector<16xf32>,
      tpu.vector_store %arg9[%swap3A_115, %swap3A_116], %bitcast_convert_type3A_113 {strides = array<i32>} : memref<2x128xf32, #tpu.memory_space<vmem>>, vector<16xf32>,
      %get3A_118 = arith.constant 2 : i32
      %get3A_119 = arith.index_cast %get3A_118 : i32 to index
      %get3A_120 = arith.constant 64 : index
      %get3A_121 = tpu.vector_load %arg7[%get3A_119, %get3A_120] {strides = array<i32>} : memref<3x128xi32, #tpu.memory_space<vmem>>, vector<16xi32>,
      %bitcast_convert_type3A_122 = tpu.bitcast %get3A_121 : vector<16xi32> -> vector<16xf32>
      %swap3A_123 = arith.constant 0 : i32
      %swap3A_124 = arith.index_cast %swap3A_123 : i32 to index
      %swap3A_125 = arith.constant 64 : index
      %swap3A_126 = tpu.vector_load %arg9[%swap3A_124, %swap3A_125] {strides = array<i32>} : memref<2x128xf32, #tpu.memory_space<vmem>>, vector<16xf32>,
      tpu.vector_store %arg9[%swap3A_124, %swap3A_125], %bitcast_convert_type3A_122 {strides = array<i32>} : memref<2x128xf32, #tpu.memory_space<vmem>>, vector<16xf32>,
      %get3A_127 = arith.constant 2 : i32
      %get3A_128 = arith.index_cast %get3A_127 : i32 to index
      %get3A_129 = arith.constant 80 : index
      %get3A_130 = tpu.vector_load %arg7[%get3A_128, %get3A_129] {strides = array<i32>} : memref<3x128xi32, #tpu.memory_space<vmem>>, vector<16xi32>,
      %bitcast_convert_type3A_131 = tpu.bitcast %get3A_130 : vector<16xi32> -> vector<16xf32>
      %swap3A_132 = arith.constant 0 : i32
      %swap3A_133 = arith.index_cast %swap3A_132 : i32 to index
      %swap3A_134 = arith.constant 80 : index
      %swap3A_135 = tpu.vector_load %arg9[%swap3A_133, %swap3A_134] {strides = array<i32>} : memref<2x128xf32, #tpu.memory_space<vmem>>, vector<16xf32>,
      tpu.vector_store %arg9[%swap3A_133, %swap3A_134], %bitcast_convert_type3A_131 {strides = array<i32>} : memref<2x128xf32, #tpu.memory_space<vmem>>, vector<16xf32>,
      %get3A_136 = arith.constant 2 : i32
      %get3A_137 = arith.index_cast %get3A_136 : i32 to index
      %get3A_138 = arith.constant 96 : index
      %get3A_139 = tpu.vector_load %arg7[%get3A_137, %get3A_138] {strides = array<i32>} : memref<3x128xi32, #tpu.memory_space<vmem>>, vector<16xi32>,
      %bitcast_convert_type3A_140 = tpu.bitcast %get3A_139 : vector<16xi32> -> vector<16xf32>
      %swap3A_141 = arith.constant 0 : i32
      %swap3A_142 = arith.index_cast %swap3A_141 : i32 to index
      %swap3A_143 = arith.constant 96 : index
      %swap3A_144 = tpu.vector_load %arg9[%swap3A_142, %swap3A_143] {strides = array<i32>} : memref<2x128xf32, #tpu.memory_space<vmem>>, vector<16xf32>,
      tpu.vector_store %arg9[%swap3A_142, %swap3A_143], %bitcast_convert_type3A_140 {strides = array<i32>} : memref<2x128xf32, #tpu.memory_space<vmem>>, vector<16xf32>,
      %get3A_145 = arith.constant 2 : i32
      %get3A_146 = arith.index_cast %get3A_145 : i32 to index
      %get3A_147 = arith.constant 112 : index
      %get3A_148 = tpu.vector_load %arg7[%get3A_146, %get3A_147] {strides = array<i32>} : memref<3x128xi32, #tpu.memory_space<vmem>>, vector<16xi32>,
      %bitcast_convert_type3A_149 = tpu.bitcast %get3A_148 : vector<16xi32> -> vector<16xf32>
      %swap3A_150 = arith.constant 0 : i32
      %swap3A_151 = arith.index_cast %swap3A_150 : i32 to index
      %swap3A_152 = arith.constant 112 : index
      %swap3A_153 = tpu.vector_load %arg9[%swap3A_151, %swap3A_152] {strides = array<i32>} : memref<2x128xf32, #tpu.memory_space<vmem>>, vector<16xf32>,
      tpu.vector_store %arg9[%swap3A_151, %swap3A_152], %bitcast_convert_type3A_149 {strides = array<i32>} : memref<2x128xf32, #tpu.memory_space<vmem>>, vector<16xf32>,
      %ge3A = arith.constant 1 : i32
      %ge3A_154 = arith.cmpi sge, %add3A_75, %ge3A : i32
      %convert_element_type3A_155 = arith.extui %ge3A_154 : i1 to i32
      %cond3A_156 = arith.constant 0 : i32
      %cond3A_157 = arith.cmpi ne, %convert_element_type3A_155, %cond3A_156 : i32
      scf.if %cond3A_157 {
        %dma_wait3A_281 = arith.constant 0 : i32
        %dma_wait3A_282 = arith.constant 1 : i32
        %dma_wait3A_283 = arith.constant 0 : i32
        %dma_wait3A_284 = tpu.memref_slice %arg9[%dma_wait3A_281, %dma_wait3A_283] : memref<2x128xf32, #tpu.memory_space<vmem>> -> memref<1x128xf32, #tpu.memory_space<vmem>>
        %dma_wait3A_285 = tpu.memref_squeeze %dma_wait3A_284 : memref<1x128xf32, #tpu.memory_space<vmem>> -> memref<128xf32, #tpu.memory_space<vmem>>
        %dma_wait3A_286 = arith.constant 0 : i32
        %dma_wait3A_287 = tpu.memref_slice %arg7[%dma_wait3A_282, %dma_wait3A_286] : memref<3x128xi32, #tpu.memory_space<vmem>> -> memref<1x128xi32, #tpu.memory_space<vmem>>
        %dma_wait3A_288 = tpu.memref_squeeze %dma_wait3A_287 : memref<1x128xi32, #tpu.memory_space<vmem>> -> memref<128xi32, #tpu.memory_space<vmem>>
        %dma_wait3A_289 = arith.constant 0 : i32
        %dma_wait3A_290 = tpu.memref_slice %arg14[%dma_wait3A_289] : memref<10000xf32, #tpu.memory_space<vmem_shared>> -> memref<10000xf32, #tpu.memory_space<vmem_shared>>
        tpu.wait_indirect_dma semaphore(%arg17 : memref<!tpu.dma_semaphore, #tpu.memory_space<semaphore_mem>>) src(%dma_wait3A_285 : memref<128xf32, #tpu.memory_space<vmem>>) dst(%dma_wait3A_290 : memref<10000xf32, #tpu.memory_space<vmem_shared>>)
      } else {
      }
      %add3A_158 = arith.constant 1 : i32
      %add3A_159 = arith.addi %add3A_75, %add3A_158 : i32
      %lt3A = arith.constant 164 : i32
      %lt3A_160 = arith.cmpi slt, %add3A_159, %lt3A : i32
      %convert_element_type3A_161 = arith.extui %lt3A_160 : i1 to i32
      %cond3A_162 = arith.constant 0 : i32
      %cond3A_163 = arith.cmpi ne, %convert_element_type3A_161, %cond3A_162 : i32
      scf.if %cond3A_163 {
        %add3A_281 = arith.constant 1 : i32
        %add3A_282 = arith.addi %add3A_75, %add3A_281 : i32
        %dma_start3A_283 = arith.constant 0 : i32
        %dma_start3A_284 = arith.constant 0 : i32
        %dma_start3A_285 = tpu.memref_slice %arg3[%arg1, %add3A_282, %dma_start3A_283, %dma_start3A_284] : memref<16x164x3x128xi32, #tpu.memory_space<hbm>> -> memref<1x1x3x128xi32, #tpu.memory_space<hbm>>
        %dma_start3A_286 = tpu.memref_squeeze %dma_start3A_285 : memref<1x1x3x128xi32, #tpu.memory_space<hbm>> -> memref<3x128xi32, #tpu.memory_space<hbm>>
        %dma_start3A_287 = arith.constant 0 : i32
        %dma_start3A_288 = arith.constant 0 : i32
        %dma_start3A_289 = tpu.memref_slice %arg3[%arg1, %add3A_282, %dma_start3A_287, %dma_start3A_288] : memref<16x164x3x128xi32, #tpu.memory_space<hbm>> -> memref<1x1x3x128xi32, #tpu.memory_space<hbm>>
        %dma_start3A_290 = tpu.memref_squeeze %dma_start3A_289 : memref<1x1x3x128xi32, #tpu.memory_space<hbm>> -> memref<3x128xi32, #tpu.memory_space<hbm>>
        tpu.enqueue_dma source(%dma_start3A_290 : memref<3x128xi32, #tpu.memory_space<hbm>>) target(%arg8 : memref<3x128xi32, #tpu.memory_space<vmem>>) target_semaphore(%arg16 : memref<!tpu.dma_semaphore, #tpu.memory_space<semaphore_mem>>)
      } else {
      }
      %dma_start3A_164 = arith.constant 0 : i32
      %dma_start3A_165 = arith.constant 1 : i32
      %dma_start3A_166 = arith.constant 0 : i32
      %dma_start3A_167 = tpu.memref_slice %arg9[%dma_start3A_164, %dma_start3A_166] : memref<2x128xf32, #tpu.memory_space<vmem>> -> memref<1x128xf32, #tpu.memory_space<vmem>>
      %dma_start3A_168 = tpu.memref_squeeze %dma_start3A_167 : memref<1x128xf32, #tpu.memory_space<vmem>> -> memref<128xf32, #tpu.memory_space<vmem>>
      %dma_start3A_169 = arith.constant 0 : i32
      %dma_start3A_170 = tpu.memref_slice %arg7[%dma_start3A_165, %dma_start3A_169] : memref<3x128xi32, #tpu.memory_space<vmem>> -> memref<1x128xi32, #tpu.memory_space<vmem>>
      %dma_start3A_171 = tpu.memref_squeeze %dma_start3A_170 : memref<1x128xi32, #tpu.memory_space<vmem>> -> memref<128xi32, #tpu.memory_space<vmem>>
      %dma_start3A_172 = arith.constant 0 : i32
      %dma_start3A_173 = tpu.memref_slice %arg14[%dma_start3A_172] : memref<10000xf32, #tpu.memory_space<vmem_shared>> -> memref<10000xf32, #tpu.memory_space<vmem_shared>>
      tpu.enqueue_indirect_dma source(%dma_start3A_168 : memref<128xf32, #tpu.memory_space<vmem>>) target(%dma_start3A_173 : memref<10000xf32, #tpu.memory_space<vmem_shared>>) offsets(%dma_start3A_171 : memref<128xi32, #tpu.memory_space<vmem>>) semaphore(%arg17 : memref<!tpu.dma_semaphore, #tpu.memory_space<semaphore_mem>>) {add = true}
      %mul3A_174 = arith.constant 2 : i32
      %mul3A_175 = arith.muli %scan3A_72, %mul3A_174 : i32
      %add3A_176 = arith.constant 1 : i32
      %add3A_177 = arith.addi %mul3A_175, %add3A_176 : i32
      %dma_wait3A_178 = arith.constant 0 : i32
      %dma_wait3A_179 = arith.constant 0 : i32
      %dma_wait3A_180 = arith.constant 0 : i32
      %dma_wait3A_181 = tpu.memref_slice %arg3[%arg1, %dma_wait3A_178, %dma_wait3A_179, %dma_wait3A_180] : memref<16x164x3x128xi32, #tpu.memory_space<hbm>> -> memref<1x1x3x128xi32, #tpu.memory_space<hbm>>
      %dma_wait3A_182 = tpu.memref_squeeze %dma_wait3A_181 : memref<1x1x3x128xi32, #tpu.memory_space<hbm>> -> memref<3x128xi32, #tpu.memory_space<hbm>>
      %dma_wait3A_183 = arith.constant 0 : i32
      %dma_wait3A_184 = arith.constant 0 : i32
      %dma_wait3A_185 = tpu.memref_slice %arg3[%arg1, %dma_wait3A_178, %dma_wait3A_183, %dma_wait3A_184] : memref<16x164x3x128xi32, #tpu.memory_space<hbm>> -> memref<1x1x3x128xi32, #tpu.memory_space<hbm>>
      %dma_wait3A_186 = tpu.memref_squeeze %dma_wait3A_185 : memref<1x1x3x128xi32, #tpu.memory_space<hbm>> -> memref<3x128xi32, #tpu.memory_space<hbm>>
      tpu.wait_dma2 semaphore(%arg16 : memref<!tpu.dma_semaphore, #tpu.memory_space<semaphore_mem>>) src(%dma_wait3A_186 : memref<3x128xi32, #tpu.memory_space<hbm>>) dst(%arg8 : memref<3x128xi32, #tpu.memory_space<vmem>>)
      %get3A_187 = arith.constant 2 : i32
      %get3A_188 = arith.index_cast %get3A_187 : i32 to index
      %get3A_189 = arith.constant 0 : index
      %get3A_190 = tpu.vector_load %arg8[%get3A_188, %get3A_189] {strides = array<i32>} : memref<3x128xi32, #tpu.memory_space<vmem>>, vector<16xi32>,
      %bitcast_convert_type3A_191 = tpu.bitcast %get3A_190 : vector<16xi32> -> vector<16xf32>
      %swap3A_192 = arith.constant 1 : i32
      %swap3A_193 = arith.index_cast %swap3A_192 : i32 to index
      %swap3A_194 = arith.constant 0 : index
      %swap3A_195 = tpu.vector_load %arg9[%swap3A_193, %swap3A_194] {strides = array<i32>} : memref<2x128xf32, #tpu.memory_space<vmem>>, vector<16xf32>,
      tpu.vector_store %arg9[%swap3A_193, %swap3A_194], %bitcast_convert_type3A_191 {strides = array<i32>} : memref<2x128xf32, #tpu.memory_space<vmem>>, vector<16xf32>,
      %get3A_196 = arith.constant 2 : i32
      %get3A_197 = arith.index_cast %get3A_196 : i32 to index
      %get3A_198 = arith.constant 16 : index
      %get3A_199 = tpu.vector_load %arg8[%get3A_197, %get3A_198] {strides = array<i32>} : memref<3x128xi32, #tpu.memory_space<vmem>>, vector<16xi32>,
      %bitcast_convert_type3A_200 = tpu.bitcast %get3A_199 : vector<16xi32> -> vector<16xf32>
      %swap3A_201 = arith.constant 1 : i32
      %swap3A_202 = arith.index_cast %swap3A_201 : i32 to index
      %swap3A_203 = arith.constant 16 : index
      %swap3A_204 = tpu.vector_load %arg9[%swap3A_202, %swap3A_203] {strides = array<i32>} : memref<2x128xf32, #tpu.memory_space<vmem>>, vector<16xf32>,
      tpu.vector_store %arg9[%swap3A_202, %swap3A_203], %bitcast_convert_type3A_200 {strides = array<i32>} : memref<2x128xf32, #tpu.memory_space<vmem>>, vector<16xf32>,
      %get3A_205 = arith.constant 2 : i32
      %get3A_206 = arith.index_cast %get3A_205 : i32 to index
      %get3A_207 = arith.constant 32 : index
      %get3A_208 = tpu.vector_load %arg8[%get3A_206, %get3A_207] {strides = array<i32>} : memref<3x128xi32, #tpu.memory_space<vmem>>, vector<16xi32>,
      %bitcast_convert_type3A_209 = tpu.bitcast %get3A_208 : vector<16xi32> -> vector<16xf32>
      %swap3A_210 = arith.constant 1 : i32
      %swap3A_211 = arith.index_cast %swap3A_210 : i32 to index
      %swap3A_212 = arith.constant 32 : index
      %swap3A_213 = tpu.vector_load %arg9[%swap3A_211, %swap3A_212] {strides = array<i32>} : memref<2x128xf32, #tpu.memory_space<vmem>>, vector<16xf32>,
      tpu.vector_store %arg9[%swap3A_211, %swap3A_212], %bitcast_convert_type3A_209 {strides = array<i32>} : memref<2x128xf32, #tpu.memory_space<vmem>>, vector<16xf32>,
      %get3A_214 = arith.constant 2 : i32
      %get3A_215 = arith.index_cast %get3A_214 : i32 to index
      %get3A_216 = arith.constant 48 : index
      %get3A_217 = tpu.vector_load %arg8[%get3A_215, %get3A_216] {strides = array<i32>} : memref<3x128xi32, #tpu.memory_space<vmem>>, vector<16xi32>,
      %bitcast_convert_type3A_218 = tpu.bitcast %get3A_217 : vector<16xi32> -> vector<16xf32>
      %swap3A_219 = arith.constant 1 : i32
      %swap3A_220 = arith.index_cast %swap3A_219 : i32 to index
      %swap3A_221 = arith.constant 48 : index
      %swap3A_222 = tpu.vector_load %arg9[%swap3A_220, %swap3A_221] {strides = array<i32>} : memref<2x128xf32, #tpu.memory_space<vmem>>, vector<16xf32>,
      tpu.vector_store %arg9[%swap3A_220, %swap3A_221], %bitcast_convert_type3A_218 {strides = array<i32>} : memref<2x128xf32, #tpu.memory_space<vmem>>, vector<16xf32>,
      %get3A_223 = arith.constant 2 : i32
      %get3A_224 = arith.index_cast %get3A_223 : i32 to index
      %get3A_225 = arith.constant 64 : index
      %get3A_226 = tpu.vector_load %arg8[%get3A_224, %get3A_225] {strides = array<i32>} : memref<3x128xi32, #tpu.memory_space<vmem>>, vector<16xi32>,
      %bitcast_convert_type3A_227 = tpu.bitcast %get3A_226 : vector<16xi32> -> vector<16xf32>
      %swap3A_228 = arith.constant 1 : i32
      %swap3A_229 = arith.index_cast %swap3A_228 : i32 to index
      %swap3A_230 = arith.constant 64 : index
      %swap3A_231 = tpu.vector_load %arg9[%swap3A_229, %swap3A_230] {strides = array<i32>} : memref<2x128xf32, #tpu.memory_space<vmem>>, vector<16xf32>,
      tpu.vector_store %arg9[%swap3A_229, %swap3A_230], %bitcast_convert_type3A_227 {strides = array<i32>} : memref<2x128xf32, #tpu.memory_space<vmem>>, vector<16xf32>,
      %get3A_232 = arith.constant 2 : i32
      %get3A_233 = arith.index_cast %get3A_232 : i32 to index
      %get3A_234 = arith.constant 80 : index
      %get3A_235 = tpu.vector_load %arg8[%get3A_233, %get3A_234] {strides = array<i32>} : memref<3x128xi32, #tpu.memory_space<vmem>>, vector<16xi32>,
      %bitcast_convert_type3A_236 = tpu.bitcast %get3A_235 : vector<16xi32> -> vector<16xf32>
      %swap3A_237 = arith.constant 1 : i32
      %swap3A_238 = arith.index_cast %swap3A_237 : i32 to index
      %swap3A_239 = arith.constant 80 : index
      %swap3A_240 = tpu.vector_load %arg9[%swap3A_238, %swap3A_239] {strides = array<i32>} : memref<2x128xf32, #tpu.memory_space<vmem>>, vector<16xf32>,
      tpu.vector_store %arg9[%swap3A_238, %swap3A_239], %bitcast_convert_type3A_236 {strides = array<i32>} : memref<2x128xf32, #tpu.memory_space<vmem>>, vector<16xf32>,
      %get3A_241 = arith.constant 2 : i32
      %get3A_242 = arith.index_cast %get3A_241 : i32 to index
      %get3A_243 = arith.constant 96 : index
      %get3A_244 = tpu.vector_load %arg8[%get3A_242, %get3A_243] {strides = array<i32>} : memref<3x128xi32, #tpu.memory_space<vmem>>, vector<16xi32>,
      %bitcast_convert_type3A_245 = tpu.bitcast %get3A_244 : vector<16xi32> -> vector<16xf32>
      %swap3A_246 = arith.constant 1 : i32
      %swap3A_247 = arith.index_cast %swap3A_246 : i32 to index
      %swap3A_248 = arith.constant 96 : index
      %swap3A_249 = tpu.vector_load %arg9[%swap3A_247, %swap3A_248] {strides = array<i32>} : memref<2x128xf32, #tpu.memory_space<vmem>>, vector<16xf32>,
      tpu.vector_store %arg9[%swap3A_247, %swap3A_248], %bitcast_convert_type3A_245 {strides = array<i32>} : memref<2x128xf32, #tpu.memory_space<vmem>>, vector<16xf32>,
      %get3A_250 = arith.constant 2 : i32
      %get3A_251 = arith.index_cast %get3A_250 : i32 to index
      %get3A_252 = arith.constant 112 : index
      %get3A_253 = tpu.vector_load %arg8[%get3A_251, %get3A_252] {strides = array<i32>} : memref<3x128xi32, #tpu.memory_space<vmem>>, vector<16xi32>,
      %bitcast_convert_type3A_254 = tpu.bitcast %get3A_253 : vector<16xi32> -> vector<16xf32>
      %swap3A_255 = arith.constant 1 : i32
      %swap3A_256 = arith.index_cast %swap3A_255 : i32 to index
      %swap3A_257 = arith.constant 112 : index
      %swap3A_258 = tpu.vector_load %arg9[%swap3A_256, %swap3A_257] {strides = array<i32>} : memref<2x128xf32, #tpu.memory_space<vmem>>, vector<16xf32>,
      tpu.vector_store %arg9[%swap3A_256, %swap3A_257], %bitcast_convert_type3A_254 {strides = array<i32>} : memref<2x128xf32, #tpu.memory_space<vmem>>, vector<16xf32>,
      %ge3A_259 = arith.constant 1 : i32
      %ge3A_260 = arith.cmpi sge, %add3A_177, %ge3A_259 : i32
      %convert_element_type3A_261 = arith.extui %ge3A_260 : i1 to i32
      %cond3A_262 = arith.constant 0 : i32
      %cond3A_263 = arith.cmpi ne, %convert_element_type3A_261, %cond3A_262 : i32
      scf.if %cond3A_263 {
        %dma_wait3A_281 = arith.constant 0 : i32
        %dma_wait3A_282 = arith.constant 1 : i32
        %dma_wait3A_283 = arith.constant 0 : i32
        %dma_wait3A_284 = tpu.memref_slice %arg9[%dma_wait3A_281, %dma_wait3A_283] : memref<2x128xf32, #tpu.memory_space<vmem>> -> memref<1x128xf32, #tpu.memory_space<vmem>>
        %dma_wait3A_285 = tpu.memref_squeeze %dma_wait3A_284 : memref<1x128xf32, #tpu.memory_space<vmem>> -> memref<128xf32, #tpu.memory_space<vmem>>
        %dma_wait3A_286 = arith.constant 0 : i32
        %dma_wait3A_287 = tpu.memref_slice %arg7[%dma_wait3A_282, %dma_wait3A_286] : memref<3x128xi32, #tpu.memory_space<vmem>> -> memref<1x128xi32, #tpu.memory_space<vmem>>
        %dma_wait3A_288 = tpu.memref_squeeze %dma_wait3A_287 : memref<1x128xi32, #tpu.memory_space<vmem>> -> memref<128xi32, #tpu.memory_space<vmem>>
        %dma_wait3A_289 = arith.constant 0 : i32
        %dma_wait3A_290 = tpu.memref_slice %arg14[%dma_wait3A_289] : memref<10000xf32, #tpu.memory_space<vmem_shared>> -> memref<10000xf32, #tpu.memory_space<vmem_shared>>
        tpu.wait_indirect_dma semaphore(%arg17 : memref<!tpu.dma_semaphore, #tpu.memory_space<semaphore_mem>>) src(%dma_wait3A_285 : memref<128xf32, #tpu.memory_space<vmem>>) dst(%dma_wait3A_290 : memref<10000xf32, #tpu.memory_space<vmem_shared>>)
      } else {
      }
      %add3A_264 = arith.constant 1 : i32
      %add3A_265 = arith.addi %add3A_177, %add3A_264 : i32
      %lt3A_266 = arith.constant 164 : i32
      %lt3A_267 = arith.cmpi slt, %add3A_265, %lt3A_266 : i32
      %convert_element_type3A_268 = arith.extui %lt3A_267 : i1 to i32
      %cond3A_269 = arith.constant 0 : i32
      %cond3A_270 = arith.cmpi ne, %convert_element_type3A_268, %cond3A_269 : i32
      scf.if %cond3A_270 {
        %add3A_281 = arith.constant 1 : i32
        %add3A_282 = arith.addi %add3A_177, %add3A_281 : i32
        %dma_start3A_283 = arith.constant 0 : i32
        %dma_start3A_284 = arith.constant 0 : i32
        %dma_start3A_285 = tpu.memref_slice %arg3[%arg1, %add3A_282, %dma_start3A_283, %dma_start3A_284] : memref<16x164x3x128xi32, #tpu.memory_space<hbm>> -> memref<1x1x3x128xi32, #tpu.memory_space<hbm>>
        %dma_start3A_286 = tpu.memref_squeeze %dma_start3A_285 : memref<1x1x3x128xi32, #tpu.memory_space<hbm>> -> memref<3x128xi32, #tpu.memory_space<hbm>>
        %dma_start3A_287 = arith.constant 0 : i32
        %dma_start3A_288 = arith.constant 0 : i32
        %dma_start3A_289 = tpu.memref_slice %arg3[%arg1, %add3A_282, %dma_start3A_287, %dma_start3A_288] : memref<16x164x3x128xi32, #tpu.memory_space<hbm>> -> memref<1x1x3x128xi32, #tpu.memory_space<hbm>>
        %dma_start3A_290 = tpu.memref_squeeze %dma_start3A_289 : memref<1x1x3x128xi32, #tpu.memory_space<hbm>> -> memref<3x128xi32, #tpu.memory_space<hbm>>
        tpu.enqueue_dma source(%dma_start3A_290 : memref<3x128xi32, #tpu.memory_space<hbm>>) target(%arg7 : memref<3x128xi32, #tpu.memory_space<vmem>>) target_semaphore(%arg16 : memref<!tpu.dma_semaphore, #tpu.memory_space<semaphore_mem>>)
      } else {
      }
      %dma_start3A_271 = arith.constant 1 : i32
      %dma_start3A_272 = arith.constant 1 : i32
      %dma_start3A_273 = arith.constant 0 : i32
      %dma_start3A_274 = tpu.memref_slice %arg9[%dma_start3A_271, %dma_start3A_273] : memref<2x128xf32, #tpu.memory_space<vmem>> -> memref<1x128xf32, #tpu.memory_space<vmem>>
      %dma_start3A_275 = tpu.memref_squeeze %dma_start3A_274 : memref<1x128xf32, #tpu.memory_space<vmem>> -> memref<128xf32, #tpu.memory_space<vmem>>
      %dma_start3A_276 = arith.constant 0 : i32
      %dma_start3A_277 = tpu.memref_slice %arg8[%dma_start3A_272, %dma_start3A_276] : memref<3x128xi32, #tpu.memory_space<vmem>> -> memref<1x128xi32, #tpu.memory_space<vmem>>
      %dma_start3A_278 = tpu.memref_squeeze %dma_start3A_277 : memref<1x128xi32, #tpu.memory_space<vmem>> -> memref<128xi32, #tpu.memory_space<vmem>>
      %dma_start3A_279 = arith.constant 0 : i32
      %dma_start3A_280 = tpu.memref_slice %arg14[%dma_start3A_279] : memref<10000xf32, #tpu.memory_space<vmem_shared>> -> memref<10000xf32, #tpu.memory_space<vmem_shared>>
      tpu.enqueue_indirect_dma source(%dma_start3A_275 : memref<128xf32, #tpu.memory_space<vmem>>) target(%dma_start3A_280 : memref<10000xf32, #tpu.memory_space<vmem_shared>>) offsets(%dma_start3A_278 : memref<128xi32, #tpu.memory_space<vmem>>) semaphore(%arg17 : memref<!tpu.dma_semaphore, #tpu.memory_space<semaphore_mem>>) {add = true}
    }
    %scan3A_22 = arith.constant 82 : i32
    %dma_wait3A = arith.constant 0 : i32
    %dma_wait3A_23 = arith.constant 1 : i32
    %dma_wait3A_24 = arith.constant 0 : i32
    %dma_wait3A_25 = tpu.memref_slice %arg9[%dma_wait3A, %dma_wait3A_24] : memref<2x128xf32, #tpu.memory_space<vmem>> -> memref<1x128xf32, #tpu.memory_space<vmem>>
    %dma_wait3A_26 = tpu.memref_squeeze %dma_wait3A_25 : memref<1x128xf32, #tpu.memory_space<vmem>> -> memref<128xf32, #tpu.memory_space<vmem>>
    %dma_wait3A_27 = arith.constant 0 : i32
    %dma_wait3A_28 = tpu.memref_slice %arg7[%dma_wait3A_23, %dma_wait3A_27] : memref<3x128xi32, #tpu.memory_space<vmem>> -> memref<1x128xi32, #tpu.memory_space<vmem>>
    %dma_wait3A_29 = tpu.memref_squeeze %dma_wait3A_28 : memref<1x128xi32, #tpu.memory_space<vmem>> -> memref<128xi32, #tpu.memory_space<vmem>>
    %dma_wait3A_30 = arith.constant 0 : i32
    %dma_wait3A_31 = tpu.memref_slice %arg14[%dma_wait3A_30] : memref<10000xf32, #tpu.memory_space<vmem_shared>> -> memref<10000xf32, #tpu.memory_space<vmem_shared>>
    tpu.wait_indirect_dma semaphore(%arg17 : memref<!tpu.dma_semaphore, #tpu.memory_space<semaphore_mem>>) src(%dma_wait3A_26 : memref<128xf32, #tpu.memory_space<vmem>>) dst(%dma_wait3A_31 : memref<10000xf32, #tpu.memory_space<vmem_shared>>)
    %barrier3A_32 = arith.constant 0 : index
    tpu.barrier barrier_id(%barrier3A_32)
    "tpu.region"() ({
      %run_scoped3A = tpu.sem_alloc : memref<!tpu.dma_semaphore, #tpu.memory_space<semaphore_mem>>
      tpu.enqueue_dma source(%arg14 : memref<10000xf32, #tpu.memory_space<vmem_shared>>) target(%arg13 : memref<10000xf32, #tpu.memory_space<vmem>>) target_semaphore(%run_scoped3A : memref<!tpu.dma_semaphore, #tpu.memory_space<semaphore_mem>>)
      tpu.wait_dma2 semaphore(%run_scoped3A : memref<!tpu.dma_semaphore, #tpu.memory_space<semaphore_mem>>) src(%arg14 : memref<10000xf32, #tpu.memory_space<vmem_shared>>) dst(%arg13 : memref<10000xf32, #tpu.memory_space<vmem>>)
      tpu.yield
    }) : () -> ()
    %scan3A_33 = arith.constant 0 : i32
    %scan3A_34 = arith.constant 0 : i32
    %scan3A_35 = arith.constant 625 : i32
    %scan3A_36 = arith.addi %scan3A_34, %scan3A_35 : i32
    %scan3A_37 = arith.constant 1 : i32
    scf.for %scan3A_72 = %scan3A_34 to %scan3A_36 step %scan3A_37  : i32 {
      %mul3A_73 = arith.constant 16 : i32
      %mul3A_74 = arith.muli %scan3A_72, %mul3A_73 : i32
      %get3A = arith.index_cast %mul3A_74 : i32 to index
      %get3A_75 = tpu.vector_load %arg13[%get3A] {strides = array<i32>} : memref<10000xf32, #tpu.memory_space<vmem>>, vector<16xf32>,
      %bitcast_convert_type3A = tpu.bitcast %get3A_75 : vector<16xf32> -> vector<16xi32>
      %shift_right_arithmetic3A = arith.constant 1 : i32
      %shift_right_arithmetic3A_76 = vector.broadcast %shift_right_arithmetic3A : i32 to vector<16xi32>
      %shift_right_arithmetic3A_77 = arith.shrsi %bitcast_convert_type3A, %shift_right_arithmetic3A_76 : vector<16xi32>
      %sub3A = arith.constant 1597463007 : i32
      %sub3A_78 = vector.broadcast %sub3A : i32 to vector<16xi32>
      %sub3A_79 = arith.subi %sub3A_78, %shift_right_arithmetic3A_77 : vector<16xi32>
      %bitcast_convert_type3A_80 = tpu.bitcast %sub3A_79 : vector<16xi32> -> vector<16xf32>
      %mul3A_81 = arith.constant 5.000000e-01 : f32
      %mul3A_82 = vector.broadcast %mul3A_81 : f32 to vector<16xf32>
      %mul3A_83 = arith.mulf %mul3A_82, %get3A_75 : vector<16xf32>
      %mul3A_84 = arith.mulf %mul3A_83, %bitcast_convert_type3A_80 : vector<16xf32>
      %mul3A_85 = arith.mulf %mul3A_84, %bitcast_convert_type3A_80 : vector<16xf32>
      %sub3A_86 = arith.constant 1.500000e+00 : f32
      %sub3A_87 = vector.broadcast %sub3A_86 : f32 to vector<16xf32>
      %sub3A_88 = arith.subf %sub3A_87, %mul3A_85 : vector<16xf32>
      %mul3A_89 = arith.mulf %bitcast_convert_type3A_80, %sub3A_88 : vector<16xf32>
      %mul3A_90 = arith.constant 5.000000e-01 : f32
      %mul3A_91 = vector.broadcast %mul3A_90 : f32 to vector<16xf32>
      %mul3A_92 = arith.mulf %mul3A_91, %get3A_75 : vector<16xf32>
      %mul3A_93 = arith.mulf %mul3A_92, %mul3A_89 : vector<16xf32>
      %mul3A_94 = arith.mulf %mul3A_93, %mul3A_89 : vector<16xf32>
      %sub3A_95 = arith.constant 1.500000e+00 : f32
      %sub3A_96 = vector.broadcast %sub3A_95 : f32 to vector<16xf32>
      %sub3A_97 = arith.subf %sub3A_96, %mul3A_94 : vector<16xf32>
      %mul3A_98 = arith.mulf %mul3A_89, %sub3A_97 : vector<16xf32>
      %mul3A_99 = arith.constant 5.000000e-01 : f32
      %mul3A_100 = vector.broadcast %mul3A_99 : f32 to vector<16xf32>
      %mul3A_101 = arith.mulf %mul3A_100, %get3A_75 : vector<16xf32>
      %mul3A_102 = arith.mulf %mul3A_101, %mul3A_98 : vector<16xf32>
      %mul3A_103 = arith.mulf %mul3A_102, %mul3A_98 : vector<16xf32>
      %sub3A_104 = arith.constant 1.500000e+00 : f32
      %sub3A_105 = vector.broadcast %sub3A_104 : f32 to vector<16xf32>
      %sub3A_106 = arith.subf %sub3A_105, %mul3A_103 : vector<16xf32>
      %mul3A_107 = arith.mulf %mul3A_98, %sub3A_106 : vector<16xf32>
      %mul3A_108 = arith.constant 16 : i32
      %mul3A_109 = arith.muli %scan3A_72, %mul3A_108 : i32
      %swap3A = arith.index_cast %mul3A_109 : i32 to index
      %swap3A_110 = tpu.vector_load %arg13[%swap3A] {strides = array<i32>} : memref<10000xf32, #tpu.memory_space<vmem>>, vector<16xf32>,
      tpu.vector_store %arg13[%swap3A], %mul3A_107 {strides = array<i32>} : memref<10000xf32, #tpu.memory_space<vmem>>, vector<16xf32>,
    }
    %scan3A_38 = arith.constant 625 : i32
    %mul3A_39 = arith.constant 82 : i32
    %mul3A_40 = arith.muli %arg0, %mul3A_39 : i32
    %dma_start3A_41 = arith.constant 0 : i32
    %dma_start3A_42 = arith.constant 0 : i32
    %dma_start3A_43 = tpu.memref_slice %arg3[%arg1, %mul3A_40, %dma_start3A_41, %dma_start3A_42] : memref<16x164x3x128xi32, #tpu.memory_space<hbm>> -> memref<1x1x3x128xi32, #tpu.memory_space<hbm>>
    %dma_start3A_44 = tpu.memref_squeeze %dma_start3A_43 : memref<1x1x3x128xi32, #tpu.memory_space<hbm>> -> memref<3x128xi32, #tpu.memory_space<hbm>>
    %dma_start3A_45 = arith.constant 0 : i32
    %dma_start3A_46 = arith.constant 0 : i32
    %dma_start3A_47 = tpu.memref_slice %arg3[%arg1, %mul3A_40, %dma_start3A_45, %dma_start3A_46] : memref<16x164x3x128xi32, #tpu.memory_space<hbm>> -> memref<1x1x3x128xi32, #tpu.memory_space<hbm>>
    %dma_start3A_48 = tpu.memref_squeeze %dma_start3A_47 : memref<1x1x3x128xi32, #tpu.memory_space<hbm>> -> memref<3x128xi32, #tpu.memory_space<hbm>>
    tpu.enqueue_dma source(%dma_start3A_48 : memref<3x128xi32, #tpu.memory_space<hbm>>) target(%arg7 : memref<3x128xi32, #tpu.memory_space<vmem>>) target_semaphore(%arg16 : memref<!tpu.dma_semaphore, #tpu.memory_space<semaphore_mem>>)
    %scan3A_49 = arith.constant 0 : i32
    %scan3A_50 = arith.constant 0 : i32
    %scan3A_51 = arith.constant 41 : i32
    %scan3A_52 = arith.addi %scan3A_50, %scan3A_51 : i32
    %scan3A_53 = arith.constant 1 : i32
    scf.for %scan3A_72 = %scan3A_50 to %scan3A_52 step %scan3A_53  : i32 {
      %mul3A_73 = arith.constant 2 : i32
      %mul3A_74 = arith.muli %scan3A_72, %mul3A_73 : i32
      %add3A = arith.constant 0 : i32
      %add3A_75 = arith.addi %mul3A_74, %add3A : i32
      %dma_wait3A_76 = arith.constant 0 : i32
      %dma_wait3A_77 = arith.constant 0 : i32
      %dma_wait3A_78 = arith.constant 0 : i32
      %dma_wait3A_79 = tpu.memref_slice %arg3[%arg1, %dma_wait3A_76, %dma_wait3A_77, %dma_wait3A_78] : memref<16x164x3x128xi32, #tpu.memory_space<hbm>> -> memref<1x1x3x128xi32, #tpu.memory_space<hbm>>
      %dma_wait3A_80 = tpu.memref_squeeze %dma_wait3A_79 : memref<1x1x3x128xi32, #tpu.memory_space<hbm>> -> memref<3x128xi32, #tpu.memory_space<hbm>>
      %dma_wait3A_81 = arith.constant 0 : i32
      %dma_wait3A_82 = arith.constant 0 : i32
      %dma_wait3A_83 = tpu.memref_slice %arg3[%arg1, %dma_wait3A_76, %dma_wait3A_81, %dma_wait3A_82] : memref<16x164x3x128xi32, #tpu.memory_space<hbm>> -> memref<1x1x3x128xi32, #tpu.memory_space<hbm>>
      %dma_wait3A_84 = tpu.memref_squeeze %dma_wait3A_83 : memref<1x1x3x128xi32, #tpu.memory_space<hbm>> -> memref<3x128xi32, #tpu.memory_space<hbm>>
      tpu.wait_dma2 semaphore(%arg16 : memref<!tpu.dma_semaphore, #tpu.memory_space<semaphore_mem>>) src(%dma_wait3A_84 : memref<3x128xi32, #tpu.memory_space<hbm>>) dst(%arg7 : memref<3x128xi32, #tpu.memory_space<vmem>>)
      %dma_start3A_85 = arith.constant 0 : i32
      %dma_start3A_86 = arith.constant 0 : i32
      %dma_start3A_87 = tpu.memref_slice %arg7[%dma_start3A_85, %dma_start3A_86] : memref<3x128xi32, #tpu.memory_space<vmem>> -> memref<1x128xi32, #tpu.memory_space<vmem>>
      %dma_start3A_88 = tpu.memref_squeeze %dma_start3A_87 : memref<1x128xi32, #tpu.memory_space<vmem>> -> memref<128xi32, #tpu.memory_space<vmem>>
      %dma_start3A_89 = arith.constant 0 : i32
      %dma_start3A_90 = arith.constant 0 : i32
      %dma_start3A_91 = tpu.memref_slice %arg2[%dma_start3A_89, %dma_start3A_90] : memref<10000x128xf32, #tpu.memory_space<hbm>> -> memref<10000x128xf32, #tpu.memory_space<hbm>>
      tpu.enqueue_indirect_dma source(%dma_start3A_91 : memref<10000x128xf32, #tpu.memory_space<hbm>>) target(%arg11 : memref<128x128xf32, #tpu.memory_space<vmem>>) offsets(%dma_start3A_88 : memref<128xi32, #tpu.memory_space<vmem>>) semaphore(%arg18 : memref<!tpu.dma_semaphore, #tpu.memory_space<semaphore_mem>>)
      %get3A = arith.constant 0 : i32
      %get3A_92 = arith.index_cast %get3A : i32 to index
      %get3A_93 = arith.constant 0 : index
      %get3A_94 = tpu.vector_load %arg7[%get3A_92, %get3A_93] {strides = array<i32>} : memref<3x128xi32, #tpu.memory_space<vmem>>, vector<16xi32>,
      %get3A_95 = arith.constant 1 : i32
      %get3A_96 = arith.index_cast %get3A_95 : i32 to index
      %get3A_97 = arith.constant 0 : index
      %get3A_98 = tpu.vector_load %arg7[%get3A_96, %get3A_97] {strides = array<i32>} : memref<3x128xi32, #tpu.memory_space<vmem>>, vector<16xi32>,
      %get3A_99 = arith.constant 2 : i32
      %get3A_100 = arith.index_cast %get3A_99 : i32 to index
      %get3A_101 = arith.constant 0 : index
      %get3A_102 = tpu.vector_load %arg7[%get3A_100, %get3A_101] {strides = array<i32>} : memref<3x128xi32, #tpu.memory_space<vmem>>, vector<16xi32>,
      %bitcast_convert_type3A = tpu.bitcast %get3A_102 : vector<16xi32> -> vector<16xf32>
      %gather3A = tpu.vector_load_idx %arg13[%get3A_94] : memref<10000xf32, #tpu.memory_space<vmem>>[vector<16xi32>], vector<16xf32>,
      %mul3A_103 = arith.mulf %gather3A, %bitcast_convert_type3A : vector<16xf32>
      %gather3A_104 = tpu.vector_load_idx %arg13[%get3A_98] : memref<10000xf32, #tpu.memory_space<vmem>>[vector<16xi32>], vector<16xf32>,
      %mul3A_105 = arith.mulf %mul3A_103, %gather3A_104 : vector<16xf32>
      %swap3A = arith.constant 0 : index
      %swap3A_106 = tpu.vector_load %arg10[%swap3A] {strides = array<i32>} : memref<128xf32, #tpu.memory_space<vmem>>, vector<16xf32>,
      tpu.vector_store %arg10[%swap3A], %mul3A_105 {strides = array<i32>} : memref<128xf32, #tpu.memory_space<vmem>>, vector<16xf32>,
      %get3A_107 = arith.constant 0 : i32
      %get3A_108 = arith.index_cast %get3A_107 : i32 to index
      %get3A_109 = arith.constant 16 : index
      %get3A_110 = tpu.vector_load %arg7[%get3A_108, %get3A_109] {strides = array<i32>} : memref<3x128xi32, #tpu.memory_space<vmem>>, vector<16xi32>,
      %get3A_111 = arith.constant 1 : i32
      %get3A_112 = arith.index_cast %get3A_111 : i32 to index
      %get3A_113 = arith.constant 16 : index
      %get3A_114 = tpu.vector_load %arg7[%get3A_112, %get3A_113] {strides = array<i32>} : memref<3x128xi32, #tpu.memory_space<vmem>>, vector<16xi32>,
      %get3A_115 = arith.constant 2 : i32
      %get3A_116 = arith.index_cast %get3A_115 : i32 to index
      %get3A_117 = arith.constant 16 : index
      %get3A_118 = tpu.vector_load %arg7[%get3A_116, %get3A_117] {strides = array<i32>} : memref<3x128xi32, #tpu.memory_space<vmem>>, vector<16xi32>,
      %bitcast_convert_type3A_119 = tpu.bitcast %get3A_118 : vector<16xi32> -> vector<16xf32>
      %gather3A_120 = tpu.vector_load_idx %arg13[%get3A_110] : memref<10000xf32, #tpu.memory_space<vmem>>[vector<16xi32>], vector<16xf32>,
      %mul3A_121 = arith.mulf %gather3A_120, %bitcast_convert_type3A_119 : vector<16xf32>
      %gather3A_122 = tpu.vector_load_idx %arg13[%get3A_114] : memref<10000xf32, #tpu.memory_space<vmem>>[vector<16xi32>], vector<16xf32>,
      %mul3A_123 = arith.mulf %mul3A_121, %gather3A_122 : vector<16xf32>
      %swap3A_124 = arith.constant 16 : index
      %swap3A_125 = tpu.vector_load %arg10[%swap3A_124] {strides = array<i32>} : memref<128xf32, #tpu.memory_space<vmem>>, vector<16xf32>,
      tpu.vector_store %arg10[%swap3A_124], %mul3A_123 {strides = array<i32>} : memref<128xf32, #tpu.memory_space<vmem>>, vector<16xf32>,
      %get3A_126 = arith.constant 0 : i32
      %get3A_127 = arith.index_cast %get3A_126 : i32 to index
      %get3A_128 = arith.constant 32 : index
      %get3A_129 = tpu.vector_load %arg7[%get3A_127, %get3A_128] {strides = array<i32>} : memref<3x128xi32, #tpu.memory_space<vmem>>, vector<16xi32>,
      %get3A_130 = arith.constant 1 : i32
      %get3A_131 = arith.index_cast %get3A_130 : i32 to index
      %get3A_132 = arith.constant 32 : index
      %get3A_133 = tpu.vector_load %arg7[%get3A_131, %get3A_132] {strides = array<i32>} : memref<3x128xi32, #tpu.memory_space<vmem>>, vector<16xi32>,
      %get3A_134 = arith.constant 2 : i32
      %get3A_135 = arith.index_cast %get3A_134 : i32 to index
      %get3A_136 = arith.constant 32 : index
      %get3A_137 = tpu.vector_load %arg7[%get3A_135, %get3A_136] {strides = array<i32>} : memref<3x128xi32, #tpu.memory_space<vmem>>, vector<16xi32>,
      %bitcast_convert_type3A_138 = tpu.bitcast %get3A_137 : vector<16xi32> -> vector<16xf32>
      %gather3A_139 = tpu.vector_load_idx %arg13[%get3A_129] : memref<10000xf32, #tpu.memory_space<vmem>>[vector<16xi32>], vector<16xf32>,
      %mul3A_140 = arith.mulf %gather3A_139, %bitcast_convert_type3A_138 : vector<16xf32>
      %gather3A_141 = tpu.vector_load_idx %arg13[%get3A_133] : memref<10000xf32, #tpu.memory_space<vmem>>[vector<16xi32>], vector<16xf32>,
      %mul3A_142 = arith.mulf %mul3A_140, %gather3A_141 : vector<16xf32>
      %swap3A_143 = arith.constant 32 : index
      %swap3A_144 = tpu.vector_load %arg10[%swap3A_143] {strides = array<i32>} : memref<128xf32, #tpu.memory_space<vmem>>, vector<16xf32>,
      tpu.vector_store %arg10[%swap3A_143], %mul3A_142 {strides = array<i32>} : memref<128xf32, #tpu.memory_space<vmem>>, vector<16xf32>,
      %get3A_145 = arith.constant 0 : i32
      %get3A_146 = arith.index_cast %get3A_145 : i32 to index
      %get3A_147 = arith.constant 48 : index
      %get3A_148 = tpu.vector_load %arg7[%get3A_146, %get3A_147] {strides = array<i32>} : memref<3x128xi32, #tpu.memory_space<vmem>>, vector<16xi32>,
      %get3A_149 = arith.constant 1 : i32
      %get3A_150 = arith.index_cast %get3A_149 : i32 to index
      %get3A_151 = arith.constant 48 : index
      %get3A_152 = tpu.vector_load %arg7[%get3A_150, %get3A_151] {strides = array<i32>} : memref<3x128xi32, #tpu.memory_space<vmem>>, vector<16xi32>,
      %get3A_153 = arith.constant 2 : i32
      %get3A_154 = arith.index_cast %get3A_153 : i32 to index
      %get3A_155 = arith.constant 48 : index
      %get3A_156 = tpu.vector_load %arg7[%get3A_154, %get3A_155] {strides = array<i32>} : memref<3x128xi32, #tpu.memory_space<vmem>>, vector<16xi32>,
      %bitcast_convert_type3A_157 = tpu.bitcast %get3A_156 : vector<16xi32> -> vector<16xf32>
      %gather3A_158 = tpu.vector_load_idx %arg13[%get3A_148] : memref<10000xf32, #tpu.memory_space<vmem>>[vector<16xi32>], vector<16xf32>,
      %mul3A_159 = arith.mulf %gather3A_158, %bitcast_convert_type3A_157 : vector<16xf32>
      %gather3A_160 = tpu.vector_load_idx %arg13[%get3A_152] : memref<10000xf32, #tpu.memory_space<vmem>>[vector<16xi32>], vector<16xf32>,
      %mul3A_161 = arith.mulf %mul3A_159, %gather3A_160 : vector<16xf32>
      %swap3A_162 = arith.constant 48 : index
      %swap3A_163 = tpu.vector_load %arg10[%swap3A_162] {strides = array<i32>} : memref<128xf32, #tpu.memory_space<vmem>>, vector<16xf32>,
      tpu.vector_store %arg10[%swap3A_162], %mul3A_161 {strides = array<i32>} : memref<128xf32, #tpu.memory_space<vmem>>, vector<16xf32>,
      %get3A_164 = arith.constant 0 : i32
      %get3A_165 = arith.index_cast %get3A_164 : i32 to index
      %get3A_166 = arith.constant 64 : index
      %get3A_167 = tpu.vector_load %arg7[%get3A_165, %get3A_166] {strides = array<i32>} : memref<3x128xi32, #tpu.memory_space<vmem>>, vector<16xi32>,
      %get3A_168 = arith.constant 1 : i32
      %get3A_169 = arith.index_cast %get3A_168 : i32 to index
      %get3A_170 = arith.constant 64 : index
      %get3A_171 = tpu.vector_load %arg7[%get3A_169, %get3A_170] {strides = array<i32>} : memref<3x128xi32, #tpu.memory_space<vmem>>, vector<16xi32>,
      %get3A_172 = arith.constant 2 : i32
      %get3A_173 = arith.index_cast %get3A_172 : i32 to index
      %get3A_174 = arith.constant 64 : index
      %get3A_175 = tpu.vector_load %arg7[%get3A_173, %get3A_174] {strides = array<i32>} : memref<3x128xi32, #tpu.memory_space<vmem>>, vector<16xi32>,
      %bitcast_convert_type3A_176 = tpu.bitcast %get3A_175 : vector<16xi32> -> vector<16xf32>
      %gather3A_177 = tpu.vector_load_idx %arg13[%get3A_167] : memref<10000xf32, #tpu.memory_space<vmem>>[vector<16xi32>], vector<16xf32>,
      %mul3A_178 = arith.mulf %gather3A_177, %bitcast_convert_type3A_176 : vector<16xf32>
      %gather3A_179 = tpu.vector_load_idx %arg13[%get3A_171] : memref<10000xf32, #tpu.memory_space<vmem>>[vector<16xi32>], vector<16xf32>,
      %mul3A_180 = arith.mulf %mul3A_178, %gather3A_179 : vector<16xf32>
      %swap3A_181 = arith.constant 64 : index
      %swap3A_182 = tpu.vector_load %arg10[%swap3A_181] {strides = array<i32>} : memref<128xf32, #tpu.memory_space<vmem>>, vector<16xf32>,
      tpu.vector_store %arg10[%swap3A_181], %mul3A_180 {strides = array<i32>} : memref<128xf32, #tpu.memory_space<vmem>>, vector<16xf32>,
      %get3A_183 = arith.constant 0 : i32
      %get3A_184 = arith.index_cast %get3A_183 : i32 to index
      %get3A_185 = arith.constant 80 : index
      %get3A_186 = tpu.vector_load %arg7[%get3A_184, %get3A_185] {strides = array<i32>} : memref<3x128xi32, #tpu.memory_space<vmem>>, vector<16xi32>,
      %get3A_187 = arith.constant 1 : i32
      %get3A_188 = arith.index_cast %get3A_187 : i32 to index
      %get3A_189 = arith.constant 80 : index
      %get3A_190 = tpu.vector_load %arg7[%get3A_188, %get3A_189] {strides = array<i32>} : memref<3x128xi32, #tpu.memory_space<vmem>>, vector<16xi32>,
      %get3A_191 = arith.constant 2 : i32
      %get3A_192 = arith.index_cast %get3A_191 : i32 to index
      %get3A_193 = arith.constant 80 : index
      %get3A_194 = tpu.vector_load %arg7[%get3A_192, %get3A_193] {strides = array<i32>} : memref<3x128xi32, #tpu.memory_space<vmem>>, vector<16xi32>,
      %bitcast_convert_type3A_195 = tpu.bitcast %get3A_194 : vector<16xi32> -> vector<16xf32>
      %gather3A_196 = tpu.vector_load_idx %arg13[%get3A_186] : memref<10000xf32, #tpu.memory_space<vmem>>[vector<16xi32>], vector<16xf32>,
      %mul3A_197 = arith.mulf %gather3A_196, %bitcast_convert_type3A_195 : vector<16xf32>
      %gather3A_198 = tpu.vector_load_idx %arg13[%get3A_190] : memref<10000xf32, #tpu.memory_space<vmem>>[vector<16xi32>], vector<16xf32>,
      %mul3A_199 = arith.mulf %mul3A_197, %gather3A_198 : vector<16xf32>
      %swap3A_200 = arith.constant 80 : index
      %swap3A_201 = tpu.vector_load %arg10[%swap3A_200] {strides = array<i32>} : memref<128xf32, #tpu.memory_space<vmem>>, vector<16xf32>,
      tpu.vector_store %arg10[%swap3A_200], %mul3A_199 {strides = array<i32>} : memref<128xf32, #tpu.memory_space<vmem>>, vector<16xf32>,
      %get3A_202 = arith.constant 0 : i32
      %get3A_203 = arith.index_cast %get3A_202 : i32 to index
      %get3A_204 = arith.constant 96 : index
      %get3A_205 = tpu.vector_load %arg7[%get3A_203, %get3A_204] {strides = array<i32>} : memref<3x128xi32, #tpu.memory_space<vmem>>, vector<16xi32>,
      %get3A_206 = arith.constant 1 : i32
      %get3A_207 = arith.index_cast %get3A_206 : i32 to index
      %get3A_208 = arith.constant 96 : index
      %get3A_209 = tpu.vector_load %arg7[%get3A_207, %get3A_208] {strides = array<i32>} : memref<3x128xi32, #tpu.memory_space<vmem>>, vector<16xi32>,
      %get3A_210 = arith.constant 2 : i32
      %get3A_211 = arith.index_cast %get3A_210 : i32 to index
      %get3A_212 = arith.constant 96 : index
      %get3A_213 = tpu.vector_load %arg7[%get3A_211, %get3A_212] {strides = array<i32>} : memref<3x128xi32, #tpu.memory_space<vmem>>, vector<16xi32>,
      %bitcast_convert_type3A_214 = tpu.bitcast %get3A_213 : vector<16xi32> -> vector<16xf32>
      %gather3A_215 = tpu.vector_load_idx %arg13[%get3A_205] : memref<10000xf32, #tpu.memory_space<vmem>>[vector<16xi32>], vector<16xf32>,
      %mul3A_216 = arith.mulf %gather3A_215, %bitcast_convert_type3A_214 : vector<16xf32>
      %gather3A_217 = tpu.vector_load_idx %arg13[%get3A_209] : memref<10000xf32, #tpu.memory_space<vmem>>[vector<16xi32>], vector<16xf32>,
      %mul3A_218 = arith.mulf %mul3A_216, %gather3A_217 : vector<16xf32>
      %swap3A_219 = arith.constant 96 : index
      %swap3A_220 = tpu.vector_load %arg10[%swap3A_219] {strides = array<i32>} : memref<128xf32, #tpu.memory_space<vmem>>, vector<16xf32>,
      tpu.vector_store %arg10[%swap3A_219], %mul3A_218 {strides = array<i32>} : memref<128xf32, #tpu.memory_space<vmem>>, vector<16xf32>,
      %get3A_221 = arith.constant 0 : i32
      %get3A_222 = arith.index_cast %get3A_221 : i32 to index
      %get3A_223 = arith.constant 112 : index
      %get3A_224 = tpu.vector_load %arg7[%get3A_222, %get3A_223] {strides = array<i32>} : memref<3x128xi32, #tpu.memory_space<vmem>>, vector<16xi32>,
      %get3A_225 = arith.constant 1 : i32
      %get3A_226 = arith.index_cast %get3A_225 : i32 to index
      %get3A_227 = arith.constant 112 : index
      %get3A_228 = tpu.vector_load %arg7[%get3A_226, %get3A_227] {strides = array<i32>} : memref<3x128xi32, #tpu.memory_space<vmem>>, vector<16xi32>,
      %get3A_229 = arith.constant 2 : i32
      %get3A_230 = arith.index_cast %get3A_229 : i32 to index
      %get3A_231 = arith.constant 112 : index
      %get3A_232 = tpu.vector_load %arg7[%get3A_230, %get3A_231] {strides = array<i32>} : memref<3x128xi32, #tpu.memory_space<vmem>>, vector<16xi32>,
      %bitcast_convert_type3A_233 = tpu.bitcast %get3A_232 : vector<16xi32> -> vector<16xf32>
      %gather3A_234 = tpu.vector_load_idx %arg13[%get3A_224] : memref<10000xf32, #tpu.memory_space<vmem>>[vector<16xi32>], vector<16xf32>,
      %mul3A_235 = arith.mulf %gather3A_234, %bitcast_convert_type3A_233 : vector<16xf32>
      %gather3A_236 = tpu.vector_load_idx %arg13[%get3A_228] : memref<10000xf32, #tpu.memory_space<vmem>>[vector<16xi32>], vector<16xf32>,
      %mul3A_237 = arith.mulf %mul3A_235, %gather3A_236 : vector<16xf32>
      %swap3A_238 = arith.constant 112 : index
      %swap3A_239 = tpu.vector_load %arg10[%swap3A_238] {strides = array<i32>} : memref<128xf32, #tpu.memory_space<vmem>>, vector<16xf32>,
      tpu.vector_store %arg10[%swap3A_238], %mul3A_237 {strides = array<i32>} : memref<128xf32, #tpu.memory_space<vmem>>, vector<16xf32>,
      %ge3A = arith.constant 1 : i32
      %ge3A_240 = arith.cmpi sge, %add3A_75, %ge3A : i32
      %convert_element_type3A_241 = arith.extui %ge3A_240 : i1 to i32
      %cond3A_242 = arith.constant 0 : i32
      %cond3A_243 = arith.cmpi ne, %convert_element_type3A_241, %cond3A_242 : i32
      scf.if %cond3A_243 {
        %dma_wait3A_474 = arith.constant 1 : i32
        %dma_wait3A_475 = arith.constant 0 : i32
        %dma_wait3A_476 = tpu.memref_slice %arg7[%dma_wait3A_474, %dma_wait3A_475] : memref<3x128xi32, #tpu.memory_space<vmem>> -> memref<1x128xi32, #tpu.memory_space<vmem>>
        %dma_wait3A_477 = tpu.memref_squeeze %dma_wait3A_476 : memref<1x128xi32, #tpu.memory_space<vmem>> -> memref<128xi32, #tpu.memory_space<vmem>>
        %dma_wait3A_478 = arith.constant 0 : i32
        %dma_wait3A_479 = arith.constant 0 : i32
        %dma_wait3A_480 = tpu.memref_slice %arg15[%dma_wait3A_478, %dma_wait3A_479] : memref<10000x128xf32, #tpu.memory_space<vmem_shared>> -> memref<10000x128xf32, #tpu.memory_space<vmem_shared>>
        tpu.wait_indirect_dma semaphore(%arg19 : memref<!tpu.dma_semaphore, #tpu.memory_space<semaphore_mem>>) src(%arg12 : memref<128x128xf32, #tpu.memory_space<vmem>>) dst(%dma_wait3A_480 : memref<10000x128xf32, #tpu.memory_space<vmem_shared>>)
      } else {
      }
      %add3A_244 = arith.constant 1 : i32
      %add3A_245 = arith.addi %add3A_75, %add3A_244 : i32
      %lt3A = arith.constant 82 : i32
      %lt3A_246 = arith.cmpi slt, %add3A_245, %lt3A : i32
      %convert_element_type3A_247 = arith.extui %lt3A_246 : i1 to i32
      %cond3A_248 = arith.constant 0 : i32
      %cond3A_249 = arith.cmpi ne, %convert_element_type3A_247, %cond3A_248 : i32
      scf.if %cond3A_249 {
        %mul3A_474 = arith.constant 82 : i32
        %mul3A_475 = arith.muli %arg0, %mul3A_474 : i32
        %add3A_476 = arith.addi %mul3A_475, %add3A_75 : i32
        %add3A_477 = arith.constant 1 : i32
        %add3A_478 = arith.addi %add3A_476, %add3A_477 : i32
        %dma_start3A_479 = arith.constant 0 : i32
        %dma_start3A_480 = arith.constant 0 : i32
        %dma_start3A_481 = tpu.memref_slice %arg3[%arg1, %add3A_478, %dma_start3A_479, %dma_start3A_480] : memref<16x164x3x128xi32, #tpu.memory_space<hbm>> -> memref<1x1x3x128xi32, #tpu.memory_space<hbm>>
        %dma_start3A_482 = tpu.memref_squeeze %dma_start3A_481 : memref<1x1x3x128xi32, #tpu.memory_space<hbm>> -> memref<3x128xi32, #tpu.memory_space<hbm>>
        %dma_start3A_483 = arith.constant 0 : i32
        %dma_start3A_484 = arith.constant 0 : i32
        %dma_start3A_485 = tpu.memref_slice %arg3[%arg1, %add3A_478, %dma_start3A_483, %dma_start3A_484] : memref<16x164x3x128xi32, #tpu.memory_space<hbm>> -> memref<1x1x3x128xi32, #tpu.memory_space<hbm>>
        %dma_start3A_486 = tpu.memref_squeeze %dma_start3A_485 : memref<1x1x3x128xi32, #tpu.memory_space<hbm>> -> memref<3x128xi32, #tpu.memory_space<hbm>>
        tpu.enqueue_dma source(%dma_start3A_486 : memref<3x128xi32, #tpu.memory_space<hbm>>) target(%arg8 : memref<3x128xi32, #tpu.memory_space<vmem>>) target_semaphore(%arg16 : memref<!tpu.dma_semaphore, #tpu.memory_space<semaphore_mem>>)
      } else {
      }
      %dma_wait3A_250 = arith.constant 0 : i32
      %dma_wait3A_251 = arith.constant 0 : i32
      %dma_wait3A_252 = tpu.memref_slice %arg7[%dma_wait3A_250, %dma_wait3A_251] : memref<3x128xi32, #tpu.memory_space<vmem>> -> memref<1x128xi32, #tpu.memory_space<vmem>>
      %dma_wait3A_253 = tpu.memref_squeeze %dma_wait3A_252 : memref<1x128xi32, #tpu.memory_space<vmem>> -> memref<128xi32, #tpu.memory_space<vmem>>
      %dma_wait3A_254 = arith.constant 0 : i32
      %dma_wait3A_255 = arith.constant 0 : i32
      %dma_wait3A_256 = tpu.memref_slice %arg2[%dma_wait3A_254, %dma_wait3A_255] : memref<10000x128xf32, #tpu.memory_space<hbm>> -> memref<10000x128xf32, #tpu.memory_space<hbm>>
      tpu.wait_indirect_dma semaphore(%arg18 : memref<!tpu.dma_semaphore, #tpu.memory_space<semaphore_mem>>) src(%dma_wait3A_256 : memref<10000x128xf32, #tpu.memory_space<hbm>>) dst(%arg11 : memref<128x128xf32, #tpu.memory_space<vmem>>)
      %scan3A_257 = arith.constant 0 : i32
      %scan3A_258 = arith.constant 0 : i32
      %scan3A_259 = arith.constant 8 : i32
      %scan3A_260 = arith.addi %scan3A_258, %scan3A_259 : i32
      %scan3A_261 = arith.constant 1 : i32
      scf.for %scan3A_474 = %scan3A_258 to %scan3A_260 step %scan3A_261  : i32 {
        %mul3A_475 = arith.constant 16 : i32
        %mul3A_476 = arith.muli %scan3A_474, %mul3A_475 : i32
        %get3A_477 = arith.index_cast %mul3A_476 : i32 to index
        %get3A_478 = tpu.vector_load %arg10[%get3A_477] {strides = array<i32>} : memref<128xf32, #tpu.memory_space<vmem>>, vector<16xf32>,
        %slice3A = vector.extract_strided_slice %get3A_478 {offsets = [0], sizes = [1], strides = [1]} : vector<16xf32> to vector<1xf32>
        %squeeze3A = vector.extract %slice3A[0] : f32 from vector<1xf32>
        %mul3A_479 = arith.constant 16 : i32
        %mul3A_480 = arith.muli %scan3A_474, %mul3A_479 : i32
        %add3A_481 = arith.constant 0 : i32
        %add3A_482 = arith.addi %mul3A_480, %add3A_481 : i32
        %get3A_483 = arith.index_cast %add3A_482 : i32 to index
        %get3A_484 = arith.constant 0 : index
        %get3A_485 = tpu.vector_load %arg11[%get3A_483, %get3A_484] {strides = array<i32>} : memref<128x128xf32, #tpu.memory_space<vmem>>, vector<16xf32>,
        %mul3A_486 = vector.broadcast %squeeze3A : f32 to vector<16xf32>
        %mul3A_487 = arith.mulf %get3A_485, %mul3A_486 : vector<16xf32>
        %swap3A_488 = arith.index_cast %add3A_482 : i32 to index
        %swap3A_489 = arith.constant 0 : index
        %swap3A_490 = tpu.vector_load %arg11[%swap3A_488, %swap3A_489] {strides = array<i32>} : memref<128x128xf32, #tpu.memory_space<vmem>>, vector<16xf32>,
        tpu.vector_store %arg11[%swap3A_488, %swap3A_489], %mul3A_487 {strides = array<i32>} : memref<128x128xf32, #tpu.memory_space<vmem>>, vector<16xf32>,
        %get3A_491 = arith.index_cast %add3A_482 : i32 to index
        %get3A_492 = arith.constant 16 : index
        %get3A_493 = tpu.vector_load %arg11[%get3A_491, %get3A_492] {strides = array<i32>} : memref<128x128xf32, #tpu.memory_space<vmem>>, vector<16xf32>,
        %mul3A_494 = vector.broadcast %squeeze3A : f32 to vector<16xf32>
        %mul3A_495 = arith.mulf %get3A_493, %mul3A_494 : vector<16xf32>
        %swap3A_496 = arith.index_cast %add3A_482 : i32 to index
        %swap3A_497 = arith.constant 16 : index
        %swap3A_498 = tpu.vector_load %arg11[%swap3A_496, %swap3A_497] {strides = array<i32>} : memref<128x128xf32, #tpu.memory_space<vmem>>, vector<16xf32>,
        tpu.vector_store %arg11[%swap3A_496, %swap3A_497], %mul3A_495 {strides = array<i32>} : memref<128x128xf32, #tpu.memory_space<vmem>>, vector<16xf32>,
        %get3A_499 = arith.index_cast %add3A_482 : i32 to index
        %get3A_500 = arith.constant 32 : index
        %get3A_501 = tpu.vector_load %arg11[%get3A_499, %get3A_500] {strides = array<i32>} : memref<128x128xf32, #tpu.memory_space<vmem>>, vector<16xf32>,
        %mul3A_502 = vector.broadcast %squeeze3A : f32 to vector<16xf32>
        %mul3A_503 = arith.mulf %get3A_501, %mul3A_502 : vector<16xf32>
        %swap3A_504 = arith.index_cast %add3A_482 : i32 to index
        %swap3A_505 = arith.constant 32 : index
        %swap3A_506 = tpu.vector_load %arg11[%swap3A_504, %swap3A_505] {strides = array<i32>} : memref<128x128xf32, #tpu.memory_space<vmem>>, vector<16xf32>,
        tpu.vector_store %arg11[%swap3A_504, %swap3A_505], %mul3A_503 {strides = array<i32>} : memref<128x128xf32, #tpu.memory_space<vmem>>, vector<16xf32>,
        %get3A_507 = arith.index_cast %add3A_482 : i32 to index
        %get3A_508 = arith.constant 48 : index
        %get3A_509 = tpu.vector_load %arg11[%get3A_507, %get3A_508] {strides = array<i32>} : memref<128x128xf32, #tpu.memory_space<vmem>>, vector<16xf32>,
        %mul3A_510 = vector.broadcast %squeeze3A : f32 to vector<16xf32>
        %mul3A_511 = arith.mulf %get3A_509, %mul3A_510 : vector<16xf32>
        %swap3A_512 = arith.index_cast %add3A_482 : i32 to index
        %swap3A_513 = arith.constant 48 : index
        %swap3A_514 = tpu.vector_load %arg11[%swap3A_512, %swap3A_513] {strides = array<i32>} : memref<128x128xf32, #tpu.memory_space<vmem>>, vector<16xf32>,
        tpu.vector_store %arg11[%swap3A_512, %swap3A_513], %mul3A_511 {strides = array<i32>} : memref<128x128xf32, #tpu.memory_space<vmem>>, vector<16xf32>,
        %get3A_515 = arith.index_cast %add3A_482 : i32 to index
        %get3A_516 = arith.constant 64 : index
        %get3A_517 = tpu.vector_load %arg11[%get3A_515, %get3A_516] {strides = array<i32>} : memref<128x128xf32, #tpu.memory_space<vmem>>, vector<16xf32>,
        %mul3A_518 = vector.broadcast %squeeze3A : f32 to vector<16xf32>
        %mul3A_519 = arith.mulf %get3A_517, %mul3A_518 : vector<16xf32>
        %swap3A_520 = arith.index_cast %add3A_482 : i32 to index
        %swap3A_521 = arith.constant 64 : index
        %swap3A_522 = tpu.vector_load %arg11[%swap3A_520, %swap3A_521] {strides = array<i32>} : memref<128x128xf32, #tpu.memory_space<vmem>>, vector<16xf32>,
        tpu.vector_store %arg11[%swap3A_520, %swap3A_521], %mul3A_519 {strides = array<i32>} : memref<128x128xf32, #tpu.memory_space<vmem>>, vector<16xf32>,
        %get3A_523 = arith.index_cast %add3A_482 : i32 to index
        %get3A_524 = arith.constant 80 : index
        %get3A_525 = tpu.vector_load %arg11[%get3A_523, %get3A_524] {strides = array<i32>} : memref<128x128xf32, #tpu.memory_space<vmem>>, vector<16xf32>,
        %mul3A_526 = vector.broadcast %squeeze3A : f32 to vector<16xf32>
        %mul3A_527 = arith.mulf %get3A_525, %mul3A_526 : vector<16xf32>
        %swap3A_528 = arith.index_cast %add3A_482 : i32 to index
        %swap3A_529 = arith.constant 80 : index
        %swap3A_530 = tpu.vector_load %arg11[%swap3A_528, %swap3A_529] {strides = array<i32>} : memref<128x128xf32, #tpu.memory_space<vmem>>, vector<16xf32>,
        tpu.vector_store %arg11[%swap3A_528, %swap3A_529], %mul3A_527 {strides = array<i32>} : memref<128x128xf32, #tpu.memory_space<vmem>>, vector<16xf32>,
        %get3A_531 = arith.index_cast %add3A_482 : i32 to index
        %get3A_532 = arith.constant 96 : index
        %get3A_533 = tpu.vector_load %arg11[%get3A_531, %get3A_532] {strides = array<i32>} : memref<128x128xf32, #tpu.memory_space<vmem>>, vector<16xf32>,
        %mul3A_534 = vector.broadcast %squeeze3A : f32 to vector<16xf32>
        %mul3A_535 = arith.mulf %get3A_533, %mul3A_534 : vector<16xf32>
        %swap3A_536 = arith.index_cast %add3A_482 : i32 to index
        %swap3A_537 = arith.constant 96 : index
        %swap3A_538 = tpu.vector_load %arg11[%swap3A_536, %swap3A_537] {strides = array<i32>} : memref<128x128xf32, #tpu.memory_space<vmem>>, vector<16xf32>,
        tpu.vector_store %arg11[%swap3A_536, %swap3A_537], %mul3A_535 {strides = array<i32>} : memref<128x128xf32, #tpu.memory_space<vmem>>, vector<16xf32>,
        %get3A_539 = arith.index_cast %add3A_482 : i32 to index
        %get3A_540 = arith.constant 112 : index
        %get3A_541 = tpu.vector_load %arg11[%get3A_539, %get3A_540] {strides = array<i32>} : memref<128x128xf32, #tpu.memory_space<vmem>>, vector<16xf32>,
        %mul3A_542 = vector.broadcast %squeeze3A : f32 to vector<16xf32>
        %mul3A_543 = arith.mulf %get3A_541, %mul3A_542 : vector<16xf32>
        %swap3A_544 = arith.index_cast %add3A_482 : i32 to index
        %swap3A_545 = arith.constant 112 : index
        %swap3A_546 = tpu.vector_load %arg11[%swap3A_544, %swap3A_545] {strides = array<i32>} : memref<128x128xf32, #tpu.memory_space<vmem>>, vector<16xf32>,
        tpu.vector_store %arg11[%swap3A_544, %swap3A_545], %mul3A_543 {strides = array<i32>} : memref<128x128xf32, #tpu.memory_space<vmem>>, vector<16xf32>,
        %slice3A_547 = vector.extract_strided_slice %get3A_478 {offsets = [1], sizes = [1], strides = [1]} : vector<16xf32> to vector<1xf32>
        %squeeze3A_548 = vector.extract %slice3A_547[0] : f32 from vector<1xf32>
        %mul3A_549 = arith.constant 16 : i32
        %mul3A_550 = arith.muli %scan3A_474, %mul3A_549 : i32
        %add3A_551 = arith.constant 1 : i32
        %add3A_552 = arith.addi %mul3A_550, %add3A_551 : i32
        %get3A_553 = arith.index_cast %add3A_552 : i32 to index
        %get3A_554 = arith.constant 0 : index
        %get3A_555 = tpu.vector_load %arg11[%get3A_553, %get3A_554] {strides = array<i32>} : memref<128x128xf32, #tpu.memory_space<vmem>>, vector<16xf32>,
        %mul3A_556 = vector.broadcast %squeeze3A_548 : f32 to vector<16xf32>
        %mul3A_557 = arith.mulf %get3A_555, %mul3A_556 : vector<16xf32>
        %swap3A_558 = arith.index_cast %add3A_552 : i32 to index
        %swap3A_559 = arith.constant 0 : index
        %swap3A_560 = tpu.vector_load %arg11[%swap3A_558, %swap3A_559] {strides = array<i32>} : memref<128x128xf32, #tpu.memory_space<vmem>>, vector<16xf32>,
        tpu.vector_store %arg11[%swap3A_558, %swap3A_559], %mul3A_557 {strides = array<i32>} : memref<128x128xf32, #tpu.memory_space<vmem>>, vector<16xf32>,
        %get3A_561 = arith.index_cast %add3A_552 : i32 to index
        %get3A_562 = arith.constant 16 : index
        %get3A_563 = tpu.vector_load %arg11[%get3A_561, %get3A_562] {strides = array<i32>} : memref<128x128xf32, #tpu.memory_space<vmem>>, vector<16xf32>,
        %mul3A_564 = vector.broadcast %squeeze3A_548 : f32 to vector<16xf32>
        %mul3A_565 = arith.mulf %get3A_563, %mul3A_564 : vector<16xf32>
        %swap3A_566 = arith.index_cast %add3A_552 : i32 to index
        %swap3A_567 = arith.constant 16 : index
        %swap3A_568 = tpu.vector_load %arg11[%swap3A_566, %swap3A_567] {strides = array<i32>} : memref<128x128xf32, #tpu.memory_space<vmem>>, vector<16xf32>,
        tpu.vector_store %arg11[%swap3A_566, %swap3A_567], %mul3A_565 {strides = array<i32>} : memref<128x128xf32, #tpu.memory_space<vmem>>, vector<16xf32>,
        %get3A_569 = arith.index_cast %add3A_552 : i32 to index
        %get3A_570 = arith.constant 32 : index
        %get3A_571 = tpu.vector_load %arg11[%get3A_569, %get3A_570] {strides = array<i32>} : memref<128x128xf32, #tpu.memory_space<vmem>>, vector<16xf32>,
        %mul3A_572 = vector.broadcast %squeeze3A_548 : f32 to vector<16xf32>
        %mul3A_573 = arith.mulf %get3A_571, %mul3A_572 : vector<16xf32>
        %swap3A_574 = arith.index_cast %add3A_552 : i32 to index
        %swap3A_575 = arith.constant 32 : index
        %swap3A_576 = tpu.vector_load %arg11[%swap3A_574, %swap3A_575] {strides = array<i32>} : memref<128x128xf32, #tpu.memory_space<vmem>>, vector<16xf32>,
        tpu.vector_store %arg11[%swap3A_574, %swap3A_575], %mul3A_573 {strides = array<i32>} : memref<128x128xf32, #tpu.memory_space<vmem>>, vector<16xf32>,
        %get3A_577 = arith.index_cast %add3A_552 : i32 to index
        %get3A_578 = arith.constant 48 : index
        %get3A_579 = tpu.vector_load %arg11[%get3A_577, %get3A_578] {strides = array<i32>} : memref<128x128xf32, #tpu.memory_space<vmem>>, vector<16xf32>,
        %mul3A_580 = vector.broadcast %squeeze3A_548 : f32 to vector<16xf32>
        %mul3A_581 = arith.mulf %get3A_579, %mul3A_580 : vector<16xf32>
        %swap3A_582 = arith.index_cast %add3A_552 : i32 to index
        %swap3A_583 = arith.constant 48 : index
        %swap3A_584 = tpu.vector_load %arg11[%swap3A_582, %swap3A_583] {strides = array<i32>} : memref<128x128xf32, #tpu.memory_space<vmem>>, vector<16xf32>,
        tpu.vector_store %arg11[%swap3A_582, %swap3A_583], %mul3A_581 {strides = array<i32>} : memref<128x128xf32, #tpu.memory_space<vmem>>, vector<16xf32>,
        %get3A_585 = arith.index_cast %add3A_552 : i32 to index
        %get3A_586 = arith.constant 64 : index
        %get3A_587 = tpu.vector_load %arg11[%get3A_585, %get3A_586] {strides = array<i32>} : memref<128x128xf32, #tpu.memory_space<vmem>>, vector<16xf32>,
        %mul3A_588 = vector.broadcast %squeeze3A_548 : f32 to vector<16xf32>
        %mul3A_589 = arith.mulf %get3A_587, %mul3A_588 : vector<16xf32>
        %swap3A_590 = arith.index_cast %add3A_552 : i32 to index
        %swap3A_591 = arith.constant 64 : index
        %swap3A_592 = tpu.vector_load %arg11[%swap3A_590, %swap3A_591] {strides = array<i32>} : memref<128x128xf32, #tpu.memory_space<vmem>>, vector<16xf32>,
        tpu.vector_store %arg11[%swap3A_590, %swap3A_591], %mul3A_589 {strides = array<i32>} : memref<128x128xf32, #tpu.memory_space<vmem>>, vector<16xf32>,
        %get3A_593 = arith.index_cast %add3A_552 : i32 to index
        %get3A_594 = arith.constant 80 : index
        %get3A_595 = tpu.vector_load %arg11[%get3A_593, %get3A_594] {strides = array<i32>} : memref<128x128xf32, #tpu.memory_space<vmem>>, vector<16xf32>,
        %mul3A_596 = vector.broadcast %squeeze3A_548 : f32 to vector<16xf32>
        %mul3A_597 = arith.mulf %get3A_595, %mul3A_596 : vector<16xf32>
        %swap3A_598 = arith.index_cast %add3A_552 : i32 to index
        %swap3A_599 = arith.constant 80 : index
        %swap3A_600 = tpu.vector_load %arg11[%swap3A_598, %swap3A_599] {strides = array<i32>} : memref<128x128xf32, #tpu.memory_space<vmem>>, vector<16xf32>,
        tpu.vector_store %arg11[%swap3A_598, %swap3A_599], %mul3A_597 {strides = array<i32>} : memref<128x128xf32, #tpu.memory_space<vmem>>, vector<16xf32>,
        %get3A_601 = arith.index_cast %add3A_552 : i32 to index
        %get3A_602 = arith.constant 96 : index
        %get3A_603 = tpu.vector_load %arg11[%get3A_601, %get3A_602] {strides = array<i32>} : memref<128x128xf32, #tpu.memory_space<vmem>>, vector<16xf32>,
        %mul3A_604 = vector.broadcast %squeeze3A_548 : f32 to vector<16xf32>
        %mul3A_605 = arith.mulf %get3A_603, %mul3A_604 : vector<16xf32>
        %swap3A_606 = arith.index_cast %add3A_552 : i32 to index
        %swap3A_607 = arith.constant 96 : index
        %swap3A_608 = tpu.vector_load %arg11[%swap3A_606, %swap3A_607] {strides = array<i32>} : memref<128x128xf32, #tpu.memory_space<vmem>>, vector<16xf32>,
        tpu.vector_store %arg11[%swap3A_606, %swap3A_607], %mul3A_605 {strides = array<i32>} : memref<128x128xf32, #tpu.memory_space<vmem>>, vector<16xf32>,
        %get3A_609 = arith.index_cast %add3A_552 : i32 to index
        %get3A_610 = arith.constant 112 : index
        %get3A_611 = tpu.vector_load %arg11[%get3A_609, %get3A_610] {strides = array<i32>} : memref<128x128xf32, #tpu.memory_space<vmem>>, vector<16xf32>,
        %mul3A_612 = vector.broadcast %squeeze3A_548 : f32 to vector<16xf32>
        %mul3A_613 = arith.mulf %get3A_611, %mul3A_612 : vector<16xf32>
        %swap3A_614 = arith.index_cast %add3A_552 : i32 to index
        %swap3A_615 = arith.constant 112 : index
        %swap3A_616 = tpu.vector_load %arg11[%swap3A_614, %swap3A_615] {strides = array<i32>} : memref<128x128xf32, #tpu.memory_space<vmem>>, vector<16xf32>,
        tpu.vector_store %arg11[%swap3A_614, %swap3A_615], %mul3A_613 {strides = array<i32>} : memref<128x128xf32, #tpu.memory_space<vmem>>, vector<16xf32>,
        %slice3A_617 = vector.extract_strided_slice %get3A_478 {offsets = [2], sizes = [1], strides = [1]} : vector<16xf32> to vector<1xf32>
        %squeeze3A_618 = vector.extract %slice3A_617[0] : f32 from vector<1xf32>
        %mul3A_619 = arith.constant 16 : i32
        %mul3A_620 = arith.muli %scan3A_474, %mul3A_619 : i32
        %add3A_621 = arith.constant 2 : i32
        %add3A_622 = arith.addi %mul3A_620, %add3A_621 : i32
        %get3A_623 = arith.index_cast %add3A_622 : i32 to index
        %get3A_624 = arith.constant 0 : index
        %get3A_625 = tpu.vector_load %arg11[%get3A_623, %get3A_624] {strides = array<i32>} : memref<128x128xf32, #tpu.memory_space<vmem>>, vector<16xf32>,
        %mul3A_626 = vector.broadcast %squeeze3A_618 : f32 to vector<16xf32>
        %mul3A_627 = arith.mulf %get3A_625, %mul3A_626 : vector<16xf32>
        %swap3A_628 = arith.index_cast %add3A_622 : i32 to index
        %swap3A_629 = arith.constant 0 : index
        %swap3A_630 = tpu.vector_load %arg11[%swap3A_628, %swap3A_629] {strides = array<i32>} : memref<128x128xf32, #tpu.memory_space<vmem>>, vector<16xf32>,
        tpu.vector_store %arg11[%swap3A_628, %swap3A_629], %mul3A_627 {strides = array<i32>} : memref<128x128xf32, #tpu.memory_space<vmem>>, vector<16xf32>,
        %get3A_631 = arith.index_cast %add3A_622 : i32 to index
        %get3A_632 = arith.constant 16 : index
        %get3A_633 = tpu.vector_load %arg11[%get3A_631, %get3A_632] {strides = array<i32>} : memref<128x128xf32, #tpu.memory_space<vmem>>, vector<16xf32>,
        %mul3A_634 = vector.broadcast %squeeze3A_618 : f32 to vector<16xf32>
        %mul3A_635 = arith.mulf %get3A_633, %mul3A_634 : vector<16xf32>
        %swap3A_636 = arith.index_cast %add3A_622 : i32 to index
        %swap3A_637 = arith.constant 16 : index
        %swap3A_638 = tpu.vector_load %arg11[%swap3A_636, %swap3A_637] {strides = array<i32>} : memref<128x128xf32, #tpu.memory_space<vmem>>, vector<16xf32>,
        tpu.vector_store %arg11[%swap3A_636, %swap3A_637], %mul3A_635 {strides = array<i32>} : memref<128x128xf32, #tpu.memory_space<vmem>>, vector<16xf32>,
        %get3A_639 = arith.index_cast %add3A_622 : i32 to index
        %get3A_640 = arith.constant 32 : index
        %get3A_641 = tpu.vector_load %arg11[%get3A_639, %get3A_640] {strides = array<i32>} : memref<128x128xf32, #tpu.memory_space<vmem>>, vector<16xf32>,
        %mul3A_642 = vector.broadcast %squeeze3A_618 : f32 to vector<16xf32>
        %mul3A_643 = arith.mulf %get3A_641, %mul3A_642 : vector<16xf32>
        %swap3A_644 = arith.index_cast %add3A_622 : i32 to index
        %swap3A_645 = arith.constant 32 : index
        %swap3A_646 = tpu.vector_load %arg11[%swap3A_644, %swap3A_645] {strides = array<i32>} : memref<128x128xf32, #tpu.memory_space<vmem>>, vector<16xf32>,
        tpu.vector_store %arg11[%swap3A_644, %swap3A_645], %mul3A_643 {strides = array<i32>} : memref<128x128xf32, #tpu.memory_space<vmem>>, vector<16xf32>,
        %get3A_647 = arith.index_cast %add3A_622 : i32 to index
        %get3A_648 = arith.constant 48 : index
        %get3A_649 = tpu.vector_load %arg11[%get3A_647, %get3A_648] {strides = array<i32>} : memref<128x128xf32, #tpu.memory_space<vmem>>, vector<16xf32>,
        %mul3A_650 = vector.broadcast %squeeze3A_618 : f32 to vector<16xf32>
        %mul3A_651 = arith.mulf %get3A_649, %mul3A_650 : vector<16xf32>
        %swap3A_652 = arith.index_cast %add3A_622 : i32 to index
        %swap3A_653 = arith.constant 48 : index
        %swap3A_654 = tpu.vector_load %arg11[%swap3A_652, %swap3A_653] {strides = array<i32>} : memref<128x128xf32, #tpu.memory_space<vmem>>, vector<16xf32>,
        tpu.vector_store %arg11[%swap3A_652, %swap3A_653], %mul3A_651 {strides = array<i32>} : memref<128x128xf32, #tpu.memory_space<vmem>>, vector<16xf32>,
        %get3A_655 = arith.index_cast %add3A_622 : i32 to index
        %get3A_656 = arith.constant 64 : index
        %get3A_657 = tpu.vector_load %arg11[%get3A_655, %get3A_656] {strides = array<i32>} : memref<128x128xf32, #tpu.memory_space<vmem>>, vector<16xf32>,
        %mul3A_658 = vector.broadcast %squeeze3A_618 : f32 to vector<16xf32>
        %mul3A_659 = arith.mulf %get3A_657, %mul3A_658 : vector<16xf32>
        %swap3A_660 = arith.index_cast %add3A_622 : i32 to index
        %swap3A_661 = arith.constant 64 : index
        %swap3A_662 = tpu.vector_load %arg11[%swap3A_660, %swap3A_661] {strides = array<i32>} : memref<128x128xf32, #tpu.memory_space<vmem>>, vector<16xf32>,
        tpu.vector_store %arg11[%swap3A_660, %swap3A_661], %mul3A_659 {strides = array<i32>} : memref<128x128xf32, #tpu.memory_space<vmem>>, vector<16xf32>,
        %get3A_663 = arith.index_cast %add3A_622 : i32 to index
        %get3A_664 = arith.constant 80 : index
        %get3A_665 = tpu.vector_load %arg11[%get3A_663, %get3A_664] {strides = array<i32>} : memref<128x128xf32, #tpu.memory_space<vmem>>, vector<16xf32>,
        %mul3A_666 = vector.broadcast %squeeze3A_618 : f32 to vector<16xf32>
        %mul3A_667 = arith.mulf %get3A_665, %mul3A_666 : vector<16xf32>
        %swap3A_668 = arith.index_cast %add3A_622 : i32 to index
        %swap3A_669 = arith.constant 80 : index
        %swap3A_670 = tpu.vector_load %arg11[%swap3A_668, %swap3A_669] {strides = array<i32>} : memref<128x128xf32, #tpu.memory_space<vmem>>, vector<16xf32>,
        tpu.vector_store %arg11[%swap3A_668, %swap3A_669], %mul3A_667 {strides = array<i32>} : memref<128x128xf32, #tpu.memory_space<vmem>>, vector<16xf32>,
        %get3A_671 = arith.index_cast %add3A_622 : i32 to index
        %get3A_672 = arith.constant 96 : index
        %get3A_673 = tpu.vector_load %arg11[%get3A_671, %get3A_672] {strides = array<i32>} : memref<128x128xf32, #tpu.memory_space<vmem>>, vector<16xf32>,
        %mul3A_674 = vector.broadcast %squeeze3A_618 : f32 to vector<16xf32>
        %mul3A_675 = arith.mulf %get3A_673, %mul3A_674 : vector<16xf32>
        %swap3A_676 = arith.index_cast %add3A_622 : i32 to index
        %swap3A_677 = arith.constant 96 : index
        %swap3A_678 = tpu.vector_load %arg11[%swap3A_676, %swap3A_677] {strides = array<i32>} : memref<128x128xf32, #tpu.memory_space<vmem>>, vector<16xf32>,
        tpu.vector_store %arg11[%swap3A_676, %swap3A_677], %mul3A_675 {strides = array<i32>} : memref<128x128xf32, #tpu.memory_space<vmem>>, vector<16xf32>,
        %get3A_679 = arith.index_cast %add3A_622 : i32 to index
        %get3A_680 = arith.constant 112 : index
        %get3A_681 = tpu.vector_load %arg11[%get3A_679, %get3A_680] {strides = array<i32>} : memref<128x128xf32, #tpu.memory_space<vmem>>, vector<16xf32>,
        %mul3A_682 = vector.broadcast %squeeze3A_618 : f32 to vector<16xf32>
        %mul3A_683 = arith.mulf %get3A_681, %mul3A_682 : vector<16xf32>
        %swap3A_684 = arith.index_cast %add3A_622 : i32 to index
        %swap3A_685 = arith.constant 112 : index
        %swap3A_686 = tpu.vector_load %arg11[%swap3A_684, %swap3A_685] {strides = array<i32>} : memref<128x128xf32, #tpu.memory_space<vmem>>, vector<16xf32>,
        tpu.vector_store %arg11[%swap3A_684, %swap3A_685], %mul3A_683 {strides = array<i32>} : memref<128x128xf32, #tpu.memory_space<vmem>>, vector<16xf32>,
        %slice3A_687 = vector.extract_strided_slice %get3A_478 {offsets = [3], sizes = [1], strides = [1]} : vector<16xf32> to vector<1xf32>
        %squeeze3A_688 = vector.extract %slice3A_687[0] : f32 from vector<1xf32>
        %mul3A_689 = arith.constant 16 : i32
        %mul3A_690 = arith.muli %scan3A_474, %mul3A_689 : i32
        %add3A_691 = arith.constant 3 : i32
        %add3A_692 = arith.addi %mul3A_690, %add3A_691 : i32
        %get3A_693 = arith.index_cast %add3A_692 : i32 to index
        %get3A_694 = arith.constant 0 : index
        %get3A_695 = tpu.vector_load %arg11[%get3A_693, %get3A_694] {strides = array<i32>} : memref<128x128xf32, #tpu.memory_space<vmem>>, vector<16xf32>,
        %mul3A_696 = vector.broadcast %squeeze3A_688 : f32 to vector<16xf32>
        %mul3A_697 = arith.mulf %get3A_695, %mul3A_696 : vector<16xf32>
        %swap3A_698 = arith.index_cast %add3A_692 : i32 to index
        %swap3A_699 = arith.constant 0 : index
        %swap3A_700 = tpu.vector_load %arg11[%swap3A_698, %swap3A_699] {strides = array<i32>} : memref<128x128xf32, #tpu.memory_space<vmem>>, vector<16xf32>,
        tpu.vector_store %arg11[%swap3A_698, %swap3A_699], %mul3A_697 {strides = array<i32>} : memref<128x128xf32, #tpu.memory_space<vmem>>, vector<16xf32>,
        %get3A_701 = arith.index_cast %add3A_692 : i32 to index
        %get3A_702 = arith.constant 16 : index
        %get3A_703 = tpu.vector_load %arg11[%get3A_701, %get3A_702] {strides = array<i32>} : memref<128x128xf32, #tpu.memory_space<vmem>>, vector<16xf32>,
        %mul3A_704 = vector.broadcast %squeeze3A_688 : f32 to vector<16xf32>
        %mul3A_705 = arith.mulf %get3A_703, %mul3A_704 : vector<16xf32>
        %swap3A_706 = arith.index_cast %add3A_692 : i32 to index
        %swap3A_707 = arith.constant 16 : index
        %swap3A_708 = tpu.vector_load %arg11[%swap3A_706, %swap3A_707] {strides = array<i32>} : memref<128x128xf32, #tpu.memory_space<vmem>>, vector<16xf32>,
        tpu.vector_store %arg11[%swap3A_706, %swap3A_707], %mul3A_705 {strides = array<i32>} : memref<128x128xf32, #tpu.memory_space<vmem>>, vector<16xf32>,
        %get3A_709 = arith.index_cast %add3A_692 : i32 to index
        %get3A_710 = arith.constant 32 : index
        %get3A_711 = tpu.vector_load %arg11[%get3A_709, %get3A_710] {strides = array<i32>} : memref<128x128xf32, #tpu.memory_space<vmem>>, vector<16xf32>,
        %mul3A_712 = vector.broadcast %squeeze3A_688 : f32 to vector<16xf32>
        %mul3A_713 = arith.mulf %get3A_711, %mul3A_712 : vector<16xf32>
        %swap3A_714 = arith.index_cast %add3A_692 : i32 to index
        %swap3A_715 = arith.constant 32 : index
        %swap3A_716 = tpu.vector_load %arg11[%swap3A_714, %swap3A_715] {strides = array<i32>} : memref<128x128xf32, #tpu.memory_space<vmem>>, vector<16xf32>,
        tpu.vector_store %arg11[%swap3A_714, %swap3A_715], %mul3A_713 {strides = array<i32>} : memref<128x128xf32, #tpu.memory_space<vmem>>, vector<16xf32>,
        %get3A_717 = arith.index_cast %add3A_692 : i32 to index
        %get3A_718 = arith.constant 48 : index
        %get3A_719 = tpu.vector_load %arg11[%get3A_717, %get3A_718] {strides = array<i32>} : memref<128x128xf32, #tpu.memory_space<vmem>>, vector<16xf32>,
        %mul3A_720 = vector.broadcast %squeeze3A_688 : f32 to vector<16xf32>
        %mul3A_721 = arith.mulf %get3A_719, %mul3A_720 : vector<16xf32>
        %swap3A_722 = arith.index_cast %add3A_692 : i32 to index
        %swap3A_723 = arith.constant 48 : index
        %swap3A_724 = tpu.vector_load %arg11[%swap3A_722, %swap3A_723] {strides = array<i32>} : memref<128x128xf32, #tpu.memory_space<vmem>>, vector<16xf32>,
        tpu.vector_store %arg11[%swap3A_722, %swap3A_723], %mul3A_721 {strides = array<i32>} : memref<128x128xf32, #tpu.memory_space<vmem>>, vector<16xf32>,
        %get3A_725 = arith.index_cast %add3A_692 : i32 to index
        %get3A_726 = arith.constant 64 : index
        %get3A_727 = tpu.vector_load %arg11[%get3A_725, %get3A_726] {strides = array<i32>} : memref<128x128xf32, #tpu.memory_space<vmem>>, vector<16xf32>,
        %mul3A_728 = vector.broadcast %squeeze3A_688 : f32 to vector<16xf32>
        %mul3A_729 = arith.mulf %get3A_727, %mul3A_728 : vector<16xf32>
        %swap3A_730 = arith.index_cast %add3A_692 : i32 to index
        %swap3A_731 = arith.constant 64 : index
        %swap3A_732 = tpu.vector_load %arg11[%swap3A_730, %swap3A_731] {strides = array<i32>} : memref<128x128xf32, #tpu.memory_space<vmem>>, vector<16xf32>,
        tpu.vector_store %arg11[%swap3A_730, %swap3A_731], %mul3A_729 {strides = array<i32>} : memref<128x128xf32, #tpu.memory_space<vmem>>, vector<16xf32>,
        %get3A_733 = arith.index_cast %add3A_692 : i32 to index
        %get3A_734 = arith.constant 80 : index
        %get3A_735 = tpu.vector_load %arg11[%get3A_733, %get3A_734] {strides = array<i32>} : memref<128x128xf32, #tpu.memory_space<vmem>>, vector<16xf32>,
        %mul3A_736 = vector.broadcast %squeeze3A_688 : f32 to vector<16xf32>
        %mul3A_737 = arith.mulf %get3A_735, %mul3A_736 : vector<16xf32>
        %swap3A_738 = arith.index_cast %add3A_692 : i32 to index
        %swap3A_739 = arith.constant 80 : index
        %swap3A_740 = tpu.vector_load %arg11[%swap3A_738, %swap3A_739] {strides = array<i32>} : memref<128x128xf32, #tpu.memory_space<vmem>>, vector<16xf32>,
        tpu.vector_store %arg11[%swap3A_738, %swap3A_739], %mul3A_737 {strides = array<i32>} : memref<128x128xf32, #tpu.memory_space<vmem>>, vector<16xf32>,
        %get3A_741 = arith.index_cast %add3A_692 : i32 to index
        %get3A_742 = arith.constant 96 : index
        %get3A_743 = tpu.vector_load %arg11[%get3A_741, %get3A_742] {strides = array<i32>} : memref<128x128xf32, #tpu.memory_space<vmem>>, vector<16xf32>,
        %mul3A_744 = vector.broadcast %squeeze3A_688 : f32 to vector<16xf32>
        %mul3A_745 = arith.mulf %get3A_743, %mul3A_744 : vector<16xf32>
        %swap3A_746 = arith.index_cast %add3A_692 : i32 to index
        %swap3A_747 = arith.constant 96 : index
        %swap3A_748 = tpu.vector_load %arg11[%swap3A_746, %swap3A_747] {strides = array<i32>} : memref<128x128xf32, #tpu.memory_space<vmem>>, vector<16xf32>,
        tpu.vector_store %arg11[%swap3A_746, %swap3A_747], %mul3A_745 {strides = array<i32>} : memref<128x128xf32, #tpu.memory_space<vmem>>, vector<16xf32>,
        %get3A_749 = arith.index_cast %add3A_692 : i32 to index
        %get3A_750 = arith.constant 112 : index
        %get3A_751 = tpu.vector_load %arg11[%get3A_749, %get3A_750] {strides = array<i32>} : memref<128x128xf32, #tpu.memory_space<vmem>>, vector<16xf32>,
        %mul3A_752 = vector.broadcast %squeeze3A_688 : f32 to vector<16xf32>
        %mul3A_753 = arith.mulf %get3A_751, %mul3A_752 : vector<16xf32>
        %swap3A_754 = arith.index_cast %add3A_692 : i32 to index
        %swap3A_755 = arith.constant 112 : index
        %swap3A_756 = tpu.vector_load %arg11[%swap3A_754, %swap3A_755] {strides = array<i32>} : memref<128x128xf32, #tpu.memory_space<vmem>>, vector<16xf32>,
        tpu.vector_store %arg11[%swap3A_754, %swap3A_755], %mul3A_753 {strides = array<i32>} : memref<128x128xf32, #tpu.memory_space<vmem>>, vector<16xf32>,
        %slice3A_757 = vector.extract_strided_slice %get3A_478 {offsets = [4], sizes = [1], strides = [1]} : vector<16xf32> to vector<1xf32>
        %squeeze3A_758 = vector.extract %slice3A_757[0] : f32 from vector<1xf32>
        %mul3A_759 = arith.constant 16 : i32
        %mul3A_760 = arith.muli %scan3A_474, %mul3A_759 : i32
        %add3A_761 = arith.constant 4 : i32
        %add3A_762 = arith.addi %mul3A_760, %add3A_761 : i32
        %get3A_763 = arith.index_cast %add3A_762 : i32 to index
        %get3A_764 = arith.constant 0 : index
        %get3A_765 = tpu.vector_load %arg11[%get3A_763, %get3A_764] {strides = array<i32>} : memref<128x128xf32, #tpu.memory_space<vmem>>, vector<16xf32>,
        %mul3A_766 = vector.broadcast %squeeze3A_758 : f32 to vector<16xf32>
        %mul3A_767 = arith.mulf %get3A_765, %mul3A_766 : vector<16xf32>
        %swap3A_768 = arith.index_cast %add3A_762 : i32 to index
        %swap3A_769 = arith.constant 0 : index
        %swap3A_770 = tpu.vector_load %arg11[%swap3A_768, %swap3A_769] {strides = array<i32>} : memref<128x128xf32, #tpu.memory_space<vmem>>, vector<16xf32>,
        tpu.vector_store %arg11[%swap3A_768, %swap3A_769], %mul3A_767 {strides = array<i32>} : memref<128x128xf32, #tpu.memory_space<vmem>>, vector<16xf32>,
        %get3A_771 = arith.index_cast %add3A_762 : i32 to index
        %get3A_772 = arith.constant 16 : index
        %get3A_773 = tpu.vector_load %arg11[%get3A_771, %get3A_772] {strides = array<i32>} : memref<128x128xf32, #tpu.memory_space<vmem>>, vector<16xf32>,
        %mul3A_774 = vector.broadcast %squeeze3A_758 : f32 to vector<16xf32>
        %mul3A_775 = arith.mulf %get3A_773, %mul3A_774 : vector<16xf32>
        %swap3A_776 = arith.index_cast %add3A_762 : i32 to index
        %swap3A_777 = arith.constant 16 : index
        %swap3A_778 = tpu.vector_load %arg11[%swap3A_776, %swap3A_777] {strides = array<i32>} : memref<128x128xf32, #tpu.memory_space<vmem>>, vector<16xf32>,
        tpu.vector_store %arg11[%swap3A_776, %swap3A_777], %mul3A_775 {strides = array<i32>} : memref<128x128xf32, #tpu.memory_space<vmem>>, vector<16xf32>,
        %get3A_779 = arith.index_cast %add3A_762 : i32 to index
        %get3A_780 = arith.constant 32 : index
        %get3A_781 = tpu.vector_load %arg11[%get3A_779, %get3A_780] {strides = array<i32>} : memref<128x128xf32, #tpu.memory_space<vmem>>, vector<16xf32>,
        %mul3A_782 = vector.broadcast %squeeze3A_758 : f32 to vector<16xf32>
        %mul3A_783 = arith.mulf %get3A_781, %mul3A_782 : vector<16xf32>
        %swap3A_784 = arith.index_cast %add3A_762 : i32 to index
        %swap3A_785 = arith.constant 32 : index
        %swap3A_786 = tpu.vector_load %arg11[%swap3A_784, %swap3A_785] {strides = array<i32>} : memref<128x128xf32, #tpu.memory_space<vmem>>, vector<16xf32>,
        tpu.vector_store %arg11[%swap3A_784, %swap3A_785], %mul3A_783 {strides = array<i32>} : memref<128x128xf32, #tpu.memory_space<vmem>>, vector<16xf32>,
        %get3A_787 = arith.index_cast %add3A_762 : i32 to index
        %get3A_788 = arith.constant 48 : index
        %get3A_789 = tpu.vector_load %arg11[%get3A_787, %get3A_788] {strides = array<i32>} : memref<128x128xf32, #tpu.memory_space<vmem>>, vector<16xf32>,
        %mul3A_790 = vector.broadcast %squeeze3A_758 : f32 to vector<16xf32>
        %mul3A_791 = arith.mulf %get3A_789, %mul3A_790 : vector<16xf32>
        %swap3A_792 = arith.index_cast %add3A_762 : i32 to index
        %swap3A_793 = arith.constant 48 : index
        %swap3A_794 = tpu.vector_load %arg11[%swap3A_792, %swap3A_793] {strides = array<i32>} : memref<128x128xf32, #tpu.memory_space<vmem>>, vector<16xf32>,
        tpu.vector_store %arg11[%swap3A_792, %swap3A_793], %mul3A_791 {strides = array<i32>} : memref<128x128xf32, #tpu.memory_space<vmem>>, vector<16xf32>,
        %get3A_795 = arith.index_cast %add3A_762 : i32 to index
        %get3A_796 = arith.constant 64 : index
        %get3A_797 = tpu.vector_load %arg11[%get3A_795, %get3A_796] {strides = array<i32>} : memref<128x128xf32, #tpu.memory_space<vmem>>, vector<16xf32>,
        %mul3A_798 = vector.broadcast %squeeze3A_758 : f32 to vector<16xf32>
        %mul3A_799 = arith.mulf %get3A_797, %mul3A_798 : vector<16xf32>
        %swap3A_800 = arith.index_cast %add3A_762 : i32 to index
        %swap3A_801 = arith.constant 64 : index
        %swap3A_802 = tpu.vector_load %arg11[%swap3A_800, %swap3A_801] {strides = array<i32>} : memref<128x128xf32, #tpu.memory_space<vmem>>, vector<16xf32>,
        tpu.vector_store %arg11[%swap3A_800, %swap3A_801], %mul3A_799 {strides = array<i32>} : memref<128x128xf32, #tpu.memory_space<vmem>>, vector<16xf32>,
        %get3A_803 = arith.index_cast %add3A_762 : i32 to index
        %get3A_804 = arith.constant 80 : index
        %get3A_805 = tpu.vector_load %arg11[%get3A_803, %get3A_804] {strides = array<i32>} : memref<128x128xf32, #tpu.memory_space<vmem>>, vector<16xf32>,
        %mul3A_806 = vector.broadcast %squeeze3A_758 : f32 to vector<16xf32>
        %mul3A_807 = arith.mulf %get3A_805, %mul3A_806 : vector<16xf32>
        %swap3A_808 = arith.index_cast %add3A_762 : i32 to index
        %swap3A_809 = arith.constant 80 : index
        %swap3A_810 = tpu.vector_load %arg11[%swap3A_808, %swap3A_809] {strides = array<i32>} : memref<128x128xf32, #tpu.memory_space<vmem>>, vector<16xf32>,
        tpu.vector_store %arg11[%swap3A_808, %swap3A_809], %mul3A_807 {strides = array<i32>} : memref<128x128xf32, #tpu.memory_space<vmem>>, vector<16xf32>,
        %get3A_811 = arith.index_cast %add3A_762 : i32 to index
        %get3A_812 = arith.constant 96 : index
        %get3A_813 = tpu.vector_load %arg11[%get3A_811, %get3A_812] {strides = array<i32>} : memref<128x128xf32, #tpu.memory_space<vmem>>, vector<16xf32>,
        %mul3A_814 = vector.broadcast %squeeze3A_758 : f32 to vector<16xf32>
        %mul3A_815 = arith.mulf %get3A_813, %mul3A_814 : vector<16xf32>
        %swap3A_816 = arith.index_cast %add3A_762 : i32 to index
        %swap3A_817 = arith.constant 96 : index
        %swap3A_818 = tpu.vector_load %arg11[%swap3A_816, %swap3A_817] {strides = array<i32>} : memref<128x128xf32, #tpu.memory_space<vmem>>, vector<16xf32>,
        tpu.vector_store %arg11[%swap3A_816, %swap3A_817], %mul3A_815 {strides = array<i32>} : memref<128x128xf32, #tpu.memory_space<vmem>>, vector<16xf32>,
        %get3A_819 = arith.index_cast %add3A_762 : i32 to index
        %get3A_820 = arith.constant 112 : index
        %get3A_821 = tpu.vector_load %arg11[%get3A_819, %get3A_820] {strides = array<i32>} : memref<128x128xf32, #tpu.memory_space<vmem>>, vector<16xf32>,
        %mul3A_822 = vector.broadcast %squeeze3A_758 : f32 to vector<16xf32>
        %mul3A_823 = arith.mulf %get3A_821, %mul3A_822 : vector<16xf32>
        %swap3A_824 = arith.index_cast %add3A_762 : i32 to index
        %swap3A_825 = arith.constant 112 : index
        %swap3A_826 = tpu.vector_load %arg11[%swap3A_824, %swap3A_825] {strides = array<i32>} : memref<128x128xf32, #tpu.memory_space<vmem>>, vector<16xf32>,
        tpu.vector_store %arg11[%swap3A_824, %swap3A_825], %mul3A_823 {strides = array<i32>} : memref<128x128xf32, #tpu.memory_space<vmem>>, vector<16xf32>,
        %slice3A_827 = vector.extract_strided_slice %get3A_478 {offsets = [5], sizes = [1], strides = [1]} : vector<16xf32> to vector<1xf32>
        %squeeze3A_828 = vector.extract %slice3A_827[0] : f32 from vector<1xf32>
        %mul3A_829 = arith.constant 16 : i32
        %mul3A_830 = arith.muli %scan3A_474, %mul3A_829 : i32
        %add3A_831 = arith.constant 5 : i32
        %add3A_832 = arith.addi %mul3A_830, %add3A_831 : i32
        %get3A_833 = arith.index_cast %add3A_832 : i32 to index
        %get3A_834 = arith.constant 0 : index
        %get3A_835 = tpu.vector_load %arg11[%get3A_833, %get3A_834] {strides = array<i32>} : memref<128x128xf32, #tpu.memory_space<vmem>>, vector<16xf32>,
        %mul3A_836 = vector.broadcast %squeeze3A_828 : f32 to vector<16xf32>
        %mul3A_837 = arith.mulf %get3A_835, %mul3A_836 : vector<16xf32>
        %swap3A_838 = arith.index_cast %add3A_832 : i32 to index
        %swap3A_839 = arith.constant 0 : index
        %swap3A_840 = tpu.vector_load %arg11[%swap3A_838, %swap3A_839] {strides = array<i32>} : memref<128x128xf32, #tpu.memory_space<vmem>>, vector<16xf32>,
        tpu.vector_store %arg11[%swap3A_838, %swap3A_839], %mul3A_837 {strides = array<i32>} : memref<128x128xf32, #tpu.memory_space<vmem>>, vector<16xf32>,
        %get3A_841 = arith.index_cast %add3A_832 : i32 to index
        %get3A_842 = arith.constant 16 : index
        %get3A_843 = tpu.vector_load %arg11[%get3A_841, %get3A_842] {strides = array<i32>} : memref<128x128xf32, #tpu.memory_space<vmem>>, vector<16xf32>,
        %mul3A_844 = vector.broadcast %squeeze3A_828 : f32 to vector<16xf32>
        %mul3A_845 = arith.mulf %get3A_843, %mul3A_844 : vector<16xf32>
        %swap3A_846 = arith.index_cast %add3A_832 : i32 to index
        %swap3A_847 = arith.constant 16 : index
        %swap3A_848 = tpu.vector_load %arg11[%swap3A_846, %swap3A_847] {strides = array<i32>} : memref<128x128xf32, #tpu.memory_space<vmem>>, vector<16xf32>,
        tpu.vector_store %arg11[%swap3A_846, %swap3A_847], %mul3A_845 {strides = array<i32>} : memref<128x128xf32, #tpu.memory_space<vmem>>, vector<16xf32>,
        %get3A_849 = arith.index_cast %add3A_832 : i32 to index
        %get3A_850 = arith.constant 32 : index
        %get3A_851 = tpu.vector_load %arg11[%get3A_849, %get3A_850] {strides = array<i32>} : memref<128x128xf32, #tpu.memory_space<vmem>>, vector<16xf32>,
        %mul3A_852 = vector.broadcast %squeeze3A_828 : f32 to vector<16xf32>
        %mul3A_853 = arith.mulf %get3A_851, %mul3A_852 : vector<16xf32>
        %swap3A_854 = arith.index_cast %add3A_832 : i32 to index
        %swap3A_855 = arith.constant 32 : index
        %swap3A_856 = tpu.vector_load %arg11[%swap3A_854, %swap3A_855] {strides = array<i32>} : memref<128x128xf32, #tpu.memory_space<vmem>>, vector<16xf32>,
        tpu.vector_store %arg11[%swap3A_854, %swap3A_855], %mul3A_853 {strides = array<i32>} : memref<128x128xf32, #tpu.memory_space<vmem>>, vector<16xf32>,
        %get3A_857 = arith.index_cast %add3A_832 : i32 to index
        %get3A_858 = arith.constant 48 : index
        %get3A_859 = tpu.vector_load %arg11[%get3A_857, %get3A_858] {strides = array<i32>} : memref<128x128xf32, #tpu.memory_space<vmem>>, vector<16xf32>,
        %mul3A_860 = vector.broadcast %squeeze3A_828 : f32 to vector<16xf32>
        %mul3A_861 = arith.mulf %get3A_859, %mul3A_860 : vector<16xf32>
        %swap3A_862 = arith.index_cast %add3A_832 : i32 to index
        %swap3A_863 = arith.constant 48 : index
        %swap3A_864 = tpu.vector_load %arg11[%swap3A_862, %swap3A_863] {strides = array<i32>} : memref<128x128xf32, #tpu.memory_space<vmem>>, vector<16xf32>,
        tpu.vector_store %arg11[%swap3A_862, %swap3A_863], %mul3A_861 {strides = array<i32>} : memref<128x128xf32, #tpu.memory_space<vmem>>, vector<16xf32>,
        %get3A_865 = arith.index_cast %add3A_832 : i32 to index
        %get3A_866 = arith.constant 64 : index
        %get3A_867 = tpu.vector_load %arg11[%get3A_865, %get3A_866] {strides = array<i32>} : memref<128x128xf32, #tpu.memory_space<vmem>>, vector<16xf32>,
        %mul3A_868 = vector.broadcast %squeeze3A_828 : f32 to vector<16xf32>
        %mul3A_869 = arith.mulf %get3A_867, %mul3A_868 : vector<16xf32>
        %swap3A_870 = arith.index_cast %add3A_832 : i32 to index
        %swap3A_871 = arith.constant 64 : index
        %swap3A_872 = tpu.vector_load %arg11[%swap3A_870, %swap3A_871] {strides = array<i32>} : memref<128x128xf32, #tpu.memory_space<vmem>>, vector<16xf32>,
        tpu.vector_store %arg11[%swap3A_870, %swap3A_871], %mul3A_869 {strides = array<i32>} : memref<128x128xf32, #tpu.memory_space<vmem>>, vector<16xf32>,
        %get3A_873 = arith.index_cast %add3A_832 : i32 to index
        %get3A_874 = arith.constant 80 : index
        %get3A_875 = tpu.vector_load %arg11[%get3A_873, %get3A_874] {strides = array<i32>} : memref<128x128xf32, #tpu.memory_space<vmem>>, vector<16xf32>,
        %mul3A_876 = vector.broadcast %squeeze3A_828 : f32 to vector<16xf32>
        %mul3A_877 = arith.mulf %get3A_875, %mul3A_876 : vector<16xf32>
        %swap3A_878 = arith.index_cast %add3A_832 : i32 to index
        %swap3A_879 = arith.constant 80 : index
        %swap3A_880 = tpu.vector_load %arg11[%swap3A_878, %swap3A_879] {strides = array<i32>} : memref<128x128xf32, #tpu.memory_space<vmem>>, vector<16xf32>,
        tpu.vector_store %arg11[%swap3A_878, %swap3A_879], %mul3A_877 {strides = array<i32>} : memref<128x128xf32, #tpu.memory_space<vmem>>, vector<16xf32>,
        %get3A_881 = arith.index_cast %add3A_832 : i32 to index
        %get3A_882 = arith.constant 96 : index
        %get3A_883 = tpu.vector_load %arg11[%get3A_881, %get3A_882] {strides = array<i32>} : memref<128x128xf32, #tpu.memory_space<vmem>>, vector<16xf32>,
        %mul3A_884 = vector.broadcast %squeeze3A_828 : f32 to vector<16xf32>
        %mul3A_885 = arith.mulf %get3A_883, %mul3A_884 : vector<16xf32>
        %swap3A_886 = arith.index_cast %add3A_832 : i32 to index
        %swap3A_887 = arith.constant 96 : index
        %swap3A_888 = tpu.vector_load %arg11[%swap3A_886, %swap3A_887] {strides = array<i32>} : memref<128x128xf32, #tpu.memory_space<vmem>>, vector<16xf32>,
        tpu.vector_store %arg11[%swap3A_886, %swap3A_887], %mul3A_885 {strides = array<i32>} : memref<128x128xf32, #tpu.memory_space<vmem>>, vector<16xf32>,
        %get3A_889 = arith.index_cast %add3A_832 : i32 to index
        %get3A_890 = arith.constant 112 : index
        %get3A_891 = tpu.vector_load %arg11[%get3A_889, %get3A_890] {strides = array<i32>} : memref<128x128xf32, #tpu.memory_space<vmem>>, vector<16xf32>,
        %mul3A_892 = vector.broadcast %squeeze3A_828 : f32 to vector<16xf32>
        %mul3A_893 = arith.mulf %get3A_891, %mul3A_892 : vector<16xf32>
        %swap3A_894 = arith.index_cast %add3A_832 : i32 to index
        %swap3A_895 = arith.constant 112 : index
        %swap3A_896 = tpu.vector_load %arg11[%swap3A_894, %swap3A_895] {strides = array<i32>} : memref<128x128xf32, #tpu.memory_space<vmem>>, vector<16xf32>,
        tpu.vector_store %arg11[%swap3A_894, %swap3A_895], %mul3A_893 {strides = array<i32>} : memref<128x128xf32, #tpu.memory_space<vmem>>, vector<16xf32>,
        %slice3A_897 = vector.extract_strided_slice %get3A_478 {offsets = [6], sizes = [1], strides = [1]} : vector<16xf32> to vector<1xf32>
        %squeeze3A_898 = vector.extract %slice3A_897[0] : f32 from vector<1xf32>
        %mul3A_899 = arith.constant 16 : i32
        %mul3A_900 = arith.muli %scan3A_474, %mul3A_899 : i32
        %add3A_901 = arith.constant 6 : i32
        %add3A_902 = arith.addi %mul3A_900, %add3A_901 : i32
        %get3A_903 = arith.index_cast %add3A_902 : i32 to index
        %get3A_904 = arith.constant 0 : index
        %get3A_905 = tpu.vector_load %arg11[%get3A_903, %get3A_904] {strides = array<i32>} : memref<128x128xf32, #tpu.memory_space<vmem>>, vector<16xf32>,
        %mul3A_906 = vector.broadcast %squeeze3A_898 : f32 to vector<16xf32>
        %mul3A_907 = arith.mulf %get3A_905, %mul3A_906 : vector<16xf32>
        %swap3A_908 = arith.index_cast %add3A_902 : i32 to index
        %swap3A_909 = arith.constant 0 : index
        %swap3A_910 = tpu.vector_load %arg11[%swap3A_908, %swap3A_909] {strides = array<i32>} : memref<128x128xf32, #tpu.memory_space<vmem>>, vector<16xf32>,
        tpu.vector_store %arg11[%swap3A_908, %swap3A_909], %mul3A_907 {strides = array<i32>} : memref<128x128xf32, #tpu.memory_space<vmem>>, vector<16xf32>,
        %get3A_911 = arith.index_cast %add3A_902 : i32 to index
        %get3A_912 = arith.constant 16 : index
        %get3A_913 = tpu.vector_load %arg11[%get3A_911, %get3A_912] {strides = array<i32>} : memref<128x128xf32, #tpu.memory_space<vmem>>, vector<16xf32>,
        %mul3A_914 = vector.broadcast %squeeze3A_898 : f32 to vector<16xf32>
        %mul3A_915 = arith.mulf %get3A_913, %mul3A_914 : vector<16xf32>
        %swap3A_916 = arith.index_cast %add3A_902 : i32 to index
        %swap3A_917 = arith.constant 16 : index
        %swap3A_918 = tpu.vector_load %arg11[%swap3A_916, %swap3A_917] {strides = array<i32>} : memref<128x128xf32, #tpu.memory_space<vmem>>, vector<16xf32>,
        tpu.vector_store %arg11[%swap3A_916, %swap3A_917], %mul3A_915 {strides = array<i32>} : memref<128x128xf32, #tpu.memory_space<vmem>>, vector<16xf32>,
        %get3A_919 = arith.index_cast %add3A_902 : i32 to index
        %get3A_920 = arith.constant 32 : index
        %get3A_921 = tpu.vector_load %arg11[%get3A_919, %get3A_920] {strides = array<i32>} : memref<128x128xf32, #tpu.memory_space<vmem>>, vector<16xf32>,
        %mul3A_922 = vector.broadcast %squeeze3A_898 : f32 to vector<16xf32>
        %mul3A_923 = arith.mulf %get3A_921, %mul3A_922 : vector<16xf32>
        %swap3A_924 = arith.index_cast %add3A_902 : i32 to index
        %swap3A_925 = arith.constant 32 : index
        %swap3A_926 = tpu.vector_load %arg11[%swap3A_924, %swap3A_925] {strides = array<i32>} : memref<128x128xf32, #tpu.memory_space<vmem>>, vector<16xf32>,
        tpu.vector_store %arg11[%swap3A_924, %swap3A_925], %mul3A_923 {strides = array<i32>} : memref<128x128xf32, #tpu.memory_space<vmem>>, vector<16xf32>,
        %get3A_927 = arith.index_cast %add3A_902 : i32 to index
        %get3A_928 = arith.constant 48 : index
        %get3A_929 = tpu.vector_load %arg11[%get3A_927, %get3A_928] {strides = array<i32>} : memref<128x128xf32, #tpu.memory_space<vmem>>, vector<16xf32>,
        %mul3A_930 = vector.broadcast %squeeze3A_898 : f32 to vector<16xf32>
        %mul3A_931 = arith.mulf %get3A_929, %mul3A_930 : vector<16xf32>
        %swap3A_932 = arith.index_cast %add3A_902 : i32 to index
        %swap3A_933 = arith.constant 48 : index
        %swap3A_934 = tpu.vector_load %arg11[%swap3A_932, %swap3A_933] {strides = array<i32>} : memref<128x128xf32, #tpu.memory_space<vmem>>, vector<16xf32>,
        tpu.vector_store %arg11[%swap3A_932, %swap3A_933], %mul3A_931 {strides = array<i32>} : memref<128x128xf32, #tpu.memory_space<vmem>>, vector<16xf32>,
        %get3A_935 = arith.index_cast %add3A_902 : i32 to index
        %get3A_936 = arith.constant 64 : index
        %get3A_937 = tpu.vector_load %arg11[%get3A_935, %get3A_936] {strides = array<i32>} : memref<128x128xf32, #tpu.memory_space<vmem>>, vector<16xf32>,
        %mul3A_938 = vector.broadcast %squeeze3A_898 : f32 to vector<16xf32>
        %mul3A_939 = arith.mulf %get3A_937, %mul3A_938 : vector<16xf32>
        %swap3A_940 = arith.index_cast %add3A_902 : i32 to index
        %swap3A_941 = arith.constant 64 : index
        %swap3A_942 = tpu.vector_load %arg11[%swap3A_940, %swap3A_941] {strides = array<i32>} : memref<128x128xf32, #tpu.memory_space<vmem>>, vector<16xf32>,
        tpu.vector_store %arg11[%swap3A_940, %swap3A_941], %mul3A_939 {strides = array<i32>} : memref<128x128xf32, #tpu.memory_space<vmem>>, vector<16xf32>,
        %get3A_943 = arith.index_cast %add3A_902 : i32 to index
        %get3A_944 = arith.constant 80 : index
        %get3A_945 = tpu.vector_load %arg11[%get3A_943, %get3A_944] {strides = array<i32>} : memref<128x128xf32, #tpu.memory_space<vmem>>, vector<16xf32>,
        %mul3A_946 = vector.broadcast %squeeze3A_898 : f32 to vector<16xf32>
        %mul3A_947 = arith.mulf %get3A_945, %mul3A_946 : vector<16xf32>
        %swap3A_948 = arith.index_cast %add3A_902 : i32 to index
        %swap3A_949 = arith.constant 80 : index
        %swap3A_950 = tpu.vector_load %arg11[%swap3A_948, %swap3A_949] {strides = array<i32>} : memref<128x128xf32, #tpu.memory_space<vmem>>, vector<16xf32>,
        tpu.vector_store %arg11[%swap3A_948, %swap3A_949], %mul3A_947 {strides = array<i32>} : memref<128x128xf32, #tpu.memory_space<vmem>>, vector<16xf32>,
        %get3A_951 = arith.index_cast %add3A_902 : i32 to index
        %get3A_952 = arith.constant 96 : index
        %get3A_953 = tpu.vector_load %arg11[%get3A_951, %get3A_952] {strides = array<i32>} : memref<128x128xf32, #tpu.memory_space<vmem>>, vector<16xf32>,
        %mul3A_954 = vector.broadcast %squeeze3A_898 : f32 to vector<16xf32>
        %mul3A_955 = arith.mulf %get3A_953, %mul3A_954 : vector<16xf32>
        %swap3A_956 = arith.index_cast %add3A_902 : i32 to index
        %swap3A_957 = arith.constant 96 : index
        %swap3A_958 = tpu.vector_load %arg11[%swap3A_956, %swap3A_957] {strides = array<i32>} : memref<128x128xf32, #tpu.memory_space<vmem>>, vector<16xf32>,
        tpu.vector_store %arg11[%swap3A_956, %swap3A_957], %mul3A_955 {strides = array<i32>} : memref<128x128xf32, #tpu.memory_space<vmem>>, vector<16xf32>,
        %get3A_959 = arith.index_cast %add3A_902 : i32 to index
        %get3A_960 = arith.constant 112 : index
        %get3A_961 = tpu.vector_load %arg11[%get3A_959, %get3A_960] {strides = array<i32>} : memref<128x128xf32, #tpu.memory_space<vmem>>, vector<16xf32>,
        %mul3A_962 = vector.broadcast %squeeze3A_898 : f32 to vector<16xf32>
        %mul3A_963 = arith.mulf %get3A_961, %mul3A_962 : vector<16xf32>
        %swap3A_964 = arith.index_cast %add3A_902 : i32 to index
        %swap3A_965 = arith.constant 112 : index
        %swap3A_966 = tpu.vector_load %arg11[%swap3A_964, %swap3A_965] {strides = array<i32>} : memref<128x128xf32, #tpu.memory_space<vmem>>, vector<16xf32>,
        tpu.vector_store %arg11[%swap3A_964, %swap3A_965], %mul3A_963 {strides = array<i32>} : memref<128x128xf32, #tpu.memory_space<vmem>>, vector<16xf32>,
        %slice3A_967 = vector.extract_strided_slice %get3A_478 {offsets = [7], sizes = [1], strides = [1]} : vector<16xf32> to vector<1xf32>
        %squeeze3A_968 = vector.extract %slice3A_967[0] : f32 from vector<1xf32>
        %mul3A_969 = arith.constant 16 : i32
        %mul3A_970 = arith.muli %scan3A_474, %mul3A_969 : i32
        %add3A_971 = arith.constant 7 : i32
        %add3A_972 = arith.addi %mul3A_970, %add3A_971 : i32
        %get3A_973 = arith.index_cast %add3A_972 : i32 to index
        %get3A_974 = arith.constant 0 : index
        %get3A_975 = tpu.vector_load %arg11[%get3A_973, %get3A_974] {strides = array<i32>} : memref<128x128xf32, #tpu.memory_space<vmem>>, vector<16xf32>,
        %mul3A_976 = vector.broadcast %squeeze3A_968 : f32 to vector<16xf32>
        %mul3A_977 = arith.mulf %get3A_975, %mul3A_976 : vector<16xf32>
        %swap3A_978 = arith.index_cast %add3A_972 : i32 to index
        %swap3A_979 = arith.constant 0 : index
        %swap3A_980 = tpu.vector_load %arg11[%swap3A_978, %swap3A_979] {strides = array<i32>} : memref<128x128xf32, #tpu.memory_space<vmem>>, vector<16xf32>,
        tpu.vector_store %arg11[%swap3A_978, %swap3A_979], %mul3A_977 {strides = array<i32>} : memref<128x128xf32, #tpu.memory_space<vmem>>, vector<16xf32>,
        %get3A_981 = arith.index_cast %add3A_972 : i32 to index
        %get3A_982 = arith.constant 16 : index
        %get3A_983 = tpu.vector_load %arg11[%get3A_981, %get3A_982] {strides = array<i32>} : memref<128x128xf32, #tpu.memory_space<vmem>>, vector<16xf32>,
        %mul3A_984 = vector.broadcast %squeeze3A_968 : f32 to vector<16xf32>
        %mul3A_985 = arith.mulf %get3A_983, %mul3A_984 : vector<16xf32>
        %swap3A_986 = arith.index_cast %add3A_972 : i32 to index
        %swap3A_987 = arith.constant 16 : index
        %swap3A_988 = tpu.vector_load %arg11[%swap3A_986, %swap3A_987] {strides = array<i32>} : memref<128x128xf32, #tpu.memory_space<vmem>>, vector<16xf32>,
        tpu.vector_store %arg11[%swap3A_986, %swap3A_987], %mul3A_985 {strides = array<i32>} : memref<128x128xf32, #tpu.memory_space<vmem>>, vector<16xf32>,
        %get3A_989 = arith.index_cast %add3A_972 : i32 to index
        %get3A_990 = arith.constant 32 : index
        %get3A_991 = tpu.vector_load %arg11[%get3A_989, %get3A_990] {strides = array<i32>} : memref<128x128xf32, #tpu.memory_space<vmem>>, vector<16xf32>,
        %mul3A_992 = vector.broadcast %squeeze3A_968 : f32 to vector<16xf32>
        %mul3A_993 = arith.mulf %get3A_991, %mul3A_992 : vector<16xf32>
        %swap3A_994 = arith.index_cast %add3A_972 : i32 to index
        %swap3A_995 = arith.constant 32 : index
        %swap3A_996 = tpu.vector_load %arg11[%swap3A_994, %swap3A_995] {strides = array<i32>} : memref<128x128xf32, #tpu.memory_space<vmem>>, vector<16xf32>,
        tpu.vector_store %arg11[%swap3A_994, %swap3A_995], %mul3A_993 {strides = array<i32>} : memref<128x128xf32, #tpu.memory_space<vmem>>, vector<16xf32>,
        %get3A_997 = arith.index_cast %add3A_972 : i32 to index
        %get3A_998 = arith.constant 48 : index
        %get3A_999 = tpu.vector_load %arg11[%get3A_997, %get3A_998] {strides = array<i32>} : memref<128x128xf32, #tpu.memory_space<vmem>>, vector<16xf32>,
        %mul3A_1000 = vector.broadcast %squeeze3A_968 : f32 to vector<16xf32>
        %mul3A_1001 = arith.mulf %get3A_999, %mul3A_1000 : vector<16xf32>
        %swap3A_1002 = arith.index_cast %add3A_972 : i32 to index
        %swap3A_1003 = arith.constant 48 : index
        %swap3A_1004 = tpu.vector_load %arg11[%swap3A_1002, %swap3A_1003] {strides = array<i32>} : memref<128x128xf32, #tpu.memory_space<vmem>>, vector<16xf32>,
        tpu.vector_store %arg11[%swap3A_1002, %swap3A_1003], %mul3A_1001 {strides = array<i32>} : memref<128x128xf32, #tpu.memory_space<vmem>>, vector<16xf32>,
        %get3A_1005 = arith.index_cast %add3A_972 : i32 to index
        %get3A_1006 = arith.constant 64 : index
        %get3A_1007 = tpu.vector_load %arg11[%get3A_1005, %get3A_1006] {strides = array<i32>} : memref<128x128xf32, #tpu.memory_space<vmem>>, vector<16xf32>,
        %mul3A_1008 = vector.broadcast %squeeze3A_968 : f32 to vector<16xf32>
        %mul3A_1009 = arith.mulf %get3A_1007, %mul3A_1008 : vector<16xf32>
        %swap3A_1010 = arith.index_cast %add3A_972 : i32 to index
        %swap3A_1011 = arith.constant 64 : index
        %swap3A_1012 = tpu.vector_load %arg11[%swap3A_1010, %swap3A_1011] {strides = array<i32>} : memref<128x128xf32, #tpu.memory_space<vmem>>, vector<16xf32>,
        tpu.vector_store %arg11[%swap3A_1010, %swap3A_1011], %mul3A_1009 {strides = array<i32>} : memref<128x128xf32, #tpu.memory_space<vmem>>, vector<16xf32>,
        %get3A_1013 = arith.index_cast %add3A_972 : i32 to index
        %get3A_1014 = arith.constant 80 : index
        %get3A_1015 = tpu.vector_load %arg11[%get3A_1013, %get3A_1014] {strides = array<i32>} : memref<128x128xf32, #tpu.memory_space<vmem>>, vector<16xf32>,
        %mul3A_1016 = vector.broadcast %squeeze3A_968 : f32 to vector<16xf32>
        %mul3A_1017 = arith.mulf %get3A_1015, %mul3A_1016 : vector<16xf32>
        %swap3A_1018 = arith.index_cast %add3A_972 : i32 to index
        %swap3A_1019 = arith.constant 80 : index
        %swap3A_1020 = tpu.vector_load %arg11[%swap3A_1018, %swap3A_1019] {strides = array<i32>} : memref<128x128xf32, #tpu.memory_space<vmem>>, vector<16xf32>,
        tpu.vector_store %arg11[%swap3A_1018, %swap3A_1019], %mul3A_1017 {strides = array<i32>} : memref<128x128xf32, #tpu.memory_space<vmem>>, vector<16xf32>,
        %get3A_1021 = arith.index_cast %add3A_972 : i32 to index
        %get3A_1022 = arith.constant 96 : index
        %get3A_1023 = tpu.vector_load %arg11[%get3A_1021, %get3A_1022] {strides = array<i32>} : memref<128x128xf32, #tpu.memory_space<vmem>>, vector<16xf32>,
        %mul3A_1024 = vector.broadcast %squeeze3A_968 : f32 to vector<16xf32>
        %mul3A_1025 = arith.mulf %get3A_1023, %mul3A_1024 : vector<16xf32>
        %swap3A_1026 = arith.index_cast %add3A_972 : i32 to index
        %swap3A_1027 = arith.constant 96 : index
        %swap3A_1028 = tpu.vector_load %arg11[%swap3A_1026, %swap3A_1027] {strides = array<i32>} : memref<128x128xf32, #tpu.memory_space<vmem>>, vector<16xf32>,
        tpu.vector_store %arg11[%swap3A_1026, %swap3A_1027], %mul3A_1025 {strides = array<i32>} : memref<128x128xf32, #tpu.memory_space<vmem>>, vector<16xf32>,
        %get3A_1029 = arith.index_cast %add3A_972 : i32 to index
        %get3A_1030 = arith.constant 112 : index
        %get3A_1031 = tpu.vector_load %arg11[%get3A_1029, %get3A_1030] {strides = array<i32>} : memref<128x128xf32, #tpu.memory_space<vmem>>, vector<16xf32>,
        %mul3A_1032 = vector.broadcast %squeeze3A_968 : f32 to vector<16xf32>
        %mul3A_1033 = arith.mulf %get3A_1031, %mul3A_1032 : vector<16xf32>
        %swap3A_1034 = arith.index_cast %add3A_972 : i32 to index
        %swap3A_1035 = arith.constant 112 : index
        %swap3A_1036 = tpu.vector_load %arg11[%swap3A_1034, %swap3A_1035] {strides = array<i32>} : memref<128x128xf32, #tpu.memory_space<vmem>>, vector<16xf32>,
        tpu.vector_store %arg11[%swap3A_1034, %swap3A_1035], %mul3A_1033 {strides = array<i32>} : memref<128x128xf32, #tpu.memory_space<vmem>>, vector<16xf32>,
        %slice3A_1037 = vector.extract_strided_slice %get3A_478 {offsets = [8], sizes = [1], strides = [1]} : vector<16xf32> to vector<1xf32>
        %squeeze3A_1038 = vector.extract %slice3A_1037[0] : f32 from vector<1xf32>
        %mul3A_1039 = arith.constant 16 : i32
        %mul3A_1040 = arith.muli %scan3A_474, %mul3A_1039 : i32
        %add3A_1041 = arith.constant 8 : i32
        %add3A_1042 = arith.addi %mul3A_1040, %add3A_1041 : i32
        %get3A_1043 = arith.index_cast %add3A_1042 : i32 to index
        %get3A_1044 = arith.constant 0 : index
        %get3A_1045 = tpu.vector_load %arg11[%get3A_1043, %get3A_1044] {strides = array<i32>} : memref<128x128xf32, #tpu.memory_space<vmem>>, vector<16xf32>,
        %mul3A_1046 = vector.broadcast %squeeze3A_1038 : f32 to vector<16xf32>
        %mul3A_1047 = arith.mulf %get3A_1045, %mul3A_1046 : vector<16xf32>
        %swap3A_1048 = arith.index_cast %add3A_1042 : i32 to index
        %swap3A_1049 = arith.constant 0 : index
        %swap3A_1050 = tpu.vector_load %arg11[%swap3A_1048, %swap3A_1049] {strides = array<i32>} : memref<128x128xf32, #tpu.memory_space<vmem>>, vector<16xf32>,
        tpu.vector_store %arg11[%swap3A_1048, %swap3A_1049], %mul3A_1047 {strides = array<i32>} : memref<128x128xf32, #tpu.memory_space<vmem>>, vector<16xf32>,
        %get3A_1051 = arith.index_cast %add3A_1042 : i32 to index
        %get3A_1052 = arith.constant 16 : index
        %get3A_1053 = tpu.vector_load %arg11[%get3A_1051, %get3A_1052] {strides = array<i32>} : memref<128x128xf32, #tpu.memory_space<vmem>>, vector<16xf32>,
        %mul3A_1054 = vector.broadcast %squeeze3A_1038 : f32 to vector<16xf32>
        %mul3A_1055 = arith.mulf %get3A_1053, %mul3A_1054 : vector<16xf32>
        %swap3A_1056 = arith.index_cast %add3A_1042 : i32 to index
        %swap3A_1057 = arith.constant 16 : index
        %swap3A_1058 = tpu.vector_load %arg11[%swap3A_1056, %swap3A_1057] {strides = array<i32>} : memref<128x128xf32, #tpu.memory_space<vmem>>, vector<16xf32>,
        tpu.vector_store %arg11[%swap3A_1056, %swap3A_1057], %mul3A_1055 {strides = array<i32>} : memref<128x128xf32, #tpu.memory_space<vmem>>, vector<16xf32>,
        %get3A_1059 = arith.index_cast %add3A_1042 : i32 to index
        %get3A_1060 = arith.constant 32 : index
        %get3A_1061 = tpu.vector_load %arg11[%get3A_1059, %get3A_1060] {strides = array<i32>} : memref<128x128xf32, #tpu.memory_space<vmem>>, vector<16xf32>,
        %mul3A_1062 = vector.broadcast %squeeze3A_1038 : f32 to vector<16xf32>
        %mul3A_1063 = arith.mulf %get3A_1061, %mul3A_1062 : vector<16xf32>
        %swap3A_1064 = arith.index_cast %add3A_1042 : i32 to index
        %swap3A_1065 = arith.constant 32 : index
        %swap3A_1066 = tpu.vector_load %arg11[%swap3A_1064, %swap3A_1065] {strides = array<i32>} : memref<128x128xf32, #tpu.memory_space<vmem>>, vector<16xf32>,
        tpu.vector_store %arg11[%swap3A_1064, %swap3A_1065], %mul3A_1063 {strides = array<i32>} : memref<128x128xf32, #tpu.memory_space<vmem>>, vector<16xf32>,
        %get3A_1067 = arith.index_cast %add3A_1042 : i32 to index
        %get3A_1068 = arith.constant 48 : index
        %get3A_1069 = tpu.vector_load %arg11[%get3A_1067, %get3A_1068] {strides = array<i32>} : memref<128x128xf32, #tpu.memory_space<vmem>>, vector<16xf32>,
        %mul3A_1070 = vector.broadcast %squeeze3A_1038 : f32 to vector<16xf32>
        %mul3A_1071 = arith.mulf %get3A_1069, %mul3A_1070 : vector<16xf32>
        %swap3A_1072 = arith.index_cast %add3A_1042 : i32 to index
        %swap3A_1073 = arith.constant 48 : index
        %swap3A_1074 = tpu.vector_load %arg11[%swap3A_1072, %swap3A_1073] {strides = array<i32>} : memref<128x128xf32, #tpu.memory_space<vmem>>, vector<16xf32>,
        tpu.vector_store %arg11[%swap3A_1072, %swap3A_1073], %mul3A_1071 {strides = array<i32>} : memref<128x128xf32, #tpu.memory_space<vmem>>, vector<16xf32>,
        %get3A_1075 = arith.index_cast %add3A_1042 : i32 to index
        %get3A_1076 = arith.constant 64 : index
        %get3A_1077 = tpu.vector_load %arg11[%get3A_1075, %get3A_1076] {strides = array<i32>} : memref<128x128xf32, #tpu.memory_space<vmem>>, vector<16xf32>,
        %mul3A_1078 = vector.broadcast %squeeze3A_1038 : f32 to vector<16xf32>
        %mul3A_1079 = arith.mulf %get3A_1077, %mul3A_1078 : vector<16xf32>
        %swap3A_1080 = arith.index_cast %add3A_1042 : i32 to index
        %swap3A_1081 = arith.constant 64 : index
        %swap3A_1082 = tpu.vector_load %arg11[%swap3A_1080, %swap3A_1081] {strides = array<i32>} : memref<128x128xf32, #tpu.memory_space<vmem>>, vector<16xf32>,
        tpu.vector_store %arg11[%swap3A_1080, %swap3A_1081], %mul3A_1079 {strides = array<i32>} : memref<128x128xf32, #tpu.memory_space<vmem>>, vector<16xf32>,
        %get3A_1083 = arith.index_cast %add3A_1042 : i32 to index
        %get3A_1084 = arith.constant 80 : index
        %get3A_1085 = tpu.vector_load %arg11[%get3A_1083, %get3A_1084] {strides = array<i32>} : memref<128x128xf32, #tpu.memory_space<vmem>>, vector<16xf32>,
        %mul3A_1086 = vector.broadcast %squeeze3A_1038 : f32 to vector<16xf32>
        %mul3A_1087 = arith.mulf %get3A_1085, %mul3A_1086 : vector<16xf32>
        %swap3A_1088 = arith.index_cast %add3A_1042 : i32 to index
        %swap3A_1089 = arith.constant 80 : index
        %swap3A_1090 = tpu.vector_load %arg11[%swap3A_1088, %swap3A_1089] {strides = array<i32>} : memref<128x128xf32, #tpu.memory_space<vmem>>, vector<16xf32>,
        tpu.vector_store %arg11[%swap3A_1088, %swap3A_1089], %mul3A_1087 {strides = array<i32>} : memref<128x128xf32, #tpu.memory_space<vmem>>, vector<16xf32>,
        %get3A_1091 = arith.index_cast %add3A_1042 : i32 to index
        %get3A_1092 = arith.constant 96 : index
        %get3A_1093 = tpu.vector_load %arg11[%get3A_1091, %get3A_1092] {strides = array<i32>} : memref<128x128xf32, #tpu.memory_space<vmem>>, vector<16xf32>,
        %mul3A_1094 = vector.broadcast %squeeze3A_1038 : f32 to vector<16xf32>
        %mul3A_1095 = arith.mulf %get3A_1093, %mul3A_1094 : vector<16xf32>
        %swap3A_1096 = arith.index_cast %add3A_1042 : i32 to index
        %swap3A_1097 = arith.constant 96 : index
        %swap3A_1098 = tpu.vector_load %arg11[%swap3A_1096, %swap3A_1097] {strides = array<i32>} : memref<128x128xf32, #tpu.memory_space<vmem>>, vector<16xf32>,
        tpu.vector_store %arg11[%swap3A_1096, %swap3A_1097], %mul3A_1095 {strides = array<i32>} : memref<128x128xf32, #tpu.memory_space<vmem>>, vector<16xf32>,
        %get3A_1099 = arith.index_cast %add3A_1042 : i32 to index
        %get3A_1100 = arith.constant 112 : index
        %get3A_1101 = tpu.vector_load %arg11[%get3A_1099, %get3A_1100] {strides = array<i32>} : memref<128x128xf32, #tpu.memory_space<vmem>>, vector<16xf32>,
        %mul3A_1102 = vector.broadcast %squeeze3A_1038 : f32 to vector<16xf32>
        %mul3A_1103 = arith.mulf %get3A_1101, %mul3A_1102 : vector<16xf32>
        %swap3A_1104 = arith.index_cast %add3A_1042 : i32 to index
        %swap3A_1105 = arith.constant 112 : index
        %swap3A_1106 = tpu.vector_load %arg11[%swap3A_1104, %swap3A_1105] {strides = array<i32>} : memref<128x128xf32, #tpu.memory_space<vmem>>, vector<16xf32>,
        tpu.vector_store %arg11[%swap3A_1104, %swap3A_1105], %mul3A_1103 {strides = array<i32>} : memref<128x128xf32, #tpu.memory_space<vmem>>, vector<16xf32>,
        %slice3A_1107 = vector.extract_strided_slice %get3A_478 {offsets = [9], sizes = [1], strides = [1]} : vector<16xf32> to vector<1xf32>
        %squeeze3A_1108 = vector.extract %slice3A_1107[0] : f32 from vector<1xf32>
        %mul3A_1109 = arith.constant 16 : i32
        %mul3A_1110 = arith.muli %scan3A_474, %mul3A_1109 : i32
        %add3A_1111 = arith.constant 9 : i32
        %add3A_1112 = arith.addi %mul3A_1110, %add3A_1111 : i32
        %get3A_1113 = arith.index_cast %add3A_1112 : i32 to index
        %get3A_1114 = arith.constant 0 : index
        %get3A_1115 = tpu.vector_load %arg11[%get3A_1113, %get3A_1114] {strides = array<i32>} : memref<128x128xf32, #tpu.memory_space<vmem>>, vector<16xf32>,
        %mul3A_1116 = vector.broadcast %squeeze3A_1108 : f32 to vector<16xf32>
        %mul3A_1117 = arith.mulf %get3A_1115, %mul3A_1116 : vector<16xf32>
        %swap3A_1118 = arith.index_cast %add3A_1112 : i32 to index
        %swap3A_1119 = arith.constant 0 : index
        %swap3A_1120 = tpu.vector_load %arg11[%swap3A_1118, %swap3A_1119] {strides = array<i32>} : memref<128x128xf32, #tpu.memory_space<vmem>>, vector<16xf32>,
        tpu.vector_store %arg11[%swap3A_1118, %swap3A_1119], %mul3A_1117 {strides = array<i32>} : memref<128x128xf32, #tpu.memory_space<vmem>>, vector<16xf32>,
        %get3A_1121 = arith.index_cast %add3A_1112 : i32 to index
        %get3A_1122 = arith.constant 16 : index
        %get3A_1123 = tpu.vector_load %arg11[%get3A_1121, %get3A_1122] {strides = array<i32>} : memref<128x128xf32, #tpu.memory_space<vmem>>, vector<16xf32>,
        %mul3A_1124 = vector.broadcast %squeeze3A_1108 : f32 to vector<16xf32>
        %mul3A_1125 = arith.mulf %get3A_1123, %mul3A_1124 : vector<16xf32>
        %swap3A_1126 = arith.index_cast %add3A_1112 : i32 to index
        %swap3A_1127 = arith.constant 16 : index
        %swap3A_1128 = tpu.vector_load %arg11[%swap3A_1126, %swap3A_1127] {strides = array<i32>} : memref<128x128xf32, #tpu.memory_space<vmem>>, vector<16xf32>,
        tpu.vector_store %arg11[%swap3A_1126, %swap3A_1127], %mul3A_1125 {strides = array<i32>} : memref<128x128xf32, #tpu.memory_space<vmem>>, vector<16xf32>,
        %get3A_1129 = arith.index_cast %add3A_1112 : i32 to index
        %get3A_1130 = arith.constant 32 : index
        %get3A_1131 = tpu.vector_load %arg11[%get3A_1129, %get3A_1130] {strides = array<i32>} : memref<128x128xf32, #tpu.memory_space<vmem>>, vector<16xf32>,
        %mul3A_1132 = vector.broadcast %squeeze3A_1108 : f32 to vector<16xf32>
        %mul3A_1133 = arith.mulf %get3A_1131, %mul3A_1132 : vector<16xf32>
        %swap3A_1134 = arith.index_cast %add3A_1112 : i32 to index
        %swap3A_1135 = arith.constant 32 : index
        %swap3A_1136 = tpu.vector_load %arg11[%swap3A_1134, %swap3A_1135] {strides = array<i32>} : memref<128x128xf32, #tpu.memory_space<vmem>>, vector<16xf32>,
        tpu.vector_store %arg11[%swap3A_1134, %swap3A_1135], %mul3A_1133 {strides = array<i32>} : memref<128x128xf32, #tpu.memory_space<vmem>>, vector<16xf32>,
        %get3A_1137 = arith.index_cast %add3A_1112 : i32 to index
        %get3A_1138 = arith.constant 48 : index
        %get3A_1139 = tpu.vector_load %arg11[%get3A_1137, %get3A_1138] {strides = array<i32>} : memref<128x128xf32, #tpu.memory_space<vmem>>, vector<16xf32>,
        %mul3A_1140 = vector.broadcast %squeeze3A_1108 : f32 to vector<16xf32>
        %mul3A_1141 = arith.mulf %get3A_1139, %mul3A_1140 : vector<16xf32>
        %swap3A_1142 = arith.index_cast %add3A_1112 : i32 to index
        %swap3A_1143 = arith.constant 48 : index
        %swap3A_1144 = tpu.vector_load %arg11[%swap3A_1142, %swap3A_1143] {strides = array<i32>} : memref<128x128xf32, #tpu.memory_space<vmem>>, vector<16xf32>,
        tpu.vector_store %arg11[%swap3A_1142, %swap3A_1143], %mul3A_1141 {strides = array<i32>} : memref<128x128xf32, #tpu.memory_space<vmem>>, vector<16xf32>,
        %get3A_1145 = arith.index_cast %add3A_1112 : i32 to index
        %get3A_1146 = arith.constant 64 : index
        %get3A_1147 = tpu.vector_load %arg11[%get3A_1145, %get3A_1146] {strides = array<i32>} : memref<128x128xf32, #tpu.memory_space<vmem>>, vector<16xf32>,
        %mul3A_1148 = vector.broadcast %squeeze3A_1108 : f32 to vector<16xf32>
        %mul3A_1149 = arith.mulf %get3A_1147, %mul3A_1148 : vector<16xf32>
        %swap3A_1150 = arith.index_cast %add3A_1112 : i32 to index
        %swap3A_1151 = arith.constant 64 : index
        %swap3A_1152 = tpu.vector_load %arg11[%swap3A_1150, %swap3A_1151] {strides = array<i32>} : memref<128x128xf32, #tpu.memory_space<vmem>>, vector<16xf32>,
        tpu.vector_store %arg11[%swap3A_1150, %swap3A_1151], %mul3A_1149 {strides = array<i32>} : memref<128x128xf32, #tpu.memory_space<vmem>>, vector<16xf32>,
        %get3A_1153 = arith.index_cast %add3A_1112 : i32 to index
        %get3A_1154 = arith.constant 80 : index
        %get3A_1155 = tpu.vector_load %arg11[%get3A_1153, %get3A_1154] {strides = array<i32>} : memref<128x128xf32, #tpu.memory_space<vmem>>, vector<16xf32>,
        %mul3A_1156 = vector.broadcast %squeeze3A_1108 : f32 to vector<16xf32>
        %mul3A_1157 = arith.mulf %get3A_1155, %mul3A_1156 : vector<16xf32>
        %swap3A_1158 = arith.index_cast %add3A_1112 : i32 to index
        %swap3A_1159 = arith.constant 80 : index
        %swap3A_1160 = tpu.vector_load %arg11[%swap3A_1158, %swap3A_1159] {strides = array<i32>} : memref<128x128xf32, #tpu.memory_space<vmem>>, vector<16xf32>,
        tpu.vector_store %arg11[%swap3A_1158, %swap3A_1159], %mul3A_1157 {strides = array<i32>} : memref<128x128xf32, #tpu.memory_space<vmem>>, vector<16xf32>,
        %get3A_1161 = arith.index_cast %add3A_1112 : i32 to index
        %get3A_1162 = arith.constant 96 : index
        %get3A_1163 = tpu.vector_load %arg11[%get3A_1161, %get3A_1162] {strides = array<i32>} : memref<128x128xf32, #tpu.memory_space<vmem>>, vector<16xf32>,
        %mul3A_1164 = vector.broadcast %squeeze3A_1108 : f32 to vector<16xf32>
        %mul3A_1165 = arith.mulf %get3A_1163, %mul3A_1164 : vector<16xf32>
        %swap3A_1166 = arith.index_cast %add3A_1112 : i32 to index
        %swap3A_1167 = arith.constant 96 : index
        %swap3A_1168 = tpu.vector_load %arg11[%swap3A_1166, %swap3A_1167] {strides = array<i32>} : memref<128x128xf32, #tpu.memory_space<vmem>>, vector<16xf32>,
        tpu.vector_store %arg11[%swap3A_1166, %swap3A_1167], %mul3A_1165 {strides = array<i32>} : memref<128x128xf32, #tpu.memory_space<vmem>>, vector<16xf32>,
        %get3A_1169 = arith.index_cast %add3A_1112 : i32 to index
        %get3A_1170 = arith.constant 112 : index
        %get3A_1171 = tpu.vector_load %arg11[%get3A_1169, %get3A_1170] {strides = array<i32>} : memref<128x128xf32, #tpu.memory_space<vmem>>, vector<16xf32>,
        %mul3A_1172 = vector.broadcast %squeeze3A_1108 : f32 to vector<16xf32>
        %mul3A_1173 = arith.mulf %get3A_1171, %mul3A_1172 : vector<16xf32>
        %swap3A_1174 = arith.index_cast %add3A_1112 : i32 to index
        %swap3A_1175 = arith.constant 112 : index
        %swap3A_1176 = tpu.vector_load %arg11[%swap3A_1174, %swap3A_1175] {strides = array<i32>} : memref<128x128xf32, #tpu.memory_space<vmem>>, vector<16xf32>,
        tpu.vector_store %arg11[%swap3A_1174, %swap3A_1175], %mul3A_1173 {strides = array<i32>} : memref<128x128xf32, #tpu.memory_space<vmem>>, vector<16xf32>,
        %slice3A_1177 = vector.extract_strided_slice %get3A_478 {offsets = [10], sizes = [1], strides = [1]} : vector<16xf32> to vector<1xf32>
        %squeeze3A_1178 = vector.extract %slice3A_1177[0] : f32 from vector<1xf32>
        %mul3A_1179 = arith.constant 16 : i32
        %mul3A_1180 = arith.muli %scan3A_474, %mul3A_1179 : i32
        %add3A_1181 = arith.constant 10 : i32
        %add3A_1182 = arith.addi %mul3A_1180, %add3A_1181 : i32
        %get3A_1183 = arith.index_cast %add3A_1182 : i32 to index
        %get3A_1184 = arith.constant 0 : index
        %get3A_1185 = tpu.vector_load %arg11[%get3A_1183, %get3A_1184] {strides = array<i32>} : memref<128x128xf32, #tpu.memory_space<vmem>>, vector<16xf32>,
        %mul3A_1186 = vector.broadcast %squeeze3A_1178 : f32 to vector<16xf32>
        %mul3A_1187 = arith.mulf %get3A_1185, %mul3A_1186 : vector<16xf32>
        %swap3A_1188 = arith.index_cast %add3A_1182 : i32 to index
        %swap3A_1189 = arith.constant 0 : index
        %swap3A_1190 = tpu.vector_load %arg11[%swap3A_1188, %swap3A_1189] {strides = array<i32>} : memref<128x128xf32, #tpu.memory_space<vmem>>, vector<16xf32>,
        tpu.vector_store %arg11[%swap3A_1188, %swap3A_1189], %mul3A_1187 {strides = array<i32>} : memref<128x128xf32, #tpu.memory_space<vmem>>, vector<16xf32>,
        %get3A_1191 = arith.index_cast %add3A_1182 : i32 to index
        %get3A_1192 = arith.constant 16 : index
        %get3A_1193 = tpu.vector_load %arg11[%get3A_1191, %get3A_1192] {strides = array<i32>} : memref<128x128xf32, #tpu.memory_space<vmem>>, vector<16xf32>,
        %mul3A_1194 = vector.broadcast %squeeze3A_1178 : f32 to vector<16xf32>
        %mul3A_1195 = arith.mulf %get3A_1193, %mul3A_1194 : vector<16xf32>
        %swap3A_1196 = arith.index_cast %add3A_1182 : i32 to index
        %swap3A_1197 = arith.constant 16 : index
        %swap3A_1198 = tpu.vector_load %arg11[%swap3A_1196, %swap3A_1197] {strides = array<i32>} : memref<128x128xf32, #tpu.memory_space<vmem>>, vector<16xf32>,
        tpu.vector_store %arg11[%swap3A_1196, %swap3A_1197], %mul3A_1195 {strides = array<i32>} : memref<128x128xf32, #tpu.memory_space<vmem>>, vector<16xf32>,
        %get3A_1199 = arith.index_cast %add3A_1182 : i32 to index
        %get3A_1200 = arith.constant 32 : index
        %get3A_1201 = tpu.vector_load %arg11[%get3A_1199, %get3A_1200] {strides = array<i32>} : memref<128x128xf32, #tpu.memory_space<vmem>>, vector<16xf32>,
        %mul3A_1202 = vector.broadcast %squeeze3A_1178 : f32 to vector<16xf32>
        %mul3A_1203 = arith.mulf %get3A_1201, %mul3A_1202 : vector<16xf32>
        %swap3A_1204 = arith.index_cast %add3A_1182 : i32 to index
        %swap3A_1205 = arith.constant 32 : index
        %swap3A_1206 = tpu.vector_load %arg11[%swap3A_1204, %swap3A_1205] {strides = array<i32>} : memref<128x128xf32, #tpu.memory_space<vmem>>, vector<16xf32>,
        tpu.vector_store %arg11[%swap3A_1204, %swap3A_1205], %mul3A_1203 {strides = array<i32>} : memref<128x128xf32, #tpu.memory_space<vmem>>, vector<16xf32>,
        %get3A_1207 = arith.index_cast %add3A_1182 : i32 to index
        %get3A_1208 = arith.constant 48 : index
        %get3A_1209 = tpu.vector_load %arg11[%get3A_1207, %get3A_1208] {strides = array<i32>} : memref<128x128xf32, #tpu.memory_space<vmem>>, vector<16xf32>,
        %mul3A_1210 = vector.broadcast %squeeze3A_1178 : f32 to vector<16xf32>
        %mul3A_1211 = arith.mulf %get3A_1209, %mul3A_1210 : vector<16xf32>
        %swap3A_1212 = arith.index_cast %add3A_1182 : i32 to index
        %swap3A_1213 = arith.constant 48 : index
        %swap3A_1214 = tpu.vector_load %arg11[%swap3A_1212, %swap3A_1213] {strides = array<i32>} : memref<128x128xf32, #tpu.memory_space<vmem>>, vector<16xf32>,
        tpu.vector_store %arg11[%swap3A_1212, %swap3A_1213], %mul3A_1211 {strides = array<i32>} : memref<128x128xf32, #tpu.memory_space<vmem>>, vector<16xf32>,
        %get3A_1215 = arith.index_cast %add3A_1182 : i32 to index
        %get3A_1216 = arith.constant 64 : index
        %get3A_1217 = tpu.vector_load %arg11[%get3A_1215, %get3A_1216] {strides = array<i32>} : memref<128x128xf32, #tpu.memory_space<vmem>>, vector<16xf32>,
        %mul3A_1218 = vector.broadcast %squeeze3A_1178 : f32 to vector<16xf32>
        %mul3A_1219 = arith.mulf %get3A_1217, %mul3A_1218 : vector<16xf32>
        %swap3A_1220 = arith.index_cast %add3A_1182 : i32 to index
        %swap3A_1221 = arith.constant 64 : index
        %swap3A_1222 = tpu.vector_load %arg11[%swap3A_1220, %swap3A_1221] {strides = array<i32>} : memref<128x128xf32, #tpu.memory_space<vmem>>, vector<16xf32>,
        tpu.vector_store %arg11[%swap3A_1220, %swap3A_1221], %mul3A_1219 {strides = array<i32>} : memref<128x128xf32, #tpu.memory_space<vmem>>, vector<16xf32>,
        %get3A_1223 = arith.index_cast %add3A_1182 : i32 to index
        %get3A_1224 = arith.constant 80 : index
        %get3A_1225 = tpu.vector_load %arg11[%get3A_1223, %get3A_1224] {strides = array<i32>} : memref<128x128xf32, #tpu.memory_space<vmem>>, vector<16xf32>,
        %mul3A_1226 = vector.broadcast %squeeze3A_1178 : f32 to vector<16xf32>
        %mul3A_1227 = arith.mulf %get3A_1225, %mul3A_1226 : vector<16xf32>
        %swap3A_1228 = arith.index_cast %add3A_1182 : i32 to index
        %swap3A_1229 = arith.constant 80 : index
        %swap3A_1230 = tpu.vector_load %arg11[%swap3A_1228, %swap3A_1229] {strides = array<i32>} : memref<128x128xf32, #tpu.memory_space<vmem>>, vector<16xf32>,
        tpu.vector_store %arg11[%swap3A_1228, %swap3A_1229], %mul3A_1227 {strides = array<i32>} : memref<128x128xf32, #tpu.memory_space<vmem>>, vector<16xf32>,
        %get3A_1231 = arith.index_cast %add3A_1182 : i32 to index
        %get3A_1232 = arith.constant 96 : index
        %get3A_1233 = tpu.vector_load %arg11[%get3A_1231, %get3A_1232] {strides = array<i32>} : memref<128x128xf32, #tpu.memory_space<vmem>>, vector<16xf32>,
        %mul3A_1234 = vector.broadcast %squeeze3A_1178 : f32 to vector<16xf32>
        %mul3A_1235 = arith.mulf %get3A_1233, %mul3A_1234 : vector<16xf32>
        %swap3A_1236 = arith.index_cast %add3A_1182 : i32 to index
        %swap3A_1237 = arith.constant 96 : index
        %swap3A_1238 = tpu.vector_load %arg11[%swap3A_1236, %swap3A_1237] {strides = array<i32>} : memref<128x128xf32, #tpu.memory_space<vmem>>, vector<16xf32>,
        tpu.vector_store %arg11[%swap3A_1236, %swap3A_1237], %mul3A_1235 {strides = array<i32>} : memref<128x128xf32, #tpu.memory_space<vmem>>, vector<16xf32>,
        %get3A_1239 = arith.index_cast %add3A_1182 : i32 to index
        %get3A_1240 = arith.constant 112 : index
        %get3A_1241 = tpu.vector_load %arg11[%get3A_1239, %get3A_1240] {strides = array<i32>} : memref<128x128xf32, #tpu.memory_space<vmem>>, vector<16xf32>,
        %mul3A_1242 = vector.broadcast %squeeze3A_1178 : f32 to vector<16xf32>
        %mul3A_1243 = arith.mulf %get3A_1241, %mul3A_1242 : vector<16xf32>
        %swap3A_1244 = arith.index_cast %add3A_1182 : i32 to index
        %swap3A_1245 = arith.constant 112 : index
        %swap3A_1246 = tpu.vector_load %arg11[%swap3A_1244, %swap3A_1245] {strides = array<i32>} : memref<128x128xf32, #tpu.memory_space<vmem>>, vector<16xf32>,
        tpu.vector_store %arg11[%swap3A_1244, %swap3A_1245], %mul3A_1243 {strides = array<i32>} : memref<128x128xf32, #tpu.memory_space<vmem>>, vector<16xf32>,
        %slice3A_1247 = vector.extract_strided_slice %get3A_478 {offsets = [11], sizes = [1], strides = [1]} : vector<16xf32> to vector<1xf32>
        %squeeze3A_1248 = vector.extract %slice3A_1247[0] : f32 from vector<1xf32>
        %mul3A_1249 = arith.constant 16 : i32
        %mul3A_1250 = arith.muli %scan3A_474, %mul3A_1249 : i32
        %add3A_1251 = arith.constant 11 : i32
        %add3A_1252 = arith.addi %mul3A_1250, %add3A_1251 : i32
        %get3A_1253 = arith.index_cast %add3A_1252 : i32 to index
        %get3A_1254 = arith.constant 0 : index
        %get3A_1255 = tpu.vector_load %arg11[%get3A_1253, %get3A_1254] {strides = array<i32>} : memref<128x128xf32, #tpu.memory_space<vmem>>, vector<16xf32>,
        %mul3A_1256 = vector.broadcast %squeeze3A_1248 : f32 to vector<16xf32>
        %mul3A_1257 = arith.mulf %get3A_1255, %mul3A_1256 : vector<16xf32>
        %swap3A_1258 = arith.index_cast %add3A_1252 : i32 to index
        %swap3A_1259 = arith.constant 0 : index
        %swap3A_1260 = tpu.vector_load %arg11[%swap3A_1258, %swap3A_1259] {strides = array<i32>} : memref<128x128xf32, #tpu.memory_space<vmem>>, vector<16xf32>,
        tpu.vector_store %arg11[%swap3A_1258, %swap3A_1259], %mul3A_1257 {strides = array<i32>} : memref<128x128xf32, #tpu.memory_space<vmem>>, vector<16xf32>,
        %get3A_1261 = arith.index_cast %add3A_1252 : i32 to index
        %get3A_1262 = arith.constant 16 : index
        %get3A_1263 = tpu.vector_load %arg11[%get3A_1261, %get3A_1262] {strides = array<i32>} : memref<128x128xf32, #tpu.memory_space<vmem>>, vector<16xf32>,
        %mul3A_1264 = vector.broadcast %squeeze3A_1248 : f32 to vector<16xf32>
        %mul3A_1265 = arith.mulf %get3A_1263, %mul3A_1264 : vector<16xf32>
        %swap3A_1266 = arith.index_cast %add3A_1252 : i32 to index
        %swap3A_1267 = arith.constant 16 : index
        %swap3A_1268 = tpu.vector_load %arg11[%swap3A_1266, %swap3A_1267] {strides = array<i32>} : memref<128x128xf32, #tpu.memory_space<vmem>>, vector<16xf32>,
        tpu.vector_store %arg11[%swap3A_1266, %swap3A_1267], %mul3A_1265 {strides = array<i32>} : memref<128x128xf32, #tpu.memory_space<vmem>>, vector<16xf32>,
        %get3A_1269 = arith.index_cast %add3A_1252 : i32 to index
        %get3A_1270 = arith.constant 32 : index
        %get3A_1271 = tpu.vector_load %arg11[%get3A_1269, %get3A_1270] {strides = array<i32>} : memref<128x128xf32, #tpu.memory_space<vmem>>, vector<16xf32>,
        %mul3A_1272 = vector.broadcast %squeeze3A_1248 : f32 to vector<16xf32>
        %mul3A_1273 = arith.mulf %get3A_1271, %mul3A_1272 : vector<16xf32>
        %swap3A_1274 = arith.index_cast %add3A_1252 : i32 to index
        %swap3A_1275 = arith.constant 32 : index
        %swap3A_1276 = tpu.vector_load %arg11[%swap3A_1274, %swap3A_1275] {strides = array<i32>} : memref<128x128xf32, #tpu.memory_space<vmem>>, vector<16xf32>,
        tpu.vector_store %arg11[%swap3A_1274, %swap3A_1275], %mul3A_1273 {strides = array<i32>} : memref<128x128xf32, #tpu.memory_space<vmem>>, vector<16xf32>,
        %get3A_1277 = arith.index_cast %add3A_1252 : i32 to index
        %get3A_1278 = arith.constant 48 : index
        %get3A_1279 = tpu.vector_load %arg11[%get3A_1277, %get3A_1278] {strides = array<i32>} : memref<128x128xf32, #tpu.memory_space<vmem>>, vector<16xf32>,
        %mul3A_1280 = vector.broadcast %squeeze3A_1248 : f32 to vector<16xf32>
        %mul3A_1281 = arith.mulf %get3A_1279, %mul3A_1280 : vector<16xf32>
        %swap3A_1282 = arith.index_cast %add3A_1252 : i32 to index
        %swap3A_1283 = arith.constant 48 : index
        %swap3A_1284 = tpu.vector_load %arg11[%swap3A_1282, %swap3A_1283] {strides = array<i32>} : memref<128x128xf32, #tpu.memory_space<vmem>>, vector<16xf32>,
        tpu.vector_store %arg11[%swap3A_1282, %swap3A_1283], %mul3A_1281 {strides = array<i32>} : memref<128x128xf32, #tpu.memory_space<vmem>>, vector<16xf32>,
        %get3A_1285 = arith.index_cast %add3A_1252 : i32 to index
        %get3A_1286 = arith.constant 64 : index
        %get3A_1287 = tpu.vector_load %arg11[%get3A_1285, %get3A_1286] {strides = array<i32>} : memref<128x128xf32, #tpu.memory_space<vmem>>, vector<16xf32>,
        %mul3A_1288 = vector.broadcast %squeeze3A_1248 : f32 to vector<16xf32>
        %mul3A_1289 = arith.mulf %get3A_1287, %mul3A_1288 : vector<16xf32>
        %swap3A_1290 = arith.index_cast %add3A_1252 : i32 to index
        %swap3A_1291 = arith.constant 64 : index
        %swap3A_1292 = tpu.vector_load %arg11[%swap3A_1290, %swap3A_1291] {strides = array<i32>} : memref<128x128xf32, #tpu.memory_space<vmem>>, vector<16xf32>,
        tpu.vector_store %arg11[%swap3A_1290, %swap3A_1291], %mul3A_1289 {strides = array<i32>} : memref<128x128xf32, #tpu.memory_space<vmem>>, vector<16xf32>,
        %get3A_1293 = arith.index_cast %add3A_1252 : i32 to index
        %get3A_1294 = arith.constant 80 : index
        %get3A_1295 = tpu.vector_load %arg11[%get3A_1293, %get3A_1294] {strides = array<i32>} : memref<128x128xf32, #tpu.memory_space<vmem>>, vector<16xf32>,
        %mul3A_1296 = vector.broadcast %squeeze3A_1248 : f32 to vector<16xf32>
        %mul3A_1297 = arith.mulf %get3A_1295, %mul3A_1296 : vector<16xf32>
        %swap3A_1298 = arith.index_cast %add3A_1252 : i32 to index
        %swap3A_1299 = arith.constant 80 : index
        %swap3A_1300 = tpu.vector_load %arg11[%swap3A_1298, %swap3A_1299] {strides = array<i32>} : memref<128x128xf32, #tpu.memory_space<vmem>>, vector<16xf32>,
        tpu.vector_store %arg11[%swap3A_1298, %swap3A_1299], %mul3A_1297 {strides = array<i32>} : memref<128x128xf32, #tpu.memory_space<vmem>>, vector<16xf32>,
        %get3A_1301 = arith.index_cast %add3A_1252 : i32 to index
        %get3A_1302 = arith.constant 96 : index
        %get3A_1303 = tpu.vector_load %arg11[%get3A_1301, %get3A_1302] {strides = array<i32>} : memref<128x128xf32, #tpu.memory_space<vmem>>, vector<16xf32>,
        %mul3A_1304 = vector.broadcast %squeeze3A_1248 : f32 to vector<16xf32>
        %mul3A_1305 = arith.mulf %get3A_1303, %mul3A_1304 : vector<16xf32>
        %swap3A_1306 = arith.index_cast %add3A_1252 : i32 to index
        %swap3A_1307 = arith.constant 96 : index
        %swap3A_1308 = tpu.vector_load %arg11[%swap3A_1306, %swap3A_1307] {strides = array<i32>} : memref<128x128xf32, #tpu.memory_space<vmem>>, vector<16xf32>,
        tpu.vector_store %arg11[%swap3A_1306, %swap3A_1307], %mul3A_1305 {strides = array<i32>} : memref<128x128xf32, #tpu.memory_space<vmem>>, vector<16xf32>,
        %get3A_1309 = arith.index_cast %add3A_1252 : i32 to index
        %get3A_1310 = arith.constant 112 : index
        %get3A_1311 = tpu.vector_load %arg11[%get3A_1309, %get3A_1310] {strides = array<i32>} : memref<128x128xf32, #tpu.memory_space<vmem>>, vector<16xf32>,
        %mul3A_1312 = vector.broadcast %squeeze3A_1248 : f32 to vector<16xf32>
        %mul3A_1313 = arith.mulf %get3A_1311, %mul3A_1312 : vector<16xf32>
        %swap3A_1314 = arith.index_cast %add3A_1252 : i32 to index
        %swap3A_1315 = arith.constant 112 : index
        %swap3A_1316 = tpu.vector_load %arg11[%swap3A_1314, %swap3A_1315] {strides = array<i32>} : memref<128x128xf32, #tpu.memory_space<vmem>>, vector<16xf32>,
        tpu.vector_store %arg11[%swap3A_1314, %swap3A_1315], %mul3A_1313 {strides = array<i32>} : memref<128x128xf32, #tpu.memory_space<vmem>>, vector<16xf32>,
        %slice3A_1317 = vector.extract_strided_slice %get3A_478 {offsets = [12], sizes = [1], strides = [1]} : vector<16xf32> to vector<1xf32>
        %squeeze3A_1318 = vector.extract %slice3A_1317[0] : f32 from vector<1xf32>
        %mul3A_1319 = arith.constant 16 : i32
        %mul3A_1320 = arith.muli %scan3A_474, %mul3A_1319 : i32
        %add3A_1321 = arith.constant 12 : i32
        %add3A_1322 = arith.addi %mul3A_1320, %add3A_1321 : i32
        %get3A_1323 = arith.index_cast %add3A_1322 : i32 to index
        %get3A_1324 = arith.constant 0 : index
        %get3A_1325 = tpu.vector_load %arg11[%get3A_1323, %get3A_1324] {strides = array<i32>} : memref<128x128xf32, #tpu.memory_space<vmem>>, vector<16xf32>,
        %mul3A_1326 = vector.broadcast %squeeze3A_1318 : f32 to vector<16xf32>
        %mul3A_1327 = arith.mulf %get3A_1325, %mul3A_1326 : vector<16xf32>
        %swap3A_1328 = arith.index_cast %add3A_1322 : i32 to index
        %swap3A_1329 = arith.constant 0 : index
        %swap3A_1330 = tpu.vector_load %arg11[%swap3A_1328, %swap3A_1329] {strides = array<i32>} : memref<128x128xf32, #tpu.memory_space<vmem>>, vector<16xf32>,
        tpu.vector_store %arg11[%swap3A_1328, %swap3A_1329], %mul3A_1327 {strides = array<i32>} : memref<128x128xf32, #tpu.memory_space<vmem>>, vector<16xf32>,
        %get3A_1331 = arith.index_cast %add3A_1322 : i32 to index
        %get3A_1332 = arith.constant 16 : index
        %get3A_1333 = tpu.vector_load %arg11[%get3A_1331, %get3A_1332] {strides = array<i32>} : memref<128x128xf32, #tpu.memory_space<vmem>>, vector<16xf32>,
        %mul3A_1334 = vector.broadcast %squeeze3A_1318 : f32 to vector<16xf32>
        %mul3A_1335 = arith.mulf %get3A_1333, %mul3A_1334 : vector<16xf32>
        %swap3A_1336 = arith.index_cast %add3A_1322 : i32 to index
        %swap3A_1337 = arith.constant 16 : index
        %swap3A_1338 = tpu.vector_load %arg11[%swap3A_1336, %swap3A_1337] {strides = array<i32>} : memref<128x128xf32, #tpu.memory_space<vmem>>, vector<16xf32>,
        tpu.vector_store %arg11[%swap3A_1336, %swap3A_1337], %mul3A_1335 {strides = array<i32>} : memref<128x128xf32, #tpu.memory_space<vmem>>, vector<16xf32>,
        %get3A_1339 = arith.index_cast %add3A_1322 : i32 to index
        %get3A_1340 = arith.constant 32 : index
        %get3A_1341 = tpu.vector_load %arg11[%get3A_1339, %get3A_1340] {strides = array<i32>} : memref<128x128xf32, #tpu.memory_space<vmem>>, vector<16xf32>,
        %mul3A_1342 = vector.broadcast %squeeze3A_1318 : f32 to vector<16xf32>
        %mul3A_1343 = arith.mulf %get3A_1341, %mul3A_1342 : vector<16xf32>
        %swap3A_1344 = arith.index_cast %add3A_1322 : i32 to index
        %swap3A_1345 = arith.constant 32 : index
        %swap3A_1346 = tpu.vector_load %arg11[%swap3A_1344, %swap3A_1345] {strides = array<i32>} : memref<128x128xf32, #tpu.memory_space<vmem>>, vector<16xf32>,
        tpu.vector_store %arg11[%swap3A_1344, %swap3A_1345], %mul3A_1343 {strides = array<i32>} : memref<128x128xf32, #tpu.memory_space<vmem>>, vector<16xf32>,
        %get3A_1347 = arith.index_cast %add3A_1322 : i32 to index
        %get3A_1348 = arith.constant 48 : index
        %get3A_1349 = tpu.vector_load %arg11[%get3A_1347, %get3A_1348] {strides = array<i32>} : memref<128x128xf32, #tpu.memory_space<vmem>>, vector<16xf32>,
        %mul3A_1350 = vector.broadcast %squeeze3A_1318 : f32 to vector<16xf32>
        %mul3A_1351 = arith.mulf %get3A_1349, %mul3A_1350 : vector<16xf32>
        %swap3A_1352 = arith.index_cast %add3A_1322 : i32 to index
        %swap3A_1353 = arith.constant 48 : index
        %swap3A_1354 = tpu.vector_load %arg11[%swap3A_1352, %swap3A_1353] {strides = array<i32>} : memref<128x128xf32, #tpu.memory_space<vmem>>, vector<16xf32>,
        tpu.vector_store %arg11[%swap3A_1352, %swap3A_1353], %mul3A_1351 {strides = array<i32>} : memref<128x128xf32, #tpu.memory_space<vmem>>, vector<16xf32>,
        %get3A_1355 = arith.index_cast %add3A_1322 : i32 to index
        %get3A_1356 = arith.constant 64 : index
        %get3A_1357 = tpu.vector_load %arg11[%get3A_1355, %get3A_1356] {strides = array<i32>} : memref<128x128xf32, #tpu.memory_space<vmem>>, vector<16xf32>,
        %mul3A_1358 = vector.broadcast %squeeze3A_1318 : f32 to vector<16xf32>
        %mul3A_1359 = arith.mulf %get3A_1357, %mul3A_1358 : vector<16xf32>
        %swap3A_1360 = arith.index_cast %add3A_1322 : i32 to index
        %swap3A_1361 = arith.constant 64 : index
        %swap3A_1362 = tpu.vector_load %arg11[%swap3A_1360, %swap3A_1361] {strides = array<i32>} : memref<128x128xf32, #tpu.memory_space<vmem>>, vector<16xf32>,
        tpu.vector_store %arg11[%swap3A_1360, %swap3A_1361], %mul3A_1359 {strides = array<i32>} : memref<128x128xf32, #tpu.memory_space<vmem>>, vector<16xf32>,
        %get3A_1363 = arith.index_cast %add3A_1322 : i32 to index
        %get3A_1364 = arith.constant 80 : index
        %get3A_1365 = tpu.vector_load %arg11[%get3A_1363, %get3A_1364] {strides = array<i32>} : memref<128x128xf32, #tpu.memory_space<vmem>>, vector<16xf32>,
        %mul3A_1366 = vector.broadcast %squeeze3A_1318 : f32 to vector<16xf32>
        %mul3A_1367 = arith.mulf %get3A_1365, %mul3A_1366 : vector<16xf32>
        %swap3A_1368 = arith.index_cast %add3A_1322 : i32 to index
        %swap3A_1369 = arith.constant 80 : index
        %swap3A_1370 = tpu.vector_load %arg11[%swap3A_1368, %swap3A_1369] {strides = array<i32>} : memref<128x128xf32, #tpu.memory_space<vmem>>, vector<16xf32>,
        tpu.vector_store %arg11[%swap3A_1368, %swap3A_1369], %mul3A_1367 {strides = array<i32>} : memref<128x128xf32, #tpu.memory_space<vmem>>, vector<16xf32>,
        %get3A_1371 = arith.index_cast %add3A_1322 : i32 to index
        %get3A_1372 = arith.constant 96 : index
        %get3A_1373 = tpu.vector_load %arg11[%get3A_1371, %get3A_1372] {strides = array<i32>} : memref<128x128xf32, #tpu.memory_space<vmem>>, vector<16xf32>,
        %mul3A_1374 = vector.broadcast %squeeze3A_1318 : f32 to vector<16xf32>
        %mul3A_1375 = arith.mulf %get3A_1373, %mul3A_1374 : vector<16xf32>
        %swap3A_1376 = arith.index_cast %add3A_1322 : i32 to index
        %swap3A_1377 = arith.constant 96 : index
        %swap3A_1378 = tpu.vector_load %arg11[%swap3A_1376, %swap3A_1377] {strides = array<i32>} : memref<128x128xf32, #tpu.memory_space<vmem>>, vector<16xf32>,
        tpu.vector_store %arg11[%swap3A_1376, %swap3A_1377], %mul3A_1375 {strides = array<i32>} : memref<128x128xf32, #tpu.memory_space<vmem>>, vector<16xf32>,
        %get3A_1379 = arith.index_cast %add3A_1322 : i32 to index
        %get3A_1380 = arith.constant 112 : index
        %get3A_1381 = tpu.vector_load %arg11[%get3A_1379, %get3A_1380] {strides = array<i32>} : memref<128x128xf32, #tpu.memory_space<vmem>>, vector<16xf32>,
        %mul3A_1382 = vector.broadcast %squeeze3A_1318 : f32 to vector<16xf32>
        %mul3A_1383 = arith.mulf %get3A_1381, %mul3A_1382 : vector<16xf32>
        %swap3A_1384 = arith.index_cast %add3A_1322 : i32 to index
        %swap3A_1385 = arith.constant 112 : index
        %swap3A_1386 = tpu.vector_load %arg11[%swap3A_1384, %swap3A_1385] {strides = array<i32>} : memref<128x128xf32, #tpu.memory_space<vmem>>, vector<16xf32>,
        tpu.vector_store %arg11[%swap3A_1384, %swap3A_1385], %mul3A_1383 {strides = array<i32>} : memref<128x128xf32, #tpu.memory_space<vmem>>, vector<16xf32>,
        %slice3A_1387 = vector.extract_strided_slice %get3A_478 {offsets = [13], sizes = [1], strides = [1]} : vector<16xf32> to vector<1xf32>
        %squeeze3A_1388 = vector.extract %slice3A_1387[0] : f32 from vector<1xf32>
        %mul3A_1389 = arith.constant 16 : i32
        %mul3A_1390 = arith.muli %scan3A_474, %mul3A_1389 : i32
        %add3A_1391 = arith.constant 13 : i32
        %add3A_1392 = arith.addi %mul3A_1390, %add3A_1391 : i32
        %get3A_1393 = arith.index_cast %add3A_1392 : i32 to index
        %get3A_1394 = arith.constant 0 : index
        %get3A_1395 = tpu.vector_load %arg11[%get3A_1393, %get3A_1394] {strides = array<i32>} : memref<128x128xf32, #tpu.memory_space<vmem>>, vector<16xf32>,
        %mul3A_1396 = vector.broadcast %squeeze3A_1388 : f32 to vector<16xf32>
        %mul3A_1397 = arith.mulf %get3A_1395, %mul3A_1396 : vector<16xf32>
        %swap3A_1398 = arith.index_cast %add3A_1392 : i32 to index
        %swap3A_1399 = arith.constant 0 : index
        %swap3A_1400 = tpu.vector_load %arg11[%swap3A_1398, %swap3A_1399] {strides = array<i32>} : memref<128x128xf32, #tpu.memory_space<vmem>>, vector<16xf32>,
        tpu.vector_store %arg11[%swap3A_1398, %swap3A_1399], %mul3A_1397 {strides = array<i32>} : memref<128x128xf32, #tpu.memory_space<vmem>>, vector<16xf32>,
        %get3A_1401 = arith.index_cast %add3A_1392 : i32 to index
        %get3A_1402 = arith.constant 16 : index
        %get3A_1403 = tpu.vector_load %arg11[%get3A_1401, %get3A_1402] {strides = array<i32>} : memref<128x128xf32, #tpu.memory_space<vmem>>, vector<16xf32>,
        %mul3A_1404 = vector.broadcast %squeeze3A_1388 : f32 to vector<16xf32>
        %mul3A_1405 = arith.mulf %get3A_1403, %mul3A_1404 : vector<16xf32>
        %swap3A_1406 = arith.index_cast %add3A_1392 : i32 to index
        %swap3A_1407 = arith.constant 16 : index
        %swap3A_1408 = tpu.vector_load %arg11[%swap3A_1406, %swap3A_1407] {strides = array<i32>} : memref<128x128xf32, #tpu.memory_space<vmem>>, vector<16xf32>,
        tpu.vector_store %arg11[%swap3A_1406, %swap3A_1407], %mul3A_1405 {strides = array<i32>} : memref<128x128xf32, #tpu.memory_space<vmem>>, vector<16xf32>,
        %get3A_1409 = arith.index_cast %add3A_1392 : i32 to index
        %get3A_1410 = arith.constant 32 : index
        %get3A_1411 = tpu.vector_load %arg11[%get3A_1409, %get3A_1410] {strides = array<i32>} : memref<128x128xf32, #tpu.memory_space<vmem>>, vector<16xf32>,
        %mul3A_1412 = vector.broadcast %squeeze3A_1388 : f32 to vector<16xf32>
        %mul3A_1413 = arith.mulf %get3A_1411, %mul3A_1412 : vector<16xf32>
        %swap3A_1414 = arith.index_cast %add3A_1392 : i32 to index
        %swap3A_1415 = arith.constant 32 : index
        %swap3A_1416 = tpu.vector_load %arg11[%swap3A_1414, %swap3A_1415] {strides = array<i32>} : memref<128x128xf32, #tpu.memory_space<vmem>>, vector<16xf32>,
        tpu.vector_store %arg11[%swap3A_1414, %swap3A_1415], %mul3A_1413 {strides = array<i32>} : memref<128x128xf32, #tpu.memory_space<vmem>>, vector<16xf32>,
        %get3A_1417 = arith.index_cast %add3A_1392 : i32 to index
        %get3A_1418 = arith.constant 48 : index
        %get3A_1419 = tpu.vector_load %arg11[%get3A_1417, %get3A_1418] {strides = array<i32>} : memref<128x128xf32, #tpu.memory_space<vmem>>, vector<16xf32>,
        %mul3A_1420 = vector.broadcast %squeeze3A_1388 : f32 to vector<16xf32>
        %mul3A_1421 = arith.mulf %get3A_1419, %mul3A_1420 : vector<16xf32>
        %swap3A_1422 = arith.index_cast %add3A_1392 : i32 to index
        %swap3A_1423 = arith.constant 48 : index
        %swap3A_1424 = tpu.vector_load %arg11[%swap3A_1422, %swap3A_1423] {strides = array<i32>} : memref<128x128xf32, #tpu.memory_space<vmem>>, vector<16xf32>,
        tpu.vector_store %arg11[%swap3A_1422, %swap3A_1423], %mul3A_1421 {strides = array<i32>} : memref<128x128xf32, #tpu.memory_space<vmem>>, vector<16xf32>,
        %get3A_1425 = arith.index_cast %add3A_1392 : i32 to index
        %get3A_1426 = arith.constant 64 : index
        %get3A_1427 = tpu.vector_load %arg11[%get3A_1425, %get3A_1426] {strides = array<i32>} : memref<128x128xf32, #tpu.memory_space<vmem>>, vector<16xf32>,
        %mul3A_1428 = vector.broadcast %squeeze3A_1388 : f32 to vector<16xf32>
        %mul3A_1429 = arith.mulf %get3A_1427, %mul3A_1428 : vector<16xf32>
        %swap3A_1430 = arith.index_cast %add3A_1392 : i32 to index
        %swap3A_1431 = arith.constant 64 : index
        %swap3A_1432 = tpu.vector_load %arg11[%swap3A_1430, %swap3A_1431] {strides = array<i32>} : memref<128x128xf32, #tpu.memory_space<vmem>>, vector<16xf32>,
        tpu.vector_store %arg11[%swap3A_1430, %swap3A_1431], %mul3A_1429 {strides = array<i32>} : memref<128x128xf32, #tpu.memory_space<vmem>>, vector<16xf32>,
        %get3A_1433 = arith.index_cast %add3A_1392 : i32 to index
        %get3A_1434 = arith.constant 80 : index
        %get3A_1435 = tpu.vector_load %arg11[%get3A_1433, %get3A_1434] {strides = array<i32>} : memref<128x128xf32, #tpu.memory_space<vmem>>, vector<16xf32>,
        %mul3A_1436 = vector.broadcast %squeeze3A_1388 : f32 to vector<16xf32>
        %mul3A_1437 = arith.mulf %get3A_1435, %mul3A_1436 : vector<16xf32>
        %swap3A_1438 = arith.index_cast %add3A_1392 : i32 to index
        %swap3A_1439 = arith.constant 80 : index
        %swap3A_1440 = tpu.vector_load %arg11[%swap3A_1438, %swap3A_1439] {strides = array<i32>} : memref<128x128xf32, #tpu.memory_space<vmem>>, vector<16xf32>,
        tpu.vector_store %arg11[%swap3A_1438, %swap3A_1439], %mul3A_1437 {strides = array<i32>} : memref<128x128xf32, #tpu.memory_space<vmem>>, vector<16xf32>,
        %get3A_1441 = arith.index_cast %add3A_1392 : i32 to index
        %get3A_1442 = arith.constant 96 : index
        %get3A_1443 = tpu.vector_load %arg11[%get3A_1441, %get3A_1442] {strides = array<i32>} : memref<128x128xf32, #tpu.memory_space<vmem>>, vector<16xf32>,
        %mul3A_1444 = vector.broadcast %squeeze3A_1388 : f32 to vector<16xf32>
        %mul3A_1445 = arith.mulf %get3A_1443, %mul3A_1444 : vector<16xf32>
        %swap3A_1446 = arith.index_cast %add3A_1392 : i32 to index
        %swap3A_1447 = arith.constant 96 : index
        %swap3A_1448 = tpu.vector_load %arg11[%swap3A_1446, %swap3A_1447] {strides = array<i32>} : memref<128x128xf32, #tpu.memory_space<vmem>>, vector<16xf32>,
        tpu.vector_store %arg11[%swap3A_1446, %swap3A_1447], %mul3A_1445 {strides = array<i32>} : memref<128x128xf32, #tpu.memory_space<vmem>>, vector<16xf32>,
        %get3A_1449 = arith.index_cast %add3A_1392 : i32 to index
        %get3A_1450 = arith.constant 112 : index
        %get3A_1451 = tpu.vector_load %arg11[%get3A_1449, %get3A_1450] {strides = array<i32>} : memref<128x128xf32, #tpu.memory_space<vmem>>, vector<16xf32>,
        %mul3A_1452 = vector.broadcast %squeeze3A_1388 : f32 to vector<16xf32>
        %mul3A_1453 = arith.mulf %get3A_1451, %mul3A_1452 : vector<16xf32>
        %swap3A_1454 = arith.index_cast %add3A_1392 : i32 to index
        %swap3A_1455 = arith.constant 112 : index
        %swap3A_1456 = tpu.vector_load %arg11[%swap3A_1454, %swap3A_1455] {strides = array<i32>} : memref<128x128xf32, #tpu.memory_space<vmem>>, vector<16xf32>,
        tpu.vector_store %arg11[%swap3A_1454, %swap3A_1455], %mul3A_1453 {strides = array<i32>} : memref<128x128xf32, #tpu.memory_space<vmem>>, vector<16xf32>,
        %slice3A_1457 = vector.extract_strided_slice %get3A_478 {offsets = [14], sizes = [1], strides = [1]} : vector<16xf32> to vector<1xf32>
        %squeeze3A_1458 = vector.extract %slice3A_1457[0] : f32 from vector<1xf32>
        %mul3A_1459 = arith.constant 16 : i32
        %mul3A_1460 = arith.muli %scan3A_474, %mul3A_1459 : i32
        %add3A_1461 = arith.constant 14 : i32
        %add3A_1462 = arith.addi %mul3A_1460, %add3A_1461 : i32
        %get3A_1463 = arith.index_cast %add3A_1462 : i32 to index
        %get3A_1464 = arith.constant 0 : index
        %get3A_1465 = tpu.vector_load %arg11[%get3A_1463, %get3A_1464] {strides = array<i32>} : memref<128x128xf32, #tpu.memory_space<vmem>>, vector<16xf32>,
        %mul3A_1466 = vector.broadcast %squeeze3A_1458 : f32 to vector<16xf32>
        %mul3A_1467 = arith.mulf %get3A_1465, %mul3A_1466 : vector<16xf32>
        %swap3A_1468 = arith.index_cast %add3A_1462 : i32 to index
        %swap3A_1469 = arith.constant 0 : index
        %swap3A_1470 = tpu.vector_load %arg11[%swap3A_1468, %swap3A_1469] {strides = array<i32>} : memref<128x128xf32, #tpu.memory_space<vmem>>, vector<16xf32>,
        tpu.vector_store %arg11[%swap3A_1468, %swap3A_1469], %mul3A_1467 {strides = array<i32>} : memref<128x128xf32, #tpu.memory_space<vmem>>, vector<16xf32>,
        %get3A_1471 = arith.index_cast %add3A_1462 : i32 to index
        %get3A_1472 = arith.constant 16 : index
        %get3A_1473 = tpu.vector_load %arg11[%get3A_1471, %get3A_1472] {strides = array<i32>} : memref<128x128xf32, #tpu.memory_space<vmem>>, vector<16xf32>,
        %mul3A_1474 = vector.broadcast %squeeze3A_1458 : f32 to vector<16xf32>
        %mul3A_1475 = arith.mulf %get3A_1473, %mul3A_1474 : vector<16xf32>
        %swap3A_1476 = arith.index_cast %add3A_1462 : i32 to index
        %swap3A_1477 = arith.constant 16 : index
        %swap3A_1478 = tpu.vector_load %arg11[%swap3A_1476, %swap3A_1477] {strides = array<i32>} : memref<128x128xf32, #tpu.memory_space<vmem>>, vector<16xf32>,
        tpu.vector_store %arg11[%swap3A_1476, %swap3A_1477], %mul3A_1475 {strides = array<i32>} : memref<128x128xf32, #tpu.memory_space<vmem>>, vector<16xf32>,
        %get3A_1479 = arith.index_cast %add3A_1462 : i32 to index
        %get3A_1480 = arith.constant 32 : index
        %get3A_1481 = tpu.vector_load %arg11[%get3A_1479, %get3A_1480] {strides = array<i32>} : memref<128x128xf32, #tpu.memory_space<vmem>>, vector<16xf32>,
        %mul3A_1482 = vector.broadcast %squeeze3A_1458 : f32 to vector<16xf32>
        %mul3A_1483 = arith.mulf %get3A_1481, %mul3A_1482 : vector<16xf32>
        %swap3A_1484 = arith.index_cast %add3A_1462 : i32 to index
        %swap3A_1485 = arith.constant 32 : index
        %swap3A_1486 = tpu.vector_load %arg11[%swap3A_1484, %swap3A_1485] {strides = array<i32>} : memref<128x128xf32, #tpu.memory_space<vmem>>, vector<16xf32>,
        tpu.vector_store %arg11[%swap3A_1484, %swap3A_1485], %mul3A_1483 {strides = array<i32>} : memref<128x128xf32, #tpu.memory_space<vmem>>, vector<16xf32>,
        %get3A_1487 = arith.index_cast %add3A_1462 : i32 to index
        %get3A_1488 = arith.constant 48 : index
        %get3A_1489 = tpu.vector_load %arg11[%get3A_1487, %get3A_1488] {strides = array<i32>} : memref<128x128xf32, #tpu.memory_space<vmem>>, vector<16xf32>,
        %mul3A_1490 = vector.broadcast %squeeze3A_1458 : f32 to vector<16xf32>
        %mul3A_1491 = arith.mulf %get3A_1489, %mul3A_1490 : vector<16xf32>
        %swap3A_1492 = arith.index_cast %add3A_1462 : i32 to index
        %swap3A_1493 = arith.constant 48 : index
        %swap3A_1494 = tpu.vector_load %arg11[%swap3A_1492, %swap3A_1493] {strides = array<i32>} : memref<128x128xf32, #tpu.memory_space<vmem>>, vector<16xf32>,
        tpu.vector_store %arg11[%swap3A_1492, %swap3A_1493], %mul3A_1491 {strides = array<i32>} : memref<128x128xf32, #tpu.memory_space<vmem>>, vector<16xf32>,
        %get3A_1495 = arith.index_cast %add3A_1462 : i32 to index
        %get3A_1496 = arith.constant 64 : index
        %get3A_1497 = tpu.vector_load %arg11[%get3A_1495, %get3A_1496] {strides = array<i32>} : memref<128x128xf32, #tpu.memory_space<vmem>>, vector<16xf32>,
        %mul3A_1498 = vector.broadcast %squeeze3A_1458 : f32 to vector<16xf32>
        %mul3A_1499 = arith.mulf %get3A_1497, %mul3A_1498 : vector<16xf32>
        %swap3A_1500 = arith.index_cast %add3A_1462 : i32 to index
        %swap3A_1501 = arith.constant 64 : index
        %swap3A_1502 = tpu.vector_load %arg11[%swap3A_1500, %swap3A_1501] {strides = array<i32>} : memref<128x128xf32, #tpu.memory_space<vmem>>, vector<16xf32>,
        tpu.vector_store %arg11[%swap3A_1500, %swap3A_1501], %mul3A_1499 {strides = array<i32>} : memref<128x128xf32, #tpu.memory_space<vmem>>, vector<16xf32>,
        %get3A_1503 = arith.index_cast %add3A_1462 : i32 to index
        %get3A_1504 = arith.constant 80 : index
        %get3A_1505 = tpu.vector_load %arg11[%get3A_1503, %get3A_1504] {strides = array<i32>} : memref<128x128xf32, #tpu.memory_space<vmem>>, vector<16xf32>,
        %mul3A_1506 = vector.broadcast %squeeze3A_1458 : f32 to vector<16xf32>
        %mul3A_1507 = arith.mulf %get3A_1505, %mul3A_1506 : vector<16xf32>
        %swap3A_1508 = arith.index_cast %add3A_1462 : i32 to index
        %swap3A_1509 = arith.constant 80 : index
        %swap3A_1510 = tpu.vector_load %arg11[%swap3A_1508, %swap3A_1509] {strides = array<i32>} : memref<128x128xf32, #tpu.memory_space<vmem>>, vector<16xf32>,
        tpu.vector_store %arg11[%swap3A_1508, %swap3A_1509], %mul3A_1507 {strides = array<i32>} : memref<128x128xf32, #tpu.memory_space<vmem>>, vector<16xf32>,
        %get3A_1511 = arith.index_cast %add3A_1462 : i32 to index
        %get3A_1512 = arith.constant 96 : index
        %get3A_1513 = tpu.vector_load %arg11[%get3A_1511, %get3A_1512] {strides = array<i32>} : memref<128x128xf32, #tpu.memory_space<vmem>>, vector<16xf32>,
        %mul3A_1514 = vector.broadcast %squeeze3A_1458 : f32 to vector<16xf32>
        %mul3A_1515 = arith.mulf %get3A_1513, %mul3A_1514 : vector<16xf32>
        %swap3A_1516 = arith.index_cast %add3A_1462 : i32 to index
        %swap3A_1517 = arith.constant 96 : index
        %swap3A_1518 = tpu.vector_load %arg11[%swap3A_1516, %swap3A_1517] {strides = array<i32>} : memref<128x128xf32, #tpu.memory_space<vmem>>, vector<16xf32>,
        tpu.vector_store %arg11[%swap3A_1516, %swap3A_1517], %mul3A_1515 {strides = array<i32>} : memref<128x128xf32, #tpu.memory_space<vmem>>, vector<16xf32>,
        %get3A_1519 = arith.index_cast %add3A_1462 : i32 to index
        %get3A_1520 = arith.constant 112 : index
        %get3A_1521 = tpu.vector_load %arg11[%get3A_1519, %get3A_1520] {strides = array<i32>} : memref<128x128xf32, #tpu.memory_space<vmem>>, vector<16xf32>,
        %mul3A_1522 = vector.broadcast %squeeze3A_1458 : f32 to vector<16xf32>
        %mul3A_1523 = arith.mulf %get3A_1521, %mul3A_1522 : vector<16xf32>
        %swap3A_1524 = arith.index_cast %add3A_1462 : i32 to index
        %swap3A_1525 = arith.constant 112 : index
        %swap3A_1526 = tpu.vector_load %arg11[%swap3A_1524, %swap3A_1525] {strides = array<i32>} : memref<128x128xf32, #tpu.memory_space<vmem>>, vector<16xf32>,
        tpu.vector_store %arg11[%swap3A_1524, %swap3A_1525], %mul3A_1523 {strides = array<i32>} : memref<128x128xf32, #tpu.memory_space<vmem>>, vector<16xf32>,
        %slice3A_1527 = vector.extract_strided_slice %get3A_478 {offsets = [15], sizes = [1], strides = [1]} : vector<16xf32> to vector<1xf32>
        %squeeze3A_1528 = vector.extract %slice3A_1527[0] : f32 from vector<1xf32>
        %mul3A_1529 = arith.constant 16 : i32
        %mul3A_1530 = arith.muli %scan3A_474, %mul3A_1529 : i32
        %add3A_1531 = arith.constant 15 : i32
        %add3A_1532 = arith.addi %mul3A_1530, %add3A_1531 : i32
        %get3A_1533 = arith.index_cast %add3A_1532 : i32 to index
        %get3A_1534 = arith.constant 0 : index
        %get3A_1535 = tpu.vector_load %arg11[%get3A_1533, %get3A_1534] {strides = array<i32>} : memref<128x128xf32, #tpu.memory_space<vmem>>, vector<16xf32>,
        %mul3A_1536 = vector.broadcast %squeeze3A_1528 : f32 to vector<16xf32>
        %mul3A_1537 = arith.mulf %get3A_1535, %mul3A_1536 : vector<16xf32>
        %swap3A_1538 = arith.index_cast %add3A_1532 : i32 to index
        %swap3A_1539 = arith.constant 0 : index
        %swap3A_1540 = tpu.vector_load %arg11[%swap3A_1538, %swap3A_1539] {strides = array<i32>} : memref<128x128xf32, #tpu.memory_space<vmem>>, vector<16xf32>,
        tpu.vector_store %arg11[%swap3A_1538, %swap3A_1539], %mul3A_1537 {strides = array<i32>} : memref<128x128xf32, #tpu.memory_space<vmem>>, vector<16xf32>,
        %get3A_1541 = arith.index_cast %add3A_1532 : i32 to index
        %get3A_1542 = arith.constant 16 : index
        %get3A_1543 = tpu.vector_load %arg11[%get3A_1541, %get3A_1542] {strides = array<i32>} : memref<128x128xf32, #tpu.memory_space<vmem>>, vector<16xf32>,
        %mul3A_1544 = vector.broadcast %squeeze3A_1528 : f32 to vector<16xf32>
        %mul3A_1545 = arith.mulf %get3A_1543, %mul3A_1544 : vector<16xf32>
        %swap3A_1546 = arith.index_cast %add3A_1532 : i32 to index
        %swap3A_1547 = arith.constant 16 : index
        %swap3A_1548 = tpu.vector_load %arg11[%swap3A_1546, %swap3A_1547] {strides = array<i32>} : memref<128x128xf32, #tpu.memory_space<vmem>>, vector<16xf32>,
        tpu.vector_store %arg11[%swap3A_1546, %swap3A_1547], %mul3A_1545 {strides = array<i32>} : memref<128x128xf32, #tpu.memory_space<vmem>>, vector<16xf32>,
        %get3A_1549 = arith.index_cast %add3A_1532 : i32 to index
        %get3A_1550 = arith.constant 32 : index
        %get3A_1551 = tpu.vector_load %arg11[%get3A_1549, %get3A_1550] {strides = array<i32>} : memref<128x128xf32, #tpu.memory_space<vmem>>, vector<16xf32>,
        %mul3A_1552 = vector.broadcast %squeeze3A_1528 : f32 to vector<16xf32>
        %mul3A_1553 = arith.mulf %get3A_1551, %mul3A_1552 : vector<16xf32>
        %swap3A_1554 = arith.index_cast %add3A_1532 : i32 to index
        %swap3A_1555 = arith.constant 32 : index
        %swap3A_1556 = tpu.vector_load %arg11[%swap3A_1554, %swap3A_1555] {strides = array<i32>} : memref<128x128xf32, #tpu.memory_space<vmem>>, vector<16xf32>,
        tpu.vector_store %arg11[%swap3A_1554, %swap3A_1555], %mul3A_1553 {strides = array<i32>} : memref<128x128xf32, #tpu.memory_space<vmem>>, vector<16xf32>,
        %get3A_1557 = arith.index_cast %add3A_1532 : i32 to index
        %get3A_1558 = arith.constant 48 : index
        %get3A_1559 = tpu.vector_load %arg11[%get3A_1557, %get3A_1558] {strides = array<i32>} : memref<128x128xf32, #tpu.memory_space<vmem>>, vector<16xf32>,
        %mul3A_1560 = vector.broadcast %squeeze3A_1528 : f32 to vector<16xf32>
        %mul3A_1561 = arith.mulf %get3A_1559, %mul3A_1560 : vector<16xf32>
        %swap3A_1562 = arith.index_cast %add3A_1532 : i32 to index
        %swap3A_1563 = arith.constant 48 : index
        %swap3A_1564 = tpu.vector_load %arg11[%swap3A_1562, %swap3A_1563] {strides = array<i32>} : memref<128x128xf32, #tpu.memory_space<vmem>>, vector<16xf32>,
        tpu.vector_store %arg11[%swap3A_1562, %swap3A_1563], %mul3A_1561 {strides = array<i32>} : memref<128x128xf32, #tpu.memory_space<vmem>>, vector<16xf32>,
        %get3A_1565 = arith.index_cast %add3A_1532 : i32 to index
        %get3A_1566 = arith.constant 64 : index
        %get3A_1567 = tpu.vector_load %arg11[%get3A_1565, %get3A_1566] {strides = array<i32>} : memref<128x128xf32, #tpu.memory_space<vmem>>, vector<16xf32>,
        %mul3A_1568 = vector.broadcast %squeeze3A_1528 : f32 to vector<16xf32>
        %mul3A_1569 = arith.mulf %get3A_1567, %mul3A_1568 : vector<16xf32>
        %swap3A_1570 = arith.index_cast %add3A_1532 : i32 to index
        %swap3A_1571 = arith.constant 64 : index
        %swap3A_1572 = tpu.vector_load %arg11[%swap3A_1570, %swap3A_1571] {strides = array<i32>} : memref<128x128xf32, #tpu.memory_space<vmem>>, vector<16xf32>,
        tpu.vector_store %arg11[%swap3A_1570, %swap3A_1571], %mul3A_1569 {strides = array<i32>} : memref<128x128xf32, #tpu.memory_space<vmem>>, vector<16xf32>,
        %get3A_1573 = arith.index_cast %add3A_1532 : i32 to index
        %get3A_1574 = arith.constant 80 : index
        %get3A_1575 = tpu.vector_load %arg11[%get3A_1573, %get3A_1574] {strides = array<i32>} : memref<128x128xf32, #tpu.memory_space<vmem>>, vector<16xf32>,
        %mul3A_1576 = vector.broadcast %squeeze3A_1528 : f32 to vector<16xf32>
        %mul3A_1577 = arith.mulf %get3A_1575, %mul3A_1576 : vector<16xf32>
        %swap3A_1578 = arith.index_cast %add3A_1532 : i32 to index
        %swap3A_1579 = arith.constant 80 : index
        %swap3A_1580 = tpu.vector_load %arg11[%swap3A_1578, %swap3A_1579] {strides = array<i32>} : memref<128x128xf32, #tpu.memory_space<vmem>>, vector<16xf32>,
        tpu.vector_store %arg11[%swap3A_1578, %swap3A_1579], %mul3A_1577 {strides = array<i32>} : memref<128x128xf32, #tpu.memory_space<vmem>>, vector<16xf32>,
        %get3A_1581 = arith.index_cast %add3A_1532 : i32 to index
        %get3A_1582 = arith.constant 96 : index
        %get3A_1583 = tpu.vector_load %arg11[%get3A_1581, %get3A_1582] {strides = array<i32>} : memref<128x128xf32, #tpu.memory_space<vmem>>, vector<16xf32>,
        %mul3A_1584 = vector.broadcast %squeeze3A_1528 : f32 to vector<16xf32>
        %mul3A_1585 = arith.mulf %get3A_1583, %mul3A_1584 : vector<16xf32>
        %swap3A_1586 = arith.index_cast %add3A_1532 : i32 to index
        %swap3A_1587 = arith.constant 96 : index
        %swap3A_1588 = tpu.vector_load %arg11[%swap3A_1586, %swap3A_1587] {strides = array<i32>} : memref<128x128xf32, #tpu.memory_space<vmem>>, vector<16xf32>,
        tpu.vector_store %arg11[%swap3A_1586, %swap3A_1587], %mul3A_1585 {strides = array<i32>} : memref<128x128xf32, #tpu.memory_space<vmem>>, vector<16xf32>,
        %get3A_1589 = arith.index_cast %add3A_1532 : i32 to index
        %get3A_1590 = arith.constant 112 : index
        %get3A_1591 = tpu.vector_load %arg11[%get3A_1589, %get3A_1590] {strides = array<i32>} : memref<128x128xf32, #tpu.memory_space<vmem>>, vector<16xf32>,
        %mul3A_1592 = vector.broadcast %squeeze3A_1528 : f32 to vector<16xf32>
        %mul3A_1593 = arith.mulf %get3A_1591, %mul3A_1592 : vector<16xf32>
        %swap3A_1594 = arith.index_cast %add3A_1532 : i32 to index
        %swap3A_1595 = arith.constant 112 : index
        %swap3A_1596 = tpu.vector_load %arg11[%swap3A_1594, %swap3A_1595] {strides = array<i32>} : memref<128x128xf32, #tpu.memory_space<vmem>>, vector<16xf32>,
        tpu.vector_store %arg11[%swap3A_1594, %swap3A_1595], %mul3A_1593 {strides = array<i32>} : memref<128x128xf32, #tpu.memory_space<vmem>>, vector<16xf32>,
      }
      %scan3A_262 = arith.constant 8 : i32
      %dma_start3A_263 = arith.constant 1 : i32
      %dma_start3A_264 = arith.constant 0 : i32
      %dma_start3A_265 = tpu.memref_slice %arg7[%dma_start3A_263, %dma_start3A_264] : memref<3x128xi32, #tpu.memory_space<vmem>> -> memref<1x128xi32, #tpu.memory_space<vmem>>
      %dma_start3A_266 = tpu.memref_squeeze %dma_start3A_265 : memref<1x128xi32, #tpu.memory_space<vmem>> -> memref<128xi32, #tpu.memory_space<vmem>>
      %dma_start3A_267 = arith.constant 0 : i32
      %dma_start3A_268 = arith.constant 0 : i32
      %dma_start3A_269 = tpu.memref_slice %arg15[%dma_start3A_267, %dma_start3A_268] : memref<10000x128xf32, #tpu.memory_space<vmem_shared>> -> memref<10000x128xf32, #tpu.memory_space<vmem_shared>>
      tpu.enqueue_indirect_dma source(%arg11 : memref<128x128xf32, #tpu.memory_space<vmem>>) target(%dma_start3A_269 : memref<10000x128xf32, #tpu.memory_space<vmem_shared>>) offsets(%dma_start3A_266 : memref<128xi32, #tpu.memory_space<vmem>>) semaphore(%arg19 : memref<!tpu.dma_semaphore, #tpu.memory_space<semaphore_mem>>) {add = true}
      %mul3A_270 = arith.constant 2 : i32
      %mul3A_271 = arith.muli %scan3A_72, %mul3A_270 : i32
      %add3A_272 = arith.constant 1 : i32
      %add3A_273 = arith.addi %mul3A_271, %add3A_272 : i32
      %dma_wait3A_274 = arith.constant 0 : i32
      %dma_wait3A_275 = arith.constant 0 : i32
      %dma_wait3A_276 = arith.constant 0 : i32
      %dma_wait3A_277 = tpu.memref_slice %arg3[%arg1, %dma_wait3A_274, %dma_wait3A_275, %dma_wait3A_276] : memref<16x164x3x128xi32, #tpu.memory_space<hbm>> -> memref<1x1x3x128xi32, #tpu.memory_space<hbm>>
      %dma_wait3A_278 = tpu.memref_squeeze %dma_wait3A_277 : memref<1x1x3x128xi32, #tpu.memory_space<hbm>> -> memref<3x128xi32, #tpu.memory_space<hbm>>
      %dma_wait3A_279 = arith.constant 0 : i32
      %dma_wait3A_280 = arith.constant 0 : i32
      %dma_wait3A_281 = tpu.memref_slice %arg3[%arg1, %dma_wait3A_274, %dma_wait3A_279, %dma_wait3A_280] : memref<16x164x3x128xi32, #tpu.memory_space<hbm>> -> memref<1x1x3x128xi32, #tpu.memory_space<hbm>>
      %dma_wait3A_282 = tpu.memref_squeeze %dma_wait3A_281 : memref<1x1x3x128xi32, #tpu.memory_space<hbm>> -> memref<3x128xi32, #tpu.memory_space<hbm>>
      tpu.wait_dma2 semaphore(%arg16 : memref<!tpu.dma_semaphore, #tpu.memory_space<semaphore_mem>>) src(%dma_wait3A_282 : memref<3x128xi32, #tpu.memory_space<hbm>>) dst(%arg8 : memref<3x128xi32, #tpu.memory_space<vmem>>)
      %dma_start3A_283 = arith.constant 0 : i32
      %dma_start3A_284 = arith.constant 0 : i32
      %dma_start3A_285 = tpu.memref_slice %arg8[%dma_start3A_283, %dma_start3A_284] : memref<3x128xi32, #tpu.memory_space<vmem>> -> memref<1x128xi32, #tpu.memory_space<vmem>>
      %dma_start3A_286 = tpu.memref_squeeze %dma_start3A_285 : memref<1x128xi32, #tpu.memory_space<vmem>> -> memref<128xi32, #tpu.memory_space<vmem>>
      %dma_start3A_287 = arith.constant 0 : i32
      %dma_start3A_288 = arith.constant 0 : i32
      %dma_start3A_289 = tpu.memref_slice %arg2[%dma_start3A_287, %dma_start3A_288] : memref<10000x128xf32, #tpu.memory_space<hbm>> -> memref<10000x128xf32, #tpu.memory_space<hbm>>
      tpu.enqueue_indirect_dma source(%dma_start3A_289 : memref<10000x128xf32, #tpu.memory_space<hbm>>) target(%arg12 : memref<128x128xf32, #tpu.memory_space<vmem>>) offsets(%dma_start3A_286 : memref<128xi32, #tpu.memory_space<vmem>>) semaphore(%arg18 : memref<!tpu.dma_semaphore, #tpu.memory_space<semaphore_mem>>)
      %get3A_290 = arith.constant 0 : i32
      %get3A_291 = arith.index_cast %get3A_290 : i32 to index
      %get3A_292 = arith.constant 0 : index
      %get3A_293 = tpu.vector_load %arg8[%get3A_291, %get3A_292] {strides = array<i32>} : memref<3x128xi32, #tpu.memory_space<vmem>>, vector<16xi32>,
      %get3A_294 = arith.constant 1 : i32
      %get3A_295 = arith.index_cast %get3A_294 : i32 to index
      %get3A_296 = arith.constant 0 : index
      %get3A_297 = tpu.vector_load %arg8[%get3A_295, %get3A_296] {strides = array<i32>} : memref<3x128xi32, #tpu.memory_space<vmem>>, vector<16xi32>,
      %get3A_298 = arith.constant 2 : i32
      %get3A_299 = arith.index_cast %get3A_298 : i32 to index
      %get3A_300 = arith.constant 0 : index
      %get3A_301 = tpu.vector_load %arg8[%get3A_299, %get3A_300] {strides = array<i32>} : memref<3x128xi32, #tpu.memory_space<vmem>>, vector<16xi32>,
      %bitcast_convert_type3A_302 = tpu.bitcast %get3A_301 : vector<16xi32> -> vector<16xf32>
      %gather3A_303 = tpu.vector_load_idx %arg13[%get3A_293] : memref<10000xf32, #tpu.memory_space<vmem>>[vector<16xi32>], vector<16xf32>,
      %mul3A_304 = arith.mulf %gather3A_303, %bitcast_convert_type3A_302 : vector<16xf32>
      %gather3A_305 = tpu.vector_load_idx %arg13[%get3A_297] : memref<10000xf32, #tpu.memory_space<vmem>>[vector<16xi32>], vector<16xf32>,
      %mul3A_306 = arith.mulf %mul3A_304, %gather3A_305 : vector<16xf32>
      %swap3A_307 = arith.constant 0 : index
      %swap3A_308 = tpu.vector_load %arg10[%swap3A_307] {strides = array<i32>} : memref<128xf32, #tpu.memory_space<vmem>>, vector<16xf32>,
      tpu.vector_store %arg10[%swap3A_307], %mul3A_306 {strides = array<i32>} : memref<128xf32, #tpu.memory_space<vmem>>, vector<16xf32>,
      %get3A_309 = arith.constant 0 : i32
      %get3A_310 = arith.index_cast %get3A_309 : i32 to index
      %get3A_311 = arith.constant 16 : index
      %get3A_312 = tpu.vector_load %arg8[%get3A_310, %get3A_311] {strides = array<i32>} : memref<3x128xi32, #tpu.memory_space<vmem>>, vector<16xi32>,
      %get3A_313 = arith.constant 1 : i32
      %get3A_314 = arith.index_cast %get3A_313 : i32 to index
      %get3A_315 = arith.constant 16 : index
      %get3A_316 = tpu.vector_load %arg8[%get3A_314, %get3A_315] {strides = array<i32>} : memref<3x128xi32, #tpu.memory_space<vmem>>, vector<16xi32>,
      %get3A_317 = arith.constant 2 : i32
      %get3A_318 = arith.index_cast %get3A_317 : i32 to index
      %get3A_319 = arith.constant 16 : index
      %get3A_320 = tpu.vector_load %arg8[%get3A_318, %get3A_319] {strides = array<i32>} : memref<3x128xi32, #tpu.memory_space<vmem>>, vector<16xi32>,
      %bitcast_convert_type3A_321 = tpu.bitcast %get3A_320 : vector<16xi32> -> vector<16xf32>
      %gather3A_322 = tpu.vector_load_idx %arg13[%get3A_312] : memref<10000xf32, #tpu.memory_space<vmem>>[vector<16xi32>], vector<16xf32>,
      %mul3A_323 = arith.mulf %gather3A_322, %bitcast_convert_type3A_321 : vector<16xf32>
      %gather3A_324 = tpu.vector_load_idx %arg13[%get3A_316] : memref<10000xf32, #tpu.memory_space<vmem>>[vector<16xi32>], vector<16xf32>,
      %mul3A_325 = arith.mulf %mul3A_323, %gather3A_324 : vector<16xf32>
      %swap3A_326 = arith.constant 16 : index
      %swap3A_327 = tpu.vector_load %arg10[%swap3A_326] {strides = array<i32>} : memref<128xf32, #tpu.memory_space<vmem>>, vector<16xf32>,
      tpu.vector_store %arg10[%swap3A_326], %mul3A_325 {strides = array<i32>} : memref<128xf32, #tpu.memory_space<vmem>>, vector<16xf32>,
      %get3A_328 = arith.constant 0 : i32
      %get3A_329 = arith.index_cast %get3A_328 : i32 to index
      %get3A_330 = arith.constant 32 : index
      %get3A_331 = tpu.vector_load %arg8[%get3A_329, %get3A_330] {strides = array<i32>} : memref<3x128xi32, #tpu.memory_space<vmem>>, vector<16xi32>,
      %get3A_332 = arith.constant 1 : i32
      %get3A_333 = arith.index_cast %get3A_332 : i32 to index
      %get3A_334 = arith.constant 32 : index
      %get3A_335 = tpu.vector_load %arg8[%get3A_333, %get3A_334] {strides = array<i32>} : memref<3x128xi32, #tpu.memory_space<vmem>>, vector<16xi32>,
      %get3A_336 = arith.constant 2 : i32
      %get3A_337 = arith.index_cast %get3A_336 : i32 to index
      %get3A_338 = arith.constant 32 : index
      %get3A_339 = tpu.vector_load %arg8[%get3A_337, %get3A_338] {strides = array<i32>} : memref<3x128xi32, #tpu.memory_space<vmem>>, vector<16xi32>,
      %bitcast_convert_type3A_340 = tpu.bitcast %get3A_339 : vector<16xi32> -> vector<16xf32>
      %gather3A_341 = tpu.vector_load_idx %arg13[%get3A_331] : memref<10000xf32, #tpu.memory_space<vmem>>[vector<16xi32>], vector<16xf32>,
      %mul3A_342 = arith.mulf %gather3A_341, %bitcast_convert_type3A_340 : vector<16xf32>
      %gather3A_343 = tpu.vector_load_idx %arg13[%get3A_335] : memref<10000xf32, #tpu.memory_space<vmem>>[vector<16xi32>], vector<16xf32>,
      %mul3A_344 = arith.mulf %mul3A_342, %gather3A_343 : vector<16xf32>
      %swap3A_345 = arith.constant 32 : index
      %swap3A_346 = tpu.vector_load %arg10[%swap3A_345] {strides = array<i32>} : memref<128xf32, #tpu.memory_space<vmem>>, vector<16xf32>,
      tpu.vector_store %arg10[%swap3A_345], %mul3A_344 {strides = array<i32>} : memref<128xf32, #tpu.memory_space<vmem>>, vector<16xf32>,
      %get3A_347 = arith.constant 0 : i32
      %get3A_348 = arith.index_cast %get3A_347 : i32 to index
      %get3A_349 = arith.constant 48 : index
      %get3A_350 = tpu.vector_load %arg8[%get3A_348, %get3A_349] {strides = array<i32>} : memref<3x128xi32, #tpu.memory_space<vmem>>, vector<16xi32>,
      %get3A_351 = arith.constant 1 : i32
      %get3A_352 = arith.index_cast %get3A_351 : i32 to index
      %get3A_353 = arith.constant 48 : index
      %get3A_354 = tpu.vector_load %arg8[%get3A_352, %get3A_353] {strides = array<i32>} : memref<3x128xi32, #tpu.memory_space<vmem>>, vector<16xi32>,
      %get3A_355 = arith.constant 2 : i32
      %get3A_356 = arith.index_cast %get3A_355 : i32 to index
      %get3A_357 = arith.constant 48 : index
      %get3A_358 = tpu.vector_load %arg8[%get3A_356, %get3A_357] {strides = array<i32>} : memref<3x128xi32, #tpu.memory_space<vmem>>, vector<16xi32>,
      %bitcast_convert_type3A_359 = tpu.bitcast %get3A_358 : vector<16xi32> -> vector<16xf32>
      %gather3A_360 = tpu.vector_load_idx %arg13[%get3A_350] : memref<10000xf32, #tpu.memory_space<vmem>>[vector<16xi32>], vector<16xf32>,
      %mul3A_361 = arith.mulf %gather3A_360, %bitcast_convert_type3A_359 : vector<16xf32>
      %gather3A_362 = tpu.vector_load_idx %arg13[%get3A_354] : memref<10000xf32, #tpu.memory_space<vmem>>[vector<16xi32>], vector<16xf32>,
      %mul3A_363 = arith.mulf %mul3A_361, %gather3A_362 : vector<16xf32>
      %swap3A_364 = arith.constant 48 : index
      %swap3A_365 = tpu.vector_load %arg10[%swap3A_364] {strides = array<i32>} : memref<128xf32, #tpu.memory_space<vmem>>, vector<16xf32>,
      tpu.vector_store %arg10[%swap3A_364], %mul3A_363 {strides = array<i32>} : memref<128xf32, #tpu.memory_space<vmem>>, vector<16xf32>,
      %get3A_366 = arith.constant 0 : i32
      %get3A_367 = arith.index_cast %get3A_366 : i32 to index
      %get3A_368 = arith.constant 64 : index
      %get3A_369 = tpu.vector_load %arg8[%get3A_367, %get3A_368] {strides = array<i32>} : memref<3x128xi32, #tpu.memory_space<vmem>>, vector<16xi32>,
      %get3A_370 = arith.constant 1 : i32
      %get3A_371 = arith.index_cast %get3A_370 : i32 to index
      %get3A_372 = arith.constant 64 : index
      %get3A_373 = tpu.vector_load %arg8[%get3A_371, %get3A_372] {strides = array<i32>} : memref<3x128xi32, #tpu.memory_space<vmem>>, vector<16xi32>,
      %get3A_374 = arith.constant 2 : i32
      %get3A_375 = arith.index_cast %get3A_374 : i32 to index
      %get3A_376 = arith.constant 64 : index
      %get3A_377 = tpu.vector_load %arg8[%get3A_375, %get3A_376] {strides = array<i32>} : memref<3x128xi32, #tpu.memory_space<vmem>>, vector<16xi32>,
      %bitcast_convert_type3A_378 = tpu.bitcast %get3A_377 : vector<16xi32> -> vector<16xf32>
      %gather3A_379 = tpu.vector_load_idx %arg13[%get3A_369] : memref<10000xf32, #tpu.memory_space<vmem>>[vector<16xi32>], vector<16xf32>,
      %mul3A_380 = arith.mulf %gather3A_379, %bitcast_convert_type3A_378 : vector<16xf32>
      %gather3A_381 = tpu.vector_load_idx %arg13[%get3A_373] : memref<10000xf32, #tpu.memory_space<vmem>>[vector<16xi32>], vector<16xf32>,
      %mul3A_382 = arith.mulf %mul3A_380, %gather3A_381 : vector<16xf32>
      %swap3A_383 = arith.constant 64 : index
      %swap3A_384 = tpu.vector_load %arg10[%swap3A_383] {strides = array<i32>} : memref<128xf32, #tpu.memory_space<vmem>>, vector<16xf32>,
      tpu.vector_store %arg10[%swap3A_383], %mul3A_382 {strides = array<i32>} : memref<128xf32, #tpu.memory_space<vmem>>, vector<16xf32>,
      %get3A_385 = arith.constant 0 : i32
      %get3A_386 = arith.index_cast %get3A_385 : i32 to index
      %get3A_387 = arith.constant 80 : index
      %get3A_388 = tpu.vector_load %arg8[%get3A_386, %get3A_387] {strides = array<i32>} : memref<3x128xi32, #tpu.memory_space<vmem>>, vector<16xi32>,
      %get3A_389 = arith.constant 1 : i32
      %get3A_390 = arith.index_cast %get3A_389 : i32 to index
      %get3A_391 = arith.constant 80 : index
      %get3A_392 = tpu.vector_load %arg8[%get3A_390, %get3A_391] {strides = array<i32>} : memref<3x128xi32, #tpu.memory_space<vmem>>, vector<16xi32>,
      %get3A_393 = arith.constant 2 : i32
      %get3A_394 = arith.index_cast %get3A_393 : i32 to index
      %get3A_395 = arith.constant 80 : index
      %get3A_396 = tpu.vector_load %arg8[%get3A_394, %get3A_395] {strides = array<i32>} : memref<3x128xi32, #tpu.memory_space<vmem>>, vector<16xi32>,
      %bitcast_convert_type3A_397 = tpu.bitcast %get3A_396 : vector<16xi32> -> vector<16xf32>
      %gather3A_398 = tpu.vector_load_idx %arg13[%get3A_388] : memref<10000xf32, #tpu.memory_space<vmem>>[vector<16xi32>], vector<16xf32>,
      %mul3A_399 = arith.mulf %gather3A_398, %bitcast_convert_type3A_397 : vector<16xf32>
      %gather3A_400 = tpu.vector_load_idx %arg13[%get3A_392] : memref<10000xf32, #tpu.memory_space<vmem>>[vector<16xi32>], vector<16xf32>,
      %mul3A_401 = arith.mulf %mul3A_399, %gather3A_400 : vector<16xf32>
      %swap3A_402 = arith.constant 80 : index
      %swap3A_403 = tpu.vector_load %arg10[%swap3A_402] {strides = array<i32>} : memref<128xf32, #tpu.memory_space<vmem>>, vector<16xf32>,
      tpu.vector_store %arg10[%swap3A_402], %mul3A_401 {strides = array<i32>} : memref<128xf32, #tpu.memory_space<vmem>>, vector<16xf32>,
      %get3A_404 = arith.constant 0 : i32
      %get3A_405 = arith.index_cast %get3A_404 : i32 to index
      %get3A_406 = arith.constant 96 : index
      %get3A_407 = tpu.vector_load %arg8[%get3A_405, %get3A_406] {strides = array<i32>} : memref<3x128xi32, #tpu.memory_space<vmem>>, vector<16xi32>,
      %get3A_408 = arith.constant 1 : i32
      %get3A_409 = arith.index_cast %get3A_408 : i32 to index
      %get3A_410 = arith.constant 96 : index
      %get3A_411 = tpu.vector_load %arg8[%get3A_409, %get3A_410] {strides = array<i32>} : memref<3x128xi32, #tpu.memory_space<vmem>>, vector<16xi32>,
      %get3A_412 = arith.constant 2 : i32
      %get3A_413 = arith.index_cast %get3A_412 : i32 to index
      %get3A_414 = arith.constant 96 : index
      %get3A_415 = tpu.vector_load %arg8[%get3A_413, %get3A_414] {strides = array<i32>} : memref<3x128xi32, #tpu.memory_space<vmem>>, vector<16xi32>,
      %bitcast_convert_type3A_416 = tpu.bitcast %get3A_415 : vector<16xi32> -> vector<16xf32>
      %gather3A_417 = tpu.vector_load_idx %arg13[%get3A_407] : memref<10000xf32, #tpu.memory_space<vmem>>[vector<16xi32>], vector<16xf32>,
      %mul3A_418 = arith.mulf %gather3A_417, %bitcast_convert_type3A_416 : vector<16xf32>
      %gather3A_419 = tpu.vector_load_idx %arg13[%get3A_411] : memref<10000xf32, #tpu.memory_space<vmem>>[vector<16xi32>], vector<16xf32>,
      %mul3A_420 = arith.mulf %mul3A_418, %gather3A_419 : vector<16xf32>
      %swap3A_421 = arith.constant 96 : index
      %swap3A_422 = tpu.vector_load %arg10[%swap3A_421] {strides = array<i32>} : memref<128xf32, #tpu.memory_space<vmem>>, vector<16xf32>,
      tpu.vector_store %arg10[%swap3A_421], %mul3A_420 {strides = array<i32>} : memref<128xf32, #tpu.memory_space<vmem>>, vector<16xf32>,
      %get3A_423 = arith.constant 0 : i32
      %get3A_424 = arith.index_cast %get3A_423 : i32 to index
      %get3A_425 = arith.constant 112 : index
      %get3A_426 = tpu.vector_load %arg8[%get3A_424, %get3A_425] {strides = array<i32>} : memref<3x128xi32, #tpu.memory_space<vmem>>, vector<16xi32>,
      %get3A_427 = arith.constant 1 : i32
      %get3A_428 = arith.index_cast %get3A_427 : i32 to index
      %get3A_429 = arith.constant 112 : index
      %get3A_430 = tpu.vector_load %arg8[%get3A_428, %get3A_429] {strides = array<i32>} : memref<3x128xi32, #tpu.memory_space<vmem>>, vector<16xi32>,
      %get3A_431 = arith.constant 2 : i32
      %get3A_432 = arith.index_cast %get3A_431 : i32 to index
      %get3A_433 = arith.constant 112 : index
      %get3A_434 = tpu.vector_load %arg8[%get3A_432, %get3A_433] {strides = array<i32>} : memref<3x128xi32, #tpu.memory_space<vmem>>, vector<16xi32>,
      %bitcast_convert_type3A_435 = tpu.bitcast %get3A_434 : vector<16xi32> -> vector<16xf32>
      %gather3A_436 = tpu.vector_load_idx %arg13[%get3A_426] : memref<10000xf32, #tpu.memory_space<vmem>>[vector<16xi32>], vector<16xf32>,
      %mul3A_437 = arith.mulf %gather3A_436, %bitcast_convert_type3A_435 : vector<16xf32>
      %gather3A_438 = tpu.vector_load_idx %arg13[%get3A_430] : memref<10000xf32, #tpu.memory_space<vmem>>[vector<16xi32>], vector<16xf32>,
      %mul3A_439 = arith.mulf %mul3A_437, %gather3A_438 : vector<16xf32>
      %swap3A_440 = arith.constant 112 : index
      %swap3A_441 = tpu.vector_load %arg10[%swap3A_440] {strides = array<i32>} : memref<128xf32, #tpu.memory_space<vmem>>, vector<16xf32>,
      tpu.vector_store %arg10[%swap3A_440], %mul3A_439 {strides = array<i32>} : memref<128xf32, #tpu.memory_space<vmem>>, vector<16xf32>,
      %ge3A_442 = arith.constant 1 : i32
      %ge3A_443 = arith.cmpi sge, %add3A_273, %ge3A_442 : i32
      %convert_element_type3A_444 = arith.extui %ge3A_443 : i1 to i32
      %cond3A_445 = arith.constant 0 : i32
      %cond3A_446 = arith.cmpi ne, %convert_element_type3A_444, %cond3A_445 : i32
      scf.if %cond3A_446 {
        %dma_wait3A_474 = arith.constant 1 : i32
        %dma_wait3A_475 = arith.constant 0 : i32
        %dma_wait3A_476 = tpu.memref_slice %arg7[%dma_wait3A_474, %dma_wait3A_475] : memref<3x128xi32, #tpu.memory_space<vmem>> -> memref<1x128xi32, #tpu.memory_space<vmem>>
        %dma_wait3A_477 = tpu.memref_squeeze %dma_wait3A_476 : memref<1x128xi32, #tpu.memory_space<vmem>> -> memref<128xi32, #tpu.memory_space<vmem>>
        %dma_wait3A_478 = arith.constant 0 : i32
        %dma_wait3A_479 = arith.constant 0 : i32
        %dma_wait3A_480 = tpu.memref_slice %arg15[%dma_wait3A_478, %dma_wait3A_479] : memref<10000x128xf32, #tpu.memory_space<vmem_shared>> -> memref<10000x128xf32, #tpu.memory_space<vmem_shared>>
        tpu.wait_indirect_dma semaphore(%arg19 : memref<!tpu.dma_semaphore, #tpu.memory_space<semaphore_mem>>) src(%arg11 : memref<128x128xf32, #tpu.memory_space<vmem>>) dst(%dma_wait3A_480 : memref<10000x128xf32, #tpu.memory_space<vmem_shared>>)
      } else {
      }
      %add3A_447 = arith.constant 1 : i32
      %add3A_448 = arith.addi %add3A_273, %add3A_447 : i32
      %lt3A_449 = arith.constant 82 : i32
      %lt3A_450 = arith.cmpi slt, %add3A_448, %lt3A_449 : i32
      %convert_element_type3A_451 = arith.extui %lt3A_450 : i1 to i32
      %cond3A_452 = arith.constant 0 : i32
      %cond3A_453 = arith.cmpi ne, %convert_element_type3A_451, %cond3A_452 : i32
      scf.if %cond3A_453 {
        %mul3A_474 = arith.constant 82 : i32
        %mul3A_475 = arith.muli %arg0, %mul3A_474 : i32
        %add3A_476 = arith.addi %mul3A_475, %add3A_273 : i32
        %add3A_477 = arith.constant 1 : i32
        %add3A_478 = arith.addi %add3A_476, %add3A_477 : i32
        %dma_start3A_479 = arith.constant 0 : i32
        %dma_start3A_480 = arith.constant 0 : i32
        %dma_start3A_481 = tpu.memref_slice %arg3[%arg1, %add3A_478, %dma_start3A_479, %dma_start3A_480] : memref<16x164x3x128xi32, #tpu.memory_space<hbm>> -> memref<1x1x3x128xi32, #tpu.memory_space<hbm>>
        %dma_start3A_482 = tpu.memref_squeeze %dma_start3A_481 : memref<1x1x3x128xi32, #tpu.memory_space<hbm>> -> memref<3x128xi32, #tpu.memory_space<hbm>>
        %dma_start3A_483 = arith.constant 0 : i32
        %dma_start3A_484 = arith.constant 0 : i32
        %dma_start3A_485 = tpu.memref_slice %arg3[%arg1, %add3A_478, %dma_start3A_483, %dma_start3A_484] : memref<16x164x3x128xi32, #tpu.memory_space<hbm>> -> memref<1x1x3x128xi32, #tpu.memory_space<hbm>>
        %dma_start3A_486 = tpu.memref_squeeze %dma_start3A_485 : memref<1x1x3x128xi32, #tpu.memory_space<hbm>> -> memref<3x128xi32, #tpu.memory_space<hbm>>
        tpu.enqueue_dma source(%dma_start3A_486 : memref<3x128xi32, #tpu.memory_space<hbm>>) target(%arg7 : memref<3x128xi32, #tpu.memory_space<vmem>>) target_semaphore(%arg16 : memref<!tpu.dma_semaphore, #tpu.memory_space<semaphore_mem>>)
      } else {
      }
      %dma_wait3A_454 = arith.constant 0 : i32
      %dma_wait3A_455 = arith.constant 0 : i32
      %dma_wait3A_456 = tpu.memref_slice %arg8[%dma_wait3A_454, %dma_wait3A_455] : memref<3x128xi32, #tpu.memory_space<vmem>> -> memref<1x128xi32, #tpu.memory_space<vmem>>
      %dma_wait3A_457 = tpu.memref_squeeze %dma_wait3A_456 : memref<1x128xi32, #tpu.memory_space<vmem>> -> memref<128xi32, #tpu.memory_space<vmem>>
      %dma_wait3A_458 = arith.constant 0 : i32
      %dma_wait3A_459 = arith.constant 0 : i32
      %dma_wait3A_460 = tpu.memref_slice %arg2[%dma_wait3A_458, %dma_wait3A_459] : memref<10000x128xf32, #tpu.memory_space<hbm>> -> memref<10000x128xf32, #tpu.memory_space<hbm>>
      tpu.wait_indirect_dma semaphore(%arg18 : memref<!tpu.dma_semaphore, #tpu.memory_space<semaphore_mem>>) src(%dma_wait3A_460 : memref<10000x128xf32, #tpu.memory_space<hbm>>) dst(%arg12 : memref<128x128xf32, #tpu.memory_space<vmem>>)
      %scan3A_461 = arith.constant 0 : i32
      %scan3A_462 = arith.constant 0 : i32
      %scan3A_463 = arith.constant 8 : i32
      %scan3A_464 = arith.addi %scan3A_462, %scan3A_463 : i32
      %scan3A_465 = arith.constant 1 : i32
      scf.for %scan3A_474 = %scan3A_462 to %scan3A_464 step %scan3A_465  : i32 {
        %mul3A_475 = arith.constant 16 : i32
        %mul3A_476 = arith.muli %scan3A_474, %mul3A_475 : i32
        %get3A_477 = arith.index_cast %mul3A_476 : i32 to index
        %get3A_478 = tpu.vector_load %arg10[%get3A_477] {strides = array<i32>} : memref<128xf32, #tpu.memory_space<vmem>>, vector<16xf32>,
        %slice3A = vector.extract_strided_slice %get3A_478 {offsets = [0], sizes = [1], strides = [1]} : vector<16xf32> to vector<1xf32>
        %squeeze3A = vector.extract %slice3A[0] : f32 from vector<1xf32>
        %mul3A_479 = arith.constant 16 : i32
        %mul3A_480 = arith.muli %scan3A_474, %mul3A_479 : i32
        %add3A_481 = arith.constant 0 : i32
        %add3A_482 = arith.addi %mul3A_480, %add3A_481 : i32
        %get3A_483 = arith.index_cast %add3A_482 : i32 to index
        %get3A_484 = arith.constant 0 : index
        %get3A_485 = tpu.vector_load %arg12[%get3A_483, %get3A_484] {strides = array<i32>} : memref<128x128xf32, #tpu.memory_space<vmem>>, vector<16xf32>,
        %mul3A_486 = vector.broadcast %squeeze3A : f32 to vector<16xf32>
        %mul3A_487 = arith.mulf %get3A_485, %mul3A_486 : vector<16xf32>
        %swap3A_488 = arith.index_cast %add3A_482 : i32 to index
        %swap3A_489 = arith.constant 0 : index
        %swap3A_490 = tpu.vector_load %arg12[%swap3A_488, %swap3A_489] {strides = array<i32>} : memref<128x128xf32, #tpu.memory_space<vmem>>, vector<16xf32>,
        tpu.vector_store %arg12[%swap3A_488, %swap3A_489], %mul3A_487 {strides = array<i32>} : memref<128x128xf32, #tpu.memory_space<vmem>>, vector<16xf32>,
        %get3A_491 = arith.index_cast %add3A_482 : i32 to index
        %get3A_492 = arith.constant 16 : index
        %get3A_493 = tpu.vector_load %arg12[%get3A_491, %get3A_492] {strides = array<i32>} : memref<128x128xf32, #tpu.memory_space<vmem>>, vector<16xf32>,
        %mul3A_494 = vector.broadcast %squeeze3A : f32 to vector<16xf32>
        %mul3A_495 = arith.mulf %get3A_493, %mul3A_494 : vector<16xf32>
        %swap3A_496 = arith.index_cast %add3A_482 : i32 to index
        %swap3A_497 = arith.constant 16 : index
        %swap3A_498 = tpu.vector_load %arg12[%swap3A_496, %swap3A_497] {strides = array<i32>} : memref<128x128xf32, #tpu.memory_space<vmem>>, vector<16xf32>,
        tpu.vector_store %arg12[%swap3A_496, %swap3A_497], %mul3A_495 {strides = array<i32>} : memref<128x128xf32, #tpu.memory_space<vmem>>, vector<16xf32>,
        %get3A_499 = arith.index_cast %add3A_482 : i32 to index
        %get3A_500 = arith.constant 32 : index
        %get3A_501 = tpu.vector_load %arg12[%get3A_499, %get3A_500] {strides = array<i32>} : memref<128x128xf32, #tpu.memory_space<vmem>>, vector<16xf32>,
        %mul3A_502 = vector.broadcast %squeeze3A : f32 to vector<16xf32>
        %mul3A_503 = arith.mulf %get3A_501, %mul3A_502 : vector<16xf32>
        %swap3A_504 = arith.index_cast %add3A_482 : i32 to index
        %swap3A_505 = arith.constant 32 : index
        %swap3A_506 = tpu.vector_load %arg12[%swap3A_504, %swap3A_505] {strides = array<i32>} : memref<128x128xf32, #tpu.memory_space<vmem>>, vector<16xf32>,
        tpu.vector_store %arg12[%swap3A_504, %swap3A_505], %mul3A_503 {strides = array<i32>} : memref<128x128xf32, #tpu.memory_space<vmem>>, vector<16xf32>,
        %get3A_507 = arith.index_cast %add3A_482 : i32 to index
        %get3A_508 = arith.constant 48 : index
        %get3A_509 = tpu.vector_load %arg12[%get3A_507, %get3A_508] {strides = array<i32>} : memref<128x128xf32, #tpu.memory_space<vmem>>, vector<16xf32>,
        %mul3A_510 = vector.broadcast %squeeze3A : f32 to vector<16xf32>
        %mul3A_511 = arith.mulf %get3A_509, %mul3A_510 : vector<16xf32>
        %swap3A_512 = arith.index_cast %add3A_482 : i32 to index
        %swap3A_513 = arith.constant 48 : index
        %swap3A_514 = tpu.vector_load %arg12[%swap3A_512, %swap3A_513] {strides = array<i32>} : memref<128x128xf32, #tpu.memory_space<vmem>>, vector<16xf32>,
        tpu.vector_store %arg12[%swap3A_512, %swap3A_513], %mul3A_511 {strides = array<i32>} : memref<128x128xf32, #tpu.memory_space<vmem>>, vector<16xf32>,
        %get3A_515 = arith.index_cast %add3A_482 : i32 to index
        %get3A_516 = arith.constant 64 : index
        %get3A_517 = tpu.vector_load %arg12[%get3A_515, %get3A_516] {strides = array<i32>} : memref<128x128xf32, #tpu.memory_space<vmem>>, vector<16xf32>,
        %mul3A_518 = vector.broadcast %squeeze3A : f32 to vector<16xf32>
        %mul3A_519 = arith.mulf %get3A_517, %mul3A_518 : vector<16xf32>
        %swap3A_520 = arith.index_cast %add3A_482 : i32 to index
        %swap3A_521 = arith.constant 64 : index
        %swap3A_522 = tpu.vector_load %arg12[%swap3A_520, %swap3A_521] {strides = array<i32>} : memref<128x128xf32, #tpu.memory_space<vmem>>, vector<16xf32>,
        tpu.vector_store %arg12[%swap3A_520, %swap3A_521], %mul3A_519 {strides = array<i32>} : memref<128x128xf32, #tpu.memory_space<vmem>>, vector<16xf32>,
        %get3A_523 = arith.index_cast %add3A_482 : i32 to index
        %get3A_524 = arith.constant 80 : index
        %get3A_525 = tpu.vector_load %arg12[%get3A_523, %get3A_524] {strides = array<i32>} : memref<128x128xf32, #tpu.memory_space<vmem>>, vector<16xf32>,
        %mul3A_526 = vector.broadcast %squeeze3A : f32 to vector<16xf32>
        %mul3A_527 = arith.mulf %get3A_525, %mul3A_526 : vector<16xf32>
        %swap3A_528 = arith.index_cast %add3A_482 : i32 to index
        %swap3A_529 = arith.constant 80 : index
        %swap3A_530 = tpu.vector_load %arg12[%swap3A_528, %swap3A_529] {strides = array<i32>} : memref<128x128xf32, #tpu.memory_space<vmem>>, vector<16xf32>,
        tpu.vector_store %arg12[%swap3A_528, %swap3A_529], %mul3A_527 {strides = array<i32>} : memref<128x128xf32, #tpu.memory_space<vmem>>, vector<16xf32>,
        %get3A_531 = arith.index_cast %add3A_482 : i32 to index
        %get3A_532 = arith.constant 96 : index
        %get3A_533 = tpu.vector_load %arg12[%get3A_531, %get3A_532] {strides = array<i32>} : memref<128x128xf32, #tpu.memory_space<vmem>>, vector<16xf32>,
        %mul3A_534 = vector.broadcast %squeeze3A : f32 to vector<16xf32>
        %mul3A_535 = arith.mulf %get3A_533, %mul3A_534 : vector<16xf32>
        %swap3A_536 = arith.index_cast %add3A_482 : i32 to index
        %swap3A_537 = arith.constant 96 : index
        %swap3A_538 = tpu.vector_load %arg12[%swap3A_536, %swap3A_537] {strides = array<i32>} : memref<128x128xf32, #tpu.memory_space<vmem>>, vector<16xf32>,
        tpu.vector_store %arg12[%swap3A_536, %swap3A_537], %mul3A_535 {strides = array<i32>} : memref<128x128xf32, #tpu.memory_space<vmem>>, vector<16xf32>,
        %get3A_539 = arith.index_cast %add3A_482 : i32 to index
        %get3A_540 = arith.constant 112 : index
        %get3A_541 = tpu.vector_load %arg12[%get3A_539, %get3A_540] {strides = array<i32>} : memref<128x128xf32, #tpu.memory_space<vmem>>, vector<16xf32>,
        %mul3A_542 = vector.broadcast %squeeze3A : f32 to vector<16xf32>
        %mul3A_543 = arith.mulf %get3A_541, %mul3A_542 : vector<16xf32>
        %swap3A_544 = arith.index_cast %add3A_482 : i32 to index
        %swap3A_545 = arith.constant 112 : index
        %swap3A_546 = tpu.vector_load %arg12[%swap3A_544, %swap3A_545] {strides = array<i32>} : memref<128x128xf32, #tpu.memory_space<vmem>>, vector<16xf32>,
        tpu.vector_store %arg12[%swap3A_544, %swap3A_545], %mul3A_543 {strides = array<i32>} : memref<128x128xf32, #tpu.memory_space<vmem>>, vector<16xf32>,
        %slice3A_547 = vector.extract_strided_slice %get3A_478 {offsets = [1], sizes = [1], strides = [1]} : vector<16xf32> to vector<1xf32>
        %squeeze3A_548 = vector.extract %slice3A_547[0] : f32 from vector<1xf32>
        %mul3A_549 = arith.constant 16 : i32
        %mul3A_550 = arith.muli %scan3A_474, %mul3A_549 : i32
        %add3A_551 = arith.constant 1 : i32
        %add3A_552 = arith.addi %mul3A_550, %add3A_551 : i32
        %get3A_553 = arith.index_cast %add3A_552 : i32 to index
        %get3A_554 = arith.constant 0 : index
        %get3A_555 = tpu.vector_load %arg12[%get3A_553, %get3A_554] {strides = array<i32>} : memref<128x128xf32, #tpu.memory_space<vmem>>, vector<16xf32>,
        %mul3A_556 = vector.broadcast %squeeze3A_548 : f32 to vector<16xf32>
        %mul3A_557 = arith.mulf %get3A_555, %mul3A_556 : vector<16xf32>
        %swap3A_558 = arith.index_cast %add3A_552 : i32 to index
        %swap3A_559 = arith.constant 0 : index
        %swap3A_560 = tpu.vector_load %arg12[%swap3A_558, %swap3A_559] {strides = array<i32>} : memref<128x128xf32, #tpu.memory_space<vmem>>, vector<16xf32>,
        tpu.vector_store %arg12[%swap3A_558, %swap3A_559], %mul3A_557 {strides = array<i32>} : memref<128x128xf32, #tpu.memory_space<vmem>>, vector<16xf32>,
        %get3A_561 = arith.index_cast %add3A_552 : i32 to index
        %get3A_562 = arith.constant 16 : index
        %get3A_563 = tpu.vector_load %arg12[%get3A_561, %get3A_562] {strides = array<i32>} : memref<128x128xf32, #tpu.memory_space<vmem>>, vector<16xf32>,
        %mul3A_564 = vector.broadcast %squeeze3A_548 : f32 to vector<16xf32>
        %mul3A_565 = arith.mulf %get3A_563, %mul3A_564 : vector<16xf32>
        %swap3A_566 = arith.index_cast %add3A_552 : i32 to index
        %swap3A_567 = arith.constant 16 : index
        %swap3A_568 = tpu.vector_load %arg12[%swap3A_566, %swap3A_567] {strides = array<i32>} : memref<128x128xf32, #tpu.memory_space<vmem>>, vector<16xf32>,
        tpu.vector_store %arg12[%swap3A_566, %swap3A_567], %mul3A_565 {strides = array<i32>} : memref<128x128xf32, #tpu.memory_space<vmem>>, vector<16xf32>,
        %get3A_569 = arith.index_cast %add3A_552 : i32 to index
        %get3A_570 = arith.constant 32 : index
        %get3A_571 = tpu.vector_load %arg12[%get3A_569, %get3A_570] {strides = array<i32>} : memref<128x128xf32, #tpu.memory_space<vmem>>, vector<16xf32>,
        %mul3A_572 = vector.broadcast %squeeze3A_548 : f32 to vector<16xf32>
        %mul3A_573 = arith.mulf %get3A_571, %mul3A_572 : vector<16xf32>
        %swap3A_574 = arith.index_cast %add3A_552 : i32 to index
        %swap3A_575 = arith.constant 32 : index
        %swap3A_576 = tpu.vector_load %arg12[%swap3A_574, %swap3A_575] {strides = array<i32>} : memref<128x128xf32, #tpu.memory_space<vmem>>, vector<16xf32>,
        tpu.vector_store %arg12[%swap3A_574, %swap3A_575], %mul3A_573 {strides = array<i32>} : memref<128x128xf32, #tpu.memory_space<vmem>>, vector<16xf32>,
        %get3A_577 = arith.index_cast %add3A_552 : i32 to index
        %get3A_578 = arith.constant 48 : index
        %get3A_579 = tpu.vector_load %arg12[%get3A_577, %get3A_578] {strides = array<i32>} : memref<128x128xf32, #tpu.memory_space<vmem>>, vector<16xf32>,
        %mul3A_580 = vector.broadcast %squeeze3A_548 : f32 to vector<16xf32>
        %mul3A_581 = arith.mulf %get3A_579, %mul3A_580 : vector<16xf32>
        %swap3A_582 = arith.index_cast %add3A_552 : i32 to index
        %swap3A_583 = arith.constant 48 : index
        %swap3A_584 = tpu.vector_load %arg12[%swap3A_582, %swap3A_583] {strides = array<i32>} : memref<128x128xf32, #tpu.memory_space<vmem>>, vector<16xf32>,
        tpu.vector_store %arg12[%swap3A_582, %swap3A_583], %mul3A_581 {strides = array<i32>} : memref<128x128xf32, #tpu.memory_space<vmem>>, vector<16xf32>,
        %get3A_585 = arith.index_cast %add3A_552 : i32 to index
        %get3A_586 = arith.constant 64 : index
        %get3A_587 = tpu.vector_load %arg12[%get3A_585, %get3A_586] {strides = array<i32>} : memref<128x128xf32, #tpu.memory_space<vmem>>, vector<16xf32>,
        %mul3A_588 = vector.broadcast %squeeze3A_548 : f32 to vector<16xf32>
        %mul3A_589 = arith.mulf %get3A_587, %mul3A_588 : vector<16xf32>
        %swap3A_590 = arith.index_cast %add3A_552 : i32 to index
        %swap3A_591 = arith.constant 64 : index
        %swap3A_592 = tpu.vector_load %arg12[%swap3A_590, %swap3A_591] {strides = array<i32>} : memref<128x128xf32, #tpu.memory_space<vmem>>, vector<16xf32>,
        tpu.vector_store %arg12[%swap3A_590, %swap3A_591], %mul3A_589 {strides = array<i32>} : memref<128x128xf32, #tpu.memory_space<vmem>>, vector<16xf32>,
        %get3A_593 = arith.index_cast %add3A_552 : i32 to index
        %get3A_594 = arith.constant 80 : index
        %get3A_595 = tpu.vector_load %arg12[%get3A_593, %get3A_594] {strides = array<i32>} : memref<128x128xf32, #tpu.memory_space<vmem>>, vector<16xf32>,
        %mul3A_596 = vector.broadcast %squeeze3A_548 : f32 to vector<16xf32>
        %mul3A_597 = arith.mulf %get3A_595, %mul3A_596 : vector<16xf32>
        %swap3A_598 = arith.index_cast %add3A_552 : i32 to index
        %swap3A_599 = arith.constant 80 : index
        %swap3A_600 = tpu.vector_load %arg12[%swap3A_598, %swap3A_599] {strides = array<i32>} : memref<128x128xf32, #tpu.memory_space<vmem>>, vector<16xf32>,
        tpu.vector_store %arg12[%swap3A_598, %swap3A_599], %mul3A_597 {strides = array<i32>} : memref<128x128xf32, #tpu.memory_space<vmem>>, vector<16xf32>,
        %get3A_601 = arith.index_cast %add3A_552 : i32 to index
        %get3A_602 = arith.constant 96 : index
        %get3A_603 = tpu.vector_load %arg12[%get3A_601, %get3A_602] {strides = array<i32>} : memref<128x128xf32, #tpu.memory_space<vmem>>, vector<16xf32>,
        %mul3A_604 = vector.broadcast %squeeze3A_548 : f32 to vector<16xf32>
        %mul3A_605 = arith.mulf %get3A_603, %mul3A_604 : vector<16xf32>
        %swap3A_606 = arith.index_cast %add3A_552 : i32 to index
        %swap3A_607 = arith.constant 96 : index
        %swap3A_608 = tpu.vector_load %arg12[%swap3A_606, %swap3A_607] {strides = array<i32>} : memref<128x128xf32, #tpu.memory_space<vmem>>, vector<16xf32>,
        tpu.vector_store %arg12[%swap3A_606, %swap3A_607], %mul3A_605 {strides = array<i32>} : memref<128x128xf32, #tpu.memory_space<vmem>>, vector<16xf32>,
        %get3A_609 = arith.index_cast %add3A_552 : i32 to index
        %get3A_610 = arith.constant 112 : index
        %get3A_611 = tpu.vector_load %arg12[%get3A_609, %get3A_610] {strides = array<i32>} : memref<128x128xf32, #tpu.memory_space<vmem>>, vector<16xf32>,
        %mul3A_612 = vector.broadcast %squeeze3A_548 : f32 to vector<16xf32>
        %mul3A_613 = arith.mulf %get3A_611, %mul3A_612 : vector<16xf32>
        %swap3A_614 = arith.index_cast %add3A_552 : i32 to index
        %swap3A_615 = arith.constant 112 : index
        %swap3A_616 = tpu.vector_load %arg12[%swap3A_614, %swap3A_615] {strides = array<i32>} : memref<128x128xf32, #tpu.memory_space<vmem>>, vector<16xf32>,
        tpu.vector_store %arg12[%swap3A_614, %swap3A_615], %mul3A_613 {strides = array<i32>} : memref<128x128xf32, #tpu.memory_space<vmem>>, vector<16xf32>,
        %slice3A_617 = vector.extract_strided_slice %get3A_478 {offsets = [2], sizes = [1], strides = [1]} : vector<16xf32> to vector<1xf32>
        %squeeze3A_618 = vector.extract %slice3A_617[0] : f32 from vector<1xf32>
        %mul3A_619 = arith.constant 16 : i32
        %mul3A_620 = arith.muli %scan3A_474, %mul3A_619 : i32
        %add3A_621 = arith.constant 2 : i32
        %add3A_622 = arith.addi %mul3A_620, %add3A_621 : i32
        %get3A_623 = arith.index_cast %add3A_622 : i32 to index
        %get3A_624 = arith.constant 0 : index
        %get3A_625 = tpu.vector_load %arg12[%get3A_623, %get3A_624] {strides = array<i32>} : memref<128x128xf32, #tpu.memory_space<vmem>>, vector<16xf32>,
        %mul3A_626 = vector.broadcast %squeeze3A_618 : f32 to vector<16xf32>
        %mul3A_627 = arith.mulf %get3A_625, %mul3A_626 : vector<16xf32>
        %swap3A_628 = arith.index_cast %add3A_622 : i32 to index
        %swap3A_629 = arith.constant 0 : index
        %swap3A_630 = tpu.vector_load %arg12[%swap3A_628, %swap3A_629] {strides = array<i32>} : memref<128x128xf32, #tpu.memory_space<vmem>>, vector<16xf32>,
        tpu.vector_store %arg12[%swap3A_628, %swap3A_629], %mul3A_627 {strides = array<i32>} : memref<128x128xf32, #tpu.memory_space<vmem>>, vector<16xf32>,
        %get3A_631 = arith.index_cast %add3A_622 : i32 to index
        %get3A_632 = arith.constant 16 : index
        %get3A_633 = tpu.vector_load %arg12[%get3A_631, %get3A_632] {strides = array<i32>} : memref<128x128xf32, #tpu.memory_space<vmem>>, vector<16xf32>,
        %mul3A_634 = vector.broadcast %squeeze3A_618 : f32 to vector<16xf32>
        %mul3A_635 = arith.mulf %get3A_633, %mul3A_634 : vector<16xf32>
        %swap3A_636 = arith.index_cast %add3A_622 : i32 to index
        %swap3A_637 = arith.constant 16 : index
        %swap3A_638 = tpu.vector_load %arg12[%swap3A_636, %swap3A_637] {strides = array<i32>} : memref<128x128xf32, #tpu.memory_space<vmem>>, vector<16xf32>,
        tpu.vector_store %arg12[%swap3A_636, %swap3A_637], %mul3A_635 {strides = array<i32>} : memref<128x128xf32, #tpu.memory_space<vmem>>, vector<16xf32>,
        %get3A_639 = arith.index_cast %add3A_622 : i32 to index
        %get3A_640 = arith.constant 32 : index
        %get3A_641 = tpu.vector_load %arg12[%get3A_639, %get3A_640] {strides = array<i32>} : memref<128x128xf32, #tpu.memory_space<vmem>>, vector<16xf32>,
        %mul3A_642 = vector.broadcast %squeeze3A_618 : f32 to vector<16xf32>
        %mul3A_643 = arith.mulf %get3A_641, %mul3A_642 : vector<16xf32>
        %swap3A_644 = arith.index_cast %add3A_622 : i32 to index
        %swap3A_645 = arith.constant 32 : index
        %swap3A_646 = tpu.vector_load %arg12[%swap3A_644, %swap3A_645] {strides = array<i32>} : memref<128x128xf32, #tpu.memory_space<vmem>>, vector<16xf32>,
        tpu.vector_store %arg12[%swap3A_644, %swap3A_645], %mul3A_643 {strides = array<i32>} : memref<128x128xf32, #tpu.memory_space<vmem>>, vector<16xf32>,
        %get3A_647 = arith.index_cast %add3A_622 : i32 to index
        %get3A_648 = arith.constant 48 : index
        %get3A_649 = tpu.vector_load %arg12[%get3A_647, %get3A_648] {strides = array<i32>} : memref<128x128xf32, #tpu.memory_space<vmem>>, vector<16xf32>,
        %mul3A_650 = vector.broadcast %squeeze3A_618 : f32 to vector<16xf32>
        %mul3A_651 = arith.mulf %get3A_649, %mul3A_650 : vector<16xf32>
        %swap3A_652 = arith.index_cast %add3A_622 : i32 to index
        %swap3A_653 = arith.constant 48 : index
        %swap3A_654 = tpu.vector_load %arg12[%swap3A_652, %swap3A_653] {strides = array<i32>} : memref<128x128xf32, #tpu.memory_space<vmem>>, vector<16xf32>,
        tpu.vector_store %arg12[%swap3A_652, %swap3A_653], %mul3A_651 {strides = array<i32>} : memref<128x128xf32, #tpu.memory_space<vmem>>, vector<16xf32>,
        %get3A_655 = arith.index_cast %add3A_622 : i32 to index
        %get3A_656 = arith.constant 64 : index
        %get3A_657 = tpu.vector_load %arg12[%get3A_655, %get3A_656] {strides = array<i32>} : memref<128x128xf32, #tpu.memory_space<vmem>>, vector<16xf32>,
        %mul3A_658 = vector.broadcast %squeeze3A_618 : f32 to vector<16xf32>
        %mul3A_659 = arith.mulf %get3A_657, %mul3A_658 : vector<16xf32>
        %swap3A_660 = arith.index_cast %add3A_622 : i32 to index
        %swap3A_661 = arith.constant 64 : index
        %swap3A_662 = tpu.vector_load %arg12[%swap3A_660, %swap3A_661] {strides = array<i32>} : memref<128x128xf32, #tpu.memory_space<vmem>>, vector<16xf32>,
        tpu.vector_store %arg12[%swap3A_660, %swap3A_661], %mul3A_659 {strides = array<i32>} : memref<128x128xf32, #tpu.memory_space<vmem>>, vector<16xf32>,
        %get3A_663 = arith.index_cast %add3A_622 : i32 to index
        %get3A_664 = arith.constant 80 : index
        %get3A_665 = tpu.vector_load %arg12[%get3A_663, %get3A_664] {strides = array<i32>} : memref<128x128xf32, #tpu.memory_space<vmem>>, vector<16xf32>,
        %mul3A_666 = vector.broadcast %squeeze3A_618 : f32 to vector<16xf32>
        %mul3A_667 = arith.mulf %get3A_665, %mul3A_666 : vector<16xf32>
        %swap3A_668 = arith.index_cast %add3A_622 : i32 to index
        %swap3A_669 = arith.constant 80 : index
        %swap3A_670 = tpu.vector_load %arg12[%swap3A_668, %swap3A_669] {strides = array<i32>} : memref<128x128xf32, #tpu.memory_space<vmem>>, vector<16xf32>,
        tpu.vector_store %arg12[%swap3A_668, %swap3A_669], %mul3A_667 {strides = array<i32>} : memref<128x128xf32, #tpu.memory_space<vmem>>, vector<16xf32>,
        %get3A_671 = arith.index_cast %add3A_622 : i32 to index
        %get3A_672 = arith.constant 96 : index
        %get3A_673 = tpu.vector_load %arg12[%get3A_671, %get3A_672] {strides = array<i32>} : memref<128x128xf32, #tpu.memory_space<vmem>>, vector<16xf32>,
        %mul3A_674 = vector.broadcast %squeeze3A_618 : f32 to vector<16xf32>
        %mul3A_675 = arith.mulf %get3A_673, %mul3A_674 : vector<16xf32>
        %swap3A_676 = arith.index_cast %add3A_622 : i32 to index
        %swap3A_677 = arith.constant 96 : index
        %swap3A_678 = tpu.vector_load %arg12[%swap3A_676, %swap3A_677] {strides = array<i32>} : memref<128x128xf32, #tpu.memory_space<vmem>>, vector<16xf32>,
        tpu.vector_store %arg12[%swap3A_676, %swap3A_677], %mul3A_675 {strides = array<i32>} : memref<128x128xf32, #tpu.memory_space<vmem>>, vector<16xf32>,
        %get3A_679 = arith.index_cast %add3A_622 : i32 to index
        %get3A_680 = arith.constant 112 : index
        %get3A_681 = tpu.vector_load %arg12[%get3A_679, %get3A_680] {strides = array<i32>} : memref<128x128xf32, #tpu.memory_space<vmem>>, vector<16xf32>,
        %mul3A_682 = vector.broadcast %squeeze3A_618 : f32 to vector<16xf32>
        %mul3A_683 = arith.mulf %get3A_681, %mul3A_682 : vector<16xf32>
        %swap3A_684 = arith.index_cast %add3A_622 : i32 to index
        %swap3A_685 = arith.constant 112 : index
        %swap3A_686 = tpu.vector_load %arg12[%swap3A_684, %swap3A_685] {strides = array<i32>} : memref<128x128xf32, #tpu.memory_space<vmem>>, vector<16xf32>,
        tpu.vector_store %arg12[%swap3A_684, %swap3A_685], %mul3A_683 {strides = array<i32>} : memref<128x128xf32, #tpu.memory_space<vmem>>, vector<16xf32>,
        %slice3A_687 = vector.extract_strided_slice %get3A_478 {offsets = [3], sizes = [1], strides = [1]} : vector<16xf32> to vector<1xf32>
        %squeeze3A_688 = vector.extract %slice3A_687[0] : f32 from vector<1xf32>
        %mul3A_689 = arith.constant 16 : i32
        %mul3A_690 = arith.muli %scan3A_474, %mul3A_689 : i32
        %add3A_691 = arith.constant 3 : i32
        %add3A_692 = arith.addi %mul3A_690, %add3A_691 : i32
        %get3A_693 = arith.index_cast %add3A_692 : i32 to index
        %get3A_694 = arith.constant 0 : index
        %get3A_695 = tpu.vector_load %arg12[%get3A_693, %get3A_694] {strides = array<i32>} : memref<128x128xf32, #tpu.memory_space<vmem>>, vector<16xf32>,
        %mul3A_696 = vector.broadcast %squeeze3A_688 : f32 to vector<16xf32>
        %mul3A_697 = arith.mulf %get3A_695, %mul3A_696 : vector<16xf32>
        %swap3A_698 = arith.index_cast %add3A_692 : i32 to index
        %swap3A_699 = arith.constant 0 : index
        %swap3A_700 = tpu.vector_load %arg12[%swap3A_698, %swap3A_699] {strides = array<i32>} : memref<128x128xf32, #tpu.memory_space<vmem>>, vector<16xf32>,
        tpu.vector_store %arg12[%swap3A_698, %swap3A_699], %mul3A_697 {strides = array<i32>} : memref<128x128xf32, #tpu.memory_space<vmem>>, vector<16xf32>,
        %get3A_701 = arith.index_cast %add3A_692 : i32 to index
        %get3A_702 = arith.constant 16 : index
        %get3A_703 = tpu.vector_load %arg12[%get3A_701, %get3A_702] {strides = array<i32>} : memref<128x128xf32, #tpu.memory_space<vmem>>, vector<16xf32>,
        %mul3A_704 = vector.broadcast %squeeze3A_688 : f32 to vector<16xf32>
        %mul3A_705 = arith.mulf %get3A_703, %mul3A_704 : vector<16xf32>
        %swap3A_706 = arith.index_cast %add3A_692 : i32 to index
        %swap3A_707 = arith.constant 16 : index
        %swap3A_708 = tpu.vector_load %arg12[%swap3A_706, %swap3A_707] {strides = array<i32>} : memref<128x128xf32, #tpu.memory_space<vmem>>, vector<16xf32>,
        tpu.vector_store %arg12[%swap3A_706, %swap3A_707], %mul3A_705 {strides = array<i32>} : memref<128x128xf32, #tpu.memory_space<vmem>>, vector<16xf32>,
        %get3A_709 = arith.index_cast %add3A_692 : i32 to index
        %get3A_710 = arith.constant 32 : index
        %get3A_711 = tpu.vector_load %arg12[%get3A_709, %get3A_710] {strides = array<i32>} : memref<128x128xf32, #tpu.memory_space<vmem>>, vector<16xf32>,
        %mul3A_712 = vector.broadcast %squeeze3A_688 : f32 to vector<16xf32>
        %mul3A_713 = arith.mulf %get3A_711, %mul3A_712 : vector<16xf32>
        %swap3A_714 = arith.index_cast %add3A_692 : i32 to index
        %swap3A_715 = arith.constant 32 : index
        %swap3A_716 = tpu.vector_load %arg12[%swap3A_714, %swap3A_715] {strides = array<i32>} : memref<128x128xf32, #tpu.memory_space<vmem>>, vector<16xf32>,
        tpu.vector_store %arg12[%swap3A_714, %swap3A_715], %mul3A_713 {strides = array<i32>} : memref<128x128xf32, #tpu.memory_space<vmem>>, vector<16xf32>,
        %get3A_717 = arith.index_cast %add3A_692 : i32 to index
        %get3A_718 = arith.constant 48 : index
        %get3A_719 = tpu.vector_load %arg12[%get3A_717, %get3A_718] {strides = array<i32>} : memref<128x128xf32, #tpu.memory_space<vmem>>, vector<16xf32>,
        %mul3A_720 = vector.broadcast %squeeze3A_688 : f32 to vector<16xf32>
        %mul3A_721 = arith.mulf %get3A_719, %mul3A_720 : vector<16xf32>
        %swap3A_722 = arith.index_cast %add3A_692 : i32 to index
        %swap3A_723 = arith.constant 48 : index
        %swap3A_724 = tpu.vector_load %arg12[%swap3A_722, %swap3A_723] {strides = array<i32>} : memref<128x128xf32, #tpu.memory_space<vmem>>, vector<16xf32>,
        tpu.vector_store %arg12[%swap3A_722, %swap3A_723], %mul3A_721 {strides = array<i32>} : memref<128x128xf32, #tpu.memory_space<vmem>>, vector<16xf32>,
        %get3A_725 = arith.index_cast %add3A_692 : i32 to index
        %get3A_726 = arith.constant 64 : index
        %get3A_727 = tpu.vector_load %arg12[%get3A_725, %get3A_726] {strides = array<i32>} : memref<128x128xf32, #tpu.memory_space<vmem>>, vector<16xf32>,
        %mul3A_728 = vector.broadcast %squeeze3A_688 : f32 to vector<16xf32>
        %mul3A_729 = arith.mulf %get3A_727, %mul3A_728 : vector<16xf32>
        %swap3A_730 = arith.index_cast %add3A_692 : i32 to index
        %swap3A_731 = arith.constant 64 : index
        %swap3A_732 = tpu.vector_load %arg12[%swap3A_730, %swap3A_731] {strides = array<i32>} : memref<128x128xf32, #tpu.memory_space<vmem>>, vector<16xf32>,
        tpu.vector_store %arg12[%swap3A_730, %swap3A_731], %mul3A_729 {strides = array<i32>} : memref<128x128xf32, #tpu.memory_space<vmem>>, vector<16xf32>,
        %get3A_733 = arith.index_cast %add3A_692 : i32 to index
        %get3A_734 = arith.constant 80 : index
        %get3A_735 = tpu.vector_load %arg12[%get3A_733, %get3A_734] {strides = array<i32>} : memref<128x128xf32, #tpu.memory_space<vmem>>, vector<16xf32>,
        %mul3A_736 = vector.broadcast %squeeze3A_688 : f32 to vector<16xf32>
        %mul3A_737 = arith.mulf %get3A_735, %mul3A_736 : vector<16xf32>
        %swap3A_738 = arith.index_cast %add3A_692 : i32 to index
        %swap3A_739 = arith.constant 80 : index
        %swap3A_740 = tpu.vector_load %arg12[%swap3A_738, %swap3A_739] {strides = array<i32>} : memref<128x128xf32, #tpu.memory_space<vmem>>, vector<16xf32>,
        tpu.vector_store %arg12[%swap3A_738, %swap3A_739], %mul3A_737 {strides = array<i32>} : memref<128x128xf32, #tpu.memory_space<vmem>>, vector<16xf32>,
        %get3A_741 = arith.index_cast %add3A_692 : i32 to index
        %get3A_742 = arith.constant 96 : index
        %get3A_743 = tpu.vector_load %arg12[%get3A_741, %get3A_742] {strides = array<i32>} : memref<128x128xf32, #tpu.memory_space<vmem>>, vector<16xf32>,
        %mul3A_744 = vector.broadcast %squeeze3A_688 : f32 to vector<16xf32>
        %mul3A_745 = arith.mulf %get3A_743, %mul3A_744 : vector<16xf32>
        %swap3A_746 = arith.index_cast %add3A_692 : i32 to index
        %swap3A_747 = arith.constant 96 : index
        %swap3A_748 = tpu.vector_load %arg12[%swap3A_746, %swap3A_747] {strides = array<i32>} : memref<128x128xf32, #tpu.memory_space<vmem>>, vector<16xf32>,
        tpu.vector_store %arg12[%swap3A_746, %swap3A_747], %mul3A_745 {strides = array<i32>} : memref<128x128xf32, #tpu.memory_space<vmem>>, vector<16xf32>,
        %get3A_749 = arith.index_cast %add3A_692 : i32 to index
        %get3A_750 = arith.constant 112 : index
        %get3A_751 = tpu.vector_load %arg12[%get3A_749, %get3A_750] {strides = array<i32>} : memref<128x128xf32, #tpu.memory_space<vmem>>, vector<16xf32>,
        %mul3A_752 = vector.broadcast %squeeze3A_688 : f32 to vector<16xf32>
        %mul3A_753 = arith.mulf %get3A_751, %mul3A_752 : vector<16xf32>
        %swap3A_754 = arith.index_cast %add3A_692 : i32 to index
        %swap3A_755 = arith.constant 112 : index
        %swap3A_756 = tpu.vector_load %arg12[%swap3A_754, %swap3A_755] {strides = array<i32>} : memref<128x128xf32, #tpu.memory_space<vmem>>, vector<16xf32>,
        tpu.vector_store %arg12[%swap3A_754, %swap3A_755], %mul3A_753 {strides = array<i32>} : memref<128x128xf32, #tpu.memory_space<vmem>>, vector<16xf32>,
        %slice3A_757 = vector.extract_strided_slice %get3A_478 {offsets = [4], sizes = [1], strides = [1]} : vector<16xf32> to vector<1xf32>
        %squeeze3A_758 = vector.extract %slice3A_757[0] : f32 from vector<1xf32>
        %mul3A_759 = arith.constant 16 : i32
        %mul3A_760 = arith.muli %scan3A_474, %mul3A_759 : i32
        %add3A_761 = arith.constant 4 : i32
        %add3A_762 = arith.addi %mul3A_760, %add3A_761 : i32
        %get3A_763 = arith.index_cast %add3A_762 : i32 to index
        %get3A_764 = arith.constant 0 : index
        %get3A_765 = tpu.vector_load %arg12[%get3A_763, %get3A_764] {strides = array<i32>} : memref<128x128xf32, #tpu.memory_space<vmem>>, vector<16xf32>,
        %mul3A_766 = vector.broadcast %squeeze3A_758 : f32 to vector<16xf32>
        %mul3A_767 = arith.mulf %get3A_765, %mul3A_766 : vector<16xf32>
        %swap3A_768 = arith.index_cast %add3A_762 : i32 to index
        %swap3A_769 = arith.constant 0 : index
        %swap3A_770 = tpu.vector_load %arg12[%swap3A_768, %swap3A_769] {strides = array<i32>} : memref<128x128xf32, #tpu.memory_space<vmem>>, vector<16xf32>,
        tpu.vector_store %arg12[%swap3A_768, %swap3A_769], %mul3A_767 {strides = array<i32>} : memref<128x128xf32, #tpu.memory_space<vmem>>, vector<16xf32>,
        %get3A_771 = arith.index_cast %add3A_762 : i32 to index
        %get3A_772 = arith.constant 16 : index
        %get3A_773 = tpu.vector_load %arg12[%get3A_771, %get3A_772] {strides = array<i32>} : memref<128x128xf32, #tpu.memory_space<vmem>>, vector<16xf32>,
        %mul3A_774 = vector.broadcast %squeeze3A_758 : f32 to vector<16xf32>
        %mul3A_775 = arith.mulf %get3A_773, %mul3A_774 : vector<16xf32>
        %swap3A_776 = arith.index_cast %add3A_762 : i32 to index
        %swap3A_777 = arith.constant 16 : index
        %swap3A_778 = tpu.vector_load %arg12[%swap3A_776, %swap3A_777] {strides = array<i32>} : memref<128x128xf32, #tpu.memory_space<vmem>>, vector<16xf32>,
        tpu.vector_store %arg12[%swap3A_776, %swap3A_777], %mul3A_775 {strides = array<i32>} : memref<128x128xf32, #tpu.memory_space<vmem>>, vector<16xf32>,
        %get3A_779 = arith.index_cast %add3A_762 : i32 to index
        %get3A_780 = arith.constant 32 : index
        %get3A_781 = tpu.vector_load %arg12[%get3A_779, %get3A_780] {strides = array<i32>} : memref<128x128xf32, #tpu.memory_space<vmem>>, vector<16xf32>,
        %mul3A_782 = vector.broadcast %squeeze3A_758 : f32 to vector<16xf32>
        %mul3A_783 = arith.mulf %get3A_781, %mul3A_782 : vector<16xf32>
        %swap3A_784 = arith.index_cast %add3A_762 : i32 to index
        %swap3A_785 = arith.constant 32 : index
        %swap3A_786 = tpu.vector_load %arg12[%swap3A_784, %swap3A_785] {strides = array<i32>} : memref<128x128xf32, #tpu.memory_space<vmem>>, vector<16xf32>,
        tpu.vector_store %arg12[%swap3A_784, %swap3A_785], %mul3A_783 {strides = array<i32>} : memref<128x128xf32, #tpu.memory_space<vmem>>, vector<16xf32>,
        %get3A_787 = arith.index_cast %add3A_762 : i32 to index
        %get3A_788 = arith.constant 48 : index
        %get3A_789 = tpu.vector_load %arg12[%get3A_787, %get3A_788] {strides = array<i32>} : memref<128x128xf32, #tpu.memory_space<vmem>>, vector<16xf32>,
        %mul3A_790 = vector.broadcast %squeeze3A_758 : f32 to vector<16xf32>
        %mul3A_791 = arith.mulf %get3A_789, %mul3A_790 : vector<16xf32>
        %swap3A_792 = arith.index_cast %add3A_762 : i32 to index
        %swap3A_793 = arith.constant 48 : index
        %swap3A_794 = tpu.vector_load %arg12[%swap3A_792, %swap3A_793] {strides = array<i32>} : memref<128x128xf32, #tpu.memory_space<vmem>>, vector<16xf32>,
        tpu.vector_store %arg12[%swap3A_792, %swap3A_793], %mul3A_791 {strides = array<i32>} : memref<128x128xf32, #tpu.memory_space<vmem>>, vector<16xf32>,
        %get3A_795 = arith.index_cast %add3A_762 : i32 to index
        %get3A_796 = arith.constant 64 : index
        %get3A_797 = tpu.vector_load %arg12[%get3A_795, %get3A_796] {strides = array<i32>} : memref<128x128xf32, #tpu.memory_space<vmem>>, vector<16xf32>,
        %mul3A_798 = vector.broadcast %squeeze3A_758 : f32 to vector<16xf32>
        %mul3A_799 = arith.mulf %get3A_797, %mul3A_798 : vector<16xf32>
        %swap3A_800 = arith.index_cast %add3A_762 : i32 to index
        %swap3A_801 = arith.constant 64 : index
        %swap3A_802 = tpu.vector_load %arg12[%swap3A_800, %swap3A_801] {strides = array<i32>} : memref<128x128xf32, #tpu.memory_space<vmem>>, vector<16xf32>,
        tpu.vector_store %arg12[%swap3A_800, %swap3A_801], %mul3A_799 {strides = array<i32>} : memref<128x128xf32, #tpu.memory_space<vmem>>, vector<16xf32>,
        %get3A_803 = arith.index_cast %add3A_762 : i32 to index
        %get3A_804 = arith.constant 80 : index
        %get3A_805 = tpu.vector_load %arg12[%get3A_803, %get3A_804] {strides = array<i32>} : memref<128x128xf32, #tpu.memory_space<vmem>>, vector<16xf32>,
        %mul3A_806 = vector.broadcast %squeeze3A_758 : f32 to vector<16xf32>
        %mul3A_807 = arith.mulf %get3A_805, %mul3A_806 : vector<16xf32>
        %swap3A_808 = arith.index_cast %add3A_762 : i32 to index
        %swap3A_809 = arith.constant 80 : index
        %swap3A_810 = tpu.vector_load %arg12[%swap3A_808, %swap3A_809] {strides = array<i32>} : memref<128x128xf32, #tpu.memory_space<vmem>>, vector<16xf32>,
        tpu.vector_store %arg12[%swap3A_808, %swap3A_809], %mul3A_807 {strides = array<i32>} : memref<128x128xf32, #tpu.memory_space<vmem>>, vector<16xf32>,
        %get3A_811 = arith.index_cast %add3A_762 : i32 to index
        %get3A_812 = arith.constant 96 : index
        %get3A_813 = tpu.vector_load %arg12[%get3A_811, %get3A_812] {strides = array<i32>} : memref<128x128xf32, #tpu.memory_space<vmem>>, vector<16xf32>,
        %mul3A_814 = vector.broadcast %squeeze3A_758 : f32 to vector<16xf32>
        %mul3A_815 = arith.mulf %get3A_813, %mul3A_814 : vector<16xf32>
        %swap3A_816 = arith.index_cast %add3A_762 : i32 to index
        %swap3A_817 = arith.constant 96 : index
        %swap3A_818 = tpu.vector_load %arg12[%swap3A_816, %swap3A_817] {strides = array<i32>} : memref<128x128xf32, #tpu.memory_space<vmem>>, vector<16xf32>,
        tpu.vector_store %arg12[%swap3A_816, %swap3A_817], %mul3A_815 {strides = array<i32>} : memref<128x128xf32, #tpu.memory_space<vmem>>, vector<16xf32>,
        %get3A_819 = arith.index_cast %add3A_762 : i32 to index
        %get3A_820 = arith.constant 112 : index
        %get3A_821 = tpu.vector_load %arg12[%get3A_819, %get3A_820] {strides = array<i32>} : memref<128x128xf32, #tpu.memory_space<vmem>>, vector<16xf32>,
        %mul3A_822 = vector.broadcast %squeeze3A_758 : f32 to vector<16xf32>
        %mul3A_823 = arith.mulf %get3A_821, %mul3A_822 : vector<16xf32>
        %swap3A_824 = arith.index_cast %add3A_762 : i32 to index
        %swap3A_825 = arith.constant 112 : index
        %swap3A_826 = tpu.vector_load %arg12[%swap3A_824, %swap3A_825] {strides = array<i32>} : memref<128x128xf32, #tpu.memory_space<vmem>>, vector<16xf32>,
        tpu.vector_store %arg12[%swap3A_824, %swap3A_825], %mul3A_823 {strides = array<i32>} : memref<128x128xf32, #tpu.memory_space<vmem>>, vector<16xf32>,
        %slice3A_827 = vector.extract_strided_slice %get3A_478 {offsets = [5], sizes = [1], strides = [1]} : vector<16xf32> to vector<1xf32>
        %squeeze3A_828 = vector.extract %slice3A_827[0] : f32 from vector<1xf32>
        %mul3A_829 = arith.constant 16 : i32
        %mul3A_830 = arith.muli %scan3A_474, %mul3A_829 : i32
        %add3A_831 = arith.constant 5 : i32
        %add3A_832 = arith.addi %mul3A_830, %add3A_831 : i32
        %get3A_833 = arith.index_cast %add3A_832 : i32 to index
        %get3A_834 = arith.constant 0 : index
        %get3A_835 = tpu.vector_load %arg12[%get3A_833, %get3A_834] {strides = array<i32>} : memref<128x128xf32, #tpu.memory_space<vmem>>, vector<16xf32>,
        %mul3A_836 = vector.broadcast %squeeze3A_828 : f32 to vector<16xf32>
        %mul3A_837 = arith.mulf %get3A_835, %mul3A_836 : vector<16xf32>
        %swap3A_838 = arith.index_cast %add3A_832 : i32 to index
        %swap3A_839 = arith.constant 0 : index
        %swap3A_840 = tpu.vector_load %arg12[%swap3A_838, %swap3A_839] {strides = array<i32>} : memref<128x128xf32, #tpu.memory_space<vmem>>, vector<16xf32>,
        tpu.vector_store %arg12[%swap3A_838, %swap3A_839], %mul3A_837 {strides = array<i32>} : memref<128x128xf32, #tpu.memory_space<vmem>>, vector<16xf32>,
        %get3A_841 = arith.index_cast %add3A_832 : i32 to index
        %get3A_842 = arith.constant 16 : index
        %get3A_843 = tpu.vector_load %arg12[%get3A_841, %get3A_842] {strides = array<i32>} : memref<128x128xf32, #tpu.memory_space<vmem>>, vector<16xf32>,
        %mul3A_844 = vector.broadcast %squeeze3A_828 : f32 to vector<16xf32>
        %mul3A_845 = arith.mulf %get3A_843, %mul3A_844 : vector<16xf32>
        %swap3A_846 = arith.index_cast %add3A_832 : i32 to index
        %swap3A_847 = arith.constant 16 : index
        %swap3A_848 = tpu.vector_load %arg12[%swap3A_846, %swap3A_847] {strides = array<i32>} : memref<128x128xf32, #tpu.memory_space<vmem>>, vector<16xf32>,
        tpu.vector_store %arg12[%swap3A_846, %swap3A_847], %mul3A_845 {strides = array<i32>} : memref<128x128xf32, #tpu.memory_space<vmem>>, vector<16xf32>,
        %get3A_849 = arith.index_cast %add3A_832 : i32 to index
        %get3A_850 = arith.constant 32 : index
        %get3A_851 = tpu.vector_load %arg12[%get3A_849, %get3A_850] {strides = array<i32>} : memref<128x128xf32, #tpu.memory_space<vmem>>, vector<16xf32>,
        %mul3A_852 = vector.broadcast %squeeze3A_828 : f32 to vector<16xf32>
        %mul3A_853 = arith.mulf %get3A_851, %mul3A_852 : vector<16xf32>
        %swap3A_854 = arith.index_cast %add3A_832 : i32 to index
        %swap3A_855 = arith.constant 32 : index
        %swap3A_856 = tpu.vector_load %arg12[%swap3A_854, %swap3A_855] {strides = array<i32>} : memref<128x128xf32, #tpu.memory_space<vmem>>, vector<16xf32>,
        tpu.vector_store %arg12[%swap3A_854, %swap3A_855], %mul3A_853 {strides = array<i32>} : memref<128x128xf32, #tpu.memory_space<vmem>>, vector<16xf32>,
        %get3A_857 = arith.index_cast %add3A_832 : i32 to index
        %get3A_858 = arith.constant 48 : index
        %get3A_859 = tpu.vector_load %arg12[%get3A_857, %get3A_858] {strides = array<i32>} : memref<128x128xf32, #tpu.memory_space<vmem>>, vector<16xf32>,
        %mul3A_860 = vector.broadcast %squeeze3A_828 : f32 to vector<16xf32>
        %mul3A_861 = arith.mulf %get3A_859, %mul3A_860 : vector<16xf32>
        %swap3A_862 = arith.index_cast %add3A_832 : i32 to index
        %swap3A_863 = arith.constant 48 : index
        %swap3A_864 = tpu.vector_load %arg12[%swap3A_862, %swap3A_863] {strides = array<i32>} : memref<128x128xf32, #tpu.memory_space<vmem>>, vector<16xf32>,
        tpu.vector_store %arg12[%swap3A_862, %swap3A_863], %mul3A_861 {strides = array<i32>} : memref<128x128xf32, #tpu.memory_space<vmem>>, vector<16xf32>,
        %get3A_865 = arith.index_cast %add3A_832 : i32 to index
        %get3A_866 = arith.constant 64 : index
        %get3A_867 = tpu.vector_load %arg12[%get3A_865, %get3A_866] {strides = array<i32>} : memref<128x128xf32, #tpu.memory_space<vmem>>, vector<16xf32>,
        %mul3A_868 = vector.broadcast %squeeze3A_828 : f32 to vector<16xf32>
        %mul3A_869 = arith.mulf %get3A_867, %mul3A_868 : vector<16xf32>
        %swap3A_870 = arith.index_cast %add3A_832 : i32 to index
        %swap3A_871 = arith.constant 64 : index
        %swap3A_872 = tpu.vector_load %arg12[%swap3A_870, %swap3A_871] {strides = array<i32>} : memref<128x128xf32, #tpu.memory_space<vmem>>, vector<16xf32>,
        tpu.vector_store %arg12[%swap3A_870, %swap3A_871], %mul3A_869 {strides = array<i32>} : memref<128x128xf32, #tpu.memory_space<vmem>>, vector<16xf32>,
        %get3A_873 = arith.index_cast %add3A_832 : i32 to index
        %get3A_874 = arith.constant 80 : index
        %get3A_875 = tpu.vector_load %arg12[%get3A_873, %get3A_874] {strides = array<i32>} : memref<128x128xf32, #tpu.memory_space<vmem>>, vector<16xf32>,
        %mul3A_876 = vector.broadcast %squeeze3A_828 : f32 to vector<16xf32>
        %mul3A_877 = arith.mulf %get3A_875, %mul3A_876 : vector<16xf32>
        %swap3A_878 = arith.index_cast %add3A_832 : i32 to index
        %swap3A_879 = arith.constant 80 : index
        %swap3A_880 = tpu.vector_load %arg12[%swap3A_878, %swap3A_879] {strides = array<i32>} : memref<128x128xf32, #tpu.memory_space<vmem>>, vector<16xf32>,
        tpu.vector_store %arg12[%swap3A_878, %swap3A_879], %mul3A_877 {strides = array<i32>} : memref<128x128xf32, #tpu.memory_space<vmem>>, vector<16xf32>,
        %get3A_881 = arith.index_cast %add3A_832 : i32 to index
        %get3A_882 = arith.constant 96 : index
        %get3A_883 = tpu.vector_load %arg12[%get3A_881, %get3A_882] {strides = array<i32>} : memref<128x128xf32, #tpu.memory_space<vmem>>, vector<16xf32>,
        %mul3A_884 = vector.broadcast %squeeze3A_828 : f32 to vector<16xf32>
        %mul3A_885 = arith.mulf %get3A_883, %mul3A_884 : vector<16xf32>
        %swap3A_886 = arith.index_cast %add3A_832 : i32 to index
        %swap3A_887 = arith.constant 96 : index
        %swap3A_888 = tpu.vector_load %arg12[%swap3A_886, %swap3A_887] {strides = array<i32>} : memref<128x128xf32, #tpu.memory_space<vmem>>, vector<16xf32>,
        tpu.vector_store %arg12[%swap3A_886, %swap3A_887], %mul3A_885 {strides = array<i32>} : memref<128x128xf32, #tpu.memory_space<vmem>>, vector<16xf32>,
        %get3A_889 = arith.index_cast %add3A_832 : i32 to index
        %get3A_890 = arith.constant 112 : index
        %get3A_891 = tpu.vector_load %arg12[%get3A_889, %get3A_890] {strides = array<i32>} : memref<128x128xf32, #tpu.memory_space<vmem>>, vector<16xf32>,
        %mul3A_892 = vector.broadcast %squeeze3A_828 : f32 to vector<16xf32>
        %mul3A_893 = arith.mulf %get3A_891, %mul3A_892 : vector<16xf32>
        %swap3A_894 = arith.index_cast %add3A_832 : i32 to index
        %swap3A_895 = arith.constant 112 : index
        %swap3A_896 = tpu.vector_load %arg12[%swap3A_894, %swap3A_895] {strides = array<i32>} : memref<128x128xf32, #tpu.memory_space<vmem>>, vector<16xf32>,
        tpu.vector_store %arg12[%swap3A_894, %swap3A_895], %mul3A_893 {strides = array<i32>} : memref<128x128xf32, #tpu.memory_space<vmem>>, vector<16xf32>,
        %slice3A_897 = vector.extract_strided_slice %get3A_478 {offsets = [6], sizes = [1], strides = [1]} : vector<16xf32> to vector<1xf32>
        %squeeze3A_898 = vector.extract %slice3A_897[0] : f32 from vector<1xf32>
        %mul3A_899 = arith.constant 16 : i32
        %mul3A_900 = arith.muli %scan3A_474, %mul3A_899 : i32
        %add3A_901 = arith.constant 6 : i32
        %add3A_902 = arith.addi %mul3A_900, %add3A_901 : i32
        %get3A_903 = arith.index_cast %add3A_902 : i32 to index
        %get3A_904 = arith.constant 0 : index
        %get3A_905 = tpu.vector_load %arg12[%get3A_903, %get3A_904] {strides = array<i32>} : memref<128x128xf32, #tpu.memory_space<vmem>>, vector<16xf32>,
        %mul3A_906 = vector.broadcast %squeeze3A_898 : f32 to vector<16xf32>
        %mul3A_907 = arith.mulf %get3A_905, %mul3A_906 : vector<16xf32>
        %swap3A_908 = arith.index_cast %add3A_902 : i32 to index
        %swap3A_909 = arith.constant 0 : index
        %swap3A_910 = tpu.vector_load %arg12[%swap3A_908, %swap3A_909] {strides = array<i32>} : memref<128x128xf32, #tpu.memory_space<vmem>>, vector<16xf32>,
        tpu.vector_store %arg12[%swap3A_908, %swap3A_909], %mul3A_907 {strides = array<i32>} : memref<128x128xf32, #tpu.memory_space<vmem>>, vector<16xf32>,
        %get3A_911 = arith.index_cast %add3A_902 : i32 to index
        %get3A_912 = arith.constant 16 : index
        %get3A_913 = tpu.vector_load %arg12[%get3A_911, %get3A_912] {strides = array<i32>} : memref<128x128xf32, #tpu.memory_space<vmem>>, vector<16xf32>,
        %mul3A_914 = vector.broadcast %squeeze3A_898 : f32 to vector<16xf32>
        %mul3A_915 = arith.mulf %get3A_913, %mul3A_914 : vector<16xf32>
        %swap3A_916 = arith.index_cast %add3A_902 : i32 to index
        %swap3A_917 = arith.constant 16 : index
        %swap3A_918 = tpu.vector_load %arg12[%swap3A_916, %swap3A_917] {strides = array<i32>} : memref<128x128xf32, #tpu.memory_space<vmem>>, vector<16xf32>,
        tpu.vector_store %arg12[%swap3A_916, %swap3A_917], %mul3A_915 {strides = array<i32>} : memref<128x128xf32, #tpu.memory_space<vmem>>, vector<16xf32>,
        %get3A_919 = arith.index_cast %add3A_902 : i32 to index
        %get3A_920 = arith.constant 32 : index
        %get3A_921 = tpu.vector_load %arg12[%get3A_919, %get3A_920] {strides = array<i32>} : memref<128x128xf32, #tpu.memory_space<vmem>>, vector<16xf32>,
        %mul3A_922 = vector.broadcast %squeeze3A_898 : f32 to vector<16xf32>
        %mul3A_923 = arith.mulf %get3A_921, %mul3A_922 : vector<16xf32>
        %swap3A_924 = arith.index_cast %add3A_902 : i32 to index
        %swap3A_925 = arith.constant 32 : index
        %swap3A_926 = tpu.vector_load %arg12[%swap3A_924, %swap3A_925] {strides = array<i32>} : memref<128x128xf32, #tpu.memory_space<vmem>>, vector<16xf32>,
        tpu.vector_store %arg12[%swap3A_924, %swap3A_925], %mul3A_923 {strides = array<i32>} : memref<128x128xf32, #tpu.memory_space<vmem>>, vector<16xf32>,
        %get3A_927 = arith.index_cast %add3A_902 : i32 to index
        %get3A_928 = arith.constant 48 : index
        %get3A_929 = tpu.vector_load %arg12[%get3A_927, %get3A_928] {strides = array<i32>} : memref<128x128xf32, #tpu.memory_space<vmem>>, vector<16xf32>,
        %mul3A_930 = vector.broadcast %squeeze3A_898 : f32 to vector<16xf32>
        %mul3A_931 = arith.mulf %get3A_929, %mul3A_930 : vector<16xf32>
        %swap3A_932 = arith.index_cast %add3A_902 : i32 to index
        %swap3A_933 = arith.constant 48 : index
        %swap3A_934 = tpu.vector_load %arg12[%swap3A_932, %swap3A_933] {strides = array<i32>} : memref<128x128xf32, #tpu.memory_space<vmem>>, vector<16xf32>,
        tpu.vector_store %arg12[%swap3A_932, %swap3A_933], %mul3A_931 {strides = array<i32>} : memref<128x128xf32, #tpu.memory_space<vmem>>, vector<16xf32>,
        %get3A_935 = arith.index_cast %add3A_902 : i32 to index
        %get3A_936 = arith.constant 64 : index
        %get3A_937 = tpu.vector_load %arg12[%get3A_935, %get3A_936] {strides = array<i32>} : memref<128x128xf32, #tpu.memory_space<vmem>>, vector<16xf32>,
        %mul3A_938 = vector.broadcast %squeeze3A_898 : f32 to vector<16xf32>
        %mul3A_939 = arith.mulf %get3A_937, %mul3A_938 : vector<16xf32>
        %swap3A_940 = arith.index_cast %add3A_902 : i32 to index
        %swap3A_941 = arith.constant 64 : index
        %swap3A_942 = tpu.vector_load %arg12[%swap3A_940, %swap3A_941] {strides = array<i32>} : memref<128x128xf32, #tpu.memory_space<vmem>>, vector<16xf32>,
        tpu.vector_store %arg12[%swap3A_940, %swap3A_941], %mul3A_939 {strides = array<i32>} : memref<128x128xf32, #tpu.memory_space<vmem>>, vector<16xf32>,
        %get3A_943 = arith.index_cast %add3A_902 : i32 to index
        %get3A_944 = arith.constant 80 : index
        %get3A_945 = tpu.vector_load %arg12[%get3A_943, %get3A_944] {strides = array<i32>} : memref<128x128xf32, #tpu.memory_space<vmem>>, vector<16xf32>,
        %mul3A_946 = vector.broadcast %squeeze3A_898 : f32 to vector<16xf32>
        %mul3A_947 = arith.mulf %get3A_945, %mul3A_946 : vector<16xf32>
        %swap3A_948 = arith.index_cast %add3A_902 : i32 to index
        %swap3A_949 = arith.constant 80 : index
        %swap3A_950 = tpu.vector_load %arg12[%swap3A_948, %swap3A_949] {strides = array<i32>} : memref<128x128xf32, #tpu.memory_space<vmem>>, vector<16xf32>,
        tpu.vector_store %arg12[%swap3A_948, %swap3A_949], %mul3A_947 {strides = array<i32>} : memref<128x128xf32, #tpu.memory_space<vmem>>, vector<16xf32>,
        %get3A_951 = arith.index_cast %add3A_902 : i32 to index
        %get3A_952 = arith.constant 96 : index
        %get3A_953 = tpu.vector_load %arg12[%get3A_951, %get3A_952] {strides = array<i32>} : memref<128x128xf32, #tpu.memory_space<vmem>>, vector<16xf32>,
        %mul3A_954 = vector.broadcast %squeeze3A_898 : f32 to vector<16xf32>
        %mul3A_955 = arith.mulf %get3A_953, %mul3A_954 : vector<16xf32>
        %swap3A_956 = arith.index_cast %add3A_902 : i32 to index
        %swap3A_957 = arith.constant 96 : index
        %swap3A_958 = tpu.vector_load %arg12[%swap3A_956, %swap3A_957] {strides = array<i32>} : memref<128x128xf32, #tpu.memory_space<vmem>>, vector<16xf32>,
        tpu.vector_store %arg12[%swap3A_956, %swap3A_957], %mul3A_955 {strides = array<i32>} : memref<128x128xf32, #tpu.memory_space<vmem>>, vector<16xf32>,
        %get3A_959 = arith.index_cast %add3A_902 : i32 to index
        %get3A_960 = arith.constant 112 : index
        %get3A_961 = tpu.vector_load %arg12[%get3A_959, %get3A_960] {strides = array<i32>} : memref<128x128xf32, #tpu.memory_space<vmem>>, vector<16xf32>,
        %mul3A_962 = vector.broadcast %squeeze3A_898 : f32 to vector<16xf32>
        %mul3A_963 = arith.mulf %get3A_961, %mul3A_962 : vector<16xf32>
        %swap3A_964 = arith.index_cast %add3A_902 : i32 to index
        %swap3A_965 = arith.constant 112 : index
        %swap3A_966 = tpu.vector_load %arg12[%swap3A_964, %swap3A_965] {strides = array<i32>} : memref<128x128xf32, #tpu.memory_space<vmem>>, vector<16xf32>,
        tpu.vector_store %arg12[%swap3A_964, %swap3A_965], %mul3A_963 {strides = array<i32>} : memref<128x128xf32, #tpu.memory_space<vmem>>, vector<16xf32>,
        %slice3A_967 = vector.extract_strided_slice %get3A_478 {offsets = [7], sizes = [1], strides = [1]} : vector<16xf32> to vector<1xf32>
        %squeeze3A_968 = vector.extract %slice3A_967[0] : f32 from vector<1xf32>
        %mul3A_969 = arith.constant 16 : i32
        %mul3A_970 = arith.muli %scan3A_474, %mul3A_969 : i32
        %add3A_971 = arith.constant 7 : i32
        %add3A_972 = arith.addi %mul3A_970, %add3A_971 : i32
        %get3A_973 = arith.index_cast %add3A_972 : i32 to index
        %get3A_974 = arith.constant 0 : index
        %get3A_975 = tpu.vector_load %arg12[%get3A_973, %get3A_974] {strides = array<i32>} : memref<128x128xf32, #tpu.memory_space<vmem>>, vector<16xf32>,
        %mul3A_976 = vector.broadcast %squeeze3A_968 : f32 to vector<16xf32>
        %mul3A_977 = arith.mulf %get3A_975, %mul3A_976 : vector<16xf32>
        %swap3A_978 = arith.index_cast %add3A_972 : i32 to index
        %swap3A_979 = arith.constant 0 : index
        %swap3A_980 = tpu.vector_load %arg12[%swap3A_978, %swap3A_979] {strides = array<i32>} : memref<128x128xf32, #tpu.memory_space<vmem>>, vector<16xf32>,
        tpu.vector_store %arg12[%swap3A_978, %swap3A_979], %mul3A_977 {strides = array<i32>} : memref<128x128xf32, #tpu.memory_space<vmem>>, vector<16xf32>,
        %get3A_981 = arith.index_cast %add3A_972 : i32 to index
        %get3A_982 = arith.constant 16 : index
        %get3A_983 = tpu.vector_load %arg12[%get3A_981, %get3A_982] {strides = array<i32>} : memref<128x128xf32, #tpu.memory_space<vmem>>, vector<16xf32>,
        %mul3A_984 = vector.broadcast %squeeze3A_968 : f32 to vector<16xf32>
        %mul3A_985 = arith.mulf %get3A_983, %mul3A_984 : vector<16xf32>
        %swap3A_986 = arith.index_cast %add3A_972 : i32 to index
        %swap3A_987 = arith.constant 16 : index
        %swap3A_988 = tpu.vector_load %arg12[%swap3A_986, %swap3A_987] {strides = array<i32>} : memref<128x128xf32, #tpu.memory_space<vmem>>, vector<16xf32>,
        tpu.vector_store %arg12[%swap3A_986, %swap3A_987], %mul3A_985 {strides = array<i32>} : memref<128x128xf32, #tpu.memory_space<vmem>>, vector<16xf32>,
        %get3A_989 = arith.index_cast %add3A_972 : i32 to index
        %get3A_990 = arith.constant 32 : index
        %get3A_991 = tpu.vector_load %arg12[%get3A_989, %get3A_990] {strides = array<i32>} : memref<128x128xf32, #tpu.memory_space<vmem>>, vector<16xf32>,
        %mul3A_992 = vector.broadcast %squeeze3A_968 : f32 to vector<16xf32>
        %mul3A_993 = arith.mulf %get3A_991, %mul3A_992 : vector<16xf32>
        %swap3A_994 = arith.index_cast %add3A_972 : i32 to index
        %swap3A_995 = arith.constant 32 : index
        %swap3A_996 = tpu.vector_load %arg12[%swap3A_994, %swap3A_995] {strides = array<i32>} : memref<128x128xf32, #tpu.memory_space<vmem>>, vector<16xf32>,
        tpu.vector_store %arg12[%swap3A_994, %swap3A_995], %mul3A_993 {strides = array<i32>} : memref<128x128xf32, #tpu.memory_space<vmem>>, vector<16xf32>,
        %get3A_997 = arith.index_cast %add3A_972 : i32 to index
        %get3A_998 = arith.constant 48 : index
        %get3A_999 = tpu.vector_load %arg12[%get3A_997, %get3A_998] {strides = array<i32>} : memref<128x128xf32, #tpu.memory_space<vmem>>, vector<16xf32>,
        %mul3A_1000 = vector.broadcast %squeeze3A_968 : f32 to vector<16xf32>
        %mul3A_1001 = arith.mulf %get3A_999, %mul3A_1000 : vector<16xf32>
        %swap3A_1002 = arith.index_cast %add3A_972 : i32 to index
        %swap3A_1003 = arith.constant 48 : index
        %swap3A_1004 = tpu.vector_load %arg12[%swap3A_1002, %swap3A_1003] {strides = array<i32>} : memref<128x128xf32, #tpu.memory_space<vmem>>, vector<16xf32>,
        tpu.vector_store %arg12[%swap3A_1002, %swap3A_1003], %mul3A_1001 {strides = array<i32>} : memref<128x128xf32, #tpu.memory_space<vmem>>, vector<16xf32>,
        %get3A_1005 = arith.index_cast %add3A_972 : i32 to index
        %get3A_1006 = arith.constant 64 : index
        %get3A_1007 = tpu.vector_load %arg12[%get3A_1005, %get3A_1006] {strides = array<i32>} : memref<128x128xf32, #tpu.memory_space<vmem>>, vector<16xf32>,
        %mul3A_1008 = vector.broadcast %squeeze3A_968 : f32 to vector<16xf32>
        %mul3A_1009 = arith.mulf %get3A_1007, %mul3A_1008 : vector<16xf32>
        %swap3A_1010 = arith.index_cast %add3A_972 : i32 to index
        %swap3A_1011 = arith.constant 64 : index
        %swap3A_1012 = tpu.vector_load %arg12[%swap3A_1010, %swap3A_1011] {strides = array<i32>} : memref<128x128xf32, #tpu.memory_space<vmem>>, vector<16xf32>,
        tpu.vector_store %arg12[%swap3A_1010, %swap3A_1011], %mul3A_1009 {strides = array<i32>} : memref<128x128xf32, #tpu.memory_space<vmem>>, vector<16xf32>,
        %get3A_1013 = arith.index_cast %add3A_972 : i32 to index
        %get3A_1014 = arith.constant 80 : index
        %get3A_1015 = tpu.vector_load %arg12[%get3A_1013, %get3A_1014] {strides = array<i32>} : memref<128x128xf32, #tpu.memory_space<vmem>>, vector<16xf32>,
        %mul3A_1016 = vector.broadcast %squeeze3A_968 : f32 to vector<16xf32>
        %mul3A_1017 = arith.mulf %get3A_1015, %mul3A_1016 : vector<16xf32>
        %swap3A_1018 = arith.index_cast %add3A_972 : i32 to index
        %swap3A_1019 = arith.constant 80 : index
        %swap3A_1020 = tpu.vector_load %arg12[%swap3A_1018, %swap3A_1019] {strides = array<i32>} : memref<128x128xf32, #tpu.memory_space<vmem>>, vector<16xf32>,
        tpu.vector_store %arg12[%swap3A_1018, %swap3A_1019], %mul3A_1017 {strides = array<i32>} : memref<128x128xf32, #tpu.memory_space<vmem>>, vector<16xf32>,
        %get3A_1021 = arith.index_cast %add3A_972 : i32 to index
        %get3A_1022 = arith.constant 96 : index
        %get3A_1023 = tpu.vector_load %arg12[%get3A_1021, %get3A_1022] {strides = array<i32>} : memref<128x128xf32, #tpu.memory_space<vmem>>, vector<16xf32>,
        %mul3A_1024 = vector.broadcast %squeeze3A_968 : f32 to vector<16xf32>
        %mul3A_1025 = arith.mulf %get3A_1023, %mul3A_1024 : vector<16xf32>
        %swap3A_1026 = arith.index_cast %add3A_972 : i32 to index
        %swap3A_1027 = arith.constant 96 : index
        %swap3A_1028 = tpu.vector_load %arg12[%swap3A_1026, %swap3A_1027] {strides = array<i32>} : memref<128x128xf32, #tpu.memory_space<vmem>>, vector<16xf32>,
        tpu.vector_store %arg12[%swap3A_1026, %swap3A_1027], %mul3A_1025 {strides = array<i32>} : memref<128x128xf32, #tpu.memory_space<vmem>>, vector<16xf32>,
        %get3A_1029 = arith.index_cast %add3A_972 : i32 to index
        %get3A_1030 = arith.constant 112 : index
        %get3A_1031 = tpu.vector_load %arg12[%get3A_1029, %get3A_1030] {strides = array<i32>} : memref<128x128xf32, #tpu.memory_space<vmem>>, vector<16xf32>,
        %mul3A_1032 = vector.broadcast %squeeze3A_968 : f32 to vector<16xf32>
        %mul3A_1033 = arith.mulf %get3A_1031, %mul3A_1032 : vector<16xf32>
        %swap3A_1034 = arith.index_cast %add3A_972 : i32 to index
        %swap3A_1035 = arith.constant 112 : index
        %swap3A_1036 = tpu.vector_load %arg12[%swap3A_1034, %swap3A_1035] {strides = array<i32>} : memref<128x128xf32, #tpu.memory_space<vmem>>, vector<16xf32>,
        tpu.vector_store %arg12[%swap3A_1034, %swap3A_1035], %mul3A_1033 {strides = array<i32>} : memref<128x128xf32, #tpu.memory_space<vmem>>, vector<16xf32>,
        %slice3A_1037 = vector.extract_strided_slice %get3A_478 {offsets = [8], sizes = [1], strides = [1]} : vector<16xf32> to vector<1xf32>
        %squeeze3A_1038 = vector.extract %slice3A_1037[0] : f32 from vector<1xf32>
        %mul3A_1039 = arith.constant 16 : i32
        %mul3A_1040 = arith.muli %scan3A_474, %mul3A_1039 : i32
        %add3A_1041 = arith.constant 8 : i32
        %add3A_1042 = arith.addi %mul3A_1040, %add3A_1041 : i32
        %get3A_1043 = arith.index_cast %add3A_1042 : i32 to index
        %get3A_1044 = arith.constant 0 : index
        %get3A_1045 = tpu.vector_load %arg12[%get3A_1043, %get3A_1044] {strides = array<i32>} : memref<128x128xf32, #tpu.memory_space<vmem>>, vector<16xf32>,
        %mul3A_1046 = vector.broadcast %squeeze3A_1038 : f32 to vector<16xf32>
        %mul3A_1047 = arith.mulf %get3A_1045, %mul3A_1046 : vector<16xf32>
        %swap3A_1048 = arith.index_cast %add3A_1042 : i32 to index
        %swap3A_1049 = arith.constant 0 : index
        %swap3A_1050 = tpu.vector_load %arg12[%swap3A_1048, %swap3A_1049] {strides = array<i32>} : memref<128x128xf32, #tpu.memory_space<vmem>>, vector<16xf32>,
        tpu.vector_store %arg12[%swap3A_1048, %swap3A_1049], %mul3A_1047 {strides = array<i32>} : memref<128x128xf32, #tpu.memory_space<vmem>>, vector<16xf32>,
        %get3A_1051 = arith.index_cast %add3A_1042 : i32 to index
        %get3A_1052 = arith.constant 16 : index
        %get3A_1053 = tpu.vector_load %arg12[%get3A_1051, %get3A_1052] {strides = array<i32>} : memref<128x128xf32, #tpu.memory_space<vmem>>, vector<16xf32>,
        %mul3A_1054 = vector.broadcast %squeeze3A_1038 : f32 to vector<16xf32>
        %mul3A_1055 = arith.mulf %get3A_1053, %mul3A_1054 : vector<16xf32>
        %swap3A_1056 = arith.index_cast %add3A_1042 : i32 to index
        %swap3A_1057 = arith.constant 16 : index
        %swap3A_1058 = tpu.vector_load %arg12[%swap3A_1056, %swap3A_1057] {strides = array<i32>} : memref<128x128xf32, #tpu.memory_space<vmem>>, vector<16xf32>,
        tpu.vector_store %arg12[%swap3A_1056, %swap3A_1057], %mul3A_1055 {strides = array<i32>} : memref<128x128xf32, #tpu.memory_space<vmem>>, vector<16xf32>,
        %get3A_1059 = arith.index_cast %add3A_1042 : i32 to index
        %get3A_1060 = arith.constant 32 : index
        %get3A_1061 = tpu.vector_load %arg12[%get3A_1059, %get3A_1060] {strides = array<i32>} : memref<128x128xf32, #tpu.memory_space<vmem>>, vector<16xf32>,
        %mul3A_1062 = vector.broadcast %squeeze3A_1038 : f32 to vector<16xf32>
        %mul3A_1063 = arith.mulf %get3A_1061, %mul3A_1062 : vector<16xf32>
        %swap3A_1064 = arith.index_cast %add3A_1042 : i32 to index
        %swap3A_1065 = arith.constant 32 : index
        %swap3A_1066 = tpu.vector_load %arg12[%swap3A_1064, %swap3A_1065] {strides = array<i32>} : memref<128x128xf32, #tpu.memory_space<vmem>>, vector<16xf32>,
        tpu.vector_store %arg12[%swap3A_1064, %swap3A_1065], %mul3A_1063 {strides = array<i32>} : memref<128x128xf32, #tpu.memory_space<vmem>>, vector<16xf32>,
        %get3A_1067 = arith.index_cast %add3A_1042 : i32 to index
        %get3A_1068 = arith.constant 48 : index
        %get3A_1069 = tpu.vector_load %arg12[%get3A_1067, %get3A_1068] {strides = array<i32>} : memref<128x128xf32, #tpu.memory_space<vmem>>, vector<16xf32>,
        %mul3A_1070 = vector.broadcast %squeeze3A_1038 : f32 to vector<16xf32>
        %mul3A_1071 = arith.mulf %get3A_1069, %mul3A_1070 : vector<16xf32>
        %swap3A_1072 = arith.index_cast %add3A_1042 : i32 to index
        %swap3A_1073 = arith.constant 48 : index
        %swap3A_1074 = tpu.vector_load %arg12[%swap3A_1072, %swap3A_1073] {strides = array<i32>} : memref<128x128xf32, #tpu.memory_space<vmem>>, vector<16xf32>,
        tpu.vector_store %arg12[%swap3A_1072, %swap3A_1073], %mul3A_1071 {strides = array<i32>} : memref<128x128xf32, #tpu.memory_space<vmem>>, vector<16xf32>,
        %get3A_1075 = arith.index_cast %add3A_1042 : i32 to index
        %get3A_1076 = arith.constant 64 : index
        %get3A_1077 = tpu.vector_load %arg12[%get3A_1075, %get3A_1076] {strides = array<i32>} : memref<128x128xf32, #tpu.memory_space<vmem>>, vector<16xf32>,
        %mul3A_1078 = vector.broadcast %squeeze3A_1038 : f32 to vector<16xf32>
        %mul3A_1079 = arith.mulf %get3A_1077, %mul3A_1078 : vector<16xf32>
        %swap3A_1080 = arith.index_cast %add3A_1042 : i32 to index
        %swap3A_1081 = arith.constant 64 : index
        %swap3A_1082 = tpu.vector_load %arg12[%swap3A_1080, %swap3A_1081] {strides = array<i32>} : memref<128x128xf32, #tpu.memory_space<vmem>>, vector<16xf32>,
        tpu.vector_store %arg12[%swap3A_1080, %swap3A_1081], %mul3A_1079 {strides = array<i32>} : memref<128x128xf32, #tpu.memory_space<vmem>>, vector<16xf32>,
        %get3A_1083 = arith.index_cast %add3A_1042 : i32 to index
        %get3A_1084 = arith.constant 80 : index
        %get3A_1085 = tpu.vector_load %arg12[%get3A_1083, %get3A_1084] {strides = array<i32>} : memref<128x128xf32, #tpu.memory_space<vmem>>, vector<16xf32>,
        %mul3A_1086 = vector.broadcast %squeeze3A_1038 : f32 to vector<16xf32>
        %mul3A_1087 = arith.mulf %get3A_1085, %mul3A_1086 : vector<16xf32>
        %swap3A_1088 = arith.index_cast %add3A_1042 : i32 to index
        %swap3A_1089 = arith.constant 80 : index
        %swap3A_1090 = tpu.vector_load %arg12[%swap3A_1088, %swap3A_1089] {strides = array<i32>} : memref<128x128xf32, #tpu.memory_space<vmem>>, vector<16xf32>,
        tpu.vector_store %arg12[%swap3A_1088, %swap3A_1089], %mul3A_1087 {strides = array<i32>} : memref<128x128xf32, #tpu.memory_space<vmem>>, vector<16xf32>,
        %get3A_1091 = arith.index_cast %add3A_1042 : i32 to index
        %get3A_1092 = arith.constant 96 : index
        %get3A_1093 = tpu.vector_load %arg12[%get3A_1091, %get3A_1092] {strides = array<i32>} : memref<128x128xf32, #tpu.memory_space<vmem>>, vector<16xf32>,
        %mul3A_1094 = vector.broadcast %squeeze3A_1038 : f32 to vector<16xf32>
        %mul3A_1095 = arith.mulf %get3A_1093, %mul3A_1094 : vector<16xf32>
        %swap3A_1096 = arith.index_cast %add3A_1042 : i32 to index
        %swap3A_1097 = arith.constant 96 : index
        %swap3A_1098 = tpu.vector_load %arg12[%swap3A_1096, %swap3A_1097] {strides = array<i32>} : memref<128x128xf32, #tpu.memory_space<vmem>>, vector<16xf32>,
        tpu.vector_store %arg12[%swap3A_1096, %swap3A_1097], %mul3A_1095 {strides = array<i32>} : memref<128x128xf32, #tpu.memory_space<vmem>>, vector<16xf32>,
        %get3A_1099 = arith.index_cast %add3A_1042 : i32 to index
        %get3A_1100 = arith.constant 112 : index
        %get3A_1101 = tpu.vector_load %arg12[%get3A_1099, %get3A_1100] {strides = array<i32>} : memref<128x128xf32, #tpu.memory_space<vmem>>, vector<16xf32>,
        %mul3A_1102 = vector.broadcast %squeeze3A_1038 : f32 to vector<16xf32>
        %mul3A_1103 = arith.mulf %get3A_1101, %mul3A_1102 : vector<16xf32>
        %swap3A_1104 = arith.index_cast %add3A_1042 : i32 to index
        %swap3A_1105 = arith.constant 112 : index
        %swap3A_1106 = tpu.vector_load %arg12[%swap3A_1104, %swap3A_1105] {strides = array<i32>} : memref<128x128xf32, #tpu.memory_space<vmem>>, vector<16xf32>,
        tpu.vector_store %arg12[%swap3A_1104, %swap3A_1105], %mul3A_1103 {strides = array<i32>} : memref<128x128xf32, #tpu.memory_space<vmem>>, vector<16xf32>,
        %slice3A_1107 = vector.extract_strided_slice %get3A_478 {offsets = [9], sizes = [1], strides = [1]} : vector<16xf32> to vector<1xf32>
        %squeeze3A_1108 = vector.extract %slice3A_1107[0] : f32 from vector<1xf32>
        %mul3A_1109 = arith.constant 16 : i32
        %mul3A_1110 = arith.muli %scan3A_474, %mul3A_1109 : i32
        %add3A_1111 = arith.constant 9 : i32
        %add3A_1112 = arith.addi %mul3A_1110, %add3A_1111 : i32
        %get3A_1113 = arith.index_cast %add3A_1112 : i32 to index
        %get3A_1114 = arith.constant 0 : index
        %get3A_1115 = tpu.vector_load %arg12[%get3A_1113, %get3A_1114] {strides = array<i32>} : memref<128x128xf32, #tpu.memory_space<vmem>>, vector<16xf32>,
        %mul3A_1116 = vector.broadcast %squeeze3A_1108 : f32 to vector<16xf32>
        %mul3A_1117 = arith.mulf %get3A_1115, %mul3A_1116 : vector<16xf32>
        %swap3A_1118 = arith.index_cast %add3A_1112 : i32 to index
        %swap3A_1119 = arith.constant 0 : index
        %swap3A_1120 = tpu.vector_load %arg12[%swap3A_1118, %swap3A_1119] {strides = array<i32>} : memref<128x128xf32, #tpu.memory_space<vmem>>, vector<16xf32>,
        tpu.vector_store %arg12[%swap3A_1118, %swap3A_1119], %mul3A_1117 {strides = array<i32>} : memref<128x128xf32, #tpu.memory_space<vmem>>, vector<16xf32>,
        %get3A_1121 = arith.index_cast %add3A_1112 : i32 to index
        %get3A_1122 = arith.constant 16 : index
        %get3A_1123 = tpu.vector_load %arg12[%get3A_1121, %get3A_1122] {strides = array<i32>} : memref<128x128xf32, #tpu.memory_space<vmem>>, vector<16xf32>,
        %mul3A_1124 = vector.broadcast %squeeze3A_1108 : f32 to vector<16xf32>
        %mul3A_1125 = arith.mulf %get3A_1123, %mul3A_1124 : vector<16xf32>
        %swap3A_1126 = arith.index_cast %add3A_1112 : i32 to index
        %swap3A_1127 = arith.constant 16 : index
        %swap3A_1128 = tpu.vector_load %arg12[%swap3A_1126, %swap3A_1127] {strides = array<i32>} : memref<128x128xf32, #tpu.memory_space<vmem>>, vector<16xf32>,
        tpu.vector_store %arg12[%swap3A_1126, %swap3A_1127], %mul3A_1125 {strides = array<i32>} : memref<128x128xf32, #tpu.memory_space<vmem>>, vector<16xf32>,
        %get3A_1129 = arith.index_cast %add3A_1112 : i32 to index
        %get3A_1130 = arith.constant 32 : index
        %get3A_1131 = tpu.vector_load %arg12[%get3A_1129, %get3A_1130] {strides = array<i32>} : memref<128x128xf32, #tpu.memory_space<vmem>>, vector<16xf32>,
        %mul3A_1132 = vector.broadcast %squeeze3A_1108 : f32 to vector<16xf32>
        %mul3A_1133 = arith.mulf %get3A_1131, %mul3A_1132 : vector<16xf32>
        %swap3A_1134 = arith.index_cast %add3A_1112 : i32 to index
        %swap3A_1135 = arith.constant 32 : index
        %swap3A_1136 = tpu.vector_load %arg12[%swap3A_1134, %swap3A_1135] {strides = array<i32>} : memref<128x128xf32, #tpu.memory_space<vmem>>, vector<16xf32>,
        tpu.vector_store %arg12[%swap3A_1134, %swap3A_1135], %mul3A_1133 {strides = array<i32>} : memref<128x128xf32, #tpu.memory_space<vmem>>, vector<16xf32>,
        %get3A_1137 = arith.index_cast %add3A_1112 : i32 to index
        %get3A_1138 = arith.constant 48 : index
        %get3A_1139 = tpu.vector_load %arg12[%get3A_1137, %get3A_1138] {strides = array<i32>} : memref<128x128xf32, #tpu.memory_space<vmem>>, vector<16xf32>,
        %mul3A_1140 = vector.broadcast %squeeze3A_1108 : f32 to vector<16xf32>
        %mul3A_1141 = arith.mulf %get3A_1139, %mul3A_1140 : vector<16xf32>
        %swap3A_1142 = arith.index_cast %add3A_1112 : i32 to index
        %swap3A_1143 = arith.constant 48 : index
        %swap3A_1144 = tpu.vector_load %arg12[%swap3A_1142, %swap3A_1143] {strides = array<i32>} : memref<128x128xf32, #tpu.memory_space<vmem>>, vector<16xf32>,
        tpu.vector_store %arg12[%swap3A_1142, %swap3A_1143], %mul3A_1141 {strides = array<i32>} : memref<128x128xf32, #tpu.memory_space<vmem>>, vector<16xf32>,
        %get3A_1145 = arith.index_cast %add3A_1112 : i32 to index
        %get3A_1146 = arith.constant 64 : index
        %get3A_1147 = tpu.vector_load %arg12[%get3A_1145, %get3A_1146] {strides = array<i32>} : memref<128x128xf32, #tpu.memory_space<vmem>>, vector<16xf32>,
        %mul3A_1148 = vector.broadcast %squeeze3A_1108 : f32 to vector<16xf32>
        %mul3A_1149 = arith.mulf %get3A_1147, %mul3A_1148 : vector<16xf32>
        %swap3A_1150 = arith.index_cast %add3A_1112 : i32 to index
        %swap3A_1151 = arith.constant 64 : index
        %swap3A_1152 = tpu.vector_load %arg12[%swap3A_1150, %swap3A_1151] {strides = array<i32>} : memref<128x128xf32, #tpu.memory_space<vmem>>, vector<16xf32>,
        tpu.vector_store %arg12[%swap3A_1150, %swap3A_1151], %mul3A_1149 {strides = array<i32>} : memref<128x128xf32, #tpu.memory_space<vmem>>, vector<16xf32>,
        %get3A_1153 = arith.index_cast %add3A_1112 : i32 to index
        %get3A_1154 = arith.constant 80 : index
        %get3A_1155 = tpu.vector_load %arg12[%get3A_1153, %get3A_1154] {strides = array<i32>} : memref<128x128xf32, #tpu.memory_space<vmem>>, vector<16xf32>,
        %mul3A_1156 = vector.broadcast %squeeze3A_1108 : f32 to vector<16xf32>
        %mul3A_1157 = arith.mulf %get3A_1155, %mul3A_1156 : vector<16xf32>
        %swap3A_1158 = arith.index_cast %add3A_1112 : i32 to index
        %swap3A_1159 = arith.constant 80 : index
        %swap3A_1160 = tpu.vector_load %arg12[%swap3A_1158, %swap3A_1159] {strides = array<i32>} : memref<128x128xf32, #tpu.memory_space<vmem>>, vector<16xf32>,
        tpu.vector_store %arg12[%swap3A_1158, %swap3A_1159], %mul3A_1157 {strides = array<i32>} : memref<128x128xf32, #tpu.memory_space<vmem>>, vector<16xf32>,
        %get3A_1161 = arith.index_cast %add3A_1112 : i32 to index
        %get3A_1162 = arith.constant 96 : index
        %get3A_1163 = tpu.vector_load %arg12[%get3A_1161, %get3A_1162] {strides = array<i32>} : memref<128x128xf32, #tpu.memory_space<vmem>>, vector<16xf32>,
        %mul3A_1164 = vector.broadcast %squeeze3A_1108 : f32 to vector<16xf32>
        %mul3A_1165 = arith.mulf %get3A_1163, %mul3A_1164 : vector<16xf32>
        %swap3A_1166 = arith.index_cast %add3A_1112 : i32 to index
        %swap3A_1167 = arith.constant 96 : index
        %swap3A_1168 = tpu.vector_load %arg12[%swap3A_1166, %swap3A_1167] {strides = array<i32>} : memref<128x128xf32, #tpu.memory_space<vmem>>, vector<16xf32>,
        tpu.vector_store %arg12[%swap3A_1166, %swap3A_1167], %mul3A_1165 {strides = array<i32>} : memref<128x128xf32, #tpu.memory_space<vmem>>, vector<16xf32>,
        %get3A_1169 = arith.index_cast %add3A_1112 : i32 to index
        %get3A_1170 = arith.constant 112 : index
        %get3A_1171 = tpu.vector_load %arg12[%get3A_1169, %get3A_1170] {strides = array<i32>} : memref<128x128xf32, #tpu.memory_space<vmem>>, vector<16xf32>,
        %mul3A_1172 = vector.broadcast %squeeze3A_1108 : f32 to vector<16xf32>
        %mul3A_1173 = arith.mulf %get3A_1171, %mul3A_1172 : vector<16xf32>
        %swap3A_1174 = arith.index_cast %add3A_1112 : i32 to index
        %swap3A_1175 = arith.constant 112 : index
        %swap3A_1176 = tpu.vector_load %arg12[%swap3A_1174, %swap3A_1175] {strides = array<i32>} : memref<128x128xf32, #tpu.memory_space<vmem>>, vector<16xf32>,
        tpu.vector_store %arg12[%swap3A_1174, %swap3A_1175], %mul3A_1173 {strides = array<i32>} : memref<128x128xf32, #tpu.memory_space<vmem>>, vector<16xf32>,
        %slice3A_1177 = vector.extract_strided_slice %get3A_478 {offsets = [10], sizes = [1], strides = [1]} : vector<16xf32> to vector<1xf32>
        %squeeze3A_1178 = vector.extract %slice3A_1177[0] : f32 from vector<1xf32>
        %mul3A_1179 = arith.constant 16 : i32
        %mul3A_1180 = arith.muli %scan3A_474, %mul3A_1179 : i32
        %add3A_1181 = arith.constant 10 : i32
        %add3A_1182 = arith.addi %mul3A_1180, %add3A_1181 : i32
        %get3A_1183 = arith.index_cast %add3A_1182 : i32 to index
        %get3A_1184 = arith.constant 0 : index
        %get3A_1185 = tpu.vector_load %arg12[%get3A_1183, %get3A_1184] {strides = array<i32>} : memref<128x128xf32, #tpu.memory_space<vmem>>, vector<16xf32>,
        %mul3A_1186 = vector.broadcast %squeeze3A_1178 : f32 to vector<16xf32>
        %mul3A_1187 = arith.mulf %get3A_1185, %mul3A_1186 : vector<16xf32>
        %swap3A_1188 = arith.index_cast %add3A_1182 : i32 to index
        %swap3A_1189 = arith.constant 0 : index
        %swap3A_1190 = tpu.vector_load %arg12[%swap3A_1188, %swap3A_1189] {strides = array<i32>} : memref<128x128xf32, #tpu.memory_space<vmem>>, vector<16xf32>,
        tpu.vector_store %arg12[%swap3A_1188, %swap3A_1189], %mul3A_1187 {strides = array<i32>} : memref<128x128xf32, #tpu.memory_space<vmem>>, vector<16xf32>,
        %get3A_1191 = arith.index_cast %add3A_1182 : i32 to index
        %get3A_1192 = arith.constant 16 : index
        %get3A_1193 = tpu.vector_load %arg12[%get3A_1191, %get3A_1192] {strides = array<i32>} : memref<128x128xf32, #tpu.memory_space<vmem>>, vector<16xf32>,
        %mul3A_1194 = vector.broadcast %squeeze3A_1178 : f32 to vector<16xf32>
        %mul3A_1195 = arith.mulf %get3A_1193, %mul3A_1194 : vector<16xf32>
        %swap3A_1196 = arith.index_cast %add3A_1182 : i32 to index
        %swap3A_1197 = arith.constant 16 : index
        %swap3A_1198 = tpu.vector_load %arg12[%swap3A_1196, %swap3A_1197] {strides = array<i32>} : memref<128x128xf32, #tpu.memory_space<vmem>>, vector<16xf32>,
        tpu.vector_store %arg12[%swap3A_1196, %swap3A_1197], %mul3A_1195 {strides = array<i32>} : memref<128x128xf32, #tpu.memory_space<vmem>>, vector<16xf32>,
        %get3A_1199 = arith.index_cast %add3A_1182 : i32 to index
        %get3A_1200 = arith.constant 32 : index
        %get3A_1201 = tpu.vector_load %arg12[%get3A_1199, %get3A_1200] {strides = array<i32>} : memref<128x128xf32, #tpu.memory_space<vmem>>, vector<16xf32>,
        %mul3A_1202 = vector.broadcast %squeeze3A_1178 : f32 to vector<16xf32>
        %mul3A_1203 = arith.mulf %get3A_1201, %mul3A_1202 : vector<16xf32>
        %swap3A_1204 = arith.index_cast %add3A_1182 : i32 to index
        %swap3A_1205 = arith.constant 32 : index
        %swap3A_1206 = tpu.vector_load %arg12[%swap3A_1204, %swap3A_1205] {strides = array<i32>} : memref<128x128xf32, #tpu.memory_space<vmem>>, vector<16xf32>,
        tpu.vector_store %arg12[%swap3A_1204, %swap3A_1205], %mul3A_1203 {strides = array<i32>} : memref<128x128xf32, #tpu.memory_space<vmem>>, vector<16xf32>,
        %get3A_1207 = arith.index_cast %add3A_1182 : i32 to index
        %get3A_1208 = arith.constant 48 : index
        %get3A_1209 = tpu.vector_load %arg12[%get3A_1207, %get3A_1208] {strides = array<i32>} : memref<128x128xf32, #tpu.memory_space<vmem>>, vector<16xf32>,
        %mul3A_1210 = vector.broadcast %squeeze3A_1178 : f32 to vector<16xf32>
        %mul3A_1211 = arith.mulf %get3A_1209, %mul3A_1210 : vector<16xf32>
        %swap3A_1212 = arith.index_cast %add3A_1182 : i32 to index
        %swap3A_1213 = arith.constant 48 : index
        %swap3A_1214 = tpu.vector_load %arg12[%swap3A_1212, %swap3A_1213] {strides = array<i32>} : memref<128x128xf32, #tpu.memory_space<vmem>>, vector<16xf32>,
        tpu.vector_store %arg12[%swap3A_1212, %swap3A_1213], %mul3A_1211 {strides = array<i32>} : memref<128x128xf32, #tpu.memory_space<vmem>>, vector<16xf32>,
        %get3A_1215 = arith.index_cast %add3A_1182 : i32 to index
        %get3A_1216 = arith.constant 64 : index
        %get3A_1217 = tpu.vector_load %arg12[%get3A_1215, %get3A_1216] {strides = array<i32>} : memref<128x128xf32, #tpu.memory_space<vmem>>, vector<16xf32>,
        %mul3A_1218 = vector.broadcast %squeeze3A_1178 : f32 to vector<16xf32>
        %mul3A_1219 = arith.mulf %get3A_1217, %mul3A_1218 : vector<16xf32>
        %swap3A_1220 = arith.index_cast %add3A_1182 : i32 to index
        %swap3A_1221 = arith.constant 64 : index
        %swap3A_1222 = tpu.vector_load %arg12[%swap3A_1220, %swap3A_1221] {strides = array<i32>} : memref<128x128xf32, #tpu.memory_space<vmem>>, vector<16xf32>,
        tpu.vector_store %arg12[%swap3A_1220, %swap3A_1221], %mul3A_1219 {strides = array<i32>} : memref<128x128xf32, #tpu.memory_space<vmem>>, vector<16xf32>,
        %get3A_1223 = arith.index_cast %add3A_1182 : i32 to index
        %get3A_1224 = arith.constant 80 : index
        %get3A_1225 = tpu.vector_load %arg12[%get3A_1223, %get3A_1224] {strides = array<i32>} : memref<128x128xf32, #tpu.memory_space<vmem>>, vector<16xf32>,
        %mul3A_1226 = vector.broadcast %squeeze3A_1178 : f32 to vector<16xf32>
        %mul3A_1227 = arith.mulf %get3A_1225, %mul3A_1226 : vector<16xf32>
        %swap3A_1228 = arith.index_cast %add3A_1182 : i32 to index
        %swap3A_1229 = arith.constant 80 : index
        %swap3A_1230 = tpu.vector_load %arg12[%swap3A_1228, %swap3A_1229] {strides = array<i32>} : memref<128x128xf32, #tpu.memory_space<vmem>>, vector<16xf32>,
        tpu.vector_store %arg12[%swap3A_1228, %swap3A_1229], %mul3A_1227 {strides = array<i32>} : memref<128x128xf32, #tpu.memory_space<vmem>>, vector<16xf32>,
        %get3A_1231 = arith.index_cast %add3A_1182 : i32 to index
        %get3A_1232 = arith.constant 96 : index
        %get3A_1233 = tpu.vector_load %arg12[%get3A_1231, %get3A_1232] {strides = array<i32>} : memref<128x128xf32, #tpu.memory_space<vmem>>, vector<16xf32>,
        %mul3A_1234 = vector.broadcast %squeeze3A_1178 : f32 to vector<16xf32>
        %mul3A_1235 = arith.mulf %get3A_1233, %mul3A_1234 : vector<16xf32>
        %swap3A_1236 = arith.index_cast %add3A_1182 : i32 to index
        %swap3A_1237 = arith.constant 96 : index
        %swap3A_1238 = tpu.vector_load %arg12[%swap3A_1236, %swap3A_1237] {strides = array<i32>} : memref<128x128xf32, #tpu.memory_space<vmem>>, vector<16xf32>,
        tpu.vector_store %arg12[%swap3A_1236, %swap3A_1237], %mul3A_1235 {strides = array<i32>} : memref<128x128xf32, #tpu.memory_space<vmem>>, vector<16xf32>,
        %get3A_1239 = arith.index_cast %add3A_1182 : i32 to index
        %get3A_1240 = arith.constant 112 : index
        %get3A_1241 = tpu.vector_load %arg12[%get3A_1239, %get3A_1240] {strides = array<i32>} : memref<128x128xf32, #tpu.memory_space<vmem>>, vector<16xf32>,
        %mul3A_1242 = vector.broadcast %squeeze3A_1178 : f32 to vector<16xf32>
        %mul3A_1243 = arith.mulf %get3A_1241, %mul3A_1242 : vector<16xf32>
        %swap3A_1244 = arith.index_cast %add3A_1182 : i32 to index
        %swap3A_1245 = arith.constant 112 : index
        %swap3A_1246 = tpu.vector_load %arg12[%swap3A_1244, %swap3A_1245] {strides = array<i32>} : memref<128x128xf32, #tpu.memory_space<vmem>>, vector<16xf32>,
        tpu.vector_store %arg12[%swap3A_1244, %swap3A_1245], %mul3A_1243 {strides = array<i32>} : memref<128x128xf32, #tpu.memory_space<vmem>>, vector<16xf32>,
        %slice3A_1247 = vector.extract_strided_slice %get3A_478 {offsets = [11], sizes = [1], strides = [1]} : vector<16xf32> to vector<1xf32>
        %squeeze3A_1248 = vector.extract %slice3A_1247[0] : f32 from vector<1xf32>
        %mul3A_1249 = arith.constant 16 : i32
        %mul3A_1250 = arith.muli %scan3A_474, %mul3A_1249 : i32
        %add3A_1251 = arith.constant 11 : i32
        %add3A_1252 = arith.addi %mul3A_1250, %add3A_1251 : i32
        %get3A_1253 = arith.index_cast %add3A_1252 : i32 to index
        %get3A_1254 = arith.constant 0 : index
        %get3A_1255 = tpu.vector_load %arg12[%get3A_1253, %get3A_1254] {strides = array<i32>} : memref<128x128xf32, #tpu.memory_space<vmem>>, vector<16xf32>,
        %mul3A_1256 = vector.broadcast %squeeze3A_1248 : f32 to vector<16xf32>
        %mul3A_1257 = arith.mulf %get3A_1255, %mul3A_1256 : vector<16xf32>
        %swap3A_1258 = arith.index_cast %add3A_1252 : i32 to index
        %swap3A_1259 = arith.constant 0 : index
        %swap3A_1260 = tpu.vector_load %arg12[%swap3A_1258, %swap3A_1259] {strides = array<i32>} : memref<128x128xf32, #tpu.memory_space<vmem>>, vector<16xf32>,
        tpu.vector_store %arg12[%swap3A_1258, %swap3A_1259], %mul3A_1257 {strides = array<i32>} : memref<128x128xf32, #tpu.memory_space<vmem>>, vector<16xf32>,
        %get3A_1261 = arith.index_cast %add3A_1252 : i32 to index
        %get3A_1262 = arith.constant 16 : index
        %get3A_1263 = tpu.vector_load %arg12[%get3A_1261, %get3A_1262] {strides = array<i32>} : memref<128x128xf32, #tpu.memory_space<vmem>>, vector<16xf32>,
        %mul3A_1264 = vector.broadcast %squeeze3A_1248 : f32 to vector<16xf32>
        %mul3A_1265 = arith.mulf %get3A_1263, %mul3A_1264 : vector<16xf32>
        %swap3A_1266 = arith.index_cast %add3A_1252 : i32 to index
        %swap3A_1267 = arith.constant 16 : index
        %swap3A_1268 = tpu.vector_load %arg12[%swap3A_1266, %swap3A_1267] {strides = array<i32>} : memref<128x128xf32, #tpu.memory_space<vmem>>, vector<16xf32>,
        tpu.vector_store %arg12[%swap3A_1266, %swap3A_1267], %mul3A_1265 {strides = array<i32>} : memref<128x128xf32, #tpu.memory_space<vmem>>, vector<16xf32>,
        %get3A_1269 = arith.index_cast %add3A_1252 : i32 to index
        %get3A_1270 = arith.constant 32 : index
        %get3A_1271 = tpu.vector_load %arg12[%get3A_1269, %get3A_1270] {strides = array<i32>} : memref<128x128xf32, #tpu.memory_space<vmem>>, vector<16xf32>,
        %mul3A_1272 = vector.broadcast %squeeze3A_1248 : f32 to vector<16xf32>
        %mul3A_1273 = arith.mulf %get3A_1271, %mul3A_1272 : vector<16xf32>
        %swap3A_1274 = arith.index_cast %add3A_1252 : i32 to index
        %swap3A_1275 = arith.constant 32 : index
        %swap3A_1276 = tpu.vector_load %arg12[%swap3A_1274, %swap3A_1275] {strides = array<i32>} : memref<128x128xf32, #tpu.memory_space<vmem>>, vector<16xf32>,
        tpu.vector_store %arg12[%swap3A_1274, %swap3A_1275], %mul3A_1273 {strides = array<i32>} : memref<128x128xf32, #tpu.memory_space<vmem>>, vector<16xf32>,
        %get3A_1277 = arith.index_cast %add3A_1252 : i32 to index
        %get3A_1278 = arith.constant 48 : index
        %get3A_1279 = tpu.vector_load %arg12[%get3A_1277, %get3A_1278] {strides = array<i32>} : memref<128x128xf32, #tpu.memory_space<vmem>>, vector<16xf32>,
        %mul3A_1280 = vector.broadcast %squeeze3A_1248 : f32 to vector<16xf32>
        %mul3A_1281 = arith.mulf %get3A_1279, %mul3A_1280 : vector<16xf32>
        %swap3A_1282 = arith.index_cast %add3A_1252 : i32 to index
        %swap3A_1283 = arith.constant 48 : index
        %swap3A_1284 = tpu.vector_load %arg12[%swap3A_1282, %swap3A_1283] {strides = array<i32>} : memref<128x128xf32, #tpu.memory_space<vmem>>, vector<16xf32>,
        tpu.vector_store %arg12[%swap3A_1282, %swap3A_1283], %mul3A_1281 {strides = array<i32>} : memref<128x128xf32, #tpu.memory_space<vmem>>, vector<16xf32>,
        %get3A_1285 = arith.index_cast %add3A_1252 : i32 to index
        %get3A_1286 = arith.constant 64 : index
        %get3A_1287 = tpu.vector_load %arg12[%get3A_1285, %get3A_1286] {strides = array<i32>} : memref<128x128xf32, #tpu.memory_space<vmem>>, vector<16xf32>,
        %mul3A_1288 = vector.broadcast %squeeze3A_1248 : f32 to vector<16xf32>
        %mul3A_1289 = arith.mulf %get3A_1287, %mul3A_1288 : vector<16xf32>
        %swap3A_1290 = arith.index_cast %add3A_1252 : i32 to index
        %swap3A_1291 = arith.constant 64 : index
        %swap3A_1292 = tpu.vector_load %arg12[%swap3A_1290, %swap3A_1291] {strides = array<i32>} : memref<128x128xf32, #tpu.memory_space<vmem>>, vector<16xf32>,
        tpu.vector_store %arg12[%swap3A_1290, %swap3A_1291], %mul3A_1289 {strides = array<i32>} : memref<128x128xf32, #tpu.memory_space<vmem>>, vector<16xf32>,
        %get3A_1293 = arith.index_cast %add3A_1252 : i32 to index
        %get3A_1294 = arith.constant 80 : index
        %get3A_1295 = tpu.vector_load %arg12[%get3A_1293, %get3A_1294] {strides = array<i32>} : memref<128x128xf32, #tpu.memory_space<vmem>>, vector<16xf32>,
        %mul3A_1296 = vector.broadcast %squeeze3A_1248 : f32 to vector<16xf32>
        %mul3A_1297 = arith.mulf %get3A_1295, %mul3A_1296 : vector<16xf32>
        %swap3A_1298 = arith.index_cast %add3A_1252 : i32 to index
        %swap3A_1299 = arith.constant 80 : index
        %swap3A_1300 = tpu.vector_load %arg12[%swap3A_1298, %swap3A_1299] {strides = array<i32>} : memref<128x128xf32, #tpu.memory_space<vmem>>, vector<16xf32>,
        tpu.vector_store %arg12[%swap3A_1298, %swap3A_1299], %mul3A_1297 {strides = array<i32>} : memref<128x128xf32, #tpu.memory_space<vmem>>, vector<16xf32>,
        %get3A_1301 = arith.index_cast %add3A_1252 : i32 to index
        %get3A_1302 = arith.constant 96 : index
        %get3A_1303 = tpu.vector_load %arg12[%get3A_1301, %get3A_1302] {strides = array<i32>} : memref<128x128xf32, #tpu.memory_space<vmem>>, vector<16xf32>,
        %mul3A_1304 = vector.broadcast %squeeze3A_1248 : f32 to vector<16xf32>
        %mul3A_1305 = arith.mulf %get3A_1303, %mul3A_1304 : vector<16xf32>
        %swap3A_1306 = arith.index_cast %add3A_1252 : i32 to index
        %swap3A_1307 = arith.constant 96 : index
        %swap3A_1308 = tpu.vector_load %arg12[%swap3A_1306, %swap3A_1307] {strides = array<i32>} : memref<128x128xf32, #tpu.memory_space<vmem>>, vector<16xf32>,
        tpu.vector_store %arg12[%swap3A_1306, %swap3A_1307], %mul3A_1305 {strides = array<i32>} : memref<128x128xf32, #tpu.memory_space<vmem>>, vector<16xf32>,
        %get3A_1309 = arith.index_cast %add3A_1252 : i32 to index
        %get3A_1310 = arith.constant 112 : index
        %get3A_1311 = tpu.vector_load %arg12[%get3A_1309, %get3A_1310] {strides = array<i32>} : memref<128x128xf32, #tpu.memory_space<vmem>>, vector<16xf32>,
        %mul3A_1312 = vector.broadcast %squeeze3A_1248 : f32 to vector<16xf32>
        %mul3A_1313 = arith.mulf %get3A_1311, %mul3A_1312 : vector<16xf32>
        %swap3A_1314 = arith.index_cast %add3A_1252 : i32 to index
        %swap3A_1315 = arith.constant 112 : index
        %swap3A_1316 = tpu.vector_load %arg12[%swap3A_1314, %swap3A_1315] {strides = array<i32>} : memref<128x128xf32, #tpu.memory_space<vmem>>, vector<16xf32>,
        tpu.vector_store %arg12[%swap3A_1314, %swap3A_1315], %mul3A_1313 {strides = array<i32>} : memref<128x128xf32, #tpu.memory_space<vmem>>, vector<16xf32>,
        %slice3A_1317 = vector.extract_strided_slice %get3A_478 {offsets = [12], sizes = [1], strides = [1]} : vector<16xf32> to vector<1xf32>
        %squeeze3A_1318 = vector.extract %slice3A_1317[0] : f32 from vector<1xf32>
        %mul3A_1319 = arith.constant 16 : i32
        %mul3A_1320 = arith.muli %scan3A_474, %mul3A_1319 : i32
        %add3A_1321 = arith.constant 12 : i32
        %add3A_1322 = arith.addi %mul3A_1320, %add3A_1321 : i32
        %get3A_1323 = arith.index_cast %add3A_1322 : i32 to index
        %get3A_1324 = arith.constant 0 : index
        %get3A_1325 = tpu.vector_load %arg12[%get3A_1323, %get3A_1324] {strides = array<i32>} : memref<128x128xf32, #tpu.memory_space<vmem>>, vector<16xf32>,
        %mul3A_1326 = vector.broadcast %squeeze3A_1318 : f32 to vector<16xf32>
        %mul3A_1327 = arith.mulf %get3A_1325, %mul3A_1326 : vector<16xf32>
        %swap3A_1328 = arith.index_cast %add3A_1322 : i32 to index
        %swap3A_1329 = arith.constant 0 : index
        %swap3A_1330 = tpu.vector_load %arg12[%swap3A_1328, %swap3A_1329] {strides = array<i32>} : memref<128x128xf32, #tpu.memory_space<vmem>>, vector<16xf32>,
        tpu.vector_store %arg12[%swap3A_1328, %swap3A_1329], %mul3A_1327 {strides = array<i32>} : memref<128x128xf32, #tpu.memory_space<vmem>>, vector<16xf32>,
        %get3A_1331 = arith.index_cast %add3A_1322 : i32 to index
        %get3A_1332 = arith.constant 16 : index
        %get3A_1333 = tpu.vector_load %arg12[%get3A_1331, %get3A_1332] {strides = array<i32>} : memref<128x128xf32, #tpu.memory_space<vmem>>, vector<16xf32>,
        %mul3A_1334 = vector.broadcast %squeeze3A_1318 : f32 to vector<16xf32>
        %mul3A_1335 = arith.mulf %get3A_1333, %mul3A_1334 : vector<16xf32>
        %swap3A_1336 = arith.index_cast %add3A_1322 : i32 to index
        %swap3A_1337 = arith.constant 16 : index
        %swap3A_1338 = tpu.vector_load %arg12[%swap3A_1336, %swap3A_1337] {strides = array<i32>} : memref<128x128xf32, #tpu.memory_space<vmem>>, vector<16xf32>,
        tpu.vector_store %arg12[%swap3A_1336, %swap3A_1337], %mul3A_1335 {strides = array<i32>} : memref<128x128xf32, #tpu.memory_space<vmem>>, vector<16xf32>,
        %get3A_1339 = arith.index_cast %add3A_1322 : i32 to index
        %get3A_1340 = arith.constant 32 : index
        %get3A_1341 = tpu.vector_load %arg12[%get3A_1339, %get3A_1340] {strides = array<i32>} : memref<128x128xf32, #tpu.memory_space<vmem>>, vector<16xf32>,
        %mul3A_1342 = vector.broadcast %squeeze3A_1318 : f32 to vector<16xf32>
        %mul3A_1343 = arith.mulf %get3A_1341, %mul3A_1342 : vector<16xf32>
        %swap3A_1344 = arith.index_cast %add3A_1322 : i32 to index
        %swap3A_1345 = arith.constant 32 : index
        %swap3A_1346 = tpu.vector_load %arg12[%swap3A_1344, %swap3A_1345] {strides = array<i32>} : memref<128x128xf32, #tpu.memory_space<vmem>>, vector<16xf32>,
        tpu.vector_store %arg12[%swap3A_1344, %swap3A_1345], %mul3A_1343 {strides = array<i32>} : memref<128x128xf32, #tpu.memory_space<vmem>>, vector<16xf32>,
        %get3A_1347 = arith.index_cast %add3A_1322 : i32 to index
        %get3A_1348 = arith.constant 48 : index
        %get3A_1349 = tpu.vector_load %arg12[%get3A_1347, %get3A_1348] {strides = array<i32>} : memref<128x128xf32, #tpu.memory_space<vmem>>, vector<16xf32>,
        %mul3A_1350 = vector.broadcast %squeeze3A_1318 : f32 to vector<16xf32>
        %mul3A_1351 = arith.mulf %get3A_1349, %mul3A_1350 : vector<16xf32>
        %swap3A_1352 = arith.index_cast %add3A_1322 : i32 to index
        %swap3A_1353 = arith.constant 48 : index
        %swap3A_1354 = tpu.vector_load %arg12[%swap3A_1352, %swap3A_1353] {strides = array<i32>} : memref<128x128xf32, #tpu.memory_space<vmem>>, vector<16xf32>,
        tpu.vector_store %arg12[%swap3A_1352, %swap3A_1353], %mul3A_1351 {strides = array<i32>} : memref<128x128xf32, #tpu.memory_space<vmem>>, vector<16xf32>,
        %get3A_1355 = arith.index_cast %add3A_1322 : i32 to index
        %get3A_1356 = arith.constant 64 : index
        %get3A_1357 = tpu.vector_load %arg12[%get3A_1355, %get3A_1356] {strides = array<i32>} : memref<128x128xf32, #tpu.memory_space<vmem>>, vector<16xf32>,
        %mul3A_1358 = vector.broadcast %squeeze3A_1318 : f32 to vector<16xf32>
        %mul3A_1359 = arith.mulf %get3A_1357, %mul3A_1358 : vector<16xf32>
        %swap3A_1360 = arith.index_cast %add3A_1322 : i32 to index
        %swap3A_1361 = arith.constant 64 : index
        %swap3A_1362 = tpu.vector_load %arg12[%swap3A_1360, %swap3A_1361] {strides = array<i32>} : memref<128x128xf32, #tpu.memory_space<vmem>>, vector<16xf32>,
        tpu.vector_store %arg12[%swap3A_1360, %swap3A_1361], %mul3A_1359 {strides = array<i32>} : memref<128x128xf32, #tpu.memory_space<vmem>>, vector<16xf32>,
        %get3A_1363 = arith.index_cast %add3A_1322 : i32 to index
        %get3A_1364 = arith.constant 80 : index
        %get3A_1365 = tpu.vector_load %arg12[%get3A_1363, %get3A_1364] {strides = array<i32>} : memref<128x128xf32, #tpu.memory_space<vmem>>, vector<16xf32>,
        %mul3A_1366 = vector.broadcast %squeeze3A_1318 : f32 to vector<16xf32>
        %mul3A_1367 = arith.mulf %get3A_1365, %mul3A_1366 : vector<16xf32>
        %swap3A_1368 = arith.index_cast %add3A_1322 : i32 to index
        %swap3A_1369 = arith.constant 80 : index
        %swap3A_1370 = tpu.vector_load %arg12[%swap3A_1368, %swap3A_1369] {strides = array<i32>} : memref<128x128xf32, #tpu.memory_space<vmem>>, vector<16xf32>,
        tpu.vector_store %arg12[%swap3A_1368, %swap3A_1369], %mul3A_1367 {strides = array<i32>} : memref<128x128xf32, #tpu.memory_space<vmem>>, vector<16xf32>,
        %get3A_1371 = arith.index_cast %add3A_1322 : i32 to index
        %get3A_1372 = arith.constant 96 : index
        %get3A_1373 = tpu.vector_load %arg12[%get3A_1371, %get3A_1372] {strides = array<i32>} : memref<128x128xf32, #tpu.memory_space<vmem>>, vector<16xf32>,
        %mul3A_1374 = vector.broadcast %squeeze3A_1318 : f32 to vector<16xf32>
        %mul3A_1375 = arith.mulf %get3A_1373, %mul3A_1374 : vector<16xf32>
        %swap3A_1376 = arith.index_cast %add3A_1322 : i32 to index
        %swap3A_1377 = arith.constant 96 : index
        %swap3A_1378 = tpu.vector_load %arg12[%swap3A_1376, %swap3A_1377] {strides = array<i32>} : memref<128x128xf32, #tpu.memory_space<vmem>>, vector<16xf32>,
        tpu.vector_store %arg12[%swap3A_1376, %swap3A_1377], %mul3A_1375 {strides = array<i32>} : memref<128x128xf32, #tpu.memory_space<vmem>>, vector<16xf32>,
        %get3A_1379 = arith.index_cast %add3A_1322 : i32 to index
        %get3A_1380 = arith.constant 112 : index
        %get3A_1381 = tpu.vector_load %arg12[%get3A_1379, %get3A_1380] {strides = array<i32>} : memref<128x128xf32, #tpu.memory_space<vmem>>, vector<16xf32>,
        %mul3A_1382 = vector.broadcast %squeeze3A_1318 : f32 to vector<16xf32>
        %mul3A_1383 = arith.mulf %get3A_1381, %mul3A_1382 : vector<16xf32>
        %swap3A_1384 = arith.index_cast %add3A_1322 : i32 to index
        %swap3A_1385 = arith.constant 112 : index
        %swap3A_1386 = tpu.vector_load %arg12[%swap3A_1384, %swap3A_1385] {strides = array<i32>} : memref<128x128xf32, #tpu.memory_space<vmem>>, vector<16xf32>,
        tpu.vector_store %arg12[%swap3A_1384, %swap3A_1385], %mul3A_1383 {strides = array<i32>} : memref<128x128xf32, #tpu.memory_space<vmem>>, vector<16xf32>,
        %slice3A_1387 = vector.extract_strided_slice %get3A_478 {offsets = [13], sizes = [1], strides = [1]} : vector<16xf32> to vector<1xf32>
        %squeeze3A_1388 = vector.extract %slice3A_1387[0] : f32 from vector<1xf32>
        %mul3A_1389 = arith.constant 16 : i32
        %mul3A_1390 = arith.muli %scan3A_474, %mul3A_1389 : i32
        %add3A_1391 = arith.constant 13 : i32
        %add3A_1392 = arith.addi %mul3A_1390, %add3A_1391 : i32
        %get3A_1393 = arith.index_cast %add3A_1392 : i32 to index
        %get3A_1394 = arith.constant 0 : index
        %get3A_1395 = tpu.vector_load %arg12[%get3A_1393, %get3A_1394] {strides = array<i32>} : memref<128x128xf32, #tpu.memory_space<vmem>>, vector<16xf32>,
        %mul3A_1396 = vector.broadcast %squeeze3A_1388 : f32 to vector<16xf32>
        %mul3A_1397 = arith.mulf %get3A_1395, %mul3A_1396 : vector<16xf32>
        %swap3A_1398 = arith.index_cast %add3A_1392 : i32 to index
        %swap3A_1399 = arith.constant 0 : index
        %swap3A_1400 = tpu.vector_load %arg12[%swap3A_1398, %swap3A_1399] {strides = array<i32>} : memref<128x128xf32, #tpu.memory_space<vmem>>, vector<16xf32>,
        tpu.vector_store %arg12[%swap3A_1398, %swap3A_1399], %mul3A_1397 {strides = array<i32>} : memref<128x128xf32, #tpu.memory_space<vmem>>, vector<16xf32>,
        %get3A_1401 = arith.index_cast %add3A_1392 : i32 to index
        %get3A_1402 = arith.constant 16 : index
        %get3A_1403 = tpu.vector_load %arg12[%get3A_1401, %get3A_1402] {strides = array<i32>} : memref<128x128xf32, #tpu.memory_space<vmem>>, vector<16xf32>,
        %mul3A_1404 = vector.broadcast %squeeze3A_1388 : f32 to vector<16xf32>
        %mul3A_1405 = arith.mulf %get3A_1403, %mul3A_1404 : vector<16xf32>
        %swap3A_1406 = arith.index_cast %add3A_1392 : i32 to index
        %swap3A_1407 = arith.constant 16 : index
        %swap3A_1408 = tpu.vector_load %arg12[%swap3A_1406, %swap3A_1407] {strides = array<i32>} : memref<128x128xf32, #tpu.memory_space<vmem>>, vector<16xf32>,
        tpu.vector_store %arg12[%swap3A_1406, %swap3A_1407], %mul3A_1405 {strides = array<i32>} : memref<128x128xf32, #tpu.memory_space<vmem>>, vector<16xf32>,
        %get3A_1409 = arith.index_cast %add3A_1392 : i32 to index
        %get3A_1410 = arith.constant 32 : index
        %get3A_1411 = tpu.vector_load %arg12[%get3A_1409, %get3A_1410] {strides = array<i32>} : memref<128x128xf32, #tpu.memory_space<vmem>>, vector<16xf32>,
        %mul3A_1412 = vector.broadcast %squeeze3A_1388 : f32 to vector<16xf32>
        %mul3A_1413 = arith.mulf %get3A_1411, %mul3A_1412 : vector<16xf32>
        %swap3A_1414 = arith.index_cast %add3A_1392 : i32 to index
        %swap3A_1415 = arith.constant 32 : index
        %swap3A_1416 = tpu.vector_load %arg12[%swap3A_1414, %swap3A_1415] {strides = array<i32>} : memref<128x128xf32, #tpu.memory_space<vmem>>, vector<16xf32>,
        tpu.vector_store %arg12[%swap3A_1414, %swap3A_1415], %mul3A_1413 {strides = array<i32>} : memref<128x128xf32, #tpu.memory_space<vmem>>, vector<16xf32>,
        %get3A_1417 = arith.index_cast %add3A_1392 : i32 to index
        %get3A_1418 = arith.constant 48 : index
        %get3A_1419 = tpu.vector_load %arg12[%get3A_1417, %get3A_1418] {strides = array<i32>} : memref<128x128xf32, #tpu.memory_space<vmem>>, vector<16xf32>,
        %mul3A_1420 = vector.broadcast %squeeze3A_1388 : f32 to vector<16xf32>
        %mul3A_1421 = arith.mulf %get3A_1419, %mul3A_1420 : vector<16xf32>
        %swap3A_1422 = arith.index_cast %add3A_1392 : i32 to index
        %swap3A_1423 = arith.constant 48 : index
        %swap3A_1424 = tpu.vector_load %arg12[%swap3A_1422, %swap3A_1423] {strides = array<i32>} : memref<128x128xf32, #tpu.memory_space<vmem>>, vector<16xf32>,
        tpu.vector_store %arg12[%swap3A_1422, %swap3A_1423], %mul3A_1421 {strides = array<i32>} : memref<128x128xf32, #tpu.memory_space<vmem>>, vector<16xf32>,
        %get3A_1425 = arith.index_cast %add3A_1392 : i32 to index
        %get3A_1426 = arith.constant 64 : index
        %get3A_1427 = tpu.vector_load %arg12[%get3A_1425, %get3A_1426] {strides = array<i32>} : memref<128x128xf32, #tpu.memory_space<vmem>>, vector<16xf32>,
        %mul3A_1428 = vector.broadcast %squeeze3A_1388 : f32 to vector<16xf32>
        %mul3A_1429 = arith.mulf %get3A_1427, %mul3A_1428 : vector<16xf32>
        %swap3A_1430 = arith.index_cast %add3A_1392 : i32 to index
        %swap3A_1431 = arith.constant 64 : index
        %swap3A_1432 = tpu.vector_load %arg12[%swap3A_1430, %swap3A_1431] {strides = array<i32>} : memref<128x128xf32, #tpu.memory_space<vmem>>, vector<16xf32>,
        tpu.vector_store %arg12[%swap3A_1430, %swap3A_1431], %mul3A_1429 {strides = array<i32>} : memref<128x128xf32, #tpu.memory_space<vmem>>, vector<16xf32>,
        %get3A_1433 = arith.index_cast %add3A_1392 : i32 to index
        %get3A_1434 = arith.constant 80 : index
        %get3A_1435 = tpu.vector_load %arg12[%get3A_1433, %get3A_1434] {strides = array<i32>} : memref<128x128xf32, #tpu.memory_space<vmem>>, vector<16xf32>,
        %mul3A_1436 = vector.broadcast %squeeze3A_1388 : f32 to vector<16xf32>
        %mul3A_1437 = arith.mulf %get3A_1435, %mul3A_1436 : vector<16xf32>
        %swap3A_1438 = arith.index_cast %add3A_1392 : i32 to index
        %swap3A_1439 = arith.constant 80 : index
        %swap3A_1440 = tpu.vector_load %arg12[%swap3A_1438, %swap3A_1439] {strides = array<i32>} : memref<128x128xf32, #tpu.memory_space<vmem>>, vector<16xf32>,
        tpu.vector_store %arg12[%swap3A_1438, %swap3A_1439], %mul3A_1437 {strides = array<i32>} : memref<128x128xf32, #tpu.memory_space<vmem>>, vector<16xf32>,
        %get3A_1441 = arith.index_cast %add3A_1392 : i32 to index
        %get3A_1442 = arith.constant 96 : index
        %get3A_1443 = tpu.vector_load %arg12[%get3A_1441, %get3A_1442] {strides = array<i32>} : memref<128x128xf32, #tpu.memory_space<vmem>>, vector<16xf32>,
        %mul3A_1444 = vector.broadcast %squeeze3A_1388 : f32 to vector<16xf32>
        %mul3A_1445 = arith.mulf %get3A_1443, %mul3A_1444 : vector<16xf32>
        %swap3A_1446 = arith.index_cast %add3A_1392 : i32 to index
        %swap3A_1447 = arith.constant 96 : index
        %swap3A_1448 = tpu.vector_load %arg12[%swap3A_1446, %swap3A_1447] {strides = array<i32>} : memref<128x128xf32, #tpu.memory_space<vmem>>, vector<16xf32>,
        tpu.vector_store %arg12[%swap3A_1446, %swap3A_1447], %mul3A_1445 {strides = array<i32>} : memref<128x128xf32, #tpu.memory_space<vmem>>, vector<16xf32>,
        %get3A_1449 = arith.index_cast %add3A_1392 : i32 to index
        %get3A_1450 = arith.constant 112 : index
        %get3A_1451 = tpu.vector_load %arg12[%get3A_1449, %get3A_1450] {strides = array<i32>} : memref<128x128xf32, #tpu.memory_space<vmem>>, vector<16xf32>,
        %mul3A_1452 = vector.broadcast %squeeze3A_1388 : f32 to vector<16xf32>
        %mul3A_1453 = arith.mulf %get3A_1451, %mul3A_1452 : vector<16xf32>
        %swap3A_1454 = arith.index_cast %add3A_1392 : i32 to index
        %swap3A_1455 = arith.constant 112 : index
        %swap3A_1456 = tpu.vector_load %arg12[%swap3A_1454, %swap3A_1455] {strides = array<i32>} : memref<128x128xf32, #tpu.memory_space<vmem>>, vector<16xf32>,
        tpu.vector_store %arg12[%swap3A_1454, %swap3A_1455], %mul3A_1453 {strides = array<i32>} : memref<128x128xf32, #tpu.memory_space<vmem>>, vector<16xf32>,
        %slice3A_1457 = vector.extract_strided_slice %get3A_478 {offsets = [14], sizes = [1], strides = [1]} : vector<16xf32> to vector<1xf32>
        %squeeze3A_1458 = vector.extract %slice3A_1457[0] : f32 from vector<1xf32>
        %mul3A_1459 = arith.constant 16 : i32
        %mul3A_1460 = arith.muli %scan3A_474, %mul3A_1459 : i32
        %add3A_1461 = arith.constant 14 : i32
        %add3A_1462 = arith.addi %mul3A_1460, %add3A_1461 : i32
        %get3A_1463 = arith.index_cast %add3A_1462 : i32 to index
        %get3A_1464 = arith.constant 0 : index
        %get3A_1465 = tpu.vector_load %arg12[%get3A_1463, %get3A_1464] {strides = array<i32>} : memref<128x128xf32, #tpu.memory_space<vmem>>, vector<16xf32>,
        %mul3A_1466 = vector.broadcast %squeeze3A_1458 : f32 to vector<16xf32>
        %mul3A_1467 = arith.mulf %get3A_1465, %mul3A_1466 : vector<16xf32>
        %swap3A_1468 = arith.index_cast %add3A_1462 : i32 to index
        %swap3A_1469 = arith.constant 0 : index
        %swap3A_1470 = tpu.vector_load %arg12[%swap3A_1468, %swap3A_1469] {strides = array<i32>} : memref<128x128xf32, #tpu.memory_space<vmem>>, vector<16xf32>,
        tpu.vector_store %arg12[%swap3A_1468, %swap3A_1469], %mul3A_1467 {strides = array<i32>} : memref<128x128xf32, #tpu.memory_space<vmem>>, vector<16xf32>,
        %get3A_1471 = arith.index_cast %add3A_1462 : i32 to index
        %get3A_1472 = arith.constant 16 : index
        %get3A_1473 = tpu.vector_load %arg12[%get3A_1471, %get3A_1472] {strides = array<i32>} : memref<128x128xf32, #tpu.memory_space<vmem>>, vector<16xf32>,
        %mul3A_1474 = vector.broadcast %squeeze3A_1458 : f32 to vector<16xf32>
        %mul3A_1475 = arith.mulf %get3A_1473, %mul3A_1474 : vector<16xf32>
        %swap3A_1476 = arith.index_cast %add3A_1462 : i32 to index
        %swap3A_1477 = arith.constant 16 : index
        %swap3A_1478 = tpu.vector_load %arg12[%swap3A_1476, %swap3A_1477] {strides = array<i32>} : memref<128x128xf32, #tpu.memory_space<vmem>>, vector<16xf32>,
        tpu.vector_store %arg12[%swap3A_1476, %swap3A_1477], %mul3A_1475 {strides = array<i32>} : memref<128x128xf32, #tpu.memory_space<vmem>>, vector<16xf32>,
        %get3A_1479 = arith.index_cast %add3A_1462 : i32 to index
        %get3A_1480 = arith.constant 32 : index
        %get3A_1481 = tpu.vector_load %arg12[%get3A_1479, %get3A_1480] {strides = array<i32>} : memref<128x128xf32, #tpu.memory_space<vmem>>, vector<16xf32>,
        %mul3A_1482 = vector.broadcast %squeeze3A_1458 : f32 to vector<16xf32>
        %mul3A_1483 = arith.mulf %get3A_1481, %mul3A_1482 : vector<16xf32>
        %swap3A_1484 = arith.index_cast %add3A_1462 : i32 to index
        %swap3A_1485 = arith.constant 32 : index
        %swap3A_1486 = tpu.vector_load %arg12[%swap3A_1484, %swap3A_1485] {strides = array<i32>} : memref<128x128xf32, #tpu.memory_space<vmem>>, vector<16xf32>,
        tpu.vector_store %arg12[%swap3A_1484, %swap3A_1485], %mul3A_1483 {strides = array<i32>} : memref<128x128xf32, #tpu.memory_space<vmem>>, vector<16xf32>,
        %get3A_1487 = arith.index_cast %add3A_1462 : i32 to index
        %get3A_1488 = arith.constant 48 : index
        %get3A_1489 = tpu.vector_load %arg12[%get3A_1487, %get3A_1488] {strides = array<i32>} : memref<128x128xf32, #tpu.memory_space<vmem>>, vector<16xf32>,
        %mul3A_1490 = vector.broadcast %squeeze3A_1458 : f32 to vector<16xf32>
        %mul3A_1491 = arith.mulf %get3A_1489, %mul3A_1490 : vector<16xf32>
        %swap3A_1492 = arith.index_cast %add3A_1462 : i32 to index
        %swap3A_1493 = arith.constant 48 : index
        %swap3A_1494 = tpu.vector_load %arg12[%swap3A_1492, %swap3A_1493] {strides = array<i32>} : memref<128x128xf32, #tpu.memory_space<vmem>>, vector<16xf32>,
        tpu.vector_store %arg12[%swap3A_1492, %swap3A_1493], %mul3A_1491 {strides = array<i32>} : memref<128x128xf32, #tpu.memory_space<vmem>>, vector<16xf32>,
        %get3A_1495 = arith.index_cast %add3A_1462 : i32 to index
        %get3A_1496 = arith.constant 64 : index
        %get3A_1497 = tpu.vector_load %arg12[%get3A_1495, %get3A_1496] {strides = array<i32>} : memref<128x128xf32, #tpu.memory_space<vmem>>, vector<16xf32>,
        %mul3A_1498 = vector.broadcast %squeeze3A_1458 : f32 to vector<16xf32>
        %mul3A_1499 = arith.mulf %get3A_1497, %mul3A_1498 : vector<16xf32>
        %swap3A_1500 = arith.index_cast %add3A_1462 : i32 to index
        %swap3A_1501 = arith.constant 64 : index
        %swap3A_1502 = tpu.vector_load %arg12[%swap3A_1500, %swap3A_1501] {strides = array<i32>} : memref<128x128xf32, #tpu.memory_space<vmem>>, vector<16xf32>,
        tpu.vector_store %arg12[%swap3A_1500, %swap3A_1501], %mul3A_1499 {strides = array<i32>} : memref<128x128xf32, #tpu.memory_space<vmem>>, vector<16xf32>,
        %get3A_1503 = arith.index_cast %add3A_1462 : i32 to index
        %get3A_1504 = arith.constant 80 : index
        %get3A_1505 = tpu.vector_load %arg12[%get3A_1503, %get3A_1504] {strides = array<i32>} : memref<128x128xf32, #tpu.memory_space<vmem>>, vector<16xf32>,
        %mul3A_1506 = vector.broadcast %squeeze3A_1458 : f32 to vector<16xf32>
        %mul3A_1507 = arith.mulf %get3A_1505, %mul3A_1506 : vector<16xf32>
        %swap3A_1508 = arith.index_cast %add3A_1462 : i32 to index
        %swap3A_1509 = arith.constant 80 : index
        %swap3A_1510 = tpu.vector_load %arg12[%swap3A_1508, %swap3A_1509] {strides = array<i32>} : memref<128x128xf32, #tpu.memory_space<vmem>>, vector<16xf32>,
        tpu.vector_store %arg12[%swap3A_1508, %swap3A_1509], %mul3A_1507 {strides = array<i32>} : memref<128x128xf32, #tpu.memory_space<vmem>>, vector<16xf32>,
        %get3A_1511 = arith.index_cast %add3A_1462 : i32 to index
        %get3A_1512 = arith.constant 96 : index
        %get3A_1513 = tpu.vector_load %arg12[%get3A_1511, %get3A_1512] {strides = array<i32>} : memref<128x128xf32, #tpu.memory_space<vmem>>, vector<16xf32>,
        %mul3A_1514 = vector.broadcast %squeeze3A_1458 : f32 to vector<16xf32>
        %mul3A_1515 = arith.mulf %get3A_1513, %mul3A_1514 : vector<16xf32>
        %swap3A_1516 = arith.index_cast %add3A_1462 : i32 to index
        %swap3A_1517 = arith.constant 96 : index
        %swap3A_1518 = tpu.vector_load %arg12[%swap3A_1516, %swap3A_1517] {strides = array<i32>} : memref<128x128xf32, #tpu.memory_space<vmem>>, vector<16xf32>,
        tpu.vector_store %arg12[%swap3A_1516, %swap3A_1517], %mul3A_1515 {strides = array<i32>} : memref<128x128xf32, #tpu.memory_space<vmem>>, vector<16xf32>,
        %get3A_1519 = arith.index_cast %add3A_1462 : i32 to index
        %get3A_1520 = arith.constant 112 : index
        %get3A_1521 = tpu.vector_load %arg12[%get3A_1519, %get3A_1520] {strides = array<i32>} : memref<128x128xf32, #tpu.memory_space<vmem>>, vector<16xf32>,
        %mul3A_1522 = vector.broadcast %squeeze3A_1458 : f32 to vector<16xf32>
        %mul3A_1523 = arith.mulf %get3A_1521, %mul3A_1522 : vector<16xf32>
        %swap3A_1524 = arith.index_cast %add3A_1462 : i32 to index
        %swap3A_1525 = arith.constant 112 : index
        %swap3A_1526 = tpu.vector_load %arg12[%swap3A_1524, %swap3A_1525] {strides = array<i32>} : memref<128x128xf32, #tpu.memory_space<vmem>>, vector<16xf32>,
        tpu.vector_store %arg12[%swap3A_1524, %swap3A_1525], %mul3A_1523 {strides = array<i32>} : memref<128x128xf32, #tpu.memory_space<vmem>>, vector<16xf32>,
        %slice3A_1527 = vector.extract_strided_slice %get3A_478 {offsets = [15], sizes = [1], strides = [1]} : vector<16xf32> to vector<1xf32>
        %squeeze3A_1528 = vector.extract %slice3A_1527[0] : f32 from vector<1xf32>
        %mul3A_1529 = arith.constant 16 : i32
        %mul3A_1530 = arith.muli %scan3A_474, %mul3A_1529 : i32
        %add3A_1531 = arith.constant 15 : i32
        %add3A_1532 = arith.addi %mul3A_1530, %add3A_1531 : i32
        %get3A_1533 = arith.index_cast %add3A_1532 : i32 to index
        %get3A_1534 = arith.constant 0 : index
        %get3A_1535 = tpu.vector_load %arg12[%get3A_1533, %get3A_1534] {strides = array<i32>} : memref<128x128xf32, #tpu.memory_space<vmem>>, vector<16xf32>,
        %mul3A_1536 = vector.broadcast %squeeze3A_1528 : f32 to vector<16xf32>
        %mul3A_1537 = arith.mulf %get3A_1535, %mul3A_1536 : vector<16xf32>
        %swap3A_1538 = arith.index_cast %add3A_1532 : i32 to index
        %swap3A_1539 = arith.constant 0 : index
        %swap3A_1540 = tpu.vector_load %arg12[%swap3A_1538, %swap3A_1539] {strides = array<i32>} : memref<128x128xf32, #tpu.memory_space<vmem>>, vector<16xf32>,
        tpu.vector_store %arg12[%swap3A_1538, %swap3A_1539], %mul3A_1537 {strides = array<i32>} : memref<128x128xf32, #tpu.memory_space<vmem>>, vector<16xf32>,
        %get3A_1541 = arith.index_cast %add3A_1532 : i32 to index
        %get3A_1542 = arith.constant 16 : index
        %get3A_1543 = tpu.vector_load %arg12[%get3A_1541, %get3A_1542] {strides = array<i32>} : memref<128x128xf32, #tpu.memory_space<vmem>>, vector<16xf32>,
        %mul3A_1544 = vector.broadcast %squeeze3A_1528 : f32 to vector<16xf32>
        %mul3A_1545 = arith.mulf %get3A_1543, %mul3A_1544 : vector<16xf32>
        %swap3A_1546 = arith.index_cast %add3A_1532 : i32 to index
        %swap3A_1547 = arith.constant 16 : index
        %swap3A_1548 = tpu.vector_load %arg12[%swap3A_1546, %swap3A_1547] {strides = array<i32>} : memref<128x128xf32, #tpu.memory_space<vmem>>, vector<16xf32>,
        tpu.vector_store %arg12[%swap3A_1546, %swap3A_1547], %mul3A_1545 {strides = array<i32>} : memref<128x128xf32, #tpu.memory_space<vmem>>, vector<16xf32>,
        %get3A_1549 = arith.index_cast %add3A_1532 : i32 to index
        %get3A_1550 = arith.constant 32 : index
        %get3A_1551 = tpu.vector_load %arg12[%get3A_1549, %get3A_1550] {strides = array<i32>} : memref<128x128xf32, #tpu.memory_space<vmem>>, vector<16xf32>,
        %mul3A_1552 = vector.broadcast %squeeze3A_1528 : f32 to vector<16xf32>
        %mul3A_1553 = arith.mulf %get3A_1551, %mul3A_1552 : vector<16xf32>
        %swap3A_1554 = arith.index_cast %add3A_1532 : i32 to index
        %swap3A_1555 = arith.constant 32 : index
        %swap3A_1556 = tpu.vector_load %arg12[%swap3A_1554, %swap3A_1555] {strides = array<i32>} : memref<128x128xf32, #tpu.memory_space<vmem>>, vector<16xf32>,
        tpu.vector_store %arg12[%swap3A_1554, %swap3A_1555], %mul3A_1553 {strides = array<i32>} : memref<128x128xf32, #tpu.memory_space<vmem>>, vector<16xf32>,
        %get3A_1557 = arith.index_cast %add3A_1532 : i32 to index
        %get3A_1558 = arith.constant 48 : index
        %get3A_1559 = tpu.vector_load %arg12[%get3A_1557, %get3A_1558] {strides = array<i32>} : memref<128x128xf32, #tpu.memory_space<vmem>>, vector<16xf32>,
        %mul3A_1560 = vector.broadcast %squeeze3A_1528 : f32 to vector<16xf32>
        %mul3A_1561 = arith.mulf %get3A_1559, %mul3A_1560 : vector<16xf32>
        %swap3A_1562 = arith.index_cast %add3A_1532 : i32 to index
        %swap3A_1563 = arith.constant 48 : index
        %swap3A_1564 = tpu.vector_load %arg12[%swap3A_1562, %swap3A_1563] {strides = array<i32>} : memref<128x128xf32, #tpu.memory_space<vmem>>, vector<16xf32>,
        tpu.vector_store %arg12[%swap3A_1562, %swap3A_1563], %mul3A_1561 {strides = array<i32>} : memref<128x128xf32, #tpu.memory_space<vmem>>, vector<16xf32>,
        %get3A_1565 = arith.index_cast %add3A_1532 : i32 to index
        %get3A_1566 = arith.constant 64 : index
        %get3A_1567 = tpu.vector_load %arg12[%get3A_1565, %get3A_1566] {strides = array<i32>} : memref<128x128xf32, #tpu.memory_space<vmem>>, vector<16xf32>,
        %mul3A_1568 = vector.broadcast %squeeze3A_1528 : f32 to vector<16xf32>
        %mul3A_1569 = arith.mulf %get3A_1567, %mul3A_1568 : vector<16xf32>
        %swap3A_1570 = arith.index_cast %add3A_1532 : i32 to index
        %swap3A_1571 = arith.constant 64 : index
        %swap3A_1572 = tpu.vector_load %arg12[%swap3A_1570, %swap3A_1571] {strides = array<i32>} : memref<128x128xf32, #tpu.memory_space<vmem>>, vector<16xf32>,
        tpu.vector_store %arg12[%swap3A_1570, %swap3A_1571], %mul3A_1569 {strides = array<i32>} : memref<128x128xf32, #tpu.memory_space<vmem>>, vector<16xf32>,
        %get3A_1573 = arith.index_cast %add3A_1532 : i32 to index
        %get3A_1574 = arith.constant 80 : index
        %get3A_1575 = tpu.vector_load %arg12[%get3A_1573, %get3A_1574] {strides = array<i32>} : memref<128x128xf32, #tpu.memory_space<vmem>>, vector<16xf32>,
        %mul3A_1576 = vector.broadcast %squeeze3A_1528 : f32 to vector<16xf32>
        %mul3A_1577 = arith.mulf %get3A_1575, %mul3A_1576 : vector<16xf32>
        %swap3A_1578 = arith.index_cast %add3A_1532 : i32 to index
        %swap3A_1579 = arith.constant 80 : index
        %swap3A_1580 = tpu.vector_load %arg12[%swap3A_1578, %swap3A_1579] {strides = array<i32>} : memref<128x128xf32, #tpu.memory_space<vmem>>, vector<16xf32>,
        tpu.vector_store %arg12[%swap3A_1578, %swap3A_1579], %mul3A_1577 {strides = array<i32>} : memref<128x128xf32, #tpu.memory_space<vmem>>, vector<16xf32>,
        %get3A_1581 = arith.index_cast %add3A_1532 : i32 to index
        %get3A_1582 = arith.constant 96 : index
        %get3A_1583 = tpu.vector_load %arg12[%get3A_1581, %get3A_1582] {strides = array<i32>} : memref<128x128xf32, #tpu.memory_space<vmem>>, vector<16xf32>,
        %mul3A_1584 = vector.broadcast %squeeze3A_1528 : f32 to vector<16xf32>
        %mul3A_1585 = arith.mulf %get3A_1583, %mul3A_1584 : vector<16xf32>
        %swap3A_1586 = arith.index_cast %add3A_1532 : i32 to index
        %swap3A_1587 = arith.constant 96 : index
        %swap3A_1588 = tpu.vector_load %arg12[%swap3A_1586, %swap3A_1587] {strides = array<i32>} : memref<128x128xf32, #tpu.memory_space<vmem>>, vector<16xf32>,
        tpu.vector_store %arg12[%swap3A_1586, %swap3A_1587], %mul3A_1585 {strides = array<i32>} : memref<128x128xf32, #tpu.memory_space<vmem>>, vector<16xf32>,
        %get3A_1589 = arith.index_cast %add3A_1532 : i32 to index
        %get3A_1590 = arith.constant 112 : index
        %get3A_1591 = tpu.vector_load %arg12[%get3A_1589, %get3A_1590] {strides = array<i32>} : memref<128x128xf32, #tpu.memory_space<vmem>>, vector<16xf32>,
        %mul3A_1592 = vector.broadcast %squeeze3A_1528 : f32 to vector<16xf32>
        %mul3A_1593 = arith.mulf %get3A_1591, %mul3A_1592 : vector<16xf32>
        %swap3A_1594 = arith.index_cast %add3A_1532 : i32 to index
        %swap3A_1595 = arith.constant 112 : index
        %swap3A_1596 = tpu.vector_load %arg12[%swap3A_1594, %swap3A_1595] {strides = array<i32>} : memref<128x128xf32, #tpu.memory_space<vmem>>, vector<16xf32>,
        tpu.vector_store %arg12[%swap3A_1594, %swap3A_1595], %mul3A_1593 {strides = array<i32>} : memref<128x128xf32, #tpu.memory_space<vmem>>, vector<16xf32>,
      }
      %scan3A_466 = arith.constant 8 : i32
      %dma_start3A_467 = arith.constant 1 : i32
      %dma_start3A_468 = arith.constant 0 : i32
      %dma_start3A_469 = tpu.memref_slice %arg8[%dma_start3A_467, %dma_start3A_468] : memref<3x128xi32, #tpu.memory_space<vmem>> -> memref<1x128xi32, #tpu.memory_space<vmem>>
      %dma_start3A_470 = tpu.memref_squeeze %dma_start3A_469 : memref<1x128xi32, #tpu.memory_space<vmem>> -> memref<128xi32, #tpu.memory_space<vmem>>
      %dma_start3A_471 = arith.constant 0 : i32
      %dma_start3A_472 = arith.constant 0 : i32
      %dma_start3A_473 = tpu.memref_slice %arg15[%dma_start3A_471, %dma_start3A_472] : memref<10000x128xf32, #tpu.memory_space<vmem_shared>> -> memref<10000x128xf32, #tpu.memory_space<vmem_shared>>
      tpu.enqueue_indirect_dma source(%arg12 : memref<128x128xf32, #tpu.memory_space<vmem>>) target(%dma_start3A_473 : memref<10000x128xf32, #tpu.memory_space<vmem_shared>>) offsets(%dma_start3A_470 : memref<128xi32, #tpu.memory_space<vmem>>) semaphore(%arg19 : memref<!tpu.dma_semaphore, #tpu.memory_space<semaphore_mem>>) {add = true}
    }
    %scan3A_54 = arith.constant 41 : i32
    %dma_wait3A_55 = arith.constant 1 : i32
    %dma_wait3A_56 = arith.constant 0 : i32
    %dma_wait3A_57 = tpu.memref_slice %arg7[%dma_wait3A_55, %dma_wait3A_56] : memref<3x128xi32, #tpu.memory_space<vmem>> -> memref<1x128xi32, #tpu.memory_space<vmem>>
    %dma_wait3A_58 = tpu.memref_squeeze %dma_wait3A_57 : memref<1x128xi32, #tpu.memory_space<vmem>> -> memref<128xi32, #tpu.memory_space<vmem>>
    %dma_wait3A_59 = arith.constant 0 : i32
    %dma_wait3A_60 = arith.constant 0 : i32
    %dma_wait3A_61 = tpu.memref_slice %arg15[%dma_wait3A_59, %dma_wait3A_60] : memref<10000x128xf32, #tpu.memory_space<vmem_shared>> -> memref<10000x128xf32, #tpu.memory_space<vmem_shared>>
    tpu.wait_indirect_dma semaphore(%arg19 : memref<!tpu.dma_semaphore, #tpu.memory_space<semaphore_mem>>) src(%arg12 : memref<128x128xf32, #tpu.memory_space<vmem>>) dst(%dma_wait3A_61 : memref<10000x128xf32, #tpu.memory_space<vmem_shared>>)
    %barrier3A_62 = arith.constant 0 : index
    tpu.barrier barrier_id(%barrier3A_62)
    %mul3A_63 = arith.constant 624 : i32
    %mul3A_64 = arith.muli %arg1, %mul3A_63 : i32
    %mul3A_65 = arith.constant 624 : i32
    %mul3A_66 = arith.muli %arg1, %mul3A_65 : i32
    "tpu.region"() ({
      %run_scoped3A = tpu.sem_alloc : memref<!tpu.dma_semaphore, #tpu.memory_space<semaphore_mem>>
      %dma_start3A_72 = arith.constant 0 : i32
      %dma_start3A_73 = tpu.memref_slice %arg6[%arg0, %mul3A_66, %dma_start3A_72] : memref<2x10000x128xf32, #tpu.memory_space<hbm>> -> memref<1x624x128xf32, #tpu.memory_space<hbm>>
      %dma_start3A_74 = tpu.memref_squeeze %dma_start3A_73 : memref<1x624x128xf32, #tpu.memory_space<hbm>> -> memref<624x128xf32, #tpu.memory_space<hbm>>
      %dma_start3A_75 = arith.constant 0 : i32
      %dma_start3A_76 = tpu.memref_slice %arg15[%mul3A_64, %dma_start3A_75] : memref<10000x128xf32, #tpu.memory_space<vmem_shared>> -> memref<624x128xf32, #tpu.memory_space<vmem_shared>>
      tpu.enqueue_dma source(%dma_start3A_76 : memref<624x128xf32, #tpu.memory_space<vmem_shared>>) target(%dma_start3A_74 : memref<624x128xf32, #tpu.memory_space<hbm>>) target_semaphore(%run_scoped3A : memref<!tpu.dma_semaphore, #tpu.memory_space<semaphore_mem>>)
      %dma_wait3A_77 = arith.constant 0 : i32
      %dma_wait3A_78 = tpu.memref_slice %arg6[%arg0, %mul3A_66, %dma_wait3A_77] : memref<2x10000x128xf32, #tpu.memory_space<hbm>> -> memref<1x624x128xf32, #tpu.memory_space<hbm>>
      %dma_wait3A_79 = tpu.memref_squeeze %dma_wait3A_78 : memref<1x624x128xf32, #tpu.memory_space<hbm>> -> memref<624x128xf32, #tpu.memory_space<hbm>>
      %dma_wait3A_80 = arith.constant 0 : i32
      %dma_wait3A_81 = tpu.memref_slice %arg15[%mul3A_64, %dma_wait3A_80] : memref<10000x128xf32, #tpu.memory_space<vmem_shared>> -> memref<624x128xf32, #tpu.memory_space<vmem_shared>>
      tpu.wait_dma2 semaphore(%run_scoped3A : memref<!tpu.dma_semaphore, #tpu.memory_space<semaphore_mem>>) src(%dma_wait3A_81 : memref<624x128xf32, #tpu.memory_space<vmem_shared>>) dst(%dma_wait3A_79 : memref<624x128xf32, #tpu.memory_space<hbm>>)
      tpu.yield
    }) : () -> ()
    %eq3A_67 = arith.constant 15 : i32
    %eq3A_68 = arith.cmpi eq, %arg1, %eq3A_67 : i32
    %convert_element_type3A_69 = arith.extui %eq3A_68 : i1 to i32
    %cond3A_70 = arith.constant 0 : i32
    %cond3A_71 = arith.cmpi ne, %convert_element_type3A_69, %cond3A_70 : i32
    scf.if %cond3A_71 {
      "tpu.region"() ({
        %run_scoped3A = tpu.sem_alloc : memref<!tpu.dma_semaphore, #tpu.memory_space<semaphore_mem>>
        %dma_start3A_72 = arith.constant 9984 : i32
        %dma_start3A_73 = arith.constant 0 : i32
        %dma_start3A_74 = tpu.memref_slice %arg6[%arg0, %dma_start3A_72, %dma_start3A_73] : memref<2x10000x128xf32, #tpu.memory_space<hbm>> -> memref<1x16x128xf32, #tpu.memory_space<hbm>>
        %dma_start3A_75 = tpu.memref_squeeze %dma_start3A_74 : memref<1x16x128xf32, #tpu.memory_space<hbm>> -> memref<16x128xf32, #tpu.memory_space<hbm>>
        %dma_start3A_76 = arith.constant 9984 : i32
        %dma_start3A_77 = arith.constant 0 : i32
        %dma_start3A_78 = tpu.memref_slice %arg15[%dma_start3A_76, %dma_start3A_77] : memref<10000x128xf32, #tpu.memory_space<vmem_shared>> -> memref<16x128xf32, #tpu.memory_space<vmem_shared>>
        tpu.enqueue_dma source(%dma_start3A_78 : memref<16x128xf32, #tpu.memory_space<vmem_shared>>) target(%dma_start3A_75 : memref<16x128xf32, #tpu.memory_space<hbm>>) target_semaphore(%run_scoped3A : memref<!tpu.dma_semaphore, #tpu.memory_space<semaphore_mem>>)
        %dma_wait3A_79 = arith.constant 9984 : i32
        %dma_wait3A_80 = arith.constant 0 : i32
        %dma_wait3A_81 = tpu.memref_slice %arg6[%arg0, %dma_wait3A_79, %dma_wait3A_80] : memref<2x10000x128xf32, #tpu.memory_space<hbm>> -> memref<1x16x128xf32, #tpu.memory_space<hbm>>
        %dma_wait3A_82 = tpu.memref_squeeze %dma_wait3A_81 : memref<1x16x128xf32, #tpu.memory_space<hbm>> -> memref<16x128xf32, #tpu.memory_space<hbm>>
        %dma_wait3A_83 = arith.constant 9984 : i32
        %dma_wait3A_84 = arith.constant 0 : i32
        %dma_wait3A_85 = tpu.memref_slice %arg15[%dma_wait3A_83, %dma_wait3A_84] : memref<10000x128xf32, #tpu.memory_space<vmem_shared>> -> memref<16x128xf32, #tpu.memory_space<vmem_shared>>
        tpu.wait_dma2 semaphore(%run_scoped3A : memref<!tpu.dma_semaphore, #tpu.memory_space<semaphore_mem>>) src(%dma_wait3A_85 : memref<16x128xf32, #tpu.memory_space<vmem_shared>>) dst(%dma_wait3A_82 : memref<16x128xf32, #tpu.memory_space<hbm>>)
        tpu.yield
      }) : () -> ()
    } else {
    }
    return
  }
}

module attributes {stable_mosaic.version = 14 : i64} {
  func.func @_fold_matmul_body(%arg0: memref<10000x128xf32, #tpu.memory_space<vmem>>, %arg1: memref<128x64xf32, #tpu.memory_space<vmem>>, %arg2: memref<128x64xf32, #tpu.memory_space<vmem>>, %arg3: memref<128x64xf32, #tpu.memory_space<vmem>>, %arg4: memref<128x64xf32, #tpu.memory_space<vmem>>, %arg5: memref<10000x128xf32, #tpu.memory_space<vmem>>) attributes {dimension_semantics = [], scalar_prefetch = 0 : i64, scratch_operands = 0 : i64, tpu.core_type = #tpu.core_type<tc>} {
    %get3A = arith.constant 0 : index
    %get3A_0 = arith.constant 0 : index
    %get3A_1 = vector.load %arg0[%get3A, %get3A_0] : memref<10000x128xf32, #tpu.memory_space<vmem>>, vector<10000x128xf32>
    %get3A_2 = arith.constant 0 : index
    %get3A_3 = arith.constant 0 : index
    %get3A_4 = vector.load %arg1[%get3A_2, %get3A_3] : memref<128x64xf32, #tpu.memory_space<vmem>>, vector<128x64xf32>
    %get3A_5 = arith.constant 0 : index
    %get3A_6 = arith.constant 0 : index
    %get3A_7 = vector.load %arg3[%get3A_5, %get3A_6] : memref<128x64xf32, #tpu.memory_space<vmem>>, vector<64x64xf32>
    %dot_general3A = arith.constant dense<0.000000e+00> : vector<128x64xf32>
    %dot_general3A_8 = tpu.matmul %get3A_4, %get3A_7, %dot_general3A {dimension_numbers = #tpu.dot_dimension_numbers<[1], [0], [0], [1], [0, 0, 1, 1], [], []>, transpose_lhs_hint = false} : vector<128x64xf32>, vector<64x64xf32>, vector<128x64xf32> -> vector<128x64xf32>
    %dot_general3A_9 = arith.constant dense<0.000000e+00> : vector<10000x64xf32>
    %dot_general3A_10 = tpu.matmul %get3A_1, %dot_general3A_8, %dot_general3A_9 {dimension_numbers = #tpu.dot_dimension_numbers<[1], [0], [0], [1], [0, 0, 1, 1], [], []>, transpose_lhs_hint = false} : vector<10000x128xf32>, vector<128x64xf32>, vector<10000x64xf32> -> vector<10000x64xf32>
    %swap3A = arith.constant 0 : index
    %swap3A_11 = arith.constant 0 : index
    %swap3A_12 = vector.load %arg5[%swap3A, %swap3A_11] : memref<10000x128xf32, #tpu.memory_space<vmem>>, vector<10000x64xf32>
    tpu.vector_store %arg5[%swap3A, %swap3A_11], %dot_general3A_10 {strides = array<i32>} : memref<10000x128xf32, #tpu.memory_space<vmem>>, vector<10000x64xf32>,
    %get3A_13 = arith.constant 0 : index
    %get3A_14 = arith.constant 0 : index
    %get3A_15 = vector.load %arg0[%get3A_13, %get3A_14] : memref<10000x128xf32, #tpu.memory_space<vmem>>, vector<10000x128xf32>
    %get3A_16 = arith.constant 0 : index
    %get3A_17 = arith.constant 0 : index
    %get3A_18 = vector.load %arg2[%get3A_16, %get3A_17] : memref<128x64xf32, #tpu.memory_space<vmem>>, vector<128x64xf32>
    %get3A_19 = arith.constant 0 : index
    %get3A_20 = arith.constant 0 : index
    %get3A_21 = vector.load %arg4[%get3A_19, %get3A_20] : memref<128x64xf32, #tpu.memory_space<vmem>>, vector<64x64xf32>
    %dot_general3A_22 = arith.constant dense<0.000000e+00> : vector<128x64xf32>
    %dot_general3A_23 = tpu.matmul %get3A_18, %get3A_21, %dot_general3A_22 {dimension_numbers = #tpu.dot_dimension_numbers<[1], [0], [0], [1], [0, 0, 1, 1], [], []>, transpose_lhs_hint = false} : vector<128x64xf32>, vector<64x64xf32>, vector<128x64xf32> -> vector<128x64xf32>
    %dot_general3A_24 = arith.constant dense<0.000000e+00> : vector<10000x64xf32>
    %dot_general3A_25 = tpu.matmul %get3A_15, %dot_general3A_23, %dot_general3A_24 {dimension_numbers = #tpu.dot_dimension_numbers<[1], [0], [0], [1], [0, 0, 1, 1], [], []>, transpose_lhs_hint = false} : vector<10000x128xf32>, vector<128x64xf32>, vector<10000x64xf32> -> vector<10000x64xf32>
    %swap3A_26 = arith.constant 0 : index
    %swap3A_27 = arith.constant 64 : index
    %swap3A_28 = vector.load %arg5[%swap3A_26, %swap3A_27] : memref<10000x128xf32, #tpu.memory_space<vmem>>, vector<10000x64xf32>
    tpu.vector_store %arg5[%swap3A_26, %swap3A_27], %dot_general3A_25 {strides = array<i32>} : memref<10000x128xf32, #tpu.memory_space<vmem>>, vector<10000x64xf32>,
    return
  }
}

module attributes {stable_mosaic.version = 14 : i64} {
  func.func @_tail_body(%arg0: memref<2x10000x128xf32, #tpu.memory_space<vmem>>, %arg1: memref<64xf32, #tpu.memory_space<vmem>>, %arg2: memref<64xf32, #tpu.memory_space<vmem>>, %arg3: memref<128x64xf32, #tpu.memory_space<vmem>>, %arg4: memref<64xf32, #tpu.memory_space<vmem>>, %arg5: memref<128x64xf32, #tpu.memory_space<vmem>>, %arg6: memref<64xf32, #tpu.memory_space<vmem>>, %arg7: memref<64x10xf32, #tpu.memory_space<vmem>>, %arg8: memref<10xf32, #tpu.memory_space<vmem>>, %arg9: memref<10000x10xf32, #tpu.memory_space<vmem>>) attributes {dimension_semantics = [], scalar_prefetch = 0 : i64, scratch_operands = 0 : i64, tpu.core_type = #tpu.core_type<tc>} {
    %get3A = arith.constant 0 : index
    %get3A_0 = arith.constant 0 : index
    %get3A_1 = arith.constant 0 : index
    %get3A_2 = vector.load %arg0[%get3A, %get3A_0, %get3A_1] : memref<2x10000x128xf32, #tpu.memory_space<vmem>>, vector<1x10000x128xf32>
    %get3A_3 = vector.shape_cast %get3A_2 : vector<1x10000x128xf32> to vector<10000x128xf32>
    %get3A_4 = arith.constant 1 : index
    %get3A_5 = arith.constant 0 : index
    %get3A_6 = arith.constant 0 : index
    %get3A_7 = vector.load %arg0[%get3A_4, %get3A_5, %get3A_6] : memref<2x10000x128xf32, #tpu.memory_space<vmem>>, vector<1x10000x128xf32>
    %get3A_8 = vector.shape_cast %get3A_7 : vector<1x10000x128xf32> to vector<10000x128xf32>
    %add3A = arith.addf %get3A_3, %get3A_8 : vector<10000x128xf32>
    %get3A_9 = arith.constant 0 : index
    %get3A_10 = vector.load %arg1[%get3A_9] : memref<64xf32, #tpu.memory_space<vmem>>, vector<64xf32>
    %get3A_11 = arith.constant 0 : index
    %get3A_12 = arith.constant 0 : index
    %get3A_13 = vector.load %arg3[%get3A_11, %get3A_12] : memref<128x64xf32, #tpu.memory_space<vmem>>, vector<64x64xf32>
    %dot_general3A = arith.constant dense<0.000000e+00> : vector<64xf32>
    %dot_general3A_14 = tpu.matmul %get3A_10, %get3A_13, %dot_general3A {dimension_numbers = #tpu.dot_dimension_numbers<[0], [0], [], [1], [1, 1], [], []>, transpose_lhs_hint = false} : vector<64xf32>, vector<64x64xf32>, vector<64xf32> -> vector<64xf32>
    %get3A_15 = arith.constant 0 : index
    %get3A_16 = vector.load %arg4[%get3A_15] : memref<64xf32, #tpu.memory_space<vmem>>, vector<64xf32>
    %add3A_17 = arith.addf %dot_general3A_14, %get3A_16 : vector<64xf32>
    %get3A_18 = arith.constant 0 : index
    %get3A_19 = vector.load %arg2[%get3A_18] : memref<64xf32, #tpu.memory_space<vmem>>, vector<64xf32>
    %get3A_20 = arith.constant 0 : index
    %get3A_21 = arith.constant 0 : index
    %get3A_22 = vector.load %arg5[%get3A_20, %get3A_21] : memref<128x64xf32, #tpu.memory_space<vmem>>, vector<64x64xf32>
    %dot_general3A_23 = arith.constant dense<0.000000e+00> : vector<64xf32>
    %dot_general3A_24 = tpu.matmul %get3A_19, %get3A_22, %dot_general3A_23 {dimension_numbers = #tpu.dot_dimension_numbers<[0], [0], [], [1], [1, 1], [], []>, transpose_lhs_hint = false} : vector<64xf32>, vector<64x64xf32>, vector<64xf32> -> vector<64xf32>
    %get3A_25 = arith.constant 0 : index
    %get3A_26 = vector.load %arg6[%get3A_25] : memref<64xf32, #tpu.memory_space<vmem>>, vector<64xf32>
    %add3A_27 = arith.addf %dot_general3A_24, %get3A_26 : vector<64xf32>
    %slice3A = vector.extract_strided_slice %add3A {offsets = [0, 0], sizes = [10000, 64], strides = [1, 1]} : vector<10000x128xf32> to vector<10000x64xf32>
    %broadcast_in_dim3A = vector.shape_cast %add3A_17 : vector<64xf32> to vector<1x64xf32>
    %add3A_28 = vector.broadcast %broadcast_in_dim3A : vector<1x64xf32> to vector<10000x64xf32>
    %add3A_29 = arith.addf %slice3A, %add3A_28 : vector<10000x64xf32>
    %logistic3A = arith.negf %add3A_29 : vector<10000x64xf32>
    %logistic3A_30 = math.exp %logistic3A : vector<10000x64xf32>
    %logistic3A_31 = arith.constant 1.000000e+00 : f32
    %logistic3A_32 = vector.broadcast %logistic3A_31 : f32 to vector<10000x64xf32>
    %logistic3A_33 = arith.addf %logistic3A_32, %logistic3A_30 : vector<10000x64xf32>
    %logistic3A_34 = arith.divf %logistic3A_32, %logistic3A_33 : vector<10000x64xf32>
    %slice3A_35 = vector.extract_strided_slice %add3A {offsets = [0, 64], sizes = [10000, 64], strides = [1, 1]} : vector<10000x128xf32> to vector<10000x64xf32>
    %broadcast_in_dim3A_36 = vector.shape_cast %add3A_27 : vector<64xf32> to vector<1x64xf32>
    %add3A_37 = vector.broadcast %broadcast_in_dim3A_36 : vector<1x64xf32> to vector<10000x64xf32>
    %add3A_38 = arith.addf %slice3A_35, %add3A_37 : vector<10000x64xf32>
    %tanh3A = math.tanh %add3A_38 : vector<10000x64xf32>
    %sub3A = arith.constant 1.000000e+00 : f32
    %sub3A_39 = vector.broadcast %sub3A : f32 to vector<10000x64xf32>
    %sub3A_40 = arith.subf %sub3A_39, %logistic3A_34 : vector<10000x64xf32>
    %mul3A = arith.mulf %sub3A_40, %tanh3A : vector<10000x64xf32>
    %max3A = arith.constant 0.000000e+00 : f32
    %max3A_41 = vector.broadcast %max3A : f32 to vector<10000x64xf32>
    %max3A_42 = arith.maximumf %mul3A, %max3A_41 : vector<10000x64xf32>
    %get3A_43 = arith.constant 0 : index
    %get3A_44 = arith.constant 0 : index
    %get3A_45 = vector.load %arg7[%get3A_43, %get3A_44] : memref<64x10xf32, #tpu.memory_space<vmem>>, vector<64x10xf32>
    %dot_general3A_46 = arith.constant dense<0.000000e+00> : vector<10000x10xf32>
    %dot_general3A_47 = tpu.matmul %max3A_42, %get3A_45, %dot_general3A_46 {dimension_numbers = #tpu.dot_dimension_numbers<[1], [0], [0], [1], [0, 0, 1, 1], [], []>, transpose_lhs_hint = false} : vector<10000x64xf32>, vector<64x10xf32>, vector<10000x10xf32> -> vector<10000x10xf32>
    %get3A_48 = arith.constant 0 : index
    %get3A_49 = vector.load %arg8[%get3A_48] : memref<10xf32, #tpu.memory_space<vmem>>, vector<10xf32>
    %broadcast_in_dim3A_50 = vector.shape_cast %get3A_49 : vector<10xf32> to vector<1x10xf32>
    %add3A_51 = vector.broadcast %broadcast_in_dim3A_50 : vector<1x10xf32> to vector<10000x10xf32>
    %add3A_52 = arith.addf %dot_general3A_47, %add3A_51 : vector<10000x10xf32>
    %reduce_max3A = arith.constant dense<0xFF800000> : vector<10000xf32>
    %reduce_max3A_53 = vector.multi_reduction <maximumf>, %add3A_52, %reduce_max3A [1] : vector<10000x10xf32> to vector<10000xf32>
    %max3A_54 = arith.constant 0xFF800000 : f32
    %max3A_55 = vector.broadcast %max3A_54 : f32 to vector<10000xf32>
    %max3A_56 = arith.maximumf %max3A_55, %reduce_max3A_53 : vector<10000xf32>
    %broadcast_in_dim3A_57 = vector.shape_cast %max3A_56 : vector<10000xf32> to vector<10000x1xf32>
    %sub3A_58 = vector.broadcast %broadcast_in_dim3A_57 : vector<10000x1xf32> to vector<10000x10xf32>
    %sub3A_59 = arith.subf %add3A_52, %sub3A_58 : vector<10000x10xf32>
    %exp3A = math.exp %sub3A_59 : vector<10000x10xf32>
    %reduce_sum3A = arith.constant dense<0.000000e+00> : vector<10000xf32>
    %reduce_sum3A_60 = vector.multi_reduction <add>, %exp3A, %reduce_sum3A [1] : vector<10000x10xf32> to vector<10000xf32>
    %broadcast_in_dim3A_61 = vector.shape_cast %reduce_sum3A_60 : vector<10000xf32> to vector<10000x1xf32>
    %div3A = vector.broadcast %broadcast_in_dim3A_61 : vector<10000x1xf32> to vector<10000x10xf32>
    %div3A_62 = arith.divf %exp3A, %div3A : vector<10000x10xf32>
    %swap3A = arith.constant 0 : index
    %swap3A_63 = arith.constant 0 : index
    %swap3A_64 = vector.load %arg9[%swap3A, %swap3A_63] : memref<10000x10xf32, #tpu.memory_space<vmem>>, vector<10000x10xf32>
    tpu.vector_store %arg9[%swap3A, %swap3A_63], %div3A_62 {strides = array<i32>} : memref<10000x10xf32, #tpu.memory_space<vmem>>, vector<10000x10xf32>,
    return
  }
}

</mosaic_0001>

<sc_bundles>
// kernel: kernel.5.cloned.1.call-start
scs
__scs_entry_jumppad:
0x0: {  	(pc) =	sbr.rel $0x88, $3  }
0x1: {  	(tag) =	ssettag $0x0;
	lr =	simm.s32 $0x1  }
0x2: {  	[smem:$0x3F94] =	sst lr;
	_ =	strace $0xD0000000  }
0x3: {  	_ = 	snop  }
0x4: {  	_ = 	snop  }
0x5: {  	_ = 	snop  }
0x6: {  	_ = 	snop  }
0x7: {  	_ = 	snop  }
__scs_overlays_trampoline_lowered:
0x8: {  	[smem:$0x3FA3] =	sst s0  }
0x9: {  	[smem:$0x3FA4] =	sst s1  }
0xa: {  	[smem:$0x3FA5] =	sst s2  }
0xb: {  	[smem:$0x3FA6] =	sst s3  }
0xc: {  	[smem:$0x3FA7] =	sst s4  }
0xd: {  	[smem:$0x3FA8] =	sst s5  }
0xe: {  	[smem:$0x3FA9] =	sst s6  }
0xf: {  	[smem:$0x3FAA] =	sst s7  }
0x10: {  	[smem:$0x3FAB] =	sst s8  }
0x11: {  	[smem:$0x3FAC] =	sst s9;
	s0 =	simm.s32 @!p0 $0x0  }
0x12: {  	s1 =	sld [smem:$0x3F92];
	s0 =	simm.s32 @p0 $0x1  }
0x13: {  	[smem:$0x3FAD] =	sst s0;
	s0 =	simm.s32 @!p1 $0x0  }
0x14: {  	s2 =	sld [smem:$0x3F91];
	s0 =	simm.s32 @p1 $0x1  }
0x15: {  	[smem:$0x3FAE] =	sst s0;
	s0 =	simm.s32 @!p2 $0x0  }
0x16: {  	s3 =	sld [smem:$0x3FDB];
	s0 =	simm.s32 @p2 $0x1  }
0x17: {  	s4 =	simm.s32 $0x1BF5;
	[smem:$0x3FB0] =	sst s0  }
0x18: {  	s0 =	sld [smem:$0x3F93];
	_ =	swait.ge [sflag:s4], $0x0  }
0x19: {  	s7 =	sld [smem:$0x3F94]  }
0x1a: {  	s8 =	sadd.s32 $0xFFFFE003, lr  }
0x1b: {  	s9 =	sadd.s32 $0xFFFFFEF7, lr;
	s5 =	simm.s32 $0xFFFFFFFF;
	p2 =	slt.u32 s8, $0xFFFFF086  }
0x1c: {  	p1 =	slt.u32 s9, $0xF7A;
	s5 =	simm.s32 @!p2 $0x0  }
0x1d: {  	s5 =	simm.s32 @p1 $0x1;
	p0 =	seq.s32 s7, s2  }
0x1e: {  	s7 =	smul.u32 @!p0 $0xF7A, s2;
	p2 =	seq.s32 @!p0 s5, $0x0  }
0x1f: {  	s9 =	smul.u32 $0xF7A, s1;
	s8 =	simm.s32 @!p0 $0x1BF5;
	p2 =	por !p2, p0  }
0x20: {  	[sflag:s8] =	ssyncset.s32 @!p0 $0xFFFFF086;
	s6 =	sadd.s32 @!p0 s3, s7;
	s7 =	simm.s32 @!p0 $0x108  }
0x21: {  	s3 =	sadd.s32 s3, s9;
	s6 =	sadd.s32 @!p0 $0x88, s6;
	s7 =	simm.s32 @p2 $0x1082  }
0x22: {  	[simem:s7], [sflag:s8] =	dma.local @!p0 [hbm:s6], $0xF7A  }
0x23: {  	s9 =	sor.u32 $0xD0000000, s2;
	s6 =	simm.s32 $0x108;
	_ =	swait.ge @!p0 [sflag:s8], $0x0  }
0x24: {  	s3 =	sadd.s32 $0x88, s3;
	s6 =	simm.s32 @!p1 $0x1082;
	[sflag:s4] =	ssyncset.s32 $0xFFFFF086  }
0x25: {  	[simem:s6], [sflag:s4] =	dma.local [hbm:s3], $0xF7A  }
0x26: {  	[smem:$0x3F94] =	sst s1;
	(tag) =	ssettag s2;
	_ =	strace s9  }
0x27: {  	s1 =	sld [smem:$0x3FA4]  }
0x28: {  	s2 =	sld [smem:$0x3FA5]  }
0x29: {  	s4 =	sld [smem:$0x3FA7]  }
0x2a: {  	p0 =	seq.s32 s5, $0x0;
	s5 =	sld [smem:$0x3FA8]  }
0x2b: {  	s6 =	sld [smem:$0x3FA9]  }
0x2c: {  	s7 =	sld [smem:$0x3FAA]  }
0x2d: {  	s3 =	simm.s32 $0x108;
	s8 =	sld [smem:$0x3FAB]  }
0x2e: {  	s3 =	simm.s32 @!p0 $0x1082;
	s9 =	sld [smem:$0x3FAC]  }
0x2f: {  	lr =	sadd.s32 s0, s3;
	s0 =	sld [smem:$0x3FA3]  }
0x30: {  	s3 =	sld [smem:$0x3FA6]  }
0x31: {  	[smem:$0x3FAF] =	sst s10  }
0x32: {  	s10 =	sld [smem:$0x3FAD];
	_ =	sdelay $0x3  }
0x33: {  	p0 =	seq.s32 s10, $0x1;
	s10 =	sld [smem:$0x3FAF];
	_ =	sdelay $0x3  }
0x34: {  	[smem:$0x3FAF] =	sst s10  }
0x35: {  	s10 =	sld [smem:$0x3FAE];
	_ =	sdelay $0x3  }
0x36: {  	p1 =	seq.s32 s10, $0x1;
	s10 =	sld [smem:$0x3FAF];
	_ =	sdelay $0x3  }
0x37: {  	[smem:$0x3FAF] =	sst s10  }
0x38: {  	s10 =	sld [smem:$0x3FB0]  }
0x39: {  	_ = 	snop;
	(pc) =	sbr.ind lr, $3  }
0x3a: {  	_ = 	snop  }
0x3b: {  	_ = 	snop  }
0x3c: {  	p2 =	seq.s32 s10, $0x1;
	s10 =	sld [smem:$0x3FAF]  }
0x3d: {  	_ =	shalt  }
0x3e: {  	_ =	shalt  }
0x3f: {  	_ =	shalt  }
0x40: {  	_ =	shalt  }
0x41: {  	_ =	shalt  }
0x42: {  	_ =	shalt  }
0x43: {  	_ =	shalt  }
0x44: {  	_ =	shalt  }
0x45: {  	_ =	shalt  }
0x46: {  	_ =	shalt  }
0x47: {  	_ =	shalt  }
0x48: {  	_ =	shalt  }
0x49: {  	_ =	shalt  }
0x4a: {  	_ =	shalt  }
0x4b: {  	_ =	shalt  }
0x4c: {  	_ =	shalt  }
0x4d: {  	_ =	shalt  }
0x4e: {  	_ =	shalt  }
0x4f: {  	_ =	shalt  }
0x50: {  	_ =	shalt  }
0x51: {  	_ =	shalt  }
0x52: {  	_ =	shalt  }
0x53: {  	_ =	shalt  }
0x54: {  	_ =	shalt  }
0x55: {  	_ =	shalt  }
0x56: {  	_ =	shalt  }
0x57: {  	_ =	shalt  }
0x58: {  	_ =	shalt  }
0x59: {  	_ =	shalt  }
0x5a: {  	_ =	shalt  }
0x5b: {  	_ =	shalt  }
0x5c: {  	_ =	shalt  }
0x5d: {  	_ =	shalt  }
0x5e: {  	_ =	shalt  }
0x5f: {  	_ =	shalt  }
0x60: {  	_ =	shalt  }
0x61: {  	_ =	shalt  }
0x62: {  	_ =	shalt  }
0x63: {  	_ =	shalt  }
0x64: {  	_ =	shalt  }
0x65: {  	_ =	shalt  }
0x66: {  	_ =	shalt  }
0x67: {  	_ =	shalt  }
0x68: {  	_ =	shalt  }
0x69: {  	_ =	shalt  }
0x6a: {  	_ =	shalt  }
0x6b: {  	_ =	shalt  }
0x6c: {  	_ =	shalt  }
0x6d: {  	_ =	shalt  }
0x6e: {  	_ =	shalt  }
0x6f: {  	_ =	shalt  }
0x70: {  	_ =	shalt  }
0x71: {  	_ =	shalt  }
0x72: {  	_ =	shalt  }
0x73: {  	_ =	shalt  }
0x74: {  	_ =	shalt  }
0x75: {  	_ =	shalt  }
0x76: {  	_ =	shalt  }
0x77: {  	_ =	shalt  }
0x78: {  	_ =	shalt  }
0x79: {  	_ =	shalt  }
0x7a: {  	_ =	shalt  }
0x7b: {  	_ =	shalt  }
0x7c: {  	_ =	shalt  }
0x7d: {  	_ =	shalt  }
0x7e: {  	_ =	shalt  }
0x7f: {  	_ =	shalt  }
0x80: {  	_ =	shalt  }
0x81: {  	_ =	shalt  }
0x82: {  	_ =	shalt  }
0x83: {  	_ =	shalt  }
0x84: {  	_ =	shalt  }
0x85: {  	_ =	shalt  }
0x86: {  	_ =	shalt  }
0x87: {  	_ =	shalt  }
.Lfunc_end0:
.L_simem_size_0:
called_computation_lowered:
.L_overlay_start_0:
0x88: {  	s2 =	sld [smem:$0x3FD9]  }
0x89: {  	s3 =	sld [smem:$0x3FFE];
	_ =	sdelay $0x1  }
0x8a: {  	s1 =	srdreg.scid  }
0x8b: {  	s0 =	sand.u32 $0x1, s1  }
0x8c: {  	s17 =	sshll.u32 s0, $0xA;
	s2 =	sadd.s32 s3, s2  }
0x8d: {  	s2 =	sadd.s32 s2, s17  }
0x8e: {  	[smem:$0x3FBB] =	sst s2  }
0x8f: {  	_ = 	snop  }
0x90: {  	s2 =	sld [smem:$0x3FD0];
	(tm) =	ssettm $0x1  }
0x91: {  	s18 =	sld [smem:$0x3FFB];
	_ =	sdelay $0x3  }
0x92: {  	_ =	strace s18  }
0x93: {  	s3 =	sld [smem:$0x3FFC];
	_ =	sdelay $0x3  }
0x94: {  	_ =	strace s3  }
0x95: {  	s3 =	sld [smem:$0x3FFD];
	_ =	sdelay $0x3  }
0x96: {  	_ =	strace s3  }
0x97: {  	_ =	strace $0x8FFFFFFF  }
0x98: {  	s19 =	sld [smem:$0x3FDB];
	_ =	sdelay $0x1  }
0x99: {  	s4 =	simm.s32 $_scs_section_size  }
0x9a: {  	s5 =	simm.s32 $_size__tile_overlayer_lowered;
	s6 =	simm.s32 $_tile_overlayer_lowered  }
0x9b: {  	s22 =	simm.s32 $0x1BFF;
	s21 =	sshll.u32 s6, $0x1;
	s3 =	sadd.s32 s4, s19  }
0x9c: {  	s7 =	simm.s32 $0x0;
	s20 =	sshll.u32 s5, $0x1;
	s5 =	sadd.s32 s21, s3  }
0x9d: {  	[timem:s7], [sflag:s22] =	dma.local [hbm:s5], s20  }
0x9e: {  	_ =	swait.ge [sflag:s22], s20  }
0x9f: {  	s4 =	ssub.s32 $0x0, s20;
	[sflag:s22] =	ssyncset.done $0x0  }
0xa0: {  	[sflag:s22] =	ssyncadd.s32 s4;
	_ =	sdelay $0x1  }
0xa1: {  	s23 =	simm.s32 $0x1B8B  }
0xa2: {  	_ =	swait.ge [sflag:s23], $0x1  }
0xa3: {  	[sflag:s23] =	ssyncset.done $0x0  }
0xa4: {  	s25 =	simm.s32 $0x1B8E;
	s24 =	sld [smem:$0x3FFE];
	[sflag:s23] =	ssyncadd.s32 $0xFFFFFFFF  }
0xa5: {  	s26 =	simm.s32 $execute0_lowered;
	[smem:$0x3FD2] =	sst s25  }
0xa6: {  	s5 =	sshll.u32 s26, $0x1;
	_ =	strace $0x80000046;
	[dreg:$0x1] =	wrdreg $0xFFFFFFFF  }
0xa7: {  	s28 =	simm.s32 $_size_execute0_lowered;
	s3 =	sadd.s32 s3, s5;
	[dreg:$0x0] =	wrdreg $0x0  }
0xa8: {  	s5 =	sshll.u32 s28, $0x1;
	[dreg:$0x2] =	wrdreg s3  }
0xa9: {  	[dreg:$0x3] =	wrdreg s5  }
0xaa: {  	[dreg:$0x4] =	wrdreg $0xC0  }
0xab: {  	_ =	task [dreg:s7], $0x5FFFF  }
0xac: {  	[dreg:$0x1] =	wrdreg $0xFFFFFFFF  }
0xad: {  	[dreg:$0x0] =	wrdreg $0x60  }
0xae: {  	[dreg:$0x2] =	wrdreg s24  }
0xaf: {  	[dreg:$0x3] =	wrdreg s2  }
0xb0: {  	[dreg:$0x4] =	wrdreg $0xAF780  }
0xb1: {  	[dreg:$0x5] =	wrdreg $0xAD000  }
0xb2: {  	[dreg:$0x6] =	wrdreg $0x9  }
0xb3: {  	_ =	task.clear_ibuf [dreg:s7], $0x7FFFF;
	_ =	strace $0x90000046  }
0xb4: {  	s29 =	simm.s32 $0x9;
	_ =	strace $0x80000048  }
0xb5: {  	_ =	swait.ge [sflag:s29], $0x1  }
0xb6: {  	[sflag:s29] =	ssyncadd.s32 $0xFFFFFFFF  }
0xb7: {  	_ =	strace $0x90000048  }
0xb8: {  	_ =	sfence  }
0xb9: {  	s30 =	sld [smem:$0x0];
	_ =	sdelay $0x2  }
0xba: {  	s31 =	sshll.u32 s1, $0xD;
	s1 =	sshrl.u32 s1, $0x2  }
0xbb: {  	s3 =	sand.u32 $0x4000, s31;
	s1 =	sadd.s32 s1, s30  }
0xbc: {  	s0 =	sor.u32 s3, s0;
	s1 =	sshll.u32 s1, $0x11  }
0xbd: {  	s0 =	sor.u32 s1, s0  }
0xbe: {  	s0 =	sadd.s32 $0x8F2B, s0  }
0xbf: {  	[sflag:s0] =	ssyncadd.remote.s32 $0x1  }
0xc0: {  	_ =	sfence.sel $0xFFFF  }
0xc1: {  	[dreg:$0x0] =	wrdreg $0xFFFFFFFF;
	(pc) =	sbr.abs _section_cstart, $3  }
0xc2: {  	[dreg:$0x1] =	wrdreg $0xFFFFFFFF  }
0xc3: {  	_ =	task.clear_ibuf [dreg:s7], $0x2FFFF;
	_ =	strace $0x9FFFFFFF  }
0xc4: {  	(tm) =	ssettm $0x7FFFFFFF  }
0xc5: {  	_ =	shalt  }
tec
execute0_lowered:
.L_overlay_start_1:
0x0: {  	(tag) =	ssettag $0x1  }
0x1: {  	s0 =	rddreg [dreg:$0x0]  }
0x2: {  	s2 =	rddreg [dreg:$0x2]  }
0x3: {  	s3 =	rddreg [dreg:$0x3]  }
0x4: {  	s4 =	simm.s32 $0x0;
	s15 =	stileid.u32;
	s5 =	srdreg.scid  }
0x5: {  	s28 =	simm.s32 $0x80;
	s29 =	simm.s32 $0x400;
	s30 =	simm.s32 $0x2  }
0x6: {  	s31 =	simm.s32 $0x280;
	[smem:$0x7FF] =	sst s4;
	s1 =	smul.u32 $0x13800, s15  }
0x7: {  	s6 =	sadd.s32 $0x2AE00, s0;
	s7 =	sadd.s32 $0x1E00, s0;
	s8 =	smul.u32 $0x14800, s15  }
0x8: {  	s5 =	sand.u32 $0x1, s5;
	s10 =	smul.u32 $0x4E000, s15;
	s11 =	sadd.s32 $0x79200, s0  }
0x9: {  	s18 =	sadd.s32 $0x138000, s2;
	s25 =	smul.u32 $0x2900, s15;
	p0 =	sne.s32 s15, $0x0  }
0xa: {  	p1 =	sne.s32 s15, $0xF;
	_ =	strace $0x80000047;
	s19 =	smul.u32 $0xA400, s5  }
0xb: {  	s12 =	ssub.s32 $0x2, s5;
	[dreg:$0x8] =	wrdreg s18;
	s20 =	smul.u32 $0x138800, s5  }
0xc: {  	s9 =	sshrl.u32 s1, $0x3;
	s13 =	sshrl.u32 s12, $0x1;
	s14 =	sshrl.u32 s8, $0x3  }
0xd: {  	s10 =	sshrl.u32 s10, $0x2;
	s21 =	sor.u32 $0x400, s8;
	s9 =	sadd.s32 s9, s0  }
0xe: {  	s12 =	ssub.s32 s12, s13;
	s17 =	sadd.s32 s7, s14;
	s10 =	sadd.s32 s10, s2  }
0xf: {  	s0 =	sadd.s32 $0x79000, s0;
	s13 =	sor.u32 $0x200, s8;
	s14 =	smul.u32 $0x52, s5  }
0x10: {  	s22 =	sadd.s32 s19, s8;
	s1 =	sadd.s32 s1, s20;
	[dreg:$0x5] =	wrdreg s17  }
0x11: {  	s26 =	sshrl.u32 s21, $0x3;
	s8 =	simm.s32 $0x3;
	[dreg:$0x6] =	wrdreg s10  }
0x12: {  	s9 =	sadd.s32 $0x52000, s9;
	[dreg:$0x9] =	wrdreg s0;
	s5 =	sshrl.u32 s22, $0x3  }
0x13: {  	s0 =	sshrl.u32 s20, $0x3;
	s1 =	sshrl.u32 s1, $0x3;
	s23 =	smax.u32 s12, $0x1  }
0x14: {  	s24 =	sshrl.u32 s13, $0x3;
	s22 =	sadd.s32 s25, s7;
	s25 =	simm.s32 $0x1  }
0x15: {  	s10 =	simm.s32 $0x4;
	[dreg:$0x7] =	wrdreg s9;
	s5 =	sadd.s32 s7, s5  }
0x16: {  	s0 =	sadd.s32 s11, s0;
	s16 =	sor.u32 $0x1, s14;
	[dreg:$0xd] =	wrdreg s23  }
0x17: {  	s1 =	sadd.s32 s11, s1;
	s9 =	simm.s32 $0x4580;
	[dreg:$0xa] =	wrdreg s5  }
0x18: {  	s11 =	simm.s32 $0x0;
	[dreg:$0xb] =	wrdreg s1;
	s0 =	sadd.s32 $0x27000, s0  }
0x19: {  	s1 =	simm.s32 $0x8580;
	[dreg:$0xc] =	wrdreg s0;
	s0 =	sadd.s32 s7, s24  }
0x1a: {  	s5 =	simm.s32 $0x580;
	[dreg:$0xe] =	wrdreg s0;
	s0 =	sadd.s32 s7, s26  }
0x1b: {  	s24 =	simm.s32 $0x5;
	[dreg:$0xf] =	wrdreg s0;
	s0 =	sshrl.u32 @!p0 s3, $0x3  }
0x1c: {  	s26 =	simm.s32 $0x200;
	[dreg:$0x10] =	wrdreg s0;
	s0 =	simm.s32 $0x480  }
.LBB2_1:
0x1d: {  	s12 =	rddreg [dreg:$0x5]  }
0x1e: {  	s15 =	rddreg [dreg:$0x1]  }
0x1f: {  	[tilespmem:s4], [sflag:$0x1] =	stream.linear.gather [hbm4b:s12+s4], $0x180, $0x38;
	[tilespmem:$0x1E7F8] =	vst v63  }
0x20: {  	s17 =	rddreg [dreg:$0x10];
	s12 =	simm.s32 @!p0 $0x1C05  }
0x21: {  	[spmem:s17], [sflag:s12] =	dma.local @!p0 [hbm:s15], $0x4F0  }
0x22: {  	s12 =	simm.s32 @!p0 $0x5  }
0x23: {  	s17 =	stileid.u32;
	_ =	swait.ge @!p0 [sflag:s12], $0x4F0  }
0x24: {  	s15 =	sshll.u32 s17, $0x6;
	s18 =	rddreg [dreg:$0x6]  }
0x25: {  	[sflag:s12] =	ssyncset.done @!p0 $0x0;
	s20 =	rddreg [dreg:$0x7];
	s19 =	sshrl.u32 s18, $0x3  }
0x26: {  	[sflag:s12] =	ssyncadd.s32 @!p0 $0xFFFFFB10;
	s12 =	sor.u32 $0x1C05, s15;
	[dreg:$0x11] =	wrdreg s19  }
0x27: {  	[spmem:s19], [sflag:s12] =	dma.local [hbm:s20], $0x2700  }
0x28: {  	_ =	swait.ge [sflag:s24], $0x2700  }
0x29: {  	s18 =	simm.s32 @!p1 $0x5;
	[sflag:s24] =	ssyncset.done $0x0;
	s15 =	rddreg [dreg:$0x8]  }
0x2a: {  	[sflag:s24] =	ssyncadd.s32 $0xFFFFD900;
	s17 =	sshrl.u32 @!p1 s15, $0x3;
	s15 =	rddreg [dreg:$0x9]  }
0x2b: {  	[spmem:s17], [sflag:s12] =	dma.local @!p1 [hbm:s15], $0x100  }
0x2c: {  	_ =	swait.ge @!p1 [sflag:s18], $0x100  }
0x2d: {  	[sflag:s18] =	ssyncset.done @!p1 $0x0  }
0x2e: {  	[sflag:s18] =	ssyncadd.s32 @!p1 $0xFFFFFF00  }
0x2f: {  	[bflag:$0x0] =	sbarrier.arrive $0xFFFF  }
0x30: {  	_ =	swait.ge [sflag:s25], $0x180  }
0x31: {  	[sflag:s25] =	ssyncset.done $0x0  }
0x32: {  	[sflag:s25] =	ssyncadd.s32 $0xFFFFFE80  }
0x33: {  	v0 =	vld [tilespmem:$0x100]  }
0x34: {  	v1 =	vld [tilespmem:$0x110]  }
0x35: {  	v2 =	vld [tilespmem:$0x120]  }
0x36: {  	v3 =	vld [tilespmem:$0x130]  }
0x37: {  	v4 =	vld [tilespmem:$0x140]  }
0x38: {  	v53 =	vld [tilespmem:$0x150];
	[tilespmem:$0x400] =	vst v0  }
0x39: {  	v54 =	vld [tilespmem:$0x160];
	[tilespmem:$0x410] =	vst v1  }
0x3a: {  	v55 =	vld [tilespmem:$0x170];
	[tilespmem:$0x420] =	vst v2  }
0x3b: {  	[tilespmem:$0x430] =	vst v3  }
0x3c: {  	[tilespmem:$0x440] =	vst v4  }
0x3d: {  	[tilespmem:$0x450] =	vst v53  }
0x3e: {  	[tilespmem:$0x460] =	vst v54  }
0x3f: {  	s21 =	rddreg [dreg:$0xe];
	[tilespmem:$0x470] =	vst v55  }
0x40: {  	[tilespmem:s26], [sflag:$0x1] =	stream.linear.gather [hbm4b:s21+s4], $0x180, $0x38;
	[tilespmem:$0x1E7F8] =	vst v63  }
0x41: {  	_ = 	snop  }
0x42: {  	[spmem:s3] =	stream.indirect.scatter.add.f32 [tilespmem:s29], [sflag:$0x2], $0x1, s28, s28, $0xb8;
	[tilespmem:$0x1E7F8] =	vst v63  }
0x43: {  	_ =	swait.ge [sflag:s25], $0x180  }
0x44: {  	[sflag:s25] =	ssyncset.done $0x0  }
0x45: {  	[sflag:s25] =	ssyncadd.s32 $0xFFFFFE80  }
0x46: {  	v56 =	vld [tilespmem:$0x300]  }
0x47: {  	v57 =	vld [tilespmem:$0x310]  }
0x48: {  	v58 =	vld [tilespmem:$0x320]  }
0x49: {  	v59 =	vld [tilespmem:$0x330]  }
0x4a: {  	v60 =	vld [tilespmem:$0x340]  }
0x4b: {  	v61 =	vld [tilespmem:$0x350];
	[tilespmem:$0x480] =	vst v56  }
0x4c: {  	v62 =	vld [tilespmem:$0x360];
	[tilespmem:$0x490] =	vst v57  }
0x4d: {  	v63 =	vld [tilespmem:$0x370];
	[tilespmem:$0x4A0] =	vst v58  }
0x4e: {  	[tilespmem:$0x4B0] =	vst v59  }
0x4f: {  	[tilespmem:$0x4C0] =	vst v60  }
0x50: {  	[tilespmem:$0x4D0] =	vst v61  }
0x51: {  	[tilespmem:$0x4E0] =	vst v62  }
0x52: {  	[tilespmem:$0x4F0] =	vst v63  }
0x53: {  	_ =	swait.ge [sflag:s30], $0x80  }
0x54: {  	[sflag:s30] =	ssyncset.done $0x0  }
0x55: {  	s23 =	rddreg [dreg:$0xf];
	[sflag:s30] =	ssyncadd.s32 $0xFFFFFF80  }
0x56: {  	[tilespmem:s4], [sflag:$0x1] =	stream.linear.gather [hbm4b:s23+s4], $0x180, $0x38;
	[tilespmem:$0x1E7F8] =	vst v63  }
0x57: {  	s18 =	simm.s32 $0xFFFFD800  }
0x58: {  	[spmem:s3] =	stream.indirect.scatter.add.f32 [tilespmem:s0], [sflag:$0x2], $0x1, s31, s28, $0xb8;
	[tilespmem:$0x1E7F8] =	vst v63  }
.LBB2_2:
0x59: {  	_ =	swait.ge [sflag:s25], $0x180  }
0x5a: {  	[sflag:s25] =	ssyncset.done $0x0  }
0x5b: {  	[sflag:s25] =	ssyncadd.s32 $0xFFFFFE80  }
0x5c: {  	v0 =	vld [tilespmem:$0x100]  }
0x5d: {  	v1 =	vld [tilespmem:$0x110]  }
0x5e: {  	v2 =	vld [tilespmem:$0x120]  }
0x5f: {  	v3 =	vld [tilespmem:$0x130]  }
0x60: {  	v4 =	vld [tilespmem:$0x140]  }
0x61: {  	v53 =	vld [tilespmem:$0x150];
	[tilespmem:$0x400] =	vst v0  }
0x62: {  	v54 =	vld [tilespmem:$0x160];
	[tilespmem:$0x410] =	vst v1  }
0x63: {  	v55 =	vld [tilespmem:$0x170];
	[tilespmem:$0x420] =	vst v2  }
0x64: {  	[tilespmem:$0x430] =	vst v3  }
0x65: {  	[tilespmem:$0x440] =	vst v4  }
0x66: {  	[tilespmem:$0x450] =	vst v53  }
0x67: {  	[tilespmem:$0x460] =	vst v54  }
0x68: {  	[tilespmem:$0x470] =	vst v55  }
0x69: {  	_ =	swait.ge [sflag:s30], $0x80  }
0x6a: {  	s19 =	sadd.s32 s18, s22;
	[sflag:s30] =	ssyncset.done $0x0  }
0x6b: {  	s20 =	sadd.s32 $0x28C0, s19;
	[sflag:s30] =	ssyncadd.s32 $0xFFFFFF80  }
0x6c: {  	[tilespmem:s26], [sflag:$0x1] =	stream.linear.gather [hbm4b:s20+s4], $0x180, $0x38;
	[tilespmem:$0x1E7F8] =	vst v63  }
0x6d: {  	_ = 	snop  }
0x6e: {  	[spmem:s3] =	stream.indirect.scatter.add.f32 [tilespmem:s29], [sflag:$0x2], $0x1, s28, s28, $0xb8;
	[tilespmem:$0x1E7F8] =	vst v63  }
0x6f: {  	_ =	swait.ge [sflag:s25], $0x180  }
0x70: {  	[sflag:s25] =	ssyncset.done $0x0  }
0x71: {  	[sflag:s25] =	ssyncadd.s32 $0xFFFFFE80  }
0x72: {  	v56 =	vld [tilespmem:$0x300]  }
0x73: {  	v57 =	vld [tilespmem:$0x310]  }
0x74: {  	v58 =	vld [tilespmem:$0x320]  }
0x75: {  	v59 =	vld [tilespmem:$0x330]  }
0x76: {  	v60 =	vld [tilespmem:$0x340]  }
0x77: {  	v61 =	vld [tilespmem:$0x350];
	[tilespmem:$0x480] =	vst v56  }
0x78: {  	v62 =	vld [tilespmem:$0x360];
	[tilespmem:$0x490] =	vst v57  }
0x79: {  	v63 =	vld [tilespmem:$0x370];
	[tilespmem:$0x4A0] =	vst v58  }
0x7a: {  	[tilespmem:$0x4B0] =	vst v59  }
0x7b: {  	[tilespmem:$0x4C0] =	vst v60  }
0x7c: {  	p2 =	seq.s32 s18, $0x0;
	[tilespmem:$0x4D0] =	vst v61  }
.Ltmp0:
0x7d: {  	[tilespmem:$0x4E0] =	vst v62;
	(pc) =	sbr.rel @p2 .LBB2_4-.Ltmp0, $4  }
0x7e: {  	[tilespmem:$0x4F0] =	vst v63  }
0x7f: {  	_ =	swait.ge [sflag:s30], $0x80  }
0x80: {  	[sflag:s30] =	ssyncset.done $0x0  }
0x81: {  	[sflag:s30] =	ssyncadd.s32 $0xFFFFFF80  }
.Ltmp1:
0x82: {  	(pc) =	sbr.rel .LBB2_2-.Ltmp1, $4  }
0x83: {  	s19 =	sadd.s32 $0x2900, s19  }
0x84: {  	[tilespmem:s4], [sflag:$0x1] =	stream.linear.gather [hbm4b:s19+s4], $0x180, $0x38;
	[tilespmem:$0x1E7F8] =	vst v63  }
0x85: {  	s18 =	sadd.s32 $0x80, s18  }
0x86: {  	[spmem:s3] =	stream.indirect.scatter.add.f32 [tilespmem:s0], [sflag:$0x2], $0x1, s31, s28, $0xb8;
	[tilespmem:$0x1E7F8] =	vst v63  }
.LBB2_4:
0x87: {  	[spmem:s3] =	stream.indirect.scatter.add.f32 [tilespmem:s0], [sflag:$0x2], $0x1, s31, s28, $0xb8;
	[tilespmem:$0x1E7F8] =	vst v63  }
0x88: {  	_ =	swait.ge [sflag:s30], $0x80  }
0x89: {  	[sflag:s30] =	ssyncset.done $0x0  }
0x8a: {  	[sflag:s30] =	ssyncadd.s32 $0xFFFFFF80  }
0x8b: {  	[bflag:$0x0] =	sbarrier.arrive $0xFFFF  }
0x8c: {  	[tilespmem:s1], [sflag:$0x5] =	stream.linear.gather [spmem:s3], $0x2780, $0x38;
	[tilespmem:$0x1E7F8] =	vst v63  }
0x8d: {  	_ =	swait.ge [sflag:s24], $0x2780  }
0x8e: {  	[sflag:s24] =	ssyncset.done $0x0  }
0x8f: {  	s18 =	simm.s32 $0x0;
	s19 =	simm.s32 $0x40;
	[sflag:s24] =	ssyncadd.s32 $0xFFFFD880  }
.LBB2_5:
0x90: {  	p2 =	sne.s32 s19, $0x9C00;
	v0 =	vld [tilespmem:s18+$0x8580];
	_ =	sdelay $0x4  }
0x91: {  	v1 =	vshra.s32 v0, $0x1;
	v0 =	vmul.f32 $5.000000000e-01, v0  }
0x92: {  	v1 =	vsub.s32 $0x5F3759DF, v1  }
0x93: {  	v2 =	vmul.f32 v1, v0;
	_ =	sdelay $0x1  }
0x94: {  	v2 =	vmul.f32 v1, v2;
	_ =	sdelay $0x1  }
0x95: {  	v2 =	vsub.f32 $1.500000000e+00, v2;
	_ =	sdelay $0x1  }
0x96: {  	v1 =	vmul.f32 v1, v2;
	_ =	sdelay $0x1  }
0x97: {  	v2 =	vmul.f32 v1, v0;
	_ =	sdelay $0x1  }
0x98: {  	v2 =	vmul.f32 v2, v1;
	_ =	sdelay $0x1  }
0x99: {  	v2 =	vsub.f32 $1.500000000e+00, v2;
	_ =	sdelay $0x1  }
0x9a: {  	v1 =	vmul.f32 v2, v1;
	_ =	sdelay $0x1  }
0x9b: {  	v0 =	vmul.f32 v1, v0;
	_ =	sdelay $0x1  }
0x9c: {  	v0 =	vmul.f32 v0, v1;
	_ =	sdelay $0x1  }
.Ltmp2:
0x9d: {  	v0 =	vsub.f32 $1.500000000e+00, v0;
	(pc) =	sbr.rel @p2 .LBB2_5-.Ltmp2, $3  }
0x9e: {  	_ = 	snop  }
0x9f: {  	v0 =	vmul.f32 v0, v1;
	_ =	sdelay $0x1  }
0xa0: {  	[tilespmem:s18+$0x8580] =	vst v0;
	s18 =	sshra.s32 s19, $0x2;
	s19 =	sadd.s32 $0x40, s19  }
0xa1: {  	v0 =	vld [tilespmem:s18+$0x8580];
	_ =	sdelay $0x4  }
0xa2: {  	v1 =	vshra.s32 v0, $0x1;
	v0 =	vmul.f32 $5.000000000e-01, v0  }
0xa3: {  	v1 =	vsub.s32 $0x5F3759DF, v1  }
0xa4: {  	v2 =	vmul.f32 v1, v0;
	_ =	sdelay $0x1  }
0xa5: {  	v2 =	vmul.f32 v1, v2;
	_ =	sdelay $0x1  }
0xa6: {  	v2 =	vsub.f32 $1.500000000e+00, v2;
	_ =	sdelay $0x1  }
0xa7: {  	v1 =	vmul.f32 v1, v2;
	_ =	sdelay $0x1  }
0xa8: {  	v2 =	vmul.f32 v1, v0;
	_ =	sdelay $0x1  }
0xa9: {  	v2 =	vmul.f32 v2, v1;
	_ =	sdelay $0x1  }
0xaa: {  	v2 =	vsub.f32 $1.500000000e+00, v2;
	_ =	sdelay $0x1  }
0xab: {  	v1 =	vmul.f32 v2, v1;
	_ =	sdelay $0x1  }
0xac: {  	v0 =	vmul.f32 v1, v0;
	_ =	sdelay $0x1  }
0xad: {  	v0 =	vmul.f32 v0, v1;
	_ =	sdelay $0x1  }
0xae: {  	v0 =	vsub.f32 $1.500000000e+00, v0;
	_ =	sdelay $0x1  }
0xaf: {  	v0 =	vmul.f32 v0, v1;
	_ =	sdelay $0x1  }
0xb0: {  	s15 =	rddreg [dreg:$0xa];
	s19 =	simm.s32 $0x0;
	[tilespmem:s18+$0x8580] =	vst v0;
	s18 =	simm.s32 $0x0  }
0xb1: {  	[tilespmem:s18], [sflag:$0x1] =	stream.linear.gather [hbm4b:s15+s18], $0x180, $0x38;
	[tilespmem:$0x1E7F8] =	vst v63  }
.LBB2_7:
0xb2: {  	_ =	swait.ge [sflag:s25], $0x180  }
0xb3: {  	[sflag:s25] =	ssyncset.done $0x0  }
0xb4: {  	[sflag:s25] =	ssyncadd.s32 $0xFFFFFE80  }
0xb5: {  	[tilespmem:s5], [sflag:$0x3] =	stream.indirect.gather [hbm4b:s6+s28], $0x80, s4, s28, $0xb8;
	[tilespmem:$0x1E7F8] =	vst v63  }
0xb6: {  	v0 =	vld [tilespmem:$0x0];
	_ =	sdelay $0x1  }
0xb7: {  	v1 =	vld [tilespmem:$0x80];
	_ =	sdelay $0x4  }
0xb8: {  	v2 =	vld [tilespmem:$0x100]  }
0xb9: {  	v0 =	vld.idx.msk [tilespmem:v0+s1+$0x0], $0xffff  }
0xba: {  	v3 =	vld [tilespmem:$0x10]  }
0xbb: {  	v1 =	vld.idx.msk [tilespmem:v1+s1+$0x0], $0xffff  }
0xbc: {  	v4 =	vld [tilespmem:$0x90];
	_ =	sdelay $0x1  }
0xbd: {  	v0 =	vmul.f32 v0, v2;
	_ =	sdelay $0x1  }
0xbe: {  	v0 =	vmul.f32 v1, v0;
	_ =	sdelay $0x1  }
0xbf: {  	[tilespmem:$0x500] =	vst v0;
	v0 =	vld [tilespmem:$0x110]  }
0xc0: {  	v1 =	vld.idx.msk [tilespmem:v3+s1+$0x0], $0xffff  }
0xc1: {  	v2 =	vld.idx.msk [tilespmem:v4+s1+$0x0], $0xffff  }
0xc2: {  	v3 =	vld [tilespmem:$0x20]  }
0xc3: {  	v21 =	vld [tilespmem:$0xA0];
	_ =	sdelay $0x1  }
0xc4: {  	v0 =	vmul.f32 v1, v0;
	_ =	sdelay $0x1  }
0xc5: {  	v0 =	vmul.f32 v2, v0;
	_ =	sdelay $0x1  }
0xc6: {  	[tilespmem:$0x510] =	vst v0;
	v0 =	vld [tilespmem:$0x120]  }
0xc7: {  	v1 =	vld.idx.msk [tilespmem:v3+s1+$0x0], $0xffff  }
0xc8: {  	v2 =	vld.idx.msk [tilespmem:v21+s1+$0x0], $0xffff  }
0xc9: {  	v3 =	vld [tilespmem:$0x30]  }
0xca: {  	v22 =	vld [tilespmem:$0xB0];
	_ =	sdelay $0x1  }
0xcb: {  	v0 =	vmul.f32 v1, v0;
	_ =	sdelay $0x1  }
0xcc: {  	v0 =	vmul.f32 v2, v0;
	_ =	sdelay $0x1  }
0xcd: {  	[tilespmem:$0x520] =	vst v0;
	v0 =	vld [tilespmem:$0x130]  }
0xce: {  	v1 =	vld.idx.msk [tilespmem:v3+s1+$0x0], $0xffff  }
0xcf: {  	v2 =	vld.idx.msk [tilespmem:v22+s1+$0x0], $0xffff  }
0xd0: {  	v3 =	vld [tilespmem:$0x40]  }
0xd1: {  	v23 =	vld [tilespmem:$0xC0];
	_ =	sdelay $0x1  }
0xd2: {  	v0 =	vmul.f32 v1, v0;
	_ =	sdelay $0x1  }
0xd3: {  	v0 =	vmul.f32 v2, v0;
	_ =	sdelay $0x1  }
0xd4: {  	[tilespmem:$0x530] =	vst v0;
	v0 =	vld [tilespmem:$0x140]  }
0xd5: {  	v1 =	vld.idx.msk [tilespmem:v3+s1+$0x0], $0xffff  }
0xd6: {  	v2 =	vld.idx.msk [tilespmem:v23+s1+$0x0], $0xffff  }
0xd7: {  	v3 =	vld [tilespmem:$0x50]  }
0xd8: {  	v24 =	vld [tilespmem:$0xD0];
	_ =	sdelay $0x1  }
0xd9: {  	v0 =	vmul.f32 v1, v0;
	_ =	sdelay $0x1  }
0xda: {  	v0 =	vmul.f32 v2, v0;
	_ =	sdelay $0x1  }
0xdb: {  	[tilespmem:$0x540] =	vst v0;
	v0 =	vld [tilespmem:$0x150]  }
0xdc: {  	v1 =	vld.idx.msk [tilespmem:v3+s1+$0x0], $0xffff  }
0xdd: {  	v2 =	vld.idx.msk [tilespmem:v24+s1+$0x0], $0xffff  }
0xde: {  	v3 =	vld [tilespmem:$0x60]  }
0xdf: {  	v25 =	vld [tilespmem:$0xE0];
	_ =	sdelay $0x1  }
0xe0: {  	v0 =	vmul.f32 v1, v0;
	_ =	sdelay $0x1  }
0xe1: {  	v0 =	vmul.f32 v2, v0;
	_ =	sdelay $0x1  }
0xe2: {  	[tilespmem:$0x550] =	vst v0;
	v0 =	vld [tilespmem:$0x160]  }
0xe3: {  	v1 =	vld.idx.msk [tilespmem:v3+s1+$0x0], $0xffff  }
0xe4: {  	v2 =	vld.idx.msk [tilespmem:v25+s1+$0x0], $0xffff  }
0xe5: {  	v3 =	vld [tilespmem:$0x70];
	_ =	sdelay $0x1  }
0xe6: {  	v26 =	vld [tilespmem:$0xF0]  }
0xe7: {  	v0 =	vmul.f32 v1, v0;
	_ =	sdelay $0x1  }
0xe8: {  	v0 =	vmul.f32 v2, v0;
	_ =	sdelay $0x1  }
0xe9: {  	[tilespmem:$0x560] =	vst v0;
	v0 =	vld [tilespmem:$0x170]  }
0xea: {  	v1 =	vld.idx.msk [tilespmem:v3+s1+$0x0], $0xffff;
	_ =	sdelay $0x1  }
0xeb: {  	v2 =	vld.idx.msk [tilespmem:v26+s1+$0x0], $0xffff;
	_ =	sdelay $0x2  }
0xec: {  	v0 =	vmul.f32 v1, v0;
	_ =	sdelay $0x1  }
0xed: {  	s20 =	sshll.u32 s19, $0x1;
	v0 =	vmul.f32 v2, v0  }
0xee: {  	p2 =	seq.s32 s19, $0x0;
	s21 =	sadd.s32 s14, s20  }
0xef: {  	s23 =	simm.s32 @!p2 $0x4;
	s21 =	sshll.u32 s21, $0x9;
	[tilespmem:$0x570] =	vst v0  }
0xf0: {  	s21 =	sadd.s32 s21, s13;
	_ =	swait.ge @!p2 [sflag:s23], $0x4000  }
0xf1: {  	s21 =	sshrl.u32 s21, $0x3;
	[sflag:s23] =	ssyncset.done @!p2 $0x0  }
0xf2: {  	s21 =	sadd.s32 s7, s21;
	[sflag:s23] =	ssyncadd.s32 @!p2 $0xFFFFC000  }
0xf3: {  	[tilespmem:s26], [sflag:$0x1] =	stream.linear.gather [hbm4b:s21+s18], $0x180, $0x38;
	[tilespmem:$0x1E7F8] =	vst v63  }
0xf4: {  	_ =	swait.ge [sflag:s8], $0x4000  }
0xf5: {  	s23 =	simm.s32 $0x0;
	[sflag:s8] =	ssyncset.done $0x0  }
0xf6: {  	s15 =	simm.s32 $0x0;
	s21 =	sand.u32 $0x3FFFFFF0, s23;
	[sflag:s8] =	ssyncadd.s32 $0xFFFFC000  }
0xf7: {  	v0 =	vld [tilespmem:s21+$0x500];
	s21 =	sand.u32 $0x3FFFF800, s15  }
0xf8: {  	v6 =	vld [tilespmem:s21+$0x640]  }
0xf9: {  	v2 =	vld [tilespmem:s21+$0x5A0]  }
0xfa: {  	v3 =	vld [tilespmem:s21+$0x5B0]  }
0xfb: {  	v9 =	vld [tilespmem:s21+$0x5E0]  }
0xfc: {  	v10 =	vld [tilespmem:s21+$0x5F0];
	v1 =	vbroadcast v0, $0x0  }
0xfd: {  	v11 =	vld [tilespmem:s21+$0x600]  }
0xfe: {  	v12 =	vld [tilespmem:s21+$0x610];
	v2 =	vmul.f32 v2, v1  }
0xff: {  	v13 =	vld [tilespmem:s21+$0x620];
	v3 =	vmul.f32 v3, v1  }
0x100: {  	v8 =	vld [tilespmem:s21+$0x630];
	v28 =	vbroadcast v0, $0x1;
	v27 =	vmul.f32 v9, v1;
	[tilespmem:s21+$0x5A0] =	vst v2  }
0x101: {  	v7 =	vld [tilespmem:s21+$0x650];
	v10 =	vmul.f32 v10, v1;
	[tilespmem:s21+$0x5B0] =	vst v3  }
0x102: {  	v5 =	vld [tilespmem:s21+$0xAF0];
	v11 =	vmul.f32 v11, v28;
	[tilespmem:s21+$0x5E0] =	vst v27  }
0x103: {  	v30 =	vld [tilespmem:s21+$0x670];
	v12 =	vmul.f32 v12, v28;
	[tilespmem:s21+$0x5F0] =	vst v10  }
0x104: {  	v31 =	vld [tilespmem:s21+$0x680];
	v13 =	vmul.f32 v13, v28;
	[tilespmem:s21+$0x600] =	vst v11  }
0x105: {  	v32 =	vld [tilespmem:s21+$0x690];
	v8 =	vmul.f32 v8, v28;
	[tilespmem:s21+$0x610] =	vst v12  }
0x106: {  	v29 =	vld [tilespmem:s21+$0x660];
	v6 =	vmul.f32 v6, v28;
	[tilespmem:s21+$0x620] =	vst v13  }
0x107: {  	v33 =	vld [tilespmem:s21+$0x6A0];
	v14 =	vbroadcast v0, $0x2;
	v7 =	vmul.f32 v7, v28;
	[tilespmem:s21+$0x630] =	vst v8  }
0x108: {  	v34 =	vld [tilespmem:s21+$0x6B0];
	v9 =	vmul.f32 v30, v28;
	[tilespmem:s21+$0x640] =	vst v6  }
0x109: {  	v35 =	vld [tilespmem:s21+$0x6C0];
	v4 =	vbroadcast v0, $0xA;
	v37 =	vmul.f32 v31, v14;
	[tilespmem:s21+$0x650] =	vst v7  }
0x10a: {  	v36 =	vld [tilespmem:s21+$0x6D0];
	v39 =	vmul.f32 v32, v14;
	[tilespmem:s21+$0x670] =	vst v9  }
0x10b: {  	v38 =	vld [tilespmem:s21+$0x6E0];
	v2 =	vmul.f32 v5, v4;
	[tilespmem:s21+$0x680] =	vst v37  }
0x10c: {  	v40 =	vld [tilespmem:s21+$0x6F0];
	v10 =	vmul.f32 v29, v28;
	[tilespmem:s21+$0x690] =	vst v39  }
0x10d: {  	v41 =	vld [tilespmem:s21+$0x700];
	v8 =	vmul.f32 v33, v14;
	[tilespmem:s21+$0xAF0] =	vst v2  }
0x10e: {  	v42 =	vld [tilespmem:s21+$0x710];
	v6 =	vmul.f32 v34, v14;
	[tilespmem:s21+$0x660] =	vst v10  }
0x10f: {  	v43 =	vld [tilespmem:s21+$0x720];
	v7 =	vmul.f32 v35, v14;
	[tilespmem:s21+$0x6A0] =	vst v8  }
0x110: {  	v44 =	vld [tilespmem:s21+$0x730];
	v46 =	vbroadcast v0, $0x3;
	v9 =	vmul.f32 v38, v14;
	[tilespmem:s21+$0x6B0] =	vst v6  }
0x111: {  	v45 =	vld [tilespmem:s21+$0x740];
	v11 =	vmul.f32 v40, v14;
	[tilespmem:s21+$0x6C0] =	vst v7  }
0x112: {  	v47 =	vld [tilespmem:s21+$0x750];
	v12 =	vmul.f32 v41, v46;
	[tilespmem:s21+$0x6E0] =	vst v9  }
0x113: {  	v48 =	vld [tilespmem:s21+$0x760];
	v10 =	vmul.f32 v36, v14;
	[tilespmem:s21+$0x6F0] =	vst v11  }
0x114: {  	v49 =	vld [tilespmem:s21+$0x770];
	v8 =	vmul.f32 v42, v46;
	[tilespmem:s21+$0x700] =	vst v12  }
0x115: {  	v50 =	vld [tilespmem:s21+$0x780];
	v6 =	vmul.f32 v43, v46;
	[tilespmem:s21+$0x6D0] =	vst v10  }
0x116: {  	v51 =	vld [tilespmem:s21+$0x790];
	v7 =	vmul.f32 v44, v46;
	[tilespmem:s21+$0x710] =	vst v8  }
0x117: {  	v52 =	vld [tilespmem:s21+$0x7A0];
	v9 =	vmul.f32 v47, v46;
	[tilespmem:s21+$0x720] =	vst v6  }
0x118: {  	v53 =	vld [tilespmem:s21+$0x7B0];
	v11 =	vmul.f32 v48, v46;
	[tilespmem:s21+$0x730] =	vst v7  }
0x119: {  	v54 =	vld [tilespmem:s21+$0x7C0];
	v55 =	vbroadcast v0, $0x4;
	v12 =	vmul.f32 v49, v46;
	[tilespmem:s21+$0x750] =	vst v9  }
0x11a: {  	v56 =	vld [tilespmem:s21+$0x7D0];
	v10 =	vmul.f32 v45, v46;
	[tilespmem:s21+$0x760] =	vst v11  }
0x11b: {  	v57 =	vld [tilespmem:s21+$0x7E0];
	v8 =	vmul.f32 v50, v55;
	[tilespmem:s21+$0x770] =	vst v12  }
0x11c: {  	v58 =	vld [tilespmem:s21+$0x7F0];
	v6 =	vmul.f32 v51, v55;
	[tilespmem:s21+$0x740] =	vst v10  }
0x11d: {  	v59 =	vld [tilespmem:s21+$0x800];
	v7 =	vmul.f32 v52, v55;
	[tilespmem:s21+$0x780] =	vst v8  }
0x11e: {  	v60 =	vld [tilespmem:s21+$0x810];
	v9 =	vmul.f32 v54, v55;
	[tilespmem:s21+$0x790] =	vst v6  }
0x11f: {  	v61 =	vld [tilespmem:s21+$0x820];
	v11 =	vmul.f32 v56, v55;
	[tilespmem:s21+$0x7A0] =	vst v7  }
0x120: {  	v62 =	vld [tilespmem:s21+$0x830];
	v12 =	vmul.f32 v57, v55;
	[tilespmem:s21+$0x7C0] =	vst v9  }
0x121: {  	v63 =	vld [tilespmem:s21+$0x840];
	v16 =	vbroadcast v0, $0x5;
	v10 =	vmul.f32 v53, v55;
	[tilespmem:s21+$0x7D0] =	vst v11  }
0x122: {  	v17 =	vld [tilespmem:s21+$0x850];
	v8 =	vmul.f32 v58, v55;
	[tilespmem:s21+$0x7E0] =	vst v12  }
0x123: {  	v18 =	vld [tilespmem:s21+$0x860];
	v6 =	vmul.f32 v59, v16;
	[tilespmem:s21+$0x7B0] =	vst v10  }
0x124: {  	v19 =	vld [tilespmem:s21+$0x870];
	v7 =	vmul.f32 v60, v16;
	[tilespmem:s21+$0x7F0] =	vst v8  }
0x125: {  	v20 =	vld [tilespmem:s21+$0x880];
	v9 =	vmul.f32 v62, v16;
	[tilespmem:s21+$0x800] =	vst v6  }
0x126: {  	v21 =	vld [tilespmem:s21+$0x890];
	v11 =	vmul.f32 v63, v16;
	[tilespmem:s21+$0x810] =	vst v7  }
0x127: {  	v22 =	vld [tilespmem:s21+$0x8A0];
	v12 =	vmul.f32 v17, v16;
	[tilespmem:s21+$0x830] =	vst v9  }
0x128: {  	v23 =	vld [tilespmem:s21+$0x8B0];
	v10 =	vmul.f32 v61, v16;
	[tilespmem:s21+$0x840] =	vst v11  }
0x129: {  	v24 =	vld [tilespmem:s21+$0x8C0];
	v25 =	vbroadcast v0, $0x6;
	v8 =	vmul.f32 v18, v16;
	[tilespmem:s21+$0x850] =	vst v12  }
0x12a: {  	v56 =	vld [tilespmem:s21+$0xA80];
	v6 =	vmul.f32 v19, v16;
	[tilespmem:s21+$0x820] =	vst v10  }
0x12b: {  	v26 =	vld [tilespmem:s21+$0x8D0];
	v7 =	vmul.f32 v20, v25;
	[tilespmem:s21+$0x860] =	vst v8  }
0x12c: {  	v30 =	vld [tilespmem:s21+$0x910];
	v9 =	vmul.f32 v22, v25;
	[tilespmem:s21+$0x870] =	vst v6  }
0x12d: {  	v27 =	vld [tilespmem:s21+$0x8E0];
	v11 =	vmul.f32 v23, v25;
	[tilespmem:s21+$0x880] =	vst v7  }
0x12e: {  	v28 =	vld [tilespmem:s21+$0x8F0];
	v12 =	vmul.f32 v24, v25;
	[tilespmem:s21+$0x8A0] =	vst v9  }
0x12f: {  	v31 =	vld [tilespmem:s21+$0x920];
	v62 =	vmul.f32 v56, v4;
	[tilespmem:s21+$0x8B0] =	vst v11  }
0x130: {  	v32 =	vld [tilespmem:s21+$0x930];
	v10 =	vmul.f32 v21, v25;
	[tilespmem:s21+$0x8C0] =	vst v12  }
0x131: {  	v3 =	vld [tilespmem:s21+$0xB00];
	v8 =	vmul.f32 v26, v25;
	[tilespmem:s21+$0xA80] =	vst v62  }
0x132: {  	v5 =	vld [tilespmem:s21+$0xB10];
	v34 =	vbroadcast v0, $0x7;
	v6 =	vmul.f32 v27, v25;
	[tilespmem:s21+$0x890] =	vst v10  }
0x133: {  	v29 =	vld [tilespmem:s21+$0x900];
	v7 =	vmul.f32 v28, v25;
	[tilespmem:s21+$0x8D0] =	vst v8  }
0x134: {  	v60 =	vld [tilespmem:s21+$0xAC0];
	v9 =	vmul.f32 v30, v34;
	[tilespmem:s21+$0x8E0] =	vst v6  }
0x135: {  	v33 =	vld [tilespmem:s21+$0x940];
	v24 =	vbroadcast v0, $0xB;
	v11 =	vmul.f32 v31, v34;
	[tilespmem:s21+$0x8F0] =	vst v7  }
0x136: {  	v35 =	vld [tilespmem:s21+$0x950];
	v12 =	vmul.f32 v32, v34;
	[tilespmem:s21+$0x910] =	vst v9  }
0x137: {  	v38 =	vld [tilespmem:s21+$0x980];
	v3 =	vmul.f32 v3, v24;
	[tilespmem:s21+$0x920] =	vst v11  }
0x138: {  	v36 =	vld [tilespmem:s21+$0x960];
	v5 =	vmul.f32 v5, v24;
	[tilespmem:s21+$0x930] =	vst v12  }
0x139: {  	v2 =	vld [tilespmem:s21+$0xD50];
	v19 =	vmul.f32 v60, v4;
	[tilespmem:s21+$0xB00] =	vst v3  }
0x13a: {  	v39 =	vld [tilespmem:s21+$0x990];
	v10 =	vmul.f32 v29, v34;
	[tilespmem:s21+$0xB10] =	vst v5  }
0x13b: {  	v40 =	vld [tilespmem:s21+$0x9A0];
	v8 =	vmul.f32 v33, v34;
	[tilespmem:s21+$0xAC0] =	vst v19  }
0x13c: {  	v43 =	vbroadcast v0, $0x8;
	v61 =	vld [tilespmem:s21+$0xAD0];
	v6 =	vmul.f32 v35, v34;
	[tilespmem:s21+$0x900] =	vst v10  }
0x13d: {  	v16 =	vld [tilespmem:s21+$0x580];
	v7 =	vmul.f32 v36, v34;
	[tilespmem:s21+$0x940] =	vst v8  }
0x13e: {  	v37 =	vld [tilespmem:s21+$0x970];
	v9 =	vmul.f32 v38, v43;
	[tilespmem:s21+$0x950] =	vst v6  }
0x13f: {  	v41 =	vld [tilespmem:s21+$0x9B0];
	v11 =	vmul.f32 v39, v43;
	[tilespmem:s21+$0x960] =	vst v7  }
0x140: {  	v42 =	vld [tilespmem:s21+$0x9C0];
	v12 =	vmul.f32 v40, v43;
	[tilespmem:s21+$0x980] =	vst v9  }
0x141: {  	v44 =	vld [tilespmem:s21+$0x9D0];
	v21 =	vmul.f32 v61, v4;
	[tilespmem:s21+$0x990] =	vst v11  }
0x142: {  	v46 =	vld [tilespmem:s21+$0x9F0];
	v25 =	vmul.f32 v1, v16;
	[tilespmem:s21+$0x9A0] =	vst v12  }
0x143: {  	v47 =	vld [tilespmem:s21+$0xA00];
	v10 =	vmul.f32 v37, v34;
	[tilespmem:s21+$0xAD0] =	vst v21  }
0x144: {  	v48 =	vld [tilespmem:s21+$0xA10];
	v8 =	vmul.f32 v41, v43;
	[tilespmem:s21+$0x580] =	vst v25  }
0x145: {  	v6 =	vmul.f32 v42, v43;
	[tilespmem:s21+$0x970] =	vst v10  }
0x146: {  	v52 =	vbroadcast v0, $0x9;
	v27 =	vld [tilespmem:s21+$0xB50];
	v7 =	vmul.f32 v44, v43;
	[tilespmem:s21+$0x9B0] =	vst v8  }
0x147: {  	v30 =	vld [tilespmem:s21+$0xB80];
	v9 =	vmul.f32 v46, v43;
	[tilespmem:s21+$0x9C0] =	vst v6  }
0x148: {  	v28 =	vld [tilespmem:s21+$0xB60];
	v3 =	vbroadcast v0, $0xF;
	v11 =	vmul.f32 v47, v52;
	[tilespmem:s21+$0x9D0] =	vst v7  }
0x149: {  	v45 =	vld [tilespmem:s21+$0x9E0];
	v12 =	vmul.f32 v48, v52;
	[tilespmem:s21+$0x9F0] =	vst v9  }
0x14a: {  	v49 =	vld [tilespmem:s21+$0xA20];
	v35 =	vbroadcast v0, $0xC;
	v2 =	vmul.f32 v2, v3;
	[tilespmem:s21+$0xA00] =	vst v11  }
0x14b: {  	v50 =	vld [tilespmem:s21+$0xA30];
	v32 =	vmul.f32 v27, v24;
	[tilespmem:s21+$0xA10] =	vst v12  }
0x14c: {  	v51 =	vld [tilespmem:s21+$0xA40];
	v14 =	vmul.f32 v30, v35;
	[tilespmem:s21+$0xD50] =	vst v2  }
0x14d: {  	v54 =	vld [tilespmem:s21+$0xA60];
	v40 =	vmul.f32 v28, v24;
	[tilespmem:s21+$0xB50] =	vst v32  }
0x14e: {  	v55 =	vld [tilespmem:s21+$0xA70];
	v10 =	vmul.f32 v45, v43;
	[tilespmem:s21+$0xB80] =	vst v14  }
0x14f: {  	v18 =	vld [tilespmem:s21+$0x5C0];
	v8 =	vmul.f32 v49, v52;
	[tilespmem:s21+$0xB60] =	vst v40  }
0x150: {  	v38 =	vld [tilespmem:s21+$0xBF0];
	v6 =	vmul.f32 v50, v52;
	[tilespmem:s21+$0x9E0] =	vst v10  }
0x151: {  	v29 =	vld [tilespmem:s21+$0xB70];
	v7 =	vmul.f32 v51, v52;
	[tilespmem:s21+$0xA20] =	vst v8  }
0x152: {  	v33 =	vld [tilespmem:s21+$0xBB0];
	v9 =	vmul.f32 v54, v52;
	[tilespmem:s21+$0xA30] =	vst v6  }
0x153: {  	v53 =	vld [tilespmem:s21+$0xA50];
	v11 =	vmul.f32 v55, v52;
	[tilespmem:s21+$0xA40] =	vst v7  }
0x154: {  	v57 =	vld [tilespmem:s21+$0xA90];
	v2 =	vmul.f32 v18, v1;
	[tilespmem:s21+$0xA60] =	vst v9  }
0x155: {  	v58 =	vld [tilespmem:s21+$0xAA0];
	v14 =	vmul.f32 v38, v35;
	[tilespmem:s21+$0xA70] =	vst v11  }
0x156: {  	v59 =	vld [tilespmem:s21+$0xAB0];
	v5 =	vmul.f32 v29, v24;
	[tilespmem:s21+$0x5C0] =	vst v2  }
0x157: {  	v63 =	vld [tilespmem:s21+$0xAE0];
	v62 =	vmul.f32 v33, v35;
	[tilespmem:s21+$0xBF0] =	vst v14  }
0x158: {  	v17 =	vld [tilespmem:s21+$0x590];
	v10 =	vmul.f32 v53, v52;
	[tilespmem:s21+$0xB70] =	vst v5  }
0x159: {  	v20 =	vld [tilespmem:s21+$0x5D0];
	v8 =	vmul.f32 v57, v4;
	[tilespmem:s21+$0xBB0] =	vst v62  }
0x15a: {  	v61 =	vld [tilespmem:s21+$0xD70];
	v6 =	vmul.f32 v58, v4;
	[tilespmem:s21+$0xA50] =	vst v10  }
0x15b: {  	v46 =	vld [tilespmem:s21+$0xC60];
	v7 =	vmul.f32 v59, v4;
	[tilespmem:s21+$0xA90] =	vst v8  }
0x15c: {  	v22 =	vld [tilespmem:s21+$0xB20];
	v4 =	vmul.f32 v63, v4;
	[tilespmem:s21+$0xAA0] =	vst v6  }
0x15d: {  	v23 =	vld [tilespmem:s21+$0xB30];
	v11 =	vmul.f32 v17, v1;
	[tilespmem:s21+$0xAB0] =	vst v7  }
0x15e: {  	v26 =	vld [tilespmem:s21+$0xB40];
	v44 =	vbroadcast v0, $0xD;
	v1 =	vmul.f32 v20, v1;
	[tilespmem:s21+$0xAE0] =	vst v4  }
0x15f: {  	v31 =	vld [tilespmem:s21+$0xB90];
	v63 =	vmul.f32 v61, v3;
	[tilespmem:s21+$0x590] =	vst v11  }
0x160: {  	v34 =	vld [tilespmem:s21+$0xBC0];
	v51 =	vmul.f32 v46, v44;
	[tilespmem:s21+$0x5D0] =	vst v1  }
0x161: {  	v41 =	vld [tilespmem:s21+$0xC20];
	v6 =	vmul.f32 v22, v24;
	[tilespmem:s21+$0xD70] =	vst v63  }
0x162: {  	v7 =	vmul.f32 v23, v24;
	v1 =	vld [tilespmem:s21+$0xC10];
	[tilespmem:s21+$0xC60] =	vst v51  }
0x163: {  	v49 =	vld [tilespmem:s21+$0xCA0];
	v4 =	vmul.f32 v26, v24;
	[tilespmem:s21+$0xB20] =	vst v6  }
0x164: {  	v50 =	vld [tilespmem:s21+$0xCB0];
	v8 =	vmul.f32 v31, v35;
	[tilespmem:s21+$0xB30] =	vst v7  }
0x165: {  	v36 =	vld [tilespmem:s21+$0xBD0];
	v11 =	vmul.f32 v34, v35;
	[tilespmem:s21+$0xB40] =	vst v4  }
0x166: {  	v37 =	vld [tilespmem:s21+$0xBE0];
	v0 =	vbroadcast v0, $0xE;
	v10 =	vmul.f32 v41, v44;
	[tilespmem:s21+$0xB90] =	vst v8  }
0x167: {  	v39 =	vld [tilespmem:s21+$0xC00];
	[tilespmem:s21+$0xBC0] =	vst v11;
	v1 =	vmul.f32 v1, v44  }
0x168: {  	v42 =	vld [tilespmem:s21+$0xC30];
	v9 =	vmul.f32 v49, v0;
	[tilespmem:s21+$0xC20] =	vst v10  }
0x169: {  	v5 =	vmul.f32 v50, v0;
	[tilespmem:s21+$0xC10] =	vst v1;
	v1 =	vld [tilespmem:s21+$0xC80]  }
0x16a: {  	v48 =	vld [tilespmem:s21+$0xC90];
	v7 =	vmul.f32 v36, v35;
	[tilespmem:s21+$0xCA0] =	vst v9  }
0x16b: {  	v57 =	vld [tilespmem:s21+$0xD20];
	v4 =	vmul.f32 v37, v35;
	[tilespmem:s21+$0xCB0] =	vst v5  }
0x16c: {  	v45 =	vld [tilespmem:s21+$0xC50];
	v8 =	vmul.f32 v39, v44;
	[tilespmem:s21+$0xBD0] =	vst v7  }
0x16d: {  	v47 =	vld [tilespmem:s21+$0xC70];
	v11 =	vmul.f32 v42, v44;
	[tilespmem:s21+$0xBE0] =	vst v4  }
0x16e: {  	v43 =	vld [tilespmem:s21+$0xC40];
	[tilespmem:s21+$0xC00] =	vst v8;
	v1 =	vmul.f32 v1, v0  }
0x16f: {  	v55 =	vld [tilespmem:s21+$0xD00];
	v10 =	vmul.f32 v48, v0;
	[tilespmem:s21+$0xC30] =	vst v11  }
0x170: {  	v5 =	vmul.f32 v57, v3;
	[tilespmem:s21+$0xC80] =	vst v1;
	v1 =	vld [tilespmem:s21+$0xCF0]  }
0x171: {  	v52 =	vld [tilespmem:s21+$0xCC0];
	v4 =	vmul.f32 v45, v44;
	[tilespmem:s21+$0xC90] =	vst v10  }
0x172: {  	v56 =	vld [tilespmem:s21+$0xD10];
	v8 =	vmul.f32 v47, v44;
	[tilespmem:s21+$0xD20] =	vst v5  }
0x173: {  	v54 =	vld [tilespmem:s21+$0xCE0];
	v7 =	vmul.f32 v43, v44;
	[tilespmem:s21+$0xC50] =	vst v4  }
0x174: {  	v58 =	vld [tilespmem:s21+$0xD30];
	v10 =	vmul.f32 v55, v3;
	[tilespmem:s21+$0xC70] =	vst v8  }
0x175: {  	v53 =	vld [tilespmem:s21+$0xCD0];
	[tilespmem:s21+$0xC40] =	vst v7;
	v1 =	vmul.f32 v1, v0  }
0x176: {  	v59 =	vld [tilespmem:s21+$0xD40];
	v4 =	vmul.f32 v52, v0;
	[tilespmem:s21+$0xD00] =	vst v10  }
0x177: {  	v60 =	vld [tilespmem:s21+$0xD60];
	[tilespmem:s21+$0xCF0] =	vst v1;
	v1 =	vmul.f32 v56, v3  }
0x178: {  	v8 =	vmul.f32 v54, v0;
	[tilespmem:s21+$0xCC0] =	vst v4  }
0x179: {  	v2 =	vld [tilespmem:s21+$0xBA0];
	[tilespmem:s21+$0xD10] =	vst v1;
	v1 =	vmul.f32 v58, v3  }
0x17a: {  	[tilespmem:s21+$0xCE0] =	vst v8;
	v0 =	vmul.f32 v53, v0  }
0x17b: {  	[tilespmem:s21+$0xD30] =	vst v1;
	v1 =	vmul.f32 v59, v3  }
0x17c: {  	[tilespmem:s21+$0xCD0] =	vst v0;
	v3 =	vmul.f32 v60, v3  }
0x17d: {  	[tilespmem:s21+$0xD40] =	vst v1  }
0x17e: {  	s23 =	simm.s32 $0x1;
	v1 =	vmul.f32 v2, v35;
	[tilespmem:s21+$0xD60] =	vst v3  }
.LBB2_8:
0x17f: {  	s15 =	sshll.u32 s23, $0x4  }
0x180: {  	p2 =	sne.s32 s23, $0x7;
	[tilespmem:s21+$0xBA0] =	vst v1;
	s21 =	smov.u32 s23;
	s23 =	sadd.s32 $0x1, s23  }
0x181: {  	s15 =	sand.u32 $0x3FFFFFF0, s15  }
0x182: {  	v0 =	vld [tilespmem:s15+$0x500];
	s15 =	sshll.u32 s21, $0xB  }
0x183: {  	s21 =	sand.u32 $0x3FFFF800, s15  }
0x184: {  	v7 =	vld [tilespmem:s21+$0x640]  }
0x185: {  	v8 =	vld [tilespmem:s21+$0x650]  }
0x186: {  	v9 =	vld [tilespmem:s21+$0x630]  }
0x187: {  	v1 =	vbroadcast v0, $0x0;
	v2 =	vld [tilespmem:s21+$0x5A0];
	v6 =	vbroadcast v0, $0x4  }
0x188: {  	v4 =	vld [tilespmem:s21+$0x5B0]  }
0x189: {  	v5 =	vld [tilespmem:s21+$0xAF0]  }
0x18a: {  	v10 =	vld [tilespmem:s21+$0x5E0]  }
0x18b: {  	v11 =	vld [tilespmem:s21+$0x5F0]  }
0x18c: {  	v3 =	vbroadcast v0, $0xA;
	v2 =	vmul.f32 v2, v1;
	v12 =	vld [tilespmem:s21+$0x600]  }
0x18d: {  	v4 =	vmul.f32 v4, v1;
	v13 =	vld [tilespmem:s21+$0x610]  }
0x18e: {  	[tilespmem:s21+$0x5A0] =	vst v2;
	v14 =	vld [tilespmem:s21+$0x620];
	v2 =	vmul.f32 v5, v3  }
0x18f: {  	[tilespmem:s21+$0x5B0] =	vst v4;
	v5 =	vmul.f32 v10, v1;
	v10 =	vbroadcast v0, $0x1;
	v4 =	vld [tilespmem:s21+$0xB00]  }
0x190: {  	v11 =	vmul.f32 v11, v1;
	[tilespmem:s21+$0xAF0] =	vst v2;
	v2 =	vld [tilespmem:s21+$0xD50]  }
0x191: {  	[tilespmem:s21+$0x5E0] =	vst v5;
	v12 =	vmul.f32 v12, v10;
	v5 =	vld [tilespmem:s21+$0xB10]  }
0x192: {  	[tilespmem:s21+$0x5F0] =	vst v11;
	v11 =	vmul.f32 v13, v10;
	v13 =	vld [tilespmem:s21+$0x660]  }
0x193: {  	[tilespmem:s21+$0x600] =	vst v12;
	v12 =	vmul.f32 v14, v10;
	v14 =	vld [tilespmem:s21+$0x670]  }
0x194: {  	v9 =	vmul.f32 v9, v10;
	[tilespmem:s21+$0x610] =	vst v11;
	v11 =	vld [tilespmem:s21+$0x680]  }
0x195: {  	v7 =	vmul.f32 v7, v10;
	[tilespmem:s21+$0x620] =	vst v12;
	v12 =	vld [tilespmem:s21+$0x690]  }
0x196: {  	v8 =	vmul.f32 v8, v10;
	[tilespmem:s21+$0x630] =	vst v9;
	v9 =	vld [tilespmem:s21+$0x6A0]  }
0x197: {  	[tilespmem:s21+$0x640] =	vst v7;
	v7 =	vmul.f32 v13, v10;
	v13 =	vbroadcast v0, $0x2;
	v15 =	vld [tilespmem:s21+$0x6B0]  }
0x198: {  	[tilespmem:s21+$0x650] =	vst v8;
	v8 =	vmul.f32 v14, v10;
	v10 =	vld [tilespmem:s21+$0x6C0]  }
0x199: {  	[tilespmem:s21+$0x660] =	vst v7;
	v7 =	vmul.f32 v11, v13;
	v11 =	vld [tilespmem:s21+$0x6D0]  }
0x19a: {  	[tilespmem:s21+$0x670] =	vst v8;
	v8 =	vmul.f32 v12, v13;
	v12 =	vld [tilespmem:s21+$0x6E0]  }
0x19b: {  	[tilespmem:s21+$0x680] =	vst v7;
	v7 =	vmul.f32 v9, v13;
	v9 =	vld [tilespmem:s21+$0x6F0]  }
0x19c: {  	[tilespmem:s21+$0x690] =	vst v8;
	v8 =	vmul.f32 v15, v13;
	v14 =	vld [tilespmem:s21+$0x700]  }
0x19d: {  	[tilespmem:s21+$0x6A0] =	vst v7;
	v7 =	vmul.f32 v10, v13;
	v10 =	vld [tilespmem:s21+$0x710]  }
0x19e: {  	[tilespmem:s21+$0x6B0] =	vst v8;
	v8 =	vmul.f32 v11, v13;
	v11 =	vld [tilespmem:s21+$0x720]  }
0x19f: {  	[tilespmem:s21+$0x6C0] =	vst v7;
	v7 =	vmul.f32 v12, v13;
	v12 =	vbroadcast v0, $0x3;
	v15 =	vld [tilespmem:s21+$0x730]  }
0x1a0: {  	[tilespmem:s21+$0x6D0] =	vst v8;
	v8 =	vmul.f32 v9, v13;
	v9 =	vld [tilespmem:s21+$0x740]  }
0x1a1: {  	[tilespmem:s21+$0x6E0] =	vst v7;
	v7 =	vmul.f32 v14, v12;
	v13 =	vld [tilespmem:s21+$0x750]  }
0x1a2: {  	[tilespmem:s21+$0x6F0] =	vst v8;
	v8 =	vmul.f32 v10, v12;
	v10 =	vld [tilespmem:s21+$0x760]  }
0x1a3: {  	[tilespmem:s21+$0x700] =	vst v7;
	v7 =	vmul.f32 v11, v12;
	v11 =	vld [tilespmem:s21+$0x770]  }
0x1a4: {  	[tilespmem:s21+$0x710] =	vst v8;
	v8 =	vmul.f32 v15, v12;
	v14 =	vld [tilespmem:s21+$0x780]  }
0x1a5: {  	[tilespmem:s21+$0x720] =	vst v7;
	v7 =	vmul.f32 v9, v12;
	v9 =	vld [tilespmem:s21+$0x790]  }
0x1a6: {  	[tilespmem:s21+$0x730] =	vst v8;
	v8 =	vmul.f32 v13, v12;
	v13 =	vld [tilespmem:s21+$0x7A0]  }
0x1a7: {  	[tilespmem:s21+$0x740] =	vst v7;
	v7 =	vmul.f32 v10, v12;
	v10 =	vld [tilespmem:s21+$0x7B0]  }
0x1a8: {  	[tilespmem:s21+$0x750] =	vst v8;
	v8 =	vmul.f32 v11, v12;
	v11 =	vld [tilespmem:s21+$0x7C0]  }
0x1a9: {  	[tilespmem:s21+$0x760] =	vst v7;
	v7 =	vmul.f32 v14, v6;
	v12 =	vld [tilespmem:s21+$0x7D0]  }
0x1aa: {  	[tilespmem:s21+$0x770] =	vst v8;
	v8 =	vmul.f32 v9, v6;
	v9 =	vld [tilespmem:s21+$0x7E0]  }
0x1ab: {  	[tilespmem:s21+$0x780] =	vst v7;
	v7 =	vmul.f32 v13, v6;
	v13 =	vld [tilespmem:s21+$0x7F0]  }
0x1ac: {  	[tilespmem:s21+$0x790] =	vst v8;
	v8 =	vmul.f32 v10, v6;
	v10 =	vld [tilespmem:s21+$0x800]  }
0x1ad: {  	[tilespmem:s21+$0x7A0] =	vst v7;
	v7 =	vmul.f32 v11, v6;
	v11 =	vld [tilespmem:s21+$0x810]  }
0x1ae: {  	[tilespmem:s21+$0x7B0] =	vst v8;
	v8 =	vmul.f32 v12, v6;
	v12 =	vld [tilespmem:s21+$0x820]  }
0x1af: {  	[tilespmem:s21+$0x7C0] =	vst v7;
	v7 =	vmul.f32 v9, v6;
	v9 =	vbroadcast v0, $0x5;
	v14 =	vld [tilespmem:s21+$0x830]  }
0x1b0: {  	[tilespmem:s21+$0x7D0] =	vst v8;
	v6 =	vmul.f32 v13, v6;
	v8 =	vld [tilespmem:s21+$0x840]  }
0x1b1: {  	[tilespmem:s21+$0x7E0] =	vst v7;
	v7 =	vmul.f32 v10, v9;
	v10 =	vld [tilespmem:s21+$0x850]  }
0x1b2: {  	[tilespmem:s21+$0x7F0] =	vst v6;
	v6 =	vmul.f32 v11, v9;
	v11 =	vld [tilespmem:s21+$0x860]  }
0x1b3: {  	[tilespmem:s21+$0x800] =	vst v7;
	v7 =	vmul.f32 v12, v9;
	v12 =	vld [tilespmem:s21+$0x870]  }
0x1b4: {  	[tilespmem:s21+$0x810] =	vst v6;
	v6 =	vmul.f32 v14, v9;
	v13 =	vld [tilespmem:s21+$0x880]  }
0x1b5: {  	[tilespmem:s21+$0x820] =	vst v7;
	v7 =	vmul.f32 v8, v9;
	v8 =	vld [tilespmem:s21+$0x890]  }
0x1b6: {  	[tilespmem:s21+$0x830] =	vst v6;
	v6 =	vmul.f32 v10, v9;
	v10 =	vld [tilespmem:s21+$0x8A0]  }
0x1b7: {  	[tilespmem:s21+$0x840] =	vst v7;
	v7 =	vmul.f32 v11, v9;
	v11 =	vbroadcast v0, $0x6;
	v14 =	vld [tilespmem:s21+$0x8B0]  }
0x1b8: {  	[tilespmem:s21+$0x850] =	vst v6;
	v6 =	vmul.f32 v12, v9;
	v9 =	vld [tilespmem:s21+$0x8C0]  }
0x1b9: {  	[tilespmem:s21+$0x860] =	vst v7;
	v7 =	vmul.f32 v13, v11;
	v12 =	vld [tilespmem:s21+$0x8D0]  }
0x1ba: {  	[tilespmem:s21+$0x870] =	vst v6;
	v6 =	vmul.f32 v8, v11;
	v8 =	vld [tilespmem:s21+$0x8E0]  }
0x1bb: {  	[tilespmem:s21+$0x880] =	vst v7;
	v7 =	vmul.f32 v10, v11;
	v10 =	vld [tilespmem:s21+$0x8F0]  }
0x1bc: {  	[tilespmem:s21+$0x890] =	vst v6;
	v6 =	vmul.f32 v14, v11;
	v13 =	vld [tilespmem:s21+$0x900]  }
0x1bd: {  	[tilespmem:s21+$0x8A0] =	vst v7;
	v7 =	vmul.f32 v9, v11;
	v9 =	vld [tilespmem:s21+$0x910]  }
0x1be: {  	[tilespmem:s21+$0x8B0] =	vst v6;
	v6 =	vmul.f32 v12, v11;
	v12 =	vld [tilespmem:s21+$0x920]  }
0x1bf: {  	[tilespmem:s21+$0x8C0] =	vst v7;
	v7 =	vmul.f32 v8, v11;
	v8 =	vbroadcast v0, $0x7;
	v14 =	vld [tilespmem:s21+$0x930]  }
0x1c0: {  	[tilespmem:s21+$0x8D0] =	vst v6;
	v6 =	vmul.f32 v10, v11;
	v10 =	vld [tilespmem:s21+$0x940]  }
0x1c1: {  	[tilespmem:s21+$0x8E0] =	vst v7;
	v7 =	vmul.f32 v13, v8;
	v11 =	vld [tilespmem:s21+$0x950]  }
0x1c2: {  	[tilespmem:s21+$0x8F0] =	vst v6;
	v6 =	vmul.f32 v9, v8;
	v9 =	vld [tilespmem:s21+$0x960]  }
0x1c3: {  	[tilespmem:s21+$0x900] =	vst v7;
	v7 =	vmul.f32 v12, v8;
	v12 =	vld [tilespmem:s21+$0x970]  }
0x1c4: {  	[tilespmem:s21+$0x910] =	vst v6;
	v6 =	vmul.f32 v14, v8;
	v13 =	vld [tilespmem:s21+$0x980]  }
0x1c5: {  	[tilespmem:s21+$0x920] =	vst v7;
	v7 =	vmul.f32 v10, v8;
	v10 =	vld [tilespmem:s21+$0x990]  }
0x1c6: {  	[tilespmem:s21+$0x930] =	vst v6;
	v6 =	vmul.f32 v11, v8;
	v11 =	vld [tilespmem:s21+$0x9A0]  }
0x1c7: {  	[tilespmem:s21+$0x940] =	vst v7;
	v7 =	vmul.f32 v9, v8;
	v9 =	vbroadcast v0, $0x8;
	v14 =	vld [tilespmem:s21+$0x9B0]  }
0x1c8: {  	[tilespmem:s21+$0x950] =	vst v6;
	v6 =	vmul.f32 v12, v8;
	v8 =	vld [tilespmem:s21+$0x9C0]  }
0x1c9: {  	[tilespmem:s21+$0x960] =	vst v7;
	v7 =	vmul.f32 v13, v9;
	v12 =	vld [tilespmem:s21+$0x9D0]  }
0x1ca: {  	[tilespmem:s21+$0x970] =	vst v6;
	v6 =	vmul.f32 v10, v9;
	v10 =	vld [tilespmem:s21+$0x9E0]  }
0x1cb: {  	[tilespmem:s21+$0x980] =	vst v7;
	v7 =	vmul.f32 v11, v9;
	v11 =	vld [tilespmem:s21+$0x9F0]  }
0x1cc: {  	[tilespmem:s21+$0x990] =	vst v6;
	v6 =	vmul.f32 v14, v9;
	v13 =	vld [tilespmem:s21+$0xA00]  }
0x1cd: {  	[tilespmem:s21+$0x9A0] =	vst v7;
	v7 =	vmul.f32 v8, v9;
	v8 =	vld [tilespmem:s21+$0xA10]  }
0x1ce: {  	[tilespmem:s21+$0x9B0] =	vst v6;
	v6 =	vmul.f32 v12, v9;
	v12 =	vld [tilespmem:s21+$0xA20]  }
0x1cf: {  	[tilespmem:s21+$0x9C0] =	vst v7;
	v7 =	vmul.f32 v10, v9;
	v10 =	vbroadcast v0, $0x9;
	v14 =	vld [tilespmem:s21+$0xA30]  }
0x1d0: {  	[tilespmem:s21+$0x9D0] =	vst v6;
	v6 =	vmul.f32 v11, v9;
	v9 =	vld [tilespmem:s21+$0xA40]  }
0x1d1: {  	[tilespmem:s21+$0x9E0] =	vst v7;
	v7 =	vmul.f32 v13, v10;
	v11 =	vld [tilespmem:s21+$0xA50]  }
0x1d2: {  	[tilespmem:s21+$0x9F0] =	vst v6;
	v6 =	vmul.f32 v8, v10;
	v8 =	vld [tilespmem:s21+$0xA60]  }
0x1d3: {  	[tilespmem:s21+$0xA00] =	vst v7;
	v7 =	vmul.f32 v12, v10;
	v12 =	vld [tilespmem:s21+$0xA70]  }
0x1d4: {  	[tilespmem:s21+$0xA10] =	vst v6;
	v6 =	vmul.f32 v14, v10;
	v13 =	vld [tilespmem:s21+$0xA80]  }
0x1d5: {  	[tilespmem:s21+$0xA20] =	vst v7;
	v7 =	vmul.f32 v9, v10;
	v9 =	vld [tilespmem:s21+$0xA90]  }
0x1d6: {  	[tilespmem:s21+$0xA30] =	vst v6;
	v6 =	vmul.f32 v11, v10;
	v11 =	vld [tilespmem:s21+$0xAA0]  }
0x1d7: {  	[tilespmem:s21+$0xA40] =	vst v7;
	v7 =	vmul.f32 v8, v10;
	v8 =	vld [tilespmem:s21+$0xAB0]  }
0x1d8: {  	[tilespmem:s21+$0xA50] =	vst v6;
	v6 =	vmul.f32 v12, v10;
	v10 =	vld [tilespmem:s21+$0xAC0]  }
0x1d9: {  	[tilespmem:s21+$0xA60] =	vst v7;
	v7 =	vmul.f32 v13, v3;
	v12 =	vld [tilespmem:s21+$0xAD0]  }
0x1da: {  	[tilespmem:s21+$0xA70] =	vst v6;
	v6 =	vmul.f32 v9, v3;
	v9 =	vld [tilespmem:s21+$0xAE0]  }
0x1db: {  	v13 =	vld [tilespmem:s21+$0x580];
	[tilespmem:s21+$0xA80] =	vst v7;
	v7 =	vmul.f32 v11, v3  }
0x1dc: {  	v11 =	vld [tilespmem:s21+$0x590];
	[tilespmem:s21+$0xA90] =	vst v6;
	v6 =	vmul.f32 v8, v3  }
0x1dd: {  	v8 =	vld [tilespmem:s21+$0x5C0];
	[tilespmem:s21+$0xAA0] =	vst v7;
	v7 =	vmul.f32 v10, v3  }
0x1de: {  	v10 =	vld [tilespmem:s21+$0x5D0];
	[tilespmem:s21+$0xAB0] =	vst v6;
	v6 =	vmul.f32 v12, v3  }
0x1df: {  	[tilespmem:s21+$0xAC0] =	vst v7;
	v7 =	vmul.f32 v9, v3;
	v9 =	vbroadcast v0, $0xB;
	v12 =	vld [tilespmem:s21+$0xB20]  }
0x1e0: {  	v3 =	vbroadcast v0, $0xF;
	v13 =	vmul.f32 v1, v13;
	[tilespmem:s21+$0xAD0] =	vst v6;
	v6 =	vld [tilespmem:s21+$0xB30]  }
0x1e1: {  	v11 =	vmul.f32 v11, v1;
	[tilespmem:s21+$0xAE0] =	vst v7;
	v4 =	vmul.f32 v4, v9;
	v7 =	vld [tilespmem:s21+$0xB40]  }
0x1e2: {  	v5 =	vmul.f32 v5, v9;
	[tilespmem:s21+$0x580] =	vst v13;
	v8 =	vmul.f32 v8, v1;
	v13 =	vld [tilespmem:s21+$0xB50]  }
0x1e3: {  	v2 =	vmul.f32 v2, v3;
	v10 =	vmul.f32 v10, v1;
	[tilespmem:s21+$0xB00] =	vst v4;
	v1 =	vld [tilespmem:s21+$0xB60]  }
0x1e4: {  	[tilespmem:s21+$0xB10] =	vst v5;
	v4 =	vmul.f32 v12, v9;
	v5 =	vld [tilespmem:s21+$0xB70]  }
0x1e5: {  	v6 =	vmul.f32 v6, v9;
	v12 =	vld [tilespmem:s21+$0xB80];
	[tilespmem:s21+$0xD50] =	vst v2  }
0x1e6: {  	[tilespmem:s21+$0x590] =	vst v11;
	v2 =	vmul.f32 v7, v9;
	v7 =	vld [tilespmem:s21+$0xB90]  }
0x1e7: {  	[tilespmem:s21+$0x5C0] =	vst v8;
	v8 =	vmul.f32 v13, v9;
	v11 =	vld [tilespmem:s21+$0xBA0]  }
0x1e8: {  	v13 =	vbroadcast v0, $0xC;
	[tilespmem:s21+$0xB20] =	vst v4;
	v4 =	vmul.f32 v1, v9;
	v14 =	vld [tilespmem:s21+$0xBB0]  }
0x1e9: {  	[tilespmem:s21+$0xB50] =	vst v8;
	v5 =	vmul.f32 v5, v9;
	v8 =	vld [tilespmem:s21+$0xBC0]  }
0x1ea: {  	[tilespmem:s21+$0xB30] =	vst v6;
	v1 =	vmul.f32 v12, v13;
	v6 =	vld [tilespmem:s21+$0xBD0]  }
0x1eb: {  	[tilespmem:s21+$0xB40] =	vst v2;
	v2 =	vmul.f32 v7, v13;
	v7 =	vld [tilespmem:s21+$0xBE0]  }
0x1ec: {  	[tilespmem:s21+$0xB80] =	vst v1;
	v1 =	vmul.f32 v11, v13;
	v9 =	vld [tilespmem:s21+$0xBF0]  }
0x1ed: {  	[tilespmem:s21+$0xB90] =	vst v2;
	v2 =	vld [tilespmem:s21+$0xC00]  }
0x1ee: {  	[tilespmem:s21+$0x5D0] =	vst v10;
	v8 =	vmul.f32 v8, v13;
	v10 =	vld [tilespmem:s21+$0xC10]  }
0x1ef: {  	[tilespmem:s21+$0xB60] =	vst v4;
	v4 =	vmul.f32 v6, v13;
	v6 =	vld [tilespmem:s21+$0xC20]  }
0x1f0: {  	[tilespmem:s21+$0xBC0] =	vst v8;
	v7 =	vmul.f32 v7, v13;
	v8 =	vbroadcast v0, $0xD;
	v11 =	vld [tilespmem:s21+$0xC30]  }
0x1f1: {  	[tilespmem:s21+$0xBD0] =	vst v4;
	v4 =	vmul.f32 v9, v13;
	v9 =	vld [tilespmem:s21+$0xC40]  }
0x1f2: {  	[tilespmem:s21+$0xBE0] =	vst v7;
	v2 =	vmul.f32 v2, v8;
	v7 =	vld [tilespmem:s21+$0xC50]  }
0x1f3: {  	[tilespmem:s21+$0xBF0] =	vst v4;
	v4 =	vmul.f32 v10, v8;
	v10 =	vld [tilespmem:s21+$0xC60]  }
0x1f4: {  	[tilespmem:s21+$0xC00] =	vst v2;
	v2 =	vmul.f32 v6, v8;
	v6 =	vld [tilespmem:s21+$0xC70]  }
0x1f5: {  	[tilespmem:s21+$0xC10] =	vst v4;
	v4 =	vmul.f32 v11, v8;
	v11 =	vld [tilespmem:s21+$0xC80]  }
0x1f6: {  	[tilespmem:s21+$0xC20] =	vst v2;
	v2 =	vmul.f32 v9, v8;
	v9 =	vld [tilespmem:s21+$0xC90]  }
0x1f7: {  	[tilespmem:s21+$0xC30] =	vst v4;
	v4 =	vmul.f32 v7, v8;
	v7 =	vld [tilespmem:s21+$0xCA0]  }
0x1f8: {  	v0 =	vbroadcast v0, $0xE;
	[tilespmem:s21+$0xB70] =	vst v5;
	v5 =	vmul.f32 v10, v8;
	v10 =	vld [tilespmem:s21+$0xCB0]  }
0x1f9: {  	[tilespmem:s21+$0xC50] =	vst v4;
	v4 =	vmul.f32 v6, v8;
	v6 =	vld [tilespmem:s21+$0xCC0]  }
0x1fa: {  	[tilespmem:s21+$0xC60] =	vst v5;
	v5 =	vmul.f32 v11, v0;
	v8 =	vld [tilespmem:s21+$0xCD0]  }
0x1fb: {  	[tilespmem:s21+$0xC70] =	vst v4;
	v4 =	vmul.f32 v9, v0;
	v9 =	vld [tilespmem:s21+$0xCE0]  }
0x1fc: {  	[tilespmem:s21+$0xC80] =	vst v5;
	v5 =	vmul.f32 v7, v0;
	v7 =	vld [tilespmem:s21+$0xCF0]  }
0x1fd: {  	[tilespmem:s21+$0xC90] =	vst v4;
	v4 =	vmul.f32 v10, v0;
	v10 =	vld [tilespmem:s21+$0xD00]  }
0x1fe: {  	[tilespmem:s21+$0xCA0] =	vst v5;
	v5 =	vmul.f32 v6, v0;
	v6 =	vld [tilespmem:s21+$0xD10]  }
0x1ff: {  	[tilespmem:s21+$0xCB0] =	vst v4;
	v4 =	vmul.f32 v8, v0;
	v8 =	vld [tilespmem:s21+$0xD20]  }
0x200: {  	[tilespmem:s21+$0xCC0] =	vst v5;
	v5 =	vmul.f32 v9, v0;
	v9 =	vld [tilespmem:s21+$0xD30]  }
0x201: {  	[tilespmem:s21+$0xC40] =	vst v2;
	v0 =	vmul.f32 v7, v0;
	v2 =	vld [tilespmem:s21+$0xD40]  }
0x202: {  	[tilespmem:s21+$0xCE0] =	vst v5;
	v5 =	vmul.f32 v10, v3;
	v7 =	vld [tilespmem:s21+$0xD60]  }
0x203: {  	[tilespmem:s21+$0xCF0] =	vst v0;
	v0 =	vmul.f32 v6, v3;
	v6 =	vld [tilespmem:s21+$0xD70]  }
0x204: {  	[tilespmem:s21+$0xD00] =	vst v5;
	v5 =	vmul.f32 v8, v3  }
0x205: {  	[tilespmem:s21+$0xD10] =	vst v0;
	v0 =	vmul.f32 v9, v3  }
0x206: {  	v8 =	vmul.f32 v14, v13;
	[tilespmem:s21+$0xD20] =	vst v5  }
0x207: {  	[tilespmem:s21+$0xD30] =	vst v0;
	v0 =	vmul.f32 v2, v3  }
.Ltmp3:
0x208: {  	[tilespmem:s21+$0xBB0] =	vst v8;
	v2 =	vmul.f32 v6, v3;
	(pc) =	sbr.rel @p2 .LBB2_8-.Ltmp3, $4  }
0x209: {  	[tilespmem:s21+$0xD40] =	vst v0  }
0x20a: {  	v0 =	vmul.f32 v7, v3;
	[tilespmem:s21+$0xD70] =	vst v2  }
0x20b: {  	[tilespmem:s21+$0xCD0] =	vst v4  }
0x20c: {  	[tilespmem:s21+$0xD60] =	vst v0  }
0x20d: {  	[tilespmem:s21+$0xBA0] =	vst v1  }
0x20e: {  	[spmem:s2] =	stream.indirect.scatter.add.f32 [tilespmem:s5], [sflag:$0x4], $0x80, s28, s28, $0xb8;
	[tilespmem:$0x1E7F8] =	vst v63  }
0x20f: {  	_ =	swait.ge [sflag:s25], $0x180  }
0x210: {  	[sflag:s25] =	ssyncset.done $0x0  }
0x211: {  	[sflag:s25] =	ssyncadd.s32 $0xFFFFFE80  }
0x212: {  	[tilespmem:s9], [sflag:$0x3] =	stream.indirect.gather [hbm4b:s6+s28], $0x80, s26, s28, $0xb8;
	[tilespmem:$0x1E7F8] =	vst v63  }
0x213: {  	v0 =	vld [tilespmem:$0x200];
	_ =	sdelay $0x1  }
0x214: {  	v1 =	vld [tilespmem:$0x280];
	_ =	sdelay $0x4  }
0x215: {  	v2 =	vld [tilespmem:$0x300]  }
0x216: {  	v0 =	vld.idx.msk [tilespmem:v0+s1+$0x0], $0xffff  }
0x217: {  	v3 =	vld [tilespmem:$0x210]  }
0x218: {  	v1 =	vld.idx.msk [tilespmem:v1+s1+$0x0], $0xffff  }
0x219: {  	v4 =	vld [tilespmem:$0x290];
	_ =	sdelay $0x1  }
0x21a: {  	v0 =	vmul.f32 v0, v2;
	_ =	sdelay $0x1  }
0x21b: {  	v0 =	vmul.f32 v1, v0;
	_ =	sdelay $0x1  }
0x21c: {  	[tilespmem:$0x500] =	vst v0;
	v0 =	vld [tilespmem:$0x310]  }
0x21d: {  	v1 =	vld.idx.msk [tilespmem:v3+s1+$0x0], $0xffff  }
0x21e: {  	v2 =	vld.idx.msk [tilespmem:v4+s1+$0x0], $0xffff  }
0x21f: {  	v3 =	vld [tilespmem:$0x220]  }
0x220: {  	v21 =	vld [tilespmem:$0x2A0];
	_ =	sdelay $0x1  }
0x221: {  	v0 =	vmul.f32 v1, v0;
	_ =	sdelay $0x1  }
0x222: {  	v0 =	vmul.f32 v2, v0;
	_ =	sdelay $0x1  }
0x223: {  	[tilespmem:$0x510] =	vst v0;
	v0 =	vld [tilespmem:$0x320]  }
0x224: {  	v1 =	vld.idx.msk [tilespmem:v3+s1+$0x0], $0xffff  }
0x225: {  	v2 =	vld.idx.msk [tilespmem:v21+s1+$0x0], $0xffff  }
0x226: {  	v3 =	vld [tilespmem:$0x230]  }
0x227: {  	v22 =	vld [tilespmem:$0x2B0];
	_ =	sdelay $0x1  }
0x228: {  	v0 =	vmul.f32 v1, v0;
	_ =	sdelay $0x1  }
0x229: {  	v0 =	vmul.f32 v2, v0;
	_ =	sdelay $0x1  }
0x22a: {  	[tilespmem:$0x520] =	vst v0;
	v0 =	vld [tilespmem:$0x330]  }
0x22b: {  	v1 =	vld.idx.msk [tilespmem:v3+s1+$0x0], $0xffff  }
0x22c: {  	v2 =	vld.idx.msk [tilespmem:v22+s1+$0x0], $0xffff  }
0x22d: {  	v3 =	vld [tilespmem:$0x240]  }
0x22e: {  	v23 =	vld [tilespmem:$0x2C0];
	_ =	sdelay $0x1  }
0x22f: {  	v0 =	vmul.f32 v1, v0;
	_ =	sdelay $0x1  }
0x230: {  	v0 =	vmul.f32 v2, v0;
	_ =	sdelay $0x1  }
0x231: {  	[tilespmem:$0x530] =	vst v0;
	v0 =	vld [tilespmem:$0x340]  }
0x232: {  	v1 =	vld.idx.msk [tilespmem:v3+s1+$0x0], $0xffff  }
0x233: {  	v2 =	vld.idx.msk [tilespmem:v23+s1+$0x0], $0xffff  }
0x234: {  	v3 =	vld [tilespmem:$0x250]  }
0x235: {  	v24 =	vld [tilespmem:$0x2D0];
	_ =	sdelay $0x1  }
0x236: {  	v0 =	vmul.f32 v1, v0;
	_ =	sdelay $0x1  }
0x237: {  	v0 =	vmul.f32 v2, v0;
	_ =	sdelay $0x1  }
0x238: {  	[tilespmem:$0x540] =	vst v0;
	v0 =	vld [tilespmem:$0x350]  }
0x239: {  	v1 =	vld.idx.msk [tilespmem:v3+s1+$0x0], $0xffff  }
0x23a: {  	v2 =	vld.idx.msk [tilespmem:v24+s1+$0x0], $0xffff  }
0x23b: {  	v3 =	vld [tilespmem:$0x260]  }
0x23c: {  	v25 =	vld [tilespmem:$0x2E0];
	_ =	sdelay $0x1  }
0x23d: {  	v0 =	vmul.f32 v1, v0;
	_ =	sdelay $0x1  }
0x23e: {  	v0 =	vmul.f32 v2, v0;
	_ =	sdelay $0x1  }
0x23f: {  	[tilespmem:$0x550] =	vst v0;
	v0 =	vld [tilespmem:$0x360]  }
0x240: {  	v1 =	vld.idx.msk [tilespmem:v3+s1+$0x0], $0xffff  }
0x241: {  	v2 =	vld.idx.msk [tilespmem:v25+s1+$0x0], $0xffff  }
0x242: {  	v3 =	vld [tilespmem:$0x270];
	_ =	sdelay $0x1  }
0x243: {  	v26 =	vld [tilespmem:$0x2F0]  }
0x244: {  	v0 =	vmul.f32 v1, v0;
	_ =	sdelay $0x1  }
0x245: {  	v0 =	vmul.f32 v2, v0;
	_ =	sdelay $0x1  }
0x246: {  	[tilespmem:$0x560] =	vst v0;
	v0 =	vld [tilespmem:$0x370]  }
0x247: {  	v1 =	vld.idx.msk [tilespmem:v3+s1+$0x0], $0xffff;
	_ =	sdelay $0x1  }
0x248: {  	v2 =	vld.idx.msk [tilespmem:v26+s1+$0x0], $0xffff;
	_ =	sdelay $0x2  }
0x249: {  	v0 =	vmul.f32 v1, v0;
	_ =	sdelay $0x1  }
0x24a: {  	p2 =	seq.s32 s19, $0x28;
	v0 =	vmul.f32 v2, v0  }
0x24b: {  	s15 =	sadd.s32 @!p2 s20, s16  }
0x24c: {  	s15 =	sshll.u32 @!p2 s15, $0x9;
	[tilespmem:$0x570] =	vst v0  }
0x24d: {  	s15 =	sadd.s32 @!p2 s15, s13;
	_ =	swait.ge [sflag:s10], $0x4000  }
0x24e: {  	s15 =	sshrl.u32 @!p2 s15, $0x3;
	[sflag:s10] =	ssyncset.done $0x0  }
0x24f: {  	s20 =	simm.s32 @!p2 $0x0;
	s15 =	sadd.s32 @!p2 s7, s15;
	[sflag:s10] =	ssyncadd.s32 $0xFFFFC000  }
0x250: {  	[tilespmem:s20], [sflag:$0x1] =	stream.linear.gather @!p2 [hbm4b:s15+s20], $0x180, $0x38;
	[tilespmem:$0x1E7F8] =	vst v63  }
0x251: {  	_ =	swait.ge [sflag:s8], $0x4000  }
0x252: {  	s21 =	simm.s32 $0x0;
	[sflag:s8] =	ssyncset.done $0x0  }
0x253: {  	s23 =	simm.s32 $0x0;
	s15 =	sand.u32 $0x3FFFFFF0, s21;
	[sflag:s8] =	ssyncadd.s32 $0xFFFFC000  }
0x254: {  	s20 =	sand.u32 $0x3FFFF800, s23;
	v0 =	vld [tilespmem:s15+$0x500]  }
0x255: {  	v6 =	vld [tilespmem:s20+$0x4640]  }
0x256: {  	v2 =	vld [tilespmem:s20+$0x45A0]  }
0x257: {  	v3 =	vld [tilespmem:s20+$0x45B0]  }
0x258: {  	v9 =	vld [tilespmem:s20+$0x45E0]  }
0x259: {  	v10 =	vld [tilespmem:s20+$0x45F0];
	v1 =	vbroadcast v0, $0x0  }
0x25a: {  	v11 =	vld [tilespmem:s20+$0x4600]  }
0x25b: {  	v12 =	vld [tilespmem:s20+$0x4610];
	v2 =	vmul.f32 v2, v1  }
0x25c: {  	v13 =	vld [tilespmem:s20+$0x4620];
	v3 =	vmul.f32 v3, v1  }
0x25d: {  	v8 =	vld [tilespmem:s20+$0x4630];
	v28 =	vbroadcast v0, $0x1;
	v27 =	vmul.f32 v9, v1;
	[tilespmem:s20+$0x45A0] =	vst v2  }
0x25e: {  	v7 =	vld [tilespmem:s20+$0x4650];
	v10 =	vmul.f32 v10, v1;
	[tilespmem:s20+$0x45B0] =	vst v3  }
0x25f: {  	v5 =	vld [tilespmem:s20+$0x4AF0];
	v11 =	vmul.f32 v11, v28;
	[tilespmem:s20+$0x45E0] =	vst v27  }
0x260: {  	v30 =	vld [tilespmem:s20+$0x4670];
	v12 =	vmul.f32 v12, v28;
	[tilespmem:s20+$0x45F0] =	vst v10  }
0x261: {  	v31 =	vld [tilespmem:s20+$0x4680];
	v13 =	vmul.f32 v13, v28;
	[tilespmem:s20+$0x4600] =	vst v11  }
0x262: {  	v32 =	vld [tilespmem:s20+$0x4690];
	v8 =	vmul.f32 v8, v28;
	[tilespmem:s20+$0x4610] =	vst v12  }
0x263: {  	v29 =	vld [tilespmem:s20+$0x4660];
	v6 =	vmul.f32 v6, v28;
	[tilespmem:s20+$0x4620] =	vst v13  }
0x264: {  	v33 =	vld [tilespmem:s20+$0x46A0];
	v14 =	vbroadcast v0, $0x2;
	v7 =	vmul.f32 v7, v28;
	[tilespmem:s20+$0x4630] =	vst v8  }
0x265: {  	v34 =	vld [tilespmem:s20+$0x46B0];
	v9 =	vmul.f32 v30, v28;
	[tilespmem:s20+$0x4640] =	vst v6  }
0x266: {  	v35 =	vld [tilespmem:s20+$0x46C0];
	v4 =	vbroadcast v0, $0xA;
	v37 =	vmul.f32 v31, v14;
	[tilespmem:s20+$0x4650] =	vst v7  }
0x267: {  	v36 =	vld [tilespmem:s20+$0x46D0];
	v39 =	vmul.f32 v32, v14;
	[tilespmem:s20+$0x4670] =	vst v9  }
0x268: {  	v38 =	vld [tilespmem:s20+$0x46E0];
	v2 =	vmul.f32 v5, v4;
	[tilespmem:s20+$0x4680] =	vst v37  }
0x269: {  	v40 =	vld [tilespmem:s20+$0x46F0];
	v10 =	vmul.f32 v29, v28;
	[tilespmem:s20+$0x4690] =	vst v39  }
0x26a: {  	v41 =	vld [tilespmem:s20+$0x4700];
	v8 =	vmul.f32 v33, v14;
	[tilespmem:s20+$0x4AF0] =	vst v2  }
0x26b: {  	v42 =	vld [tilespmem:s20+$0x4710];
	v6 =	vmul.f32 v34, v14;
	[tilespmem:s20+$0x4660] =	vst v10  }
0x26c: {  	v43 =	vld [tilespmem:s20+$0x4720];
	v7 =	vmul.f32 v35, v14;
	[tilespmem:s20+$0x46A0] =	vst v8  }
0x26d: {  	v44 =	vld [tilespmem:s20+$0x4730];
	v46 =	vbroadcast v0, $0x3;
	v9 =	vmul.f32 v38, v14;
	[tilespmem:s20+$0x46B0] =	vst v6  }
0x26e: {  	v45 =	vld [tilespmem:s20+$0x4740];
	v11 =	vmul.f32 v40, v14;
	[tilespmem:s20+$0x46C0] =	vst v7  }
0x26f: {  	v47 =	vld [tilespmem:s20+$0x4750];
	v12 =	vmul.f32 v41, v46;
	[tilespmem:s20+$0x46E0] =	vst v9  }
0x270: {  	v48 =	vld [tilespmem:s20+$0x4760];
	v10 =	vmul.f32 v36, v14;
	[tilespmem:s20+$0x46F0] =	vst v11  }
0x271: {  	v49 =	vld [tilespmem:s20+$0x4770];
	v8 =	vmul.f32 v42, v46;
	[tilespmem:s20+$0x4700] =	vst v12  }
0x272: {  	v50 =	vld [tilespmem:s20+$0x4780];
	v6 =	vmul.f32 v43, v46;
	[tilespmem:s20+$0x46D0] =	vst v10  }
0x273: {  	v51 =	vld [tilespmem:s20+$0x4790];
	v7 =	vmul.f32 v44, v46;
	[tilespmem:s20+$0x4710] =	vst v8  }
0x274: {  	v52 =	vld [tilespmem:s20+$0x47A0];
	v9 =	vmul.f32 v47, v46;
	[tilespmem:s20+$0x4720] =	vst v6  }
0x275: {  	v53 =	vld [tilespmem:s20+$0x47B0];
	v11 =	vmul.f32 v48, v46;
	[tilespmem:s20+$0x4730] =	vst v7  }
0x276: {  	v54 =	vld [tilespmem:s20+$0x47C0];
	v55 =	vbroadcast v0, $0x4;
	v12 =	vmul.f32 v49, v46;
	[tilespmem:s20+$0x4750] =	vst v9  }
0x277: {  	v56 =	vld [tilespmem:s20+$0x47D0];
	v10 =	vmul.f32 v45, v46;
	[tilespmem:s20+$0x4760] =	vst v11  }
0x278: {  	v57 =	vld [tilespmem:s20+$0x47E0];
	v8 =	vmul.f32 v50, v55;
	[tilespmem:s20+$0x4770] =	vst v12  }
0x279: {  	v58 =	vld [tilespmem:s20+$0x47F0];
	v6 =	vmul.f32 v51, v55;
	[tilespmem:s20+$0x4740] =	vst v10  }
0x27a: {  	v59 =	vld [tilespmem:s20+$0x4800];
	v7 =	vmul.f32 v52, v55;
	[tilespmem:s20+$0x4780] =	vst v8  }
0x27b: {  	v60 =	vld [tilespmem:s20+$0x4810];
	v9 =	vmul.f32 v54, v55;
	[tilespmem:s20+$0x4790] =	vst v6  }
0x27c: {  	v61 =	vld [tilespmem:s20+$0x4820];
	v11 =	vmul.f32 v56, v55;
	[tilespmem:s20+$0x47A0] =	vst v7  }
0x27d: {  	v62 =	vld [tilespmem:s20+$0x4830];
	v12 =	vmul.f32 v57, v55;
	[tilespmem:s20+$0x47C0] =	vst v9  }
0x27e: {  	v63 =	vld [tilespmem:s20+$0x4840];
	v16 =	vbroadcast v0, $0x5;
	v10 =	vmul.f32 v53, v55;
	[tilespmem:s20+$0x47D0] =	vst v11  }
0x27f: {  	v17 =	vld [tilespmem:s20+$0x4850];
	v8 =	vmul.f32 v58, v55;
	[tilespmem:s20+$0x47E0] =	vst v12  }
0x280: {  	v18 =	vld [tilespmem:s20+$0x4860];
	v6 =	vmul.f32 v59, v16;
	[tilespmem:s20+$0x47B0] =	vst v10  }
0x281: {  	v19 =	vld [tilespmem:s20+$0x4870];
	v7 =	vmul.f32 v60, v16;
	[tilespmem:s20+$0x47F0] =	vst v8  }
0x282: {  	v20 =	vld [tilespmem:s20+$0x4880];
	v9 =	vmul.f32 v62, v16;
	[tilespmem:s20+$0x4800] =	vst v6  }
0x283: {  	v21 =	vld [tilespmem:s20+$0x4890];
	v11 =	vmul.f32 v63, v16;
	[tilespmem:s20+$0x4810] =	vst v7  }
0x284: {  	v22 =	vld [tilespmem:s20+$0x48A0];
	v12 =	vmul.f32 v17, v16;
	[tilespmem:s20+$0x4830] =	vst v9  }
0x285: {  	v23 =	vld [tilespmem:s20+$0x48B0];
	v10 =	vmul.f32 v61, v16;
	[tilespmem:s20+$0x4840] =	vst v11  }
0x286: {  	v24 =	vld [tilespmem:s20+$0x48C0];
	v25 =	vbroadcast v0, $0x6;
	v8 =	vmul.f32 v18, v16;
	[tilespmem:s20+$0x4850] =	vst v12  }
0x287: {  	v56 =	vld [tilespmem:s20+$0x4A80];
	v6 =	vmul.f32 v19, v16;
	[tilespmem:s20+$0x4820] =	vst v10  }
0x288: {  	v26 =	vld [tilespmem:s20+$0x48D0];
	v7 =	vmul.f32 v20, v25;
	[tilespmem:s20+$0x4860] =	vst v8  }
0x289: {  	v30 =	vld [tilespmem:s20+$0x4910];
	v9 =	vmul.f32 v22, v25;
	[tilespmem:s20+$0x4870] =	vst v6  }
0x28a: {  	v27 =	vld [tilespmem:s20+$0x48E0];
	v11 =	vmul.f32 v23, v25;
	[tilespmem:s20+$0x4880] =	vst v7  }
0x28b: {  	v28 =	vld [tilespmem:s20+$0x48F0];
	v12 =	vmul.f32 v24, v25;
	[tilespmem:s20+$0x48A0] =	vst v9  }
0x28c: {  	v31 =	vld [tilespmem:s20+$0x4920];
	v62 =	vmul.f32 v56, v4;
	[tilespmem:s20+$0x48B0] =	vst v11  }
0x28d: {  	v32 =	vld [tilespmem:s20+$0x4930];
	v10 =	vmul.f32 v21, v25;
	[tilespmem:s20+$0x48C0] =	vst v12  }
0x28e: {  	v3 =	vld [tilespmem:s20+$0x4B00];
	v8 =	vmul.f32 v26, v25;
	[tilespmem:s20+$0x4A80] =	vst v62  }
0x28f: {  	v5 =	vld [tilespmem:s20+$0x4B10];
	v34 =	vbroadcast v0, $0x7;
	v6 =	vmul.f32 v27, v25;
	[tilespmem:s20+$0x4890] =	vst v10  }
0x290: {  	v29 =	vld [tilespmem:s20+$0x4900];
	v7 =	vmul.f32 v28, v25;
	[tilespmem:s20+$0x48D0] =	vst v8  }
0x291: {  	v60 =	vld [tilespmem:s20+$0x4AC0];
	v9 =	vmul.f32 v30, v34;
	[tilespmem:s20+$0x48E0] =	vst v6  }
0x292: {  	v33 =	vld [tilespmem:s20+$0x4940];
	v24 =	vbroadcast v0, $0xB;
	v11 =	vmul.f32 v31, v34;
	[tilespmem:s20+$0x48F0] =	vst v7  }
0x293: {  	v35 =	vld [tilespmem:s20+$0x4950];
	v12 =	vmul.f32 v32, v34;
	[tilespmem:s20+$0x4910] =	vst v9  }
0x294: {  	v38 =	vld [tilespmem:s20+$0x4980];
	v3 =	vmul.f32 v3, v24;
	[tilespmem:s20+$0x4920] =	vst v11  }
0x295: {  	v36 =	vld [tilespmem:s20+$0x4960];
	v5 =	vmul.f32 v5, v24;
	[tilespmem:s20+$0x4930] =	vst v12  }
0x296: {  	v2 =	vld [tilespmem:s20+$0x4D50];
	v19 =	vmul.f32 v60, v4;
	[tilespmem:s20+$0x4B00] =	vst v3  }
0x297: {  	v39 =	vld [tilespmem:s20+$0x4990];
	v10 =	vmul.f32 v29, v34;
	[tilespmem:s20+$0x4B10] =	vst v5  }
0x298: {  	v40 =	vld [tilespmem:s20+$0x49A0];
	v8 =	vmul.f32 v33, v34;
	[tilespmem:s20+$0x4AC0] =	vst v19  }
0x299: {  	v43 =	vbroadcast v0, $0x8;
	v61 =	vld [tilespmem:s20+$0x4AD0];
	v6 =	vmul.f32 v35, v34;
	[tilespmem:s20+$0x4900] =	vst v10  }
0x29a: {  	v16 =	vld [tilespmem:s20+$0x4580];
	v7 =	vmul.f32 v36, v34;
	[tilespmem:s20+$0x4940] =	vst v8  }
0x29b: {  	v37 =	vld [tilespmem:s20+$0x4970];
	v9 =	vmul.f32 v38, v43;
	[tilespmem:s20+$0x4950] =	vst v6  }
0x29c: {  	v41 =	vld [tilespmem:s20+$0x49B0];
	v11 =	vmul.f32 v39, v43;
	[tilespmem:s20+$0x4960] =	vst v7  }
0x29d: {  	v42 =	vld [tilespmem:s20+$0x49C0];
	v12 =	vmul.f32 v40, v43;
	[tilespmem:s20+$0x4980] =	vst v9  }
0x29e: {  	v44 =	vld [tilespmem:s20+$0x49D0];
	v21 =	vmul.f32 v61, v4;
	[tilespmem:s20+$0x4990] =	vst v11  }
0x29f: {  	v46 =	vld [tilespmem:s20+$0x49F0];
	v25 =	vmul.f32 v1, v16;
	[tilespmem:s20+$0x49A0] =	vst v12  }
0x2a0: {  	v47 =	vld [tilespmem:s20+$0x4A00];
	v10 =	vmul.f32 v37, v34;
	[tilespmem:s20+$0x4AD0] =	vst v21  }
0x2a1: {  	v48 =	vld [tilespmem:s20+$0x4A10];
	v8 =	vmul.f32 v41, v43;
	[tilespmem:s20+$0x4580] =	vst v25  }
0x2a2: {  	v6 =	vmul.f32 v42, v43;
	[tilespmem:s20+$0x4970] =	vst v10  }
0x2a3: {  	v52 =	vbroadcast v0, $0x9;
	v27 =	vld [tilespmem:s20+$0x4B50];
	v7 =	vmul.f32 v44, v43;
	[tilespmem:s20+$0x49B0] =	vst v8  }
0x2a4: {  	v30 =	vld [tilespmem:s20+$0x4B80];
	v9 =	vmul.f32 v46, v43;
	[tilespmem:s20+$0x49C0] =	vst v6  }
0x2a5: {  	v28 =	vld [tilespmem:s20+$0x4B60];
	v3 =	vbroadcast v0, $0xF;
	v11 =	vmul.f32 v47, v52;
	[tilespmem:s20+$0x49D0] =	vst v7  }
0x2a6: {  	v45 =	vld [tilespmem:s20+$0x49E0];
	v12 =	vmul.f32 v48, v52;
	[tilespmem:s20+$0x49F0] =	vst v9  }
0x2a7: {  	v49 =	vld [tilespmem:s20+$0x4A20];
	v35 =	vbroadcast v0, $0xC;
	v2 =	vmul.f32 v2, v3;
	[tilespmem:s20+$0x4A00] =	vst v11  }
0x2a8: {  	v50 =	vld [tilespmem:s20+$0x4A30];
	v32 =	vmul.f32 v27, v24;
	[tilespmem:s20+$0x4A10] =	vst v12  }
0x2a9: {  	v51 =	vld [tilespmem:s20+$0x4A40];
	v14 =	vmul.f32 v30, v35;
	[tilespmem:s20+$0x4D50] =	vst v2  }
0x2aa: {  	v54 =	vld [tilespmem:s20+$0x4A60];
	v40 =	vmul.f32 v28, v24;
	[tilespmem:s20+$0x4B50] =	vst v32  }
0x2ab: {  	v55 =	vld [tilespmem:s20+$0x4A70];
	v10 =	vmul.f32 v45, v43;
	[tilespmem:s20+$0x4B80] =	vst v14  }
0x2ac: {  	v18 =	vld [tilespmem:s20+$0x45C0];
	v8 =	vmul.f32 v49, v52;
	[tilespmem:s20+$0x4B60] =	vst v40  }
0x2ad: {  	v38 =	vld [tilespmem:s20+$0x4BF0];
	v6 =	vmul.f32 v50, v52;
	[tilespmem:s20+$0x49E0] =	vst v10  }
0x2ae: {  	v29 =	vld [tilespmem:s20+$0x4B70];
	v7 =	vmul.f32 v51, v52;
	[tilespmem:s20+$0x4A20] =	vst v8  }
0x2af: {  	v33 =	vld [tilespmem:s20+$0x4BB0];
	v9 =	vmul.f32 v54, v52;
	[tilespmem:s20+$0x4A30] =	vst v6  }
0x2b0: {  	v53 =	vld [tilespmem:s20+$0x4A50];
	v11 =	vmul.f32 v55, v52;
	[tilespmem:s20+$0x4A40] =	vst v7  }
0x2b1: {  	v57 =	vld [tilespmem:s20+$0x4A90];
	v2 =	vmul.f32 v18, v1;
	[tilespmem:s20+$0x4A60] =	vst v9  }
0x2b2: {  	v58 =	vld [tilespmem:s20+$0x4AA0];
	v14 =	vmul.f32 v38, v35;
	[tilespmem:s20+$0x4A70] =	vst v11  }
0x2b3: {  	v59 =	vld [tilespmem:s20+$0x4AB0];
	v5 =	vmul.f32 v29, v24;
	[tilespmem:s20+$0x45C0] =	vst v2  }
0x2b4: {  	v63 =	vld [tilespmem:s20+$0x4AE0];
	v62 =	vmul.f32 v33, v35;
	[tilespmem:s20+$0x4BF0] =	vst v14  }
0x2b5: {  	v17 =	vld [tilespmem:s20+$0x4590];
	v10 =	vmul.f32 v53, v52;
	[tilespmem:s20+$0x4B70] =	vst v5  }
0x2b6: {  	v20 =	vld [tilespmem:s20+$0x45D0];
	v8 =	vmul.f32 v57, v4;
	[tilespmem:s20+$0x4BB0] =	vst v62  }
0x2b7: {  	v61 =	vld [tilespmem:s20+$0x4D70];
	v6 =	vmul.f32 v58, v4;
	[tilespmem:s20+$0x4A50] =	vst v10  }
0x2b8: {  	v46 =	vld [tilespmem:s20+$0x4C60];
	v7 =	vmul.f32 v59, v4;
	[tilespmem:s20+$0x4A90] =	vst v8  }
0x2b9: {  	v22 =	vld [tilespmem:s20+$0x4B20];
	v4 =	vmul.f32 v63, v4;
	[tilespmem:s20+$0x4AA0] =	vst v6  }
0x2ba: {  	v23 =	vld [tilespmem:s20+$0x4B30];
	v11 =	vmul.f32 v17, v1;
	[tilespmem:s20+$0x4AB0] =	vst v7  }
0x2bb: {  	v26 =	vld [tilespmem:s20+$0x4B40];
	v44 =	vbroadcast v0, $0xD;
	v1 =	vmul.f32 v20, v1;
	[tilespmem:s20+$0x4AE0] =	vst v4  }
0x2bc: {  	v31 =	vld [tilespmem:s20+$0x4B90];
	v63 =	vmul.f32 v61, v3;
	[tilespmem:s20+$0x4590] =	vst v11  }
0x2bd: {  	v34 =	vld [tilespmem:s20+$0x4BC0];
	v51 =	vmul.f32 v46, v44;
	[tilespmem:s20+$0x45D0] =	vst v1  }
0x2be: {  	v41 =	vld [tilespmem:s20+$0x4C20];
	v6 =	vmul.f32 v22, v24;
	[tilespmem:s20+$0x4D70] =	vst v63  }
0x2bf: {  	v7 =	vmul.f32 v23, v24;
	v1 =	vld [tilespmem:s20+$0x4C10];
	[tilespmem:s20+$0x4C60] =	vst v51  }
0x2c0: {  	v49 =	vld [tilespmem:s20+$0x4CA0];
	v4 =	vmul.f32 v26, v24;
	[tilespmem:s20+$0x4B20] =	vst v6  }
0x2c1: {  	v50 =	vld [tilespmem:s20+$0x4CB0];
	v8 =	vmul.f32 v31, v35;
	[tilespmem:s20+$0x4B30] =	vst v7  }
0x2c2: {  	v36 =	vld [tilespmem:s20+$0x4BD0];
	v11 =	vmul.f32 v34, v35;
	[tilespmem:s20+$0x4B40] =	vst v4  }
0x2c3: {  	v37 =	vld [tilespmem:s20+$0x4BE0];
	v0 =	vbroadcast v0, $0xE;
	v10 =	vmul.f32 v41, v44;
	[tilespmem:s20+$0x4B90] =	vst v8  }
0x2c4: {  	v39 =	vld [tilespmem:s20+$0x4C00];
	[tilespmem:s20+$0x4BC0] =	vst v11;
	v1 =	vmul.f32 v1, v44  }
0x2c5: {  	v42 =	vld [tilespmem:s20+$0x4C30];
	v9 =	vmul.f32 v49, v0;
	[tilespmem:s20+$0x4C20] =	vst v10  }
0x2c6: {  	v5 =	vmul.f32 v50, v0;
	[tilespmem:s20+$0x4C10] =	vst v1;
	v1 =	vld [tilespmem:s20+$0x4C80]  }
0x2c7: {  	v48 =	vld [tilespmem:s20+$0x4C90];
	v7 =	vmul.f32 v36, v35;
	[tilespmem:s20+$0x4CA0] =	vst v9  }
0x2c8: {  	v57 =	vld [tilespmem:s20+$0x4D20];
	v4 =	vmul.f32 v37, v35;
	[tilespmem:s20+$0x4CB0] =	vst v5  }
0x2c9: {  	v45 =	vld [tilespmem:s20+$0x4C50];
	v8 =	vmul.f32 v39, v44;
	[tilespmem:s20+$0x4BD0] =	vst v7  }
0x2ca: {  	v47 =	vld [tilespmem:s20+$0x4C70];
	v11 =	vmul.f32 v42, v44;
	[tilespmem:s20+$0x4BE0] =	vst v4  }
0x2cb: {  	v43 =	vld [tilespmem:s20+$0x4C40];
	[tilespmem:s20+$0x4C00] =	vst v8;
	v1 =	vmul.f32 v1, v0  }
0x2cc: {  	v55 =	vld [tilespmem:s20+$0x4D00];
	v10 =	vmul.f32 v48, v0;
	[tilespmem:s20+$0x4C30] =	vst v11  }
0x2cd: {  	v5 =	vmul.f32 v57, v3;
	[tilespmem:s20+$0x4C80] =	vst v1;
	v1 =	vld [tilespmem:s20+$0x4CF0]  }
0x2ce: {  	v52 =	vld [tilespmem:s20+$0x4CC0];
	v4 =	vmul.f32 v45, v44;
	[tilespmem:s20+$0x4C90] =	vst v10  }
0x2cf: {  	v56 =	vld [tilespmem:s20+$0x4D10];
	v8 =	vmul.f32 v47, v44;
	[tilespmem:s20+$0x4D20] =	vst v5  }
0x2d0: {  	v54 =	vld [tilespmem:s20+$0x4CE0];
	v7 =	vmul.f32 v43, v44;
	[tilespmem:s20+$0x4C50] =	vst v4  }
0x2d1: {  	v58 =	vld [tilespmem:s20+$0x4D30];
	v10 =	vmul.f32 v55, v3;
	[tilespmem:s20+$0x4C70] =	vst v8  }
0x2d2: {  	v53 =	vld [tilespmem:s20+$0x4CD0];
	[tilespmem:s20+$0x4C40] =	vst v7;
	v1 =	vmul.f32 v1, v0  }
0x2d3: {  	v59 =	vld [tilespmem:s20+$0x4D40];
	v4 =	vmul.f32 v52, v0;
	[tilespmem:s20+$0x4D00] =	vst v10  }
0x2d4: {  	v60 =	vld [tilespmem:s20+$0x4D60];
	[tilespmem:s20+$0x4CF0] =	vst v1;
	v1 =	vmul.f32 v56, v3  }
0x2d5: {  	v8 =	vmul.f32 v54, v0;
	[tilespmem:s20+$0x4CC0] =	vst v4  }
0x2d6: {  	v2 =	vld [tilespmem:s20+$0x4BA0];
	[tilespmem:s20+$0x4D10] =	vst v1;
	v1 =	vmul.f32 v58, v3  }
0x2d7: {  	[tilespmem:s20+$0x4CE0] =	vst v8;
	v0 =	vmul.f32 v53, v0  }
0x2d8: {  	[tilespmem:s20+$0x4D30] =	vst v1;
	v1 =	vmul.f32 v59, v3  }
0x2d9: {  	[tilespmem:s20+$0x4CD0] =	vst v0;
	v3 =	vmul.f32 v60, v3  }
0x2da: {  	[tilespmem:s20+$0x4D40] =	vst v1  }
0x2db: {  	s21 =	simm.s32 $0x1;
	v1 =	vmul.f32 v2, v35;
	[tilespmem:s20+$0x4D60] =	vst v3  }
.LBB2_10:
0x2dc: {  	s15 =	sshll.u32 s21, $0x4  }
0x2dd: {  	p2 =	sne.s32 s21, $0x7;
	[tilespmem:s20+$0x4BA0] =	vst v1;
	s20 =	smov.u32 s21;
	s21 =	sadd.s32 $0x1, s21  }
0x2de: {  	s15 =	sand.u32 $0x3FFFFFF0, s15  }
0x2df: {  	v0 =	vld [tilespmem:s15+$0x500];
	s15 =	sshll.u32 s20, $0xB  }
0x2e0: {  	s20 =	sand.u32 $0x3FFFF800, s15  }
0x2e1: {  	v7 =	vld [tilespmem:s20+$0x4640]  }
0x2e2: {  	v8 =	vld [tilespmem:s20+$0x4650]  }
0x2e3: {  	v9 =	vld [tilespmem:s20+$0x4630]  }
0x2e4: {  	v1 =	vbroadcast v0, $0x0;
	v2 =	vld [tilespmem:s20+$0x45A0];
	v6 =	vbroadcast v0, $0x4  }
0x2e5: {  	v4 =	vld [tilespmem:s20+$0x45B0]  }
0x2e6: {  	v5 =	vld [tilespmem:s20+$0x4AF0]  }
0x2e7: {  	v10 =	vld [tilespmem:s20+$0x45E0]  }
0x2e8: {  	v11 =	vld [tilespmem:s20+$0x45F0]  }
0x2e9: {  	v3 =	vbroadcast v0, $0xA;
	v2 =	vmul.f32 v2, v1;
	v12 =	vld [tilespmem:s20+$0x4600]  }
0x2ea: {  	v4 =	vmul.f32 v4, v1;
	v13 =	vld [tilespmem:s20+$0x4610]  }
0x2eb: {  	[tilespmem:s20+$0x45A0] =	vst v2;
	v14 =	vld [tilespmem:s20+$0x4620];
	v2 =	vmul.f32 v5, v3  }
0x2ec: {  	[tilespmem:s20+$0x45B0] =	vst v4;
	v5 =	vmul.f32 v10, v1;
	v10 =	vbroadcast v0, $0x1;
	v4 =	vld [tilespmem:s20+$0x4B00]  }
0x2ed: {  	v11 =	vmul.f32 v11, v1;
	[tilespmem:s20+$0x4AF0] =	vst v2;
	v2 =	vld [tilespmem:s20+$0x4D50]  }
0x2ee: {  	[tilespmem:s20+$0x45E0] =	vst v5;
	v12 =	vmul.f32 v12, v10;
	v5 =	vld [tilespmem:s20+$0x4B10]  }
0x2ef: {  	[tilespmem:s20+$0x45F0] =	vst v11;
	v11 =	vmul.f32 v13, v10;
	v13 =	vld [tilespmem:s20+$0x4660]  }
0x2f0: {  	[tilespmem:s20+$0x4600] =	vst v12;
	v12 =	vmul.f32 v14, v10;
	v14 =	vld [tilespmem:s20+$0x4670]  }
0x2f1: {  	v9 =	vmul.f32 v9, v10;
	[tilespmem:s20+$0x4610] =	vst v11;
	v11 =	vld [tilespmem:s20+$0x4680]  }
0x2f2: {  	v7 =	vmul.f32 v7, v10;
	[tilespmem:s20+$0x4620] =	vst v12;
	v12 =	vld [tilespmem:s20+$0x4690]  }
0x2f3: {  	v8 =	vmul.f32 v8, v10;
	[tilespmem:s20+$0x4630] =	vst v9;
	v9 =	vld [tilespmem:s20+$0x46A0]  }
0x2f4: {  	[tilespmem:s20+$0x4640] =	vst v7;
	v7 =	vmul.f32 v13, v10;
	v13 =	vbroadcast v0, $0x2;
	v15 =	vld [tilespmem:s20+$0x46B0]  }
0x2f5: {  	[tilespmem:s20+$0x4650] =	vst v8;
	v8 =	vmul.f32 v14, v10;
	v10 =	vld [tilespmem:s20+$0x46C0]  }
0x2f6: {  	[tilespmem:s20+$0x4660] =	vst v7;
	v7 =	vmul.f32 v11, v13;
	v11 =	vld [tilespmem:s20+$0x46D0]  }
0x2f7: {  	[tilespmem:s20+$0x4670] =	vst v8;
	v8 =	vmul.f32 v12, v13;
	v12 =	vld [tilespmem:s20+$0x46E0]  }
0x2f8: {  	[tilespmem:s20+$0x4680] =	vst v7;
	v7 =	vmul.f32 v9, v13;
	v9 =	vld [tilespmem:s20+$0x46F0]  }
0x2f9: {  	[tilespmem:s20+$0x4690] =	vst v8;
	v8 =	vmul.f32 v15, v13;
	v14 =	vld [tilespmem:s20+$0x4700]  }
0x2fa: {  	[tilespmem:s20+$0x46A0] =	vst v7;
	v7 =	vmul.f32 v10, v13;
	v10 =	vld [tilespmem:s20+$0x4710]  }
0x2fb: {  	[tilespmem:s20+$0x46B0] =	vst v8;
	v8 =	vmul.f32 v11, v13;
	v11 =	vld [tilespmem:s20+$0x4720]  }
0x2fc: {  	[tilespmem:s20+$0x46C0] =	vst v7;
	v7 =	vmul.f32 v12, v13;
	v12 =	vbroadcast v0, $0x3;
	v15 =	vld [tilespmem:s20+$0x4730]  }
0x2fd: {  	[tilespmem:s20+$0x46D0] =	vst v8;
	v8 =	vmul.f32 v9, v13;
	v9 =	vld [tilespmem:s20+$0x4740]  }
0x2fe: {  	[tilespmem:s20+$0x46E0] =	vst v7;
	v7 =	vmul.f32 v14, v12;
	v13 =	vld [tilespmem:s20+$0x4750]  }
0x2ff: {  	[tilespmem:s20+$0x46F0] =	vst v8;
	v8 =	vmul.f32 v10, v12;
	v10 =	vld [tilespmem:s20+$0x4760]  }
0x300: {  	[tilespmem:s20+$0x4700] =	vst v7;
	v7 =	vmul.f32 v11, v12;
	v11 =	vld [tilespmem:s20+$0x4770]  }
0x301: {  	[tilespmem:s20+$0x4710] =	vst v8;
	v8 =	vmul.f32 v15, v12;
	v14 =	vld [tilespmem:s20+$0x4780]  }
0x302: {  	[tilespmem:s20+$0x4720] =	vst v7;
	v7 =	vmul.f32 v9, v12;
	v9 =	vld [tilespmem:s20+$0x4790]  }
0x303: {  	[tilespmem:s20+$0x4730] =	vst v8;
	v8 =	vmul.f32 v13, v12;
	v13 =	vld [tilespmem:s20+$0x47A0]  }
0x304: {  	[tilespmem:s20+$0x4740] =	vst v7;
	v7 =	vmul.f32 v10, v12;
	v10 =	vld [tilespmem:s20+$0x47B0]  }
0x305: {  	[tilespmem:s20+$0x4750] =	vst v8;
	v8 =	vmul.f32 v11, v12;
	v11 =	vld [tilespmem:s20+$0x47C0]  }
0x306: {  	[tilespmem:s20+$0x4760] =	vst v7;
	v7 =	vmul.f32 v14, v6;
	v12 =	vld [tilespmem:s20+$0x47D0]  }
0x307: {  	[tilespmem:s20+$0x4770] =	vst v8;
	v8 =	vmul.f32 v9, v6;
	v9 =	vld [tilespmem:s20+$0x47E0]  }
0x308: {  	[tilespmem:s20+$0x4780] =	vst v7;
	v7 =	vmul.f32 v13, v6;
	v13 =	vld [tilespmem:s20+$0x47F0]  }
0x309: {  	[tilespmem:s20+$0x4790] =	vst v8;
	v8 =	vmul.f32 v10, v6;
	v10 =	vld [tilespmem:s20+$0x4800]  }
0x30a: {  	[tilespmem:s20+$0x47A0] =	vst v7;
	v7 =	vmul.f32 v11, v6;
	v11 =	vld [tilespmem:s20+$0x4810]  }
0x30b: {  	[tilespmem:s20+$0x47B0] =	vst v8;
	v8 =	vmul.f32 v12, v6;
	v12 =	vld [tilespmem:s20+$0x4820]  }
0x30c: {  	[tilespmem:s20+$0x47C0] =	vst v7;
	v7 =	vmul.f32 v9, v6;
	v9 =	vbroadcast v0, $0x5;
	v14 =	vld [tilespmem:s20+$0x4830]  }
0x30d: {  	[tilespmem:s20+$0x47D0] =	vst v8;
	v6 =	vmul.f32 v13, v6;
	v8 =	vld [tilespmem:s20+$0x4840]  }
0x30e: {  	[tilespmem:s20+$0x47E0] =	vst v7;
	v7 =	vmul.f32 v10, v9;
	v10 =	vld [tilespmem:s20+$0x4850]  }
0x30f: {  	[tilespmem:s20+$0x47F0] =	vst v6;
	v6 =	vmul.f32 v11, v9;
	v11 =	vld [tilespmem:s20+$0x4860]  }
0x310: {  	[tilespmem:s20+$0x4800] =	vst v7;
	v7 =	vmul.f32 v12, v9;
	v12 =	vld [tilespmem:s20+$0x4870]  }
0x311: {  	[tilespmem:s20+$0x4810] =	vst v6;
	v6 =	vmul.f32 v14, v9;
	v13 =	vld [tilespmem:s20+$0x4880]  }
0x312: {  	[tilespmem:s20+$0x4820] =	vst v7;
	v7 =	vmul.f32 v8, v9;
	v8 =	vld [tilespmem:s20+$0x4890]  }
0x313: {  	[tilespmem:s20+$0x4830] =	vst v6;
	v6 =	vmul.f32 v10, v9;
	v10 =	vld [tilespmem:s20+$0x48A0]  }
0x314: {  	[tilespmem:s20+$0x4840] =	vst v7;
	v7 =	vmul.f32 v11, v9;
	v11 =	vbroadcast v0, $0x6;
	v14 =	vld [tilespmem:s20+$0x48B0]  }
0x315: {  	[tilespmem:s20+$0x4850] =	vst v6;
	v6 =	vmul.f32 v12, v9;
	v9 =	vld [tilespmem:s20+$0x48C0]  }
0x316: {  	[tilespmem:s20+$0x4860] =	vst v7;
	v7 =	vmul.f32 v13, v11;
	v12 =	vld [tilespmem:s20+$0x48D0]  }
0x317: {  	[tilespmem:s20+$0x4870] =	vst v6;
	v6 =	vmul.f32 v8, v11;
	v8 =	vld [tilespmem:s20+$0x48E0]  }
0x318: {  	[tilespmem:s20+$0x4880] =	vst v7;
	v7 =	vmul.f32 v10, v11;
	v10 =	vld [tilespmem:s20+$0x48F0]  }
0x319: {  	[tilespmem:s20+$0x4890] =	vst v6;
	v6 =	vmul.f32 v14, v11;
	v13 =	vld [tilespmem:s20+$0x4900]  }
0x31a: {  	[tilespmem:s20+$0x48A0] =	vst v7;
	v7 =	vmul.f32 v9, v11;
	v9 =	vld [tilespmem:s20+$0x4910]  }
0x31b: {  	[tilespmem:s20+$0x48B0] =	vst v6;
	v6 =	vmul.f32 v12, v11;
	v12 =	vld [tilespmem:s20+$0x4920]  }
0x31c: {  	[tilespmem:s20+$0x48C0] =	vst v7;
	v7 =	vmul.f32 v8, v11;
	v8 =	vbroadcast v0, $0x7;
	v14 =	vld [tilespmem:s20+$0x4930]  }
0x31d: {  	[tilespmem:s20+$0x48D0] =	vst v6;
	v6 =	vmul.f32 v10, v11;
	v10 =	vld [tilespmem:s20+$0x4940]  }
0x31e: {  	[tilespmem:s20+$0x48E0] =	vst v7;
	v7 =	vmul.f32 v13, v8;
	v11 =	vld [tilespmem:s20+$0x4950]  }
0x31f: {  	[tilespmem:s20+$0x48F0] =	vst v6;
	v6 =	vmul.f32 v9, v8;
	v9 =	vld [tilespmem:s20+$0x4960]  }
0x320: {  	[tilespmem:s20+$0x4900] =	vst v7;
	v7 =	vmul.f32 v12, v8;
	v12 =	vld [tilespmem:s20+$0x4970]  }
0x321: {  	[tilespmem:s20+$0x4910] =	vst v6;
	v6 =	vmul.f32 v14, v8;
	v13 =	vld [tilespmem:s20+$0x4980]  }
0x322: {  	[tilespmem:s20+$0x4920] =	vst v7;
	v7 =	vmul.f32 v10, v8;
	v10 =	vld [tilespmem:s20+$0x4990]  }
0x323: {  	[tilespmem:s20+$0x4930] =	vst v6;
	v6 =	vmul.f32 v11, v8;
	v11 =	vld [tilespmem:s20+$0x49A0]  }
0x324: {  	[tilespmem:s20+$0x4940] =	vst v7;
	v7 =	vmul.f32 v9, v8;
	v9 =	vbroadcast v0, $0x8;
	v14 =	vld [tilespmem:s20+$0x49B0]  }
0x325: {  	[tilespmem:s20+$0x4950] =	vst v6;
	v6 =	vmul.f32 v12, v8;
	v8 =	vld [tilespmem:s20+$0x49C0]  }
0x326: {  	[tilespmem:s20+$0x4960] =	vst v7;
	v7 =	vmul.f32 v13, v9;
	v12 =	vld [tilespmem:s20+$0x49D0]  }
0x327: {  	[tilespmem:s20+$0x4970] =	vst v6;
	v6 =	vmul.f32 v10, v9;
	v10 =	vld [tilespmem:s20+$0x49E0]  }
0x328: {  	[tilespmem:s20+$0x4980] =	vst v7;
	v7 =	vmul.f32 v11, v9;
	v11 =	vld [tilespmem:s20+$0x49F0]  }
0x329: {  	[tilespmem:s20+$0x4990] =	vst v6;
	v6 =	vmul.f32 v14, v9;
	v13 =	vld [tilespmem:s20+$0x4A00]  }
0x32a: {  	[tilespmem:s20+$0x49A0] =	vst v7;
	v7 =	vmul.f32 v8, v9;
	v8 =	vld [tilespmem:s20+$0x4A10]  }
0x32b: {  	[tilespmem:s20+$0x49B0] =	vst v6;
	v6 =	vmul.f32 v12, v9;
	v12 =	vld [tilespmem:s20+$0x4A20]  }
0x32c: {  	[tilespmem:s20+$0x49C0] =	vst v7;
	v7 =	vmul.f32 v10, v9;
	v10 =	vbroadcast v0, $0x9;
	v14 =	vld [tilespmem:s20+$0x4A30]  }
0x32d: {  	[tilespmem:s20+$0x49D0] =	vst v6;
	v6 =	vmul.f32 v11, v9;
	v9 =	vld [tilespmem:s20+$0x4A40]  }
0x32e: {  	[tilespmem:s20+$0x49E0] =	vst v7;
	v7 =	vmul.f32 v13, v10;
	v11 =	vld [tilespmem:s20+$0x4A50]  }
0x32f: {  	[tilespmem:s20+$0x49F0] =	vst v6;
	v6 =	vmul.f32 v8, v10;
	v8 =	vld [tilespmem:s20+$0x4A60]  }
0x330: {  	[tilespmem:s20+$0x4A00] =	vst v7;
	v7 =	vmul.f32 v12, v10;
	v12 =	vld [tilespmem:s20+$0x4A70]  }
0x331: {  	[tilespmem:s20+$0x4A10] =	vst v6;
	v6 =	vmul.f32 v14, v10;
	v13 =	vld [tilespmem:s20+$0x4A80]  }
0x332: {  	[tilespmem:s20+$0x4A20] =	vst v7;
	v7 =	vmul.f32 v9, v10;
	v9 =	vld [tilespmem:s20+$0x4A90]  }
0x333: {  	[tilespmem:s20+$0x4A30] =	vst v6;
	v6 =	vmul.f32 v11, v10;
	v11 =	vld [tilespmem:s20+$0x4AA0]  }
0x334: {  	[tilespmem:s20+$0x4A40] =	vst v7;
	v7 =	vmul.f32 v8, v10;
	v8 =	vld [tilespmem:s20+$0x4AB0]  }
0x335: {  	[tilespmem:s20+$0x4A50] =	vst v6;
	v6 =	vmul.f32 v12, v10;
	v10 =	vld [tilespmem:s20+$0x4AC0]  }
0x336: {  	[tilespmem:s20+$0x4A60] =	vst v7;
	v7 =	vmul.f32 v13, v3;
	v12 =	vld [tilespmem:s20+$0x4AD0]  }
0x337: {  	[tilespmem:s20+$0x4A70] =	vst v6;
	v6 =	vmul.f32 v9, v3;
	v9 =	vld [tilespmem:s20+$0x4AE0]  }
0x338: {  	v13 =	vld [tilespmem:s20+$0x4580];
	[tilespmem:s20+$0x4A80] =	vst v7;
	v7 =	vmul.f32 v11, v3  }
0x339: {  	v11 =	vld [tilespmem:s20+$0x4590];
	[tilespmem:s20+$0x4A90] =	vst v6;
	v6 =	vmul.f32 v8, v3  }
0x33a: {  	v8 =	vld [tilespmem:s20+$0x45C0];
	[tilespmem:s20+$0x4AA0] =	vst v7;
	v7 =	vmul.f32 v10, v3  }
0x33b: {  	v10 =	vld [tilespmem:s20+$0x45D0];
	[tilespmem:s20+$0x4AB0] =	vst v6;
	v6 =	vmul.f32 v12, v3  }
0x33c: {  	[tilespmem:s20+$0x4AC0] =	vst v7;
	v7 =	vmul.f32 v9, v3;
	v9 =	vbroadcast v0, $0xB;
	v12 =	vld [tilespmem:s20+$0x4B20]  }
0x33d: {  	v3 =	vbroadcast v0, $0xF;
	v13 =	vmul.f32 v1, v13;
	[tilespmem:s20+$0x4AD0] =	vst v6;
	v6 =	vld [tilespmem:s20+$0x4B30]  }
0x33e: {  	v11 =	vmul.f32 v11, v1;
	[tilespmem:s20+$0x4AE0] =	vst v7;
	v4 =	vmul.f32 v4, v9;
	v7 =	vld [tilespmem:s20+$0x4B40]  }
0x33f: {  	v5 =	vmul.f32 v5, v9;
	[tilespmem:s20+$0x4580] =	vst v13;
	v8 =	vmul.f32 v8, v1;
	v13 =	vld [tilespmem:s20+$0x4B50]  }
0x340: {  	v2 =	vmul.f32 v2, v3;
	v10 =	vmul.f32 v10, v1;
	[tilespmem:s20+$0x4B00] =	vst v4;
	v1 =	vld [tilespmem:s20+$0x4B60]  }
0x341: {  	[tilespmem:s20+$0x4B10] =	vst v5;
	v4 =	vmul.f32 v12, v9;
	v5 =	vld [tilespmem:s20+$0x4B70]  }
0x342: {  	v6 =	vmul.f32 v6, v9;
	v12 =	vld [tilespmem:s20+$0x4B80];
	[tilespmem:s20+$0x4D50] =	vst v2  }
0x343: {  	[tilespmem:s20+$0x4590] =	vst v11;
	v2 =	vmul.f32 v7, v9;
	v7 =	vld [tilespmem:s20+$0x4B90]  }
0x344: {  	[tilespmem:s20+$0x45C0] =	vst v8;
	v8 =	vmul.f32 v13, v9;
	v11 =	vld [tilespmem:s20+$0x4BA0]  }
0x345: {  	v13 =	vbroadcast v0, $0xC;
	[tilespmem:s20+$0x4B20] =	vst v4;
	v4 =	vmul.f32 v1, v9;
	v14 =	vld [tilespmem:s20+$0x4BB0]  }
0x346: {  	[tilespmem:s20+$0x4B50] =	vst v8;
	v5 =	vmul.f32 v5, v9;
	v8 =	vld [tilespmem:s20+$0x4BC0]  }
0x347: {  	[tilespmem:s20+$0x4B30] =	vst v6;
	v1 =	vmul.f32 v12, v13;
	v6 =	vld [tilespmem:s20+$0x4BD0]  }
0x348: {  	[tilespmem:s20+$0x4B40] =	vst v2;
	v2 =	vmul.f32 v7, v13;
	v7 =	vld [tilespmem:s20+$0x4BE0]  }
0x349: {  	[tilespmem:s20+$0x4B80] =	vst v1;
	v1 =	vmul.f32 v11, v13;
	v9 =	vld [tilespmem:s20+$0x4BF0]  }
0x34a: {  	[tilespmem:s20+$0x4B90] =	vst v2;
	v2 =	vld [tilespmem:s20+$0x4C00]  }
0x34b: {  	[tilespmem:s20+$0x45D0] =	vst v10;
	v8 =	vmul.f32 v8, v13;
	v10 =	vld [tilespmem:s20+$0x4C10]  }
0x34c: {  	[tilespmem:s20+$0x4B60] =	vst v4;
	v4 =	vmul.f32 v6, v13;
	v6 =	vld [tilespmem:s20+$0x4C20]  }
0x34d: {  	[tilespmem:s20+$0x4BC0] =	vst v8;
	v7 =	vmul.f32 v7, v13;
	v8 =	vbroadcast v0, $0xD;
	v11 =	vld [tilespmem:s20+$0x4C30]  }
0x34e: {  	[tilespmem:s20+$0x4BD0] =	vst v4;
	v4 =	vmul.f32 v9, v13;
	v9 =	vld [tilespmem:s20+$0x4C40]  }
0x34f: {  	[tilespmem:s20+$0x4BE0] =	vst v7;
	v2 =	vmul.f32 v2, v8;
	v7 =	vld [tilespmem:s20+$0x4C50]  }
0x350: {  	[tilespmem:s20+$0x4BF0] =	vst v4;
	v4 =	vmul.f32 v10, v8;
	v10 =	vld [tilespmem:s20+$0x4C60]  }
0x351: {  	[tilespmem:s20+$0x4C00] =	vst v2;
	v2 =	vmul.f32 v6, v8;
	v6 =	vld [tilespmem:s20+$0x4C70]  }
0x352: {  	[tilespmem:s20+$0x4C10] =	vst v4;
	v4 =	vmul.f32 v11, v8;
	v11 =	vld [tilespmem:s20+$0x4C80]  }
0x353: {  	[tilespmem:s20+$0x4C20] =	vst v2;
	v2 =	vmul.f32 v9, v8;
	v9 =	vld [tilespmem:s20+$0x4C90]  }
0x354: {  	[tilespmem:s20+$0x4C30] =	vst v4;
	v4 =	vmul.f32 v7, v8;
	v7 =	vld [tilespmem:s20+$0x4CA0]  }
0x355: {  	v0 =	vbroadcast v0, $0xE;
	[tilespmem:s20+$0x4B70] =	vst v5;
	v5 =	vmul.f32 v10, v8;
	v10 =	vld [tilespmem:s20+$0x4CB0]  }
0x356: {  	[tilespmem:s20+$0x4C50] =	vst v4;
	v4 =	vmul.f32 v6, v8;
	v6 =	vld [tilespmem:s20+$0x4CC0]  }
0x357: {  	[tilespmem:s20+$0x4C60] =	vst v5;
	v5 =	vmul.f32 v11, v0;
	v8 =	vld [tilespmem:s20+$0x4CD0]  }
0x358: {  	[tilespmem:s20+$0x4C70] =	vst v4;
	v4 =	vmul.f32 v9, v0;
	v9 =	vld [tilespmem:s20+$0x4CE0]  }
0x359: {  	[tilespmem:s20+$0x4C80] =	vst v5;
	v5 =	vmul.f32 v7, v0;
	v7 =	vld [tilespmem:s20+$0x4CF0]  }
0x35a: {  	[tilespmem:s20+$0x4C90] =	vst v4;
	v4 =	vmul.f32 v10, v0;
	v10 =	vld [tilespmem:s20+$0x4D00]  }
0x35b: {  	[tilespmem:s20+$0x4CA0] =	vst v5;
	v5 =	vmul.f32 v6, v0;
	v6 =	vld [tilespmem:s20+$0x4D10]  }
0x35c: {  	[tilespmem:s20+$0x4CB0] =	vst v4;
	v4 =	vmul.f32 v8, v0;
	v8 =	vld [tilespmem:s20+$0x4D20]  }
0x35d: {  	[tilespmem:s20+$0x4CC0] =	vst v5;
	v5 =	vmul.f32 v9, v0;
	v9 =	vld [tilespmem:s20+$0x4D30]  }
0x35e: {  	[tilespmem:s20+$0x4C40] =	vst v2;
	v0 =	vmul.f32 v7, v0;
	v2 =	vld [tilespmem:s20+$0x4D40]  }
0x35f: {  	[tilespmem:s20+$0x4CE0] =	vst v5;
	v5 =	vmul.f32 v10, v3;
	v7 =	vld [tilespmem:s20+$0x4D60]  }
0x360: {  	[tilespmem:s20+$0x4CF0] =	vst v0;
	v0 =	vmul.f32 v6, v3;
	v6 =	vld [tilespmem:s20+$0x4D70]  }
0x361: {  	[tilespmem:s20+$0x4D00] =	vst v5;
	v5 =	vmul.f32 v8, v3  }
0x362: {  	[tilespmem:s20+$0x4D10] =	vst v0;
	v0 =	vmul.f32 v9, v3  }
0x363: {  	v8 =	vmul.f32 v14, v13;
	[tilespmem:s20+$0x4D20] =	vst v5  }
0x364: {  	[tilespmem:s20+$0x4D30] =	vst v0;
	v0 =	vmul.f32 v2, v3  }
.Ltmp4:
0x365: {  	[tilespmem:s20+$0x4BB0] =	vst v8;
	v2 =	vmul.f32 v6, v3;
	(pc) =	sbr.rel @p2 .LBB2_10-.Ltmp4, $4  }
0x366: {  	[tilespmem:s20+$0x4D40] =	vst v0  }
0x367: {  	v0 =	vmul.f32 v7, v3;
	[tilespmem:s20+$0x4D70] =	vst v2  }
0x368: {  	[tilespmem:s20+$0x4CD0] =	vst v4  }
0x369: {  	[tilespmem:s20+$0x4D60] =	vst v0  }
0x36a: {  	s19 =	sadd.s32 $0x1, s19  }
0x36b: {  	p2 =	sne.s32 s19, $0x29  }
.Ltmp5:
0x36c: {  	_ = 	snop;
	(pc) =	sbr.rel @p2 .LBB2_7-.Ltmp5, $3  }
0x36d: {  	_ =	sdelay $0x1  }
0x36e: {  	[tilespmem:s20+$0x4BA0] =	vst v1  }
0x36f: {  	[spmem:s2] =	stream.indirect.scatter.add.f32 [tilespmem:s9], [sflag:$0x4], $0x80, s31, s28, $0xb8;
	[tilespmem:$0x1E7F8] =	vst v63  }
0x370: {  	_ =	swait.ge [sflag:s10], $0x4000  }
0x371: {  	[sflag:s10] =	ssyncset.done $0x0  }
0x372: {  	[sflag:s10] =	ssyncadd.s32 $0xFFFFC000  }
0x373: {  	[bflag:$0x0] =	sbarrier.arrive $0xFFFF  }
0x374: {  	s15 =	rddreg [dreg:$0xb]  }
0x375: {  	s18 =	rddreg [dreg:$0x11]  }
0x376: {  	[hbm:s15], [sflag:s12] =	dma.local [spmem:s18], $0x2700  }
0x377: {  	_ =	swait.ge [sflag:s24], $0x2700  }
0x378: {  	[sflag:s24] =	ssyncset.done $0x0  }
0x379: {  	s15 =	rddreg [dreg:$0xc];
	[sflag:s24] =	ssyncadd.s32 $0xFFFFD900  }
0x37a: {  	[hbm:s15], [sflag:s12] =	dma.local @!p1 [spmem:s17], $0x100  }
0x37b: {  	s12 =	simm.s32 @!p1 $0x5  }
0x37c: {  	_ =	swait.ge @!p1 [sflag:s12], $0x100  }
0x37d: {  	s11 =	sadd.s32 $0x1, s11;
	s23 =	rddreg [dreg:$0xd]  }
0x37e: {  	p2 =	sne.s32 s11, s23  }
.Ltmp6:
0x37f: {  	_ = 	snop;
	(pc) =	sbr.rel @p2 .LBB2_1-.Ltmp6, $3  }
0x380: {  	_ =	sdelay $0x1  }
0x381: {  	[sflag:s12] =	ssyncset.done @!p1 $0x0  }
0x382: {  	[sflag:s12] =	ssyncadd.s32 @!p1 $0xFFFFFF00  }
0x383: {  	_ =	sfence.sel $0x180000  }
0x384: {  	[bflag:$0x0] =	sbarrier.arrive $0xFFFF  }
0x385: {  	_ =	strace $0x90000047  }
0x386: {  	[bflag:$0x2] =	sbarrier.arrive $0xFFFF  }
0x387: {  	s0 =	rddreg [dreg:$0x4]  }
0x388: {  	s0 =	sadd.s32 @!p0 $0x100000, s0  }
0x389: {  	[sflag:s0] =	ssyncadd.tile.s32 @!p0 $0x1;
	_ =	shalt  }
.Lfunc_end2:
_tile_overlayer_lowered:
.L_overlay_start_2:
0x38a: {  	(tag) =	ssettag $0x2  }
0x38b: {  	s0 =	rddreg [dreg:$0x0];
	s2 =	stileid.u32  }
0x38c: {  	s1 =	rddreg [dreg:$0x1];
	p0 =	sne.s32 s2, $0x0  }
0x38d: {  	s3 =	rddreg [dreg:$0x2];
	[bflag:$0x3] =	sbarrier.arrive $0xFFFF;
	s2 =	simm.s32 @!p0 $0x1C05  }
0x38e: {  	[timem:s3], [sflag:s2] =	dma.local @!p0 [hbm:s0], s1  }
0x38f: {  	s0 =	simm.s32 @!p0 $0x5  }
0x390: {  	_ =	swait.ge @!p0 [sflag:s0], s1  }
0x391: {  	s1 =	ssub.s32 @!p0 $0x0, s1;
	[sflag:s0] =	ssyncset.done @!p0 $0x0  }
0x392: {  	[sflag:s0] =	ssyncadd.s32 @!p0 s1  }
0x393: {  	[bflag:$0x3] =	sbarrier.arrive $0xFFFF  }
0x394: {  	_ =	shalt  }

</sc_bundles>
